<compile_context>
chip_gen: v7x
topology: tpu7x:2x2x1
jax: 0.10.2.dev20260603
libtpu: 0.0.44.dev20260713+nightly
codegen_flags: <defaults>
</compile_context>

<pallas_src>
import functools

import jax
import jax.numpy as jnp
from jax import lax
from jax.experimental import pallas as pl
from jax.experimental.pallas import tpu as pltpu
from jax.experimental.pallas import tpu_sc as plsc

NC = 2
NS = 16
NW = NC * NS
BLK = 128
NBUF = 8
L = 16


def _sc_embedding_lookup(xt, weight, n_pos, batch):
    n_rows, d = weight.shape
    bpw = batch // NW
    ncs = bpw // BLK
    nblocks = n_pos * ncs
    dg, di = d // 8, 8

    mesh = plsc.VectorSubcoreMesh(core_axis_name="c", subcore_axis_name="s")

    @functools.partial(
        pl.kernel,
        out_type=jax.ShapeDtypeStruct((n_pos, dg, batch // BLK, di, BLK),
                                      jnp.float32),
        mesh=mesh,
        scratch_types=[
            pltpu.VMEM((n_pos, bpw), jnp.int32),
            *([pltpu.VMEM((BLK, d), jnp.float32)] * NBUF),
            *([pltpu.VMEM((dg, di, BLK + 1), jnp.float32)] * NBUF),
            *([pltpu.SemaphoreType.DMA] * NBUF),
            *([pltpu.SemaphoreType.DMA] * NBUF),
        ],
        compiler_params=pltpu.CompilerParams(
            use_tc_tiling_on_sc=False, needs_layout_passes=False),
    )
    def k(xt_hbm, w_hbm, out_hbm, xt_v, *bufs_and_sems):
        g = bufs_and_sems[:NBUF]
        t = bufs_and_sems[NBUF:2 * NBUF]
        sem_g = bufs_and_sems[2 * NBUF:3 * NBUF]
        sem_o = bufs_and_sems[3 * NBUF:4 * NBUF]

        wid = lax.axis_index("s") * NC + lax.axis_index("c")
        c0 = wid * bpw
        pltpu.sync_copy(xt_hbm.at[:, pl.ds(c0, bpw)], xt_v)

        dlane = lax.iota(jnp.int32, L)
        dg_idx = [(dlane + half * L) // di for half in range(d // L)]
        di_idx = [(dlane + half * L) % di for half in range(d // L)]

        def start_gather(blkid, b):
            s = blkid // ncs
            cs = blkid % ncs
            pltpu.async_copy(
                w_hbm.at[xt_v.at[s, pl.ds(cs * BLK, BLK)]], g[b], sem_g[b])

        def wait_gather(b):
            pltpu.make_async_copy(
                w_hbm.at[xt_v.at[0, pl.ds(0, BLK)]], g[b], sem_g[b]).wait()

        UNROLL_J = 4

        def transpose_block(b):
            def j_body(j0, carry):
                jbase = j0 * UNROLL_J
                for ju in range(UNROLL_J):
                    jsplat = jnp.full((L,), 0, jnp.int32) + (jbase + ju)
                    for half in range(d // L):
                        vals = g[b][jbase + ju, pl.ds(half * L, L)]
                        plsc.store_scatter(
                            t[b], [dg_idx[half], di_idx[half], jsplat], vals)
                return carry

            lax.fori_loop(0, BLK // UNROLL_J, j_body, 0)

        def out_slice(blkid):
            s = blkid // ncs
            cs = blkid % ncs
            return out_hbm.at[s, :, (c0 // BLK) + cs]

        def start_out(blkid, b):
            pltpu.async_copy(
                t[b].at[:, :, pl.ds(0, BLK)], out_slice(blkid), sem_o[b])

        def wait_out(b):
            pltpu.make_async_copy(
                t[b].at[:, :, pl.ds(0, BLK)], out_hbm.at[0, :, 0],
                sem_o[b]).wait()

        for b in range(NBUF):
            start_gather(b, b)

        ngroups = nblocks // NBUF

        def group_body(grp, carry):
            b0 = grp * NBUF
            for b in range(NBUF):
                wait_gather(b)
                transpose_block(b)
                start_out(b0 + b, b)
            for b in range(NBUF):
                wait_out(b)
                start_gather(lax.rem(b0 + NBUF + b, nblocks), b)
            return carry

        lax.fori_loop(0, ngroups, group_body, 0)

        for b in range(NBUF):
            wait_gather(b)

    return k(xt, weight)


def kernel(x, weight):
    batch, n_pos = x.shape
    d = weight.shape[1]
    xt = jnp.transpose(x).astype(jnp.int32)
    out5 = _sc_embedding_lookup(xt, weight, n_pos, batch)
    out = jnp.transpose(out5, (2, 4, 0, 1, 3)).reshape(batch, n_pos, d)
    return out

# --- scband reference (transcript-rebuilt; emitter-appended) ---
"""Pipeline reference for scband-fast-embedding-26087631356370 (READ-ONLY COPY).

The authoritative reference and input builder live on the scoring server;
editing this copy changes nothing except your own understanding.
"""

import jax, jax.numpy as jnp
import numpy as np

NUM_EMBEDDINGS = 1000000
EMBEDDING_DIM = 32

def setup_inputs(seed: int = 0) -> dict:
    key = jax.random.key(seed)
    k_idx, k_w = jax.random.split(key)
    x = jax.random.randint(k_idx, (16384, 50), 0, NUM_EMBEDDINGS, dtype=jnp.int64 if jax.config.jax_enable_x64 else jnp.int32)
    weight = jax.random.normal(k_w, (NUM_EMBEDDINGS, EMBEDDING_DIM), dtype=jnp.float32)
    return {"x": x, "weight": weight}

def reference(x, weight):
    # torch.embedding(weights, inputs) == gather rows of weight by x
    return jnp.take(weight, x, axis=0)

if __name__ == "__main__":
    import jax
    _d = setup_inputs()
    print(jax.jit(kernel)(*tuple(_d.values())))

</pallas_src>

<mosaic_0001>
#map = affine_map<(d0, d1) -> (0, 0)>
#map1 = affine_map<(d0, d1) -> (0, 0, 0, 0, 0)>
module attributes {stable_mosaic.version = 14 : i64} {
  func.func @k(%arg0: i32, %arg1: i32, %arg2: memref<50x16384xi32, #tpu.memory_space<hbm>>, %arg3: memref<1000000x32xf32, #tpu.memory_space<hbm>>, %arg4: memref<50x4x128x8x128xf32, #tpu.memory_space<hbm>>, %arg5: memref<50x512xi32, #tpu.memory_space<vmem>>, %arg6: memref<128x32xf32, #tpu.memory_space<vmem>>, %arg7: memref<128x32xf32, #tpu.memory_space<vmem>>, %arg8: memref<128x32xf32, #tpu.memory_space<vmem>>, %arg9: memref<128x32xf32, #tpu.memory_space<vmem>>, %arg10: memref<128x32xf32, #tpu.memory_space<vmem>>, %arg11: memref<128x32xf32, #tpu.memory_space<vmem>>, %arg12: memref<128x32xf32, #tpu.memory_space<vmem>>, %arg13: memref<128x32xf32, #tpu.memory_space<vmem>>, %arg14: memref<4x8x129xf32, #tpu.memory_space<vmem>>, %arg15: memref<4x8x129xf32, #tpu.memory_space<vmem>>, %arg16: memref<4x8x129xf32, #tpu.memory_space<vmem>>, %arg17: memref<4x8x129xf32, #tpu.memory_space<vmem>>, %arg18: memref<4x8x129xf32, #tpu.memory_space<vmem>>, %arg19: memref<4x8x129xf32, #tpu.memory_space<vmem>>, %arg20: memref<4x8x129xf32, #tpu.memory_space<vmem>>, %arg21: memref<4x8x129xf32, #tpu.memory_space<vmem>>, %arg22: memref<!tpu.dma_semaphore, #tpu.memory_space<semaphore_mem>>, %arg23: memref<!tpu.dma_semaphore, #tpu.memory_space<semaphore_mem>>, %arg24: memref<!tpu.dma_semaphore, #tpu.memory_space<semaphore_mem>>, %arg25: memref<!tpu.dma_semaphore, #tpu.memory_space<semaphore_mem>>, %arg26: memref<!tpu.dma_semaphore, #tpu.memory_space<semaphore_mem>>, %arg27: memref<!tpu.dma_semaphore, #tpu.memory_space<semaphore_mem>>, %arg28: memref<!tpu.dma_semaphore, #tpu.memory_space<semaphore_mem>>, %arg29: memref<!tpu.dma_semaphore, #tpu.memory_space<semaphore_mem>>, %arg30: memref<!tpu.dma_semaphore, #tpu.memory_space<semaphore_mem>>, %arg31: memref<!tpu.dma_semaphore, #tpu.memory_space<semaphore_mem>>, %arg32: memref<!tpu.dma_semaphore, #tpu.memory_space<semaphore_mem>>, %arg33: memref<!tpu.dma_semaphore, #tpu.memory_space<semaphore_mem>>, %arg34: memref<!tpu.dma_semaphore, #tpu.memory_space<semaphore_mem>>, %arg35: memref<!tpu.dma_semaphore, #tpu.memory_space<semaphore_mem>>, %arg36: memref<!tpu.dma_semaphore, #tpu.memory_space<semaphore_mem>>, %arg37: memref<!tpu.dma_semaphore, #tpu.memory_space<semaphore_mem>>) attributes {dimension_semantics = [#tpu.dimension_semantics<core_parallel>, #tpu.dimension_semantics<subcore_parallel>], iteration_bounds = array<i64: 2, 16>, scalar_prefetch = 0 : i64, scratch_operands = 33 : i64, tpu.core_type = #tpu.core_type<sc_vector_subcore>, window_params = [{transform_indices = #map}, {transform_indices = #map}, {transform_indices = #map1}]} {
    %mul3A = arith.constant 2 : i32
    %mul3A_0 = arith.muli %arg1, %mul3A : i32
    %add3A = arith.addi %mul3A_0, %arg0 : i32
    %mul3A_1 = arith.constant 512 : i32
    %mul3A_2 = arith.muli %add3A, %mul3A_1 : i32
    "tpu.region"() ({
      %run_scoped3A = tpu.sem_alloc : memref<!tpu.dma_semaphore, #tpu.memory_space<semaphore_mem>>
      %dma_start3A_226 = arith.constant 0 : i32
      %dma_start3A_227 = tpu.memref_slice %arg2[%dma_start3A_226, %mul3A_2] : memref<50x16384xi32, #tpu.memory_space<hbm>> -> memref<50x512xi32, #tpu.memory_space<hbm>>
      %dma_start3A_228 = arith.constant 0 : i32
      %dma_start3A_229 = tpu.memref_slice %arg2[%dma_start3A_228, %mul3A_2] : memref<50x16384xi32, #tpu.memory_space<hbm>> -> memref<50x512xi32, #tpu.memory_space<hbm>>
      tpu.enqueue_dma source(%dma_start3A_229 : memref<50x512xi32, #tpu.memory_space<hbm>>) target(%arg5 : memref<50x512xi32, #tpu.memory_space<vmem>>) target_semaphore(%run_scoped3A : memref<!tpu.dma_semaphore, #tpu.memory_space<semaphore_mem>>)
      %dma_wait3A_230 = arith.constant 0 : i32
      %dma_wait3A_231 = tpu.memref_slice %arg2[%dma_wait3A_230, %mul3A_2] : memref<50x16384xi32, #tpu.memory_space<hbm>> -> memref<50x512xi32, #tpu.memory_space<hbm>>
      %dma_wait3A_232 = arith.constant 0 : i32
      %dma_wait3A_233 = tpu.memref_slice %arg2[%dma_wait3A_232, %mul3A_2] : memref<50x16384xi32, #tpu.memory_space<hbm>> -> memref<50x512xi32, #tpu.memory_space<hbm>>
      tpu.wait_dma2 semaphore(%run_scoped3A : memref<!tpu.dma_semaphore, #tpu.memory_space<semaphore_mem>>) src(%dma_wait3A_233 : memref<50x512xi32, #tpu.memory_space<hbm>>) dst(%arg5 : memref<50x512xi32, #tpu.memory_space<vmem>>)
      tpu.yield
    }) : () -> ()
    %iota3A = tpu.iota {dimensions = array<i32: 0>} : vector<16xi32>
    %add3A_3 = arith.constant 0 : i32
    %add3A_4 = vector.broadcast %add3A_3 : i32 to vector<16xi32>
    %add3A_5 = arith.addi %iota3A, %add3A_4 : vector<16xi32>
    %jit3A = arith.constant 8 : i32
    %div3A = vector.broadcast %jit3A : i32 to vector<16xi32>
    %div3A_6 = arith.divsi %add3A_5, %div3A : vector<16xi32>
    %sign3A = arith.constant 0 : i32
    %sign3A_7 = vector.broadcast %sign3A : i32 to vector<16xi32>
    %sign3A_8 = arith.cmpi sgt, %add3A_5, %sign3A_7 : vector<16xi32>
    %sign3A_9 = arith.extui %sign3A_8 : vector<16xi1> to vector<16xi32>
    %sign3A_10 = arith.constant 0 : i32
    %sign3A_11 = vector.broadcast %sign3A_10 : i32 to vector<16xi32>
    %sign3A_12 = arith.cmpi slt, %add3A_5, %sign3A_11 : vector<16xi32>
    %sign3A_13 = arith.extui %sign3A_12 : vector<16xi1> to vector<16xi32>
    %sign3A_14 = arith.subi %sign3A_9, %sign3A_13 : vector<16xi32>
    %sign3A_15 = arith.constant 0 : i32
    %sign3A_16 = arith.cmpi sgt, %jit3A, %sign3A_15 : i32
    %sign3A_17 = arith.extui %sign3A_16 : i1 to i32
    %sign3A_18 = arith.constant 0 : i32
    %sign3A_19 = arith.cmpi slt, %jit3A, %sign3A_18 : i32
    %sign3A_20 = arith.extui %sign3A_19 : i1 to i32
    %sign3A_21 = arith.subi %sign3A_17, %sign3A_20 : i32
    %ne3A = vector.broadcast %sign3A_21 : i32 to vector<16xi32>
    %ne3A_22 = arith.cmpi ne, %sign3A_14, %ne3A : vector<16xi32>
    %rem3A = vector.broadcast %jit3A : i32 to vector<16xi32>
    %rem3A_23 = arith.remsi %add3A_5, %rem3A : vector<16xi32>
    %ne3A_24 = arith.constant 0 : i32
    %ne3A_25 = vector.broadcast %ne3A_24 : i32 to vector<16xi32>
    %ne3A_26 = arith.cmpi ne, %rem3A_23, %ne3A_25 : vector<16xi32>
    %and3A = arith.andi %ne3A_22, %ne3A_26 : vector<16xi1>
    %sub3A = arith.constant 1 : i32
    %sub3A_27 = vector.broadcast %sub3A : i32 to vector<16xi32>
    %sub3A_28 = arith.subi %div3A_6, %sub3A_27 : vector<16xi32>
    %select_n3A = arith.select %and3A, %sub3A_28, %div3A_6 : vector<16xi1>, vector<16xi32>
    %add3A_29 = arith.constant 16 : i32
    %add3A_30 = vector.broadcast %add3A_29 : i32 to vector<16xi32>
    %add3A_31 = arith.addi %iota3A, %add3A_30 : vector<16xi32>
    %jit3A_32 = arith.constant 8 : i32
    %div3A_33 = vector.broadcast %jit3A_32 : i32 to vector<16xi32>
    %div3A_34 = arith.divsi %add3A_31, %div3A_33 : vector<16xi32>
    %sign3A_35 = arith.constant 0 : i32
    %sign3A_36 = vector.broadcast %sign3A_35 : i32 to vector<16xi32>
    %sign3A_37 = arith.cmpi sgt, %add3A_31, %sign3A_36 : vector<16xi32>
    %sign3A_38 = arith.extui %sign3A_37 : vector<16xi1> to vector<16xi32>
    %sign3A_39 = arith.constant 0 : i32
    %sign3A_40 = vector.broadcast %sign3A_39 : i32 to vector<16xi32>
    %sign3A_41 = arith.cmpi slt, %add3A_31, %sign3A_40 : vector<16xi32>
    %sign3A_42 = arith.extui %sign3A_41 : vector<16xi1> to vector<16xi32>
    %sign3A_43 = arith.subi %sign3A_38, %sign3A_42 : vector<16xi32>
    %sign3A_44 = arith.constant 0 : i32
    %sign3A_45 = arith.cmpi sgt, %jit3A_32, %sign3A_44 : i32
    %sign3A_46 = arith.extui %sign3A_45 : i1 to i32
    %sign3A_47 = arith.constant 0 : i32
    %sign3A_48 = arith.cmpi slt, %jit3A_32, %sign3A_47 : i32
    %sign3A_49 = arith.extui %sign3A_48 : i1 to i32
    %sign3A_50 = arith.subi %sign3A_46, %sign3A_49 : i32
    %ne3A_51 = vector.broadcast %sign3A_50 : i32 to vector<16xi32>
    %ne3A_52 = arith.cmpi ne, %sign3A_43, %ne3A_51 : vector<16xi32>
    %rem3A_53 = vector.broadcast %jit3A_32 : i32 to vector<16xi32>
    %rem3A_54 = arith.remsi %add3A_31, %rem3A_53 : vector<16xi32>
    %ne3A_55 = arith.constant 0 : i32
    %ne3A_56 = vector.broadcast %ne3A_55 : i32 to vector<16xi32>
    %ne3A_57 = arith.cmpi ne, %rem3A_54, %ne3A_56 : vector<16xi32>
    %and3A_58 = arith.andi %ne3A_52, %ne3A_57 : vector<16xi1>
    %sub3A_59 = arith.constant 1 : i32
    %sub3A_60 = vector.broadcast %sub3A_59 : i32 to vector<16xi32>
    %sub3A_61 = arith.subi %div3A_34, %sub3A_60 : vector<16xi32>
    %select_n3A_62 = arith.select %and3A_58, %sub3A_61, %div3A_34 : vector<16xi1>, vector<16xi32>
    %add3A_63 = arith.constant 0 : i32
    %add3A_64 = vector.broadcast %add3A_63 : i32 to vector<16xi32>
    %add3A_65 = arith.addi %iota3A, %add3A_64 : vector<16xi32>
    %jit3A_66 = arith.constant 8 : i32
    %eq3A = arith.constant 0 : i32
    %eq3A_67 = arith.cmpi eq, %jit3A_66, %eq3A : i32
    %jit3A_68 = arith.constant 1 : i32
    %select_n3A_69 = arith.select %eq3A_67, %jit3A_68, %jit3A_66 : i32
    %rem3A_70 = vector.broadcast %select_n3A_69 : i32 to vector<16xi32>
    %rem3A_71 = arith.remsi %add3A_65, %rem3A_70 : vector<16xi32>
    %ne3A_72 = arith.constant 0 : i32
    %ne3A_73 = vector.broadcast %ne3A_72 : i32 to vector<16xi32>
    %ne3A_74 = arith.cmpi ne, %rem3A_71, %ne3A_73 : vector<16xi32>
    %lt3A = arith.constant 0 : i32
    %lt3A_75 = vector.broadcast %lt3A : i32 to vector<16xi32>
    %lt3A_76 = arith.cmpi slt, %rem3A_71, %lt3A_75 : vector<16xi32>
    %lt3A_77 = arith.constant 0 : i32
    %lt3A_78 = arith.cmpi slt, %select_n3A_69, %lt3A_77 : i32
    %ne3A_79 = vector.broadcast %lt3A_78 : i1 to vector<16xi1>
    %ne3A_80 = vector.broadcast %ne3A_79 : vector<16xi1> to vector<16xi1>
    %ne3A_81 = arith.xori %lt3A_76, %ne3A_80 : vector<16xi1>
    %and3A_82 = arith.andi %ne3A_81, %ne3A_74 : vector<16xi1>
    %add3A_83 = vector.broadcast %select_n3A_69 : i32 to vector<16xi32>
    %add3A_84 = arith.addi %rem3A_71, %add3A_83 : vector<16xi32>
    %select_n3A_85 = arith.select %and3A_82, %add3A_84, %rem3A_71 : vector<16xi1>, vector<16xi32>
    %add3A_86 = arith.constant 16 : i32
    %add3A_87 = vector.broadcast %add3A_86 : i32 to vector<16xi32>
    %add3A_88 = arith.addi %iota3A, %add3A_87 : vector<16xi32>
    %jit3A_89 = arith.constant 8 : i32
    %eq3A_90 = arith.constant 0 : i32
    %eq3A_91 = arith.cmpi eq, %jit3A_89, %eq3A_90 : i32
    %jit3A_92 = arith.constant 1 : i32
    %select_n3A_93 = arith.select %eq3A_91, %jit3A_92, %jit3A_89 : i32
    %rem3A_94 = vector.broadcast %select_n3A_93 : i32 to vector<16xi32>
    %rem3A_95 = arith.remsi %add3A_88, %rem3A_94 : vector<16xi32>
    %ne3A_96 = arith.constant 0 : i32
    %ne3A_97 = vector.broadcast %ne3A_96 : i32 to vector<16xi32>
    %ne3A_98 = arith.cmpi ne, %rem3A_95, %ne3A_97 : vector<16xi32>
    %lt3A_99 = arith.constant 0 : i32
    %lt3A_100 = vector.broadcast %lt3A_99 : i32 to vector<16xi32>
    %lt3A_101 = arith.cmpi slt, %rem3A_95, %lt3A_100 : vector<16xi32>
    %lt3A_102 = arith.constant 0 : i32
    %lt3A_103 = arith.cmpi slt, %select_n3A_93, %lt3A_102 : i32
    %ne3A_104 = vector.broadcast %lt3A_103 : i1 to vector<16xi1>
    %ne3A_105 = vector.broadcast %ne3A_104 : vector<16xi1> to vector<16xi1>
    %ne3A_106 = arith.xori %lt3A_101, %ne3A_105 : vector<16xi1>
    %and3A_107 = arith.andi %ne3A_106, %ne3A_98 : vector<16xi1>
    %add3A_108 = vector.broadcast %select_n3A_93 : i32 to vector<16xi32>
    %add3A_109 = arith.addi %rem3A_95, %add3A_108 : vector<16xi32>
    %select_n3A_110 = arith.select %and3A_107, %add3A_109, %rem3A_95 : vector<16xi1>, vector<16xi32>
    %dma_start3A = arith.constant 0 : i32
    %dma_start3A_111 = arith.constant 0 : i32
    %dma_start3A_112 = tpu.memref_slice %arg5[%dma_start3A, %dma_start3A_111] : memref<50x512xi32, #tpu.memory_space<vmem>> -> memref<1x128xi32, #tpu.memory_space<vmem>>
    %dma_start3A_113 = tpu.memref_squeeze %dma_start3A_112 : memref<1x128xi32, #tpu.memory_space<vmem>> -> memref<128xi32, #tpu.memory_space<vmem>>
    %dma_start3A_114 = arith.constant 0 : i32
    %dma_start3A_115 = arith.constant 0 : i32
    %dma_start3A_116 = tpu.memref_slice %arg3[%dma_start3A_114, %dma_start3A_115] : memref<1000000x32xf32, #tpu.memory_space<hbm>> -> memref<1000000x32xf32, #tpu.memory_space<hbm>>
    tpu.enqueue_indirect_dma source(%dma_start3A_116 : memref<1000000x32xf32, #tpu.memory_space<hbm>>) target(%arg6 : memref<128x32xf32, #tpu.memory_space<vmem>>) offsets(%dma_start3A_113 : memref<128xi32, #tpu.memory_space<vmem>>) semaphore(%arg22 : memref<!tpu.dma_semaphore, #tpu.memory_space<semaphore_mem>>)
    %dma_start3A_117 = arith.constant 0 : i32
    %dma_start3A_118 = arith.constant 128 : i32
    %dma_start3A_119 = tpu.memref_slice %arg5[%dma_start3A_117, %dma_start3A_118] : memref<50x512xi32, #tpu.memory_space<vmem>> -> memref<1x128xi32, #tpu.memory_space<vmem>>
    %dma_start3A_120 = tpu.memref_squeeze %dma_start3A_119 : memref<1x128xi32, #tpu.memory_space<vmem>> -> memref<128xi32, #tpu.memory_space<vmem>>
    %dma_start3A_121 = arith.constant 0 : i32
    %dma_start3A_122 = arith.constant 0 : i32
    %dma_start3A_123 = tpu.memref_slice %arg3[%dma_start3A_121, %dma_start3A_122] : memref<1000000x32xf32, #tpu.memory_space<hbm>> -> memref<1000000x32xf32, #tpu.memory_space<hbm>>
    tpu.enqueue_indirect_dma source(%dma_start3A_123 : memref<1000000x32xf32, #tpu.memory_space<hbm>>) target(%arg7 : memref<128x32xf32, #tpu.memory_space<vmem>>) offsets(%dma_start3A_120 : memref<128xi32, #tpu.memory_space<vmem>>) semaphore(%arg23 : memref<!tpu.dma_semaphore, #tpu.memory_space<semaphore_mem>>)
    %dma_start3A_124 = arith.constant 0 : i32
    %dma_start3A_125 = arith.constant 256 : i32
    %dma_start3A_126 = tpu.memref_slice %arg5[%dma_start3A_124, %dma_start3A_125] : memref<50x512xi32, #tpu.memory_space<vmem>> -> memref<1x128xi32, #tpu.memory_space<vmem>>
    %dma_start3A_127 = tpu.memref_squeeze %dma_start3A_126 : memref<1x128xi32, #tpu.memory_space<vmem>> -> memref<128xi32, #tpu.memory_space<vmem>>
    %dma_start3A_128 = arith.constant 0 : i32
    %dma_start3A_129 = arith.constant 0 : i32
    %dma_start3A_130 = tpu.memref_slice %arg3[%dma_start3A_128, %dma_start3A_129] : memref<1000000x32xf32, #tpu.memory_space<hbm>> -> memref<1000000x32xf32, #tpu.memory_space<hbm>>
    tpu.enqueue_indirect_dma source(%dma_start3A_130 : memref<1000000x32xf32, #tpu.memory_space<hbm>>) target(%arg8 : memref<128x32xf32, #tpu.memory_space<vmem>>) offsets(%dma_start3A_127 : memref<128xi32, #tpu.memory_space<vmem>>) semaphore(%arg24 : memref<!tpu.dma_semaphore, #tpu.memory_space<semaphore_mem>>)
    %dma_start3A_131 = arith.constant 0 : i32
    %dma_start3A_132 = arith.constant 384 : i32
    %dma_start3A_133 = tpu.memref_slice %arg5[%dma_start3A_131, %dma_start3A_132] : memref<50x512xi32, #tpu.memory_space<vmem>> -> memref<1x128xi32, #tpu.memory_space<vmem>>
    %dma_start3A_134 = tpu.memref_squeeze %dma_start3A_133 : memref<1x128xi32, #tpu.memory_space<vmem>> -> memref<128xi32, #tpu.memory_space<vmem>>
    %dma_start3A_135 = arith.constant 0 : i32
    %dma_start3A_136 = arith.constant 0 : i32
    %dma_start3A_137 = tpu.memref_slice %arg3[%dma_start3A_135, %dma_start3A_136] : memref<1000000x32xf32, #tpu.memory_space<hbm>> -> memref<1000000x32xf32, #tpu.memory_space<hbm>>
    tpu.enqueue_indirect_dma source(%dma_start3A_137 : memref<1000000x32xf32, #tpu.memory_space<hbm>>) target(%arg9 : memref<128x32xf32, #tpu.memory_space<vmem>>) offsets(%dma_start3A_134 : memref<128xi32, #tpu.memory_space<vmem>>) semaphore(%arg25 : memref<!tpu.dma_semaphore, #tpu.memory_space<semaphore_mem>>)
    %dma_start3A_138 = arith.constant 1 : i32
    %dma_start3A_139 = arith.constant 0 : i32
    %dma_start3A_140 = tpu.memref_slice %arg5[%dma_start3A_138, %dma_start3A_139] : memref<50x512xi32, #tpu.memory_space<vmem>> -> memref<1x128xi32, #tpu.memory_space<vmem>>
    %dma_start3A_141 = tpu.memref_squeeze %dma_start3A_140 : memref<1x128xi32, #tpu.memory_space<vmem>> -> memref<128xi32, #tpu.memory_space<vmem>>
    %dma_start3A_142 = arith.constant 0 : i32
    %dma_start3A_143 = arith.constant 0 : i32
    %dma_start3A_144 = tpu.memref_slice %arg3[%dma_start3A_142, %dma_start3A_143] : memref<1000000x32xf32, #tpu.memory_space<hbm>> -> memref<1000000x32xf32, #tpu.memory_space<hbm>>
    tpu.enqueue_indirect_dma source(%dma_start3A_144 : memref<1000000x32xf32, #tpu.memory_space<hbm>>) target(%arg10 : memref<128x32xf32, #tpu.memory_space<vmem>>) offsets(%dma_start3A_141 : memref<128xi32, #tpu.memory_space<vmem>>) semaphore(%arg26 : memref<!tpu.dma_semaphore, #tpu.memory_space<semaphore_mem>>)
    %dma_start3A_145 = arith.constant 1 : i32
    %dma_start3A_146 = arith.constant 128 : i32
    %dma_start3A_147 = tpu.memref_slice %arg5[%dma_start3A_145, %dma_start3A_146] : memref<50x512xi32, #tpu.memory_space<vmem>> -> memref<1x128xi32, #tpu.memory_space<vmem>>
    %dma_start3A_148 = tpu.memref_squeeze %dma_start3A_147 : memref<1x128xi32, #tpu.memory_space<vmem>> -> memref<128xi32, #tpu.memory_space<vmem>>
    %dma_start3A_149 = arith.constant 0 : i32
    %dma_start3A_150 = arith.constant 0 : i32
    %dma_start3A_151 = tpu.memref_slice %arg3[%dma_start3A_149, %dma_start3A_150] : memref<1000000x32xf32, #tpu.memory_space<hbm>> -> memref<1000000x32xf32, #tpu.memory_space<hbm>>
    tpu.enqueue_indirect_dma source(%dma_start3A_151 : memref<1000000x32xf32, #tpu.memory_space<hbm>>) target(%arg11 : memref<128x32xf32, #tpu.memory_space<vmem>>) offsets(%dma_start3A_148 : memref<128xi32, #tpu.memory_space<vmem>>) semaphore(%arg27 : memref<!tpu.dma_semaphore, #tpu.memory_space<semaphore_mem>>)
    %dma_start3A_152 = arith.constant 1 : i32
    %dma_start3A_153 = arith.constant 256 : i32
    %dma_start3A_154 = tpu.memref_slice %arg5[%dma_start3A_152, %dma_start3A_153] : memref<50x512xi32, #tpu.memory_space<vmem>> -> memref<1x128xi32, #tpu.memory_space<vmem>>
    %dma_start3A_155 = tpu.memref_squeeze %dma_start3A_154 : memref<1x128xi32, #tpu.memory_space<vmem>> -> memref<128xi32, #tpu.memory_space<vmem>>
    %dma_start3A_156 = arith.constant 0 : i32
    %dma_start3A_157 = arith.constant 0 : i32
    %dma_start3A_158 = tpu.memref_slice %arg3[%dma_start3A_156, %dma_start3A_157] : memref<1000000x32xf32, #tpu.memory_space<hbm>> -> memref<1000000x32xf32, #tpu.memory_space<hbm>>
    tpu.enqueue_indirect_dma source(%dma_start3A_158 : memref<1000000x32xf32, #tpu.memory_space<hbm>>) target(%arg12 : memref<128x32xf32, #tpu.memory_space<vmem>>) offsets(%dma_start3A_155 : memref<128xi32, #tpu.memory_space<vmem>>) semaphore(%arg28 : memref<!tpu.dma_semaphore, #tpu.memory_space<semaphore_mem>>)
    %dma_start3A_159 = arith.constant 1 : i32
    %dma_start3A_160 = arith.constant 384 : i32
    %dma_start3A_161 = tpu.memref_slice %arg5[%dma_start3A_159, %dma_start3A_160] : memref<50x512xi32, #tpu.memory_space<vmem>> -> memref<1x128xi32, #tpu.memory_space<vmem>>
    %dma_start3A_162 = tpu.memref_squeeze %dma_start3A_161 : memref<1x128xi32, #tpu.memory_space<vmem>> -> memref<128xi32, #tpu.memory_space<vmem>>
    %dma_start3A_163 = arith.constant 0 : i32
    %dma_start3A_164 = arith.constant 0 : i32
    %dma_start3A_165 = tpu.memref_slice %arg3[%dma_start3A_163, %dma_start3A_164] : memref<1000000x32xf32, #tpu.memory_space<hbm>> -> memref<1000000x32xf32, #tpu.memory_space<hbm>>
    tpu.enqueue_indirect_dma source(%dma_start3A_165 : memref<1000000x32xf32, #tpu.memory_space<hbm>>) target(%arg13 : memref<128x32xf32, #tpu.memory_space<vmem>>) offsets(%dma_start3A_162 : memref<128xi32, #tpu.memory_space<vmem>>) semaphore(%arg29 : memref<!tpu.dma_semaphore, #tpu.memory_space<semaphore_mem>>)
    %scan3A = arith.constant 0 : i32
    %scan3A_166 = arith.constant 0 : i32
    %scan3A_167 = arith.constant 25 : i32
    %scan3A_168 = arith.addi %scan3A_166, %scan3A_167 : i32
    %scan3A_169 = arith.constant 1 : i32
    scf.for %scan3A_226 = %scan3A_166 to %scan3A_168 step %scan3A_169  : i32 {
      %mul3A_227 = arith.constant 8 : i32
      %mul3A_228 = arith.muli %scan3A_226, %mul3A_227 : i32
      %dma_wait3A_229 = arith.constant 0 : i32
      %dma_wait3A_230 = arith.constant 0 : i32
      %dma_wait3A_231 = tpu.memref_slice %arg5[%dma_wait3A_229, %dma_wait3A_230] : memref<50x512xi32, #tpu.memory_space<vmem>> -> memref<1x128xi32, #tpu.memory_space<vmem>>
      %dma_wait3A_232 = tpu.memref_squeeze %dma_wait3A_231 : memref<1x128xi32, #tpu.memory_space<vmem>> -> memref<128xi32, #tpu.memory_space<vmem>>
      %dma_wait3A_233 = arith.constant 0 : i32
      %dma_wait3A_234 = arith.constant 0 : i32
      %dma_wait3A_235 = tpu.memref_slice %arg3[%dma_wait3A_233, %dma_wait3A_234] : memref<1000000x32xf32, #tpu.memory_space<hbm>> -> memref<1000000x32xf32, #tpu.memory_space<hbm>>
      tpu.wait_indirect_dma semaphore(%arg22 : memref<!tpu.dma_semaphore, #tpu.memory_space<semaphore_mem>>) src(%dma_wait3A_235 : memref<1000000x32xf32, #tpu.memory_space<hbm>>) dst(%arg6 : memref<128x32xf32, #tpu.memory_space<vmem>>)
      %scan3A_236 = arith.constant 0 : i32
      %scan3A_237 = arith.constant 0 : i32
      %scan3A_238 = arith.constant 32 : i32
      %scan3A_239 = arith.addi %scan3A_237, %scan3A_238 : i32
      %scan3A_240 = arith.constant 1 : i32
      scf.for %scan3A_1597 = %scan3A_237 to %scan3A_239 step %scan3A_240  : i32 {
        %mul3A_1598 = arith.constant 4 : i32
        %mul3A_1599 = arith.muli %scan3A_1597, %mul3A_1598 : i32
        %broadcast_in_dim3A = arith.constant 0 : i32
        %broadcast_in_dim3A_1600 = vector.broadcast %broadcast_in_dim3A : i32 to vector<16xi32>
        %add3A_1601 = arith.constant 0 : i32
        %add3A_1602 = arith.addi %mul3A_1599, %add3A_1601 : i32
        %add3A_1603 = vector.broadcast %add3A_1602 : i32 to vector<16xi32>
        %add3A_1604 = arith.addi %broadcast_in_dim3A_1600, %add3A_1603 : vector<16xi32>
        %add3A_1605 = arith.constant 0 : i32
        %add3A_1606 = arith.addi %mul3A_1599, %add3A_1605 : i32
        %get3A = arith.index_cast %add3A_1606 : i32 to index
        %get3A_1607 = arith.constant 0 : index
        %get3A_1608 = tpu.vector_load %arg6[%get3A, %get3A_1607] {strides = array<i32>} : memref<128x32xf32, #tpu.memory_space<vmem>>, vector<16xf32>,
        tpu.vector_store_idx %arg14[%select_n3A, %select_n3A_85, %add3A_1604], %get3A_1608 : memref<4x8x129xf32, #tpu.memory_space<vmem>>[vector<16xi32>, vector<16xi32>, vector<16xi32>], vector<16xf32>,
        %add3A_1609 = arith.constant 0 : i32
        %add3A_1610 = arith.addi %mul3A_1599, %add3A_1609 : i32
        %get3A_1611 = arith.index_cast %add3A_1610 : i32 to index
        %get3A_1612 = arith.constant 16 : index
        %get3A_1613 = tpu.vector_load %arg6[%get3A_1611, %get3A_1612] {strides = array<i32>} : memref<128x32xf32, #tpu.memory_space<vmem>>, vector<16xf32>,
        tpu.vector_store_idx %arg14[%select_n3A_62, %select_n3A_110, %add3A_1604], %get3A_1613 : memref<4x8x129xf32, #tpu.memory_space<vmem>>[vector<16xi32>, vector<16xi32>, vector<16xi32>], vector<16xf32>,
        %broadcast_in_dim3A_1614 = arith.constant 0 : i32
        %broadcast_in_dim3A_1615 = vector.broadcast %broadcast_in_dim3A_1614 : i32 to vector<16xi32>
        %add3A_1616 = arith.constant 1 : i32
        %add3A_1617 = arith.addi %mul3A_1599, %add3A_1616 : i32
        %add3A_1618 = vector.broadcast %add3A_1617 : i32 to vector<16xi32>
        %add3A_1619 = arith.addi %broadcast_in_dim3A_1615, %add3A_1618 : vector<16xi32>
        %add3A_1620 = arith.constant 1 : i32
        %add3A_1621 = arith.addi %mul3A_1599, %add3A_1620 : i32
        %get3A_1622 = arith.index_cast %add3A_1621 : i32 to index
        %get3A_1623 = arith.constant 0 : index
        %get3A_1624 = tpu.vector_load %arg6[%get3A_1622, %get3A_1623] {strides = array<i32>} : memref<128x32xf32, #tpu.memory_space<vmem>>, vector<16xf32>,
        tpu.vector_store_idx %arg14[%select_n3A, %select_n3A_85, %add3A_1619], %get3A_1624 : memref<4x8x129xf32, #tpu.memory_space<vmem>>[vector<16xi32>, vector<16xi32>, vector<16xi32>], vector<16xf32>,
        %add3A_1625 = arith.constant 1 : i32
        %add3A_1626 = arith.addi %mul3A_1599, %add3A_1625 : i32
        %get3A_1627 = arith.index_cast %add3A_1626 : i32 to index
        %get3A_1628 = arith.constant 16 : index
        %get3A_1629 = tpu.vector_load %arg6[%get3A_1627, %get3A_1628] {strides = array<i32>} : memref<128x32xf32, #tpu.memory_space<vmem>>, vector<16xf32>,
        tpu.vector_store_idx %arg14[%select_n3A_62, %select_n3A_110, %add3A_1619], %get3A_1629 : memref<4x8x129xf32, #tpu.memory_space<vmem>>[vector<16xi32>, vector<16xi32>, vector<16xi32>], vector<16xf32>,
        %broadcast_in_dim3A_1630 = arith.constant 0 : i32
        %broadcast_in_dim3A_1631 = vector.broadcast %broadcast_in_dim3A_1630 : i32 to vector<16xi32>
        %add3A_1632 = arith.constant 2 : i32
        %add3A_1633 = arith.addi %mul3A_1599, %add3A_1632 : i32
        %add3A_1634 = vector.broadcast %add3A_1633 : i32 to vector<16xi32>
        %add3A_1635 = arith.addi %broadcast_in_dim3A_1631, %add3A_1634 : vector<16xi32>
        %add3A_1636 = arith.constant 2 : i32
        %add3A_1637 = arith.addi %mul3A_1599, %add3A_1636 : i32
        %get3A_1638 = arith.index_cast %add3A_1637 : i32 to index
        %get3A_1639 = arith.constant 0 : index
        %get3A_1640 = tpu.vector_load %arg6[%get3A_1638, %get3A_1639] {strides = array<i32>} : memref<128x32xf32, #tpu.memory_space<vmem>>, vector<16xf32>,
        tpu.vector_store_idx %arg14[%select_n3A, %select_n3A_85, %add3A_1635], %get3A_1640 : memref<4x8x129xf32, #tpu.memory_space<vmem>>[vector<16xi32>, vector<16xi32>, vector<16xi32>], vector<16xf32>,
        %add3A_1641 = arith.constant 2 : i32
        %add3A_1642 = arith.addi %mul3A_1599, %add3A_1641 : i32
        %get3A_1643 = arith.index_cast %add3A_1642 : i32 to index
        %get3A_1644 = arith.constant 16 : index
        %get3A_1645 = tpu.vector_load %arg6[%get3A_1643, %get3A_1644] {strides = array<i32>} : memref<128x32xf32, #tpu.memory_space<vmem>>, vector<16xf32>,
        tpu.vector_store_idx %arg14[%select_n3A_62, %select_n3A_110, %add3A_1635], %get3A_1645 : memref<4x8x129xf32, #tpu.memory_space<vmem>>[vector<16xi32>, vector<16xi32>, vector<16xi32>], vector<16xf32>,
        %broadcast_in_dim3A_1646 = arith.constant 0 : i32
        %broadcast_in_dim3A_1647 = vector.broadcast %broadcast_in_dim3A_1646 : i32 to vector<16xi32>
        %add3A_1648 = arith.constant 3 : i32
        %add3A_1649 = arith.addi %mul3A_1599, %add3A_1648 : i32
        %add3A_1650 = vector.broadcast %add3A_1649 : i32 to vector<16xi32>
        %add3A_1651 = arith.addi %broadcast_in_dim3A_1647, %add3A_1650 : vector<16xi32>
        %add3A_1652 = arith.constant 3 : i32
        %add3A_1653 = arith.addi %mul3A_1599, %add3A_1652 : i32
        %get3A_1654 = arith.index_cast %add3A_1653 : i32 to index
        %get3A_1655 = arith.constant 0 : index
        %get3A_1656 = tpu.vector_load %arg6[%get3A_1654, %get3A_1655] {strides = array<i32>} : memref<128x32xf32, #tpu.memory_space<vmem>>, vector<16xf32>,
        tpu.vector_store_idx %arg14[%select_n3A, %select_n3A_85, %add3A_1651], %get3A_1656 : memref<4x8x129xf32, #tpu.memory_space<vmem>>[vector<16xi32>, vector<16xi32>, vector<16xi32>], vector<16xf32>,
        %add3A_1657 = arith.constant 3 : i32
        %add3A_1658 = arith.addi %mul3A_1599, %add3A_1657 : i32
        %get3A_1659 = arith.index_cast %add3A_1658 : i32 to index
        %get3A_1660 = arith.constant 16 : index
        %get3A_1661 = tpu.vector_load %arg6[%get3A_1659, %get3A_1660] {strides = array<i32>} : memref<128x32xf32, #tpu.memory_space<vmem>>, vector<16xf32>,
        tpu.vector_store_idx %arg14[%select_n3A_62, %select_n3A_110, %add3A_1651], %get3A_1661 : memref<4x8x129xf32, #tpu.memory_space<vmem>>[vector<16xi32>, vector<16xi32>, vector<16xi32>], vector<16xf32>,
      }
      %scan3A_241 = arith.constant 32 : i32
      %add3A_242 = arith.constant 0 : i32
      %add3A_243 = arith.addi %mul3A_228, %add3A_242 : i32
      %jit3A_244 = arith.constant 4 : i32
      %div3A_245 = arith.divsi %add3A_243, %jit3A_244 : i32
      %sign3A_246 = arith.constant 0 : i32
      %sign3A_247 = arith.cmpi sgt, %add3A_243, %sign3A_246 : i32
      %sign3A_248 = arith.extui %sign3A_247 : i1 to i32
      %sign3A_249 = arith.constant 0 : i32
      %sign3A_250 = arith.cmpi slt, %add3A_243, %sign3A_249 : i32
      %sign3A_251 = arith.extui %sign3A_250 : i1 to i32
      %sign3A_252 = arith.subi %sign3A_248, %sign3A_251 : i32
      %sign3A_253 = arith.constant 0 : i32
      %sign3A_254 = arith.cmpi sgt, %jit3A_244, %sign3A_253 : i32
      %sign3A_255 = arith.extui %sign3A_254 : i1 to i32
      %sign3A_256 = arith.constant 0 : i32
      %sign3A_257 = arith.cmpi slt, %jit3A_244, %sign3A_256 : i32
      %sign3A_258 = arith.extui %sign3A_257 : i1 to i32
      %sign3A_259 = arith.subi %sign3A_255, %sign3A_258 : i32
      %ne3A_260 = arith.cmpi ne, %sign3A_252, %sign3A_259 : i32
      %rem3A_261 = arith.remsi %add3A_243, %jit3A_244 : i32
      %ne3A_262 = arith.constant 0 : i32
      %ne3A_263 = arith.cmpi ne, %rem3A_261, %ne3A_262 : i32
      %and3A_264 = arith.andi %ne3A_260, %ne3A_263 : i1
      %sub3A_265 = arith.constant 1 : i32
      %sub3A_266 = arith.subi %div3A_245, %sub3A_265 : i32
      %select_n3A_267 = arith.select %and3A_264, %sub3A_266, %div3A_245 : i32
      %jit3A_268 = arith.constant 4 : i32
      %eq3A_269 = arith.constant 0 : i32
      %eq3A_270 = arith.cmpi eq, %jit3A_268, %eq3A_269 : i32
      %jit3A_271 = arith.constant 1 : i32
      %select_n3A_272 = arith.select %eq3A_270, %jit3A_271, %jit3A_268 : i32
      %rem3A_273 = arith.remsi %add3A_243, %select_n3A_272 : i32
      %ne3A_274 = arith.constant 0 : i32
      %ne3A_275 = arith.cmpi ne, %rem3A_273, %ne3A_274 : i32
      %lt3A_276 = arith.constant 0 : i32
      %lt3A_277 = arith.cmpi slt, %rem3A_273, %lt3A_276 : i32
      %lt3A_278 = arith.constant 0 : i32
      %lt3A_279 = arith.cmpi slt, %select_n3A_272, %lt3A_278 : i32
      %ne3A_280 = arith.xori %lt3A_277, %lt3A_279 : i1
      %and3A_281 = arith.andi %ne3A_280, %ne3A_275 : i1
      %add3A_282 = arith.addi %rem3A_273, %select_n3A_272 : i32
      %select_n3A_283 = arith.select %and3A_281, %add3A_282, %rem3A_273 : i32
      %jit3A_284 = arith.constant 128 : i32
      %div3A_285 = arith.divsi %mul3A_2, %jit3A_284 : i32
      %sign3A_286 = arith.constant 0 : i32
      %sign3A_287 = arith.cmpi sgt, %mul3A_2, %sign3A_286 : i32
      %sign3A_288 = arith.extui %sign3A_287 : i1 to i32
      %sign3A_289 = arith.constant 0 : i32
      %sign3A_290 = arith.cmpi slt, %mul3A_2, %sign3A_289 : i32
      %sign3A_291 = arith.extui %sign3A_290 : i1 to i32
      %sign3A_292 = arith.subi %sign3A_288, %sign3A_291 : i32
      %sign3A_293 = arith.constant 0 : i32
      %sign3A_294 = arith.cmpi sgt, %jit3A_284, %sign3A_293 : i32
      %sign3A_295 = arith.extui %sign3A_294 : i1 to i32
      %sign3A_296 = arith.constant 0 : i32
      %sign3A_297 = arith.cmpi slt, %jit3A_284, %sign3A_296 : i32
      %sign3A_298 = arith.extui %sign3A_297 : i1 to i32
      %sign3A_299 = arith.subi %sign3A_295, %sign3A_298 : i32
      %ne3A_300 = arith.cmpi ne, %sign3A_292, %sign3A_299 : i32
      %rem3A_301 = arith.remsi %mul3A_2, %jit3A_284 : i32
      %ne3A_302 = arith.constant 0 : i32
      %ne3A_303 = arith.cmpi ne, %rem3A_301, %ne3A_302 : i32
      %and3A_304 = arith.andi %ne3A_300, %ne3A_303 : i1
      %sub3A_305 = arith.constant 1 : i32
      %sub3A_306 = arith.subi %div3A_285, %sub3A_305 : i32
      %select_n3A_307 = arith.select %and3A_304, %sub3A_306, %div3A_285 : i32
      %add3A_308 = arith.addi %select_n3A_307, %select_n3A_283 : i32
      %dma_start3A_309 = arith.constant 0 : i32
      %dma_start3A_310 = arith.constant 0 : i32
      %dma_start3A_311 = arith.constant 0 : i32
      %dma_start3A_312 = tpu.memref_slice %arg14[%dma_start3A_309, %dma_start3A_310, %dma_start3A_311] : memref<4x8x129xf32, #tpu.memory_space<vmem>> -> memref<4x8x128xf32, #tpu.memory_space<vmem>>
      %dma_start3A_313 = arith.constant 0 : i32
      %dma_start3A_314 = arith.constant 0 : i32
      %dma_start3A_315 = arith.constant 0 : i32
      %dma_start3A_316 = tpu.memref_slice %arg4[%select_n3A_267, %dma_start3A_313, %add3A_308, %dma_start3A_314, %dma_start3A_315] : memref<50x4x128x8x128xf32, #tpu.memory_space<hbm>> -> memref<1x4x1x8x128xf32, #tpu.memory_space<hbm>>
      %dma_start3A_317 = tpu.memref_squeeze %dma_start3A_316 : memref<1x4x1x8x128xf32, #tpu.memory_space<hbm>> -> memref<4x8x128xf32, #tpu.memory_space<hbm>>
      %dma_start3A_318 = arith.constant 0 : i32
      %dma_start3A_319 = arith.constant 0 : i32
      %dma_start3A_320 = arith.constant 0 : i32
      %dma_start3A_321 = tpu.memref_slice %arg4[%select_n3A_267, %dma_start3A_318, %add3A_308, %dma_start3A_319, %dma_start3A_320] : memref<50x4x128x8x128xf32, #tpu.memory_space<hbm>> -> memref<1x4x1x8x128xf32, #tpu.memory_space<hbm>>
      %dma_start3A_322 = tpu.memref_squeeze %dma_start3A_321 : memref<1x4x1x8x128xf32, #tpu.memory_space<hbm>> -> memref<4x8x128xf32, #tpu.memory_space<hbm>>
      %dma_start3A_323 = arith.constant 0 : i32
      %dma_start3A_324 = arith.constant 0 : i32
      %dma_start3A_325 = arith.constant 0 : i32
      %dma_start3A_326 = tpu.memref_slice %arg14[%dma_start3A_323, %dma_start3A_324, %dma_start3A_325] : memref<4x8x129xf32, #tpu.memory_space<vmem>> -> memref<4x8x128xf32, #tpu.memory_space<vmem>>
      tpu.enqueue_dma source(%dma_start3A_326 : memref<4x8x128xf32, #tpu.memory_space<vmem>>) target(%dma_start3A_322 : memref<4x8x128xf32, #tpu.memory_space<hbm>>) target_semaphore(%arg30 : memref<!tpu.dma_semaphore, #tpu.memory_space<semaphore_mem>>)
      %dma_wait3A_327 = arith.constant 0 : i32
      %dma_wait3A_328 = arith.constant 0 : i32
      %dma_wait3A_329 = tpu.memref_slice %arg5[%dma_wait3A_327, %dma_wait3A_328] : memref<50x512xi32, #tpu.memory_space<vmem>> -> memref<1x128xi32, #tpu.memory_space<vmem>>
      %dma_wait3A_330 = tpu.memref_squeeze %dma_wait3A_329 : memref<1x128xi32, #tpu.memory_space<vmem>> -> memref<128xi32, #tpu.memory_space<vmem>>
      %dma_wait3A_331 = arith.constant 0 : i32
      %dma_wait3A_332 = arith.constant 0 : i32
      %dma_wait3A_333 = tpu.memref_slice %arg3[%dma_wait3A_331, %dma_wait3A_332] : memref<1000000x32xf32, #tpu.memory_space<hbm>> -> memref<1000000x32xf32, #tpu.memory_space<hbm>>
      tpu.wait_indirect_dma semaphore(%arg23 : memref<!tpu.dma_semaphore, #tpu.memory_space<semaphore_mem>>) src(%dma_wait3A_333 : memref<1000000x32xf32, #tpu.memory_space<hbm>>) dst(%arg7 : memref<128x32xf32, #tpu.memory_space<vmem>>)
      %scan3A_334 = arith.constant 0 : i32
      %scan3A_335 = arith.constant 0 : i32
      %scan3A_336 = arith.constant 32 : i32
      %scan3A_337 = arith.addi %scan3A_335, %scan3A_336 : i32
      %scan3A_338 = arith.constant 1 : i32
      scf.for %scan3A_1597 = %scan3A_335 to %scan3A_337 step %scan3A_338  : i32 {
        %mul3A_1598 = arith.constant 4 : i32
        %mul3A_1599 = arith.muli %scan3A_1597, %mul3A_1598 : i32
        %broadcast_in_dim3A = arith.constant 0 : i32
        %broadcast_in_dim3A_1600 = vector.broadcast %broadcast_in_dim3A : i32 to vector<16xi32>
        %add3A_1601 = arith.constant 0 : i32
        %add3A_1602 = arith.addi %mul3A_1599, %add3A_1601 : i32
        %add3A_1603 = vector.broadcast %add3A_1602 : i32 to vector<16xi32>
        %add3A_1604 = arith.addi %broadcast_in_dim3A_1600, %add3A_1603 : vector<16xi32>
        %add3A_1605 = arith.constant 0 : i32
        %add3A_1606 = arith.addi %mul3A_1599, %add3A_1605 : i32
        %get3A = arith.index_cast %add3A_1606 : i32 to index
        %get3A_1607 = arith.constant 0 : index
        %get3A_1608 = tpu.vector_load %arg7[%get3A, %get3A_1607] {strides = array<i32>} : memref<128x32xf32, #tpu.memory_space<vmem>>, vector<16xf32>,
        tpu.vector_store_idx %arg15[%select_n3A, %select_n3A_85, %add3A_1604], %get3A_1608 : memref<4x8x129xf32, #tpu.memory_space<vmem>>[vector<16xi32>, vector<16xi32>, vector<16xi32>], vector<16xf32>,
        %add3A_1609 = arith.constant 0 : i32
        %add3A_1610 = arith.addi %mul3A_1599, %add3A_1609 : i32
        %get3A_1611 = arith.index_cast %add3A_1610 : i32 to index
        %get3A_1612 = arith.constant 16 : index
        %get3A_1613 = tpu.vector_load %arg7[%get3A_1611, %get3A_1612] {strides = array<i32>} : memref<128x32xf32, #tpu.memory_space<vmem>>, vector<16xf32>,
        tpu.vector_store_idx %arg15[%select_n3A_62, %select_n3A_110, %add3A_1604], %get3A_1613 : memref<4x8x129xf32, #tpu.memory_space<vmem>>[vector<16xi32>, vector<16xi32>, vector<16xi32>], vector<16xf32>,
        %broadcast_in_dim3A_1614 = arith.constant 0 : i32
        %broadcast_in_dim3A_1615 = vector.broadcast %broadcast_in_dim3A_1614 : i32 to vector<16xi32>
        %add3A_1616 = arith.constant 1 : i32
        %add3A_1617 = arith.addi %mul3A_1599, %add3A_1616 : i32
        %add3A_1618 = vector.broadcast %add3A_1617 : i32 to vector<16xi32>
        %add3A_1619 = arith.addi %broadcast_in_dim3A_1615, %add3A_1618 : vector<16xi32>
        %add3A_1620 = arith.constant 1 : i32
        %add3A_1621 = arith.addi %mul3A_1599, %add3A_1620 : i32
        %get3A_1622 = arith.index_cast %add3A_1621 : i32 to index
        %get3A_1623 = arith.constant 0 : index
        %get3A_1624 = tpu.vector_load %arg7[%get3A_1622, %get3A_1623] {strides = array<i32>} : memref<128x32xf32, #tpu.memory_space<vmem>>, vector<16xf32>,
        tpu.vector_store_idx %arg15[%select_n3A, %select_n3A_85, %add3A_1619], %get3A_1624 : memref<4x8x129xf32, #tpu.memory_space<vmem>>[vector<16xi32>, vector<16xi32>, vector<16xi32>], vector<16xf32>,
        %add3A_1625 = arith.constant 1 : i32
        %add3A_1626 = arith.addi %mul3A_1599, %add3A_1625 : i32
        %get3A_1627 = arith.index_cast %add3A_1626 : i32 to index
        %get3A_1628 = arith.constant 16 : index
        %get3A_1629 = tpu.vector_load %arg7[%get3A_1627, %get3A_1628] {strides = array<i32>} : memref<128x32xf32, #tpu.memory_space<vmem>>, vector<16xf32>,
        tpu.vector_store_idx %arg15[%select_n3A_62, %select_n3A_110, %add3A_1619], %get3A_1629 : memref<4x8x129xf32, #tpu.memory_space<vmem>>[vector<16xi32>, vector<16xi32>, vector<16xi32>], vector<16xf32>,
        %broadcast_in_dim3A_1630 = arith.constant 0 : i32
        %broadcast_in_dim3A_1631 = vector.broadcast %broadcast_in_dim3A_1630 : i32 to vector<16xi32>
        %add3A_1632 = arith.constant 2 : i32
        %add3A_1633 = arith.addi %mul3A_1599, %add3A_1632 : i32
        %add3A_1634 = vector.broadcast %add3A_1633 : i32 to vector<16xi32>
        %add3A_1635 = arith.addi %broadcast_in_dim3A_1631, %add3A_1634 : vector<16xi32>
        %add3A_1636 = arith.constant 2 : i32
        %add3A_1637 = arith.addi %mul3A_1599, %add3A_1636 : i32
        %get3A_1638 = arith.index_cast %add3A_1637 : i32 to index
        %get3A_1639 = arith.constant 0 : index
        %get3A_1640 = tpu.vector_load %arg7[%get3A_1638, %get3A_1639] {strides = array<i32>} : memref<128x32xf32, #tpu.memory_space<vmem>>, vector<16xf32>,
        tpu.vector_store_idx %arg15[%select_n3A, %select_n3A_85, %add3A_1635], %get3A_1640 : memref<4x8x129xf32, #tpu.memory_space<vmem>>[vector<16xi32>, vector<16xi32>, vector<16xi32>], vector<16xf32>,
        %add3A_1641 = arith.constant 2 : i32
        %add3A_1642 = arith.addi %mul3A_1599, %add3A_1641 : i32
        %get3A_1643 = arith.index_cast %add3A_1642 : i32 to index
        %get3A_1644 = arith.constant 16 : index
        %get3A_1645 = tpu.vector_load %arg7[%get3A_1643, %get3A_1644] {strides = array<i32>} : memref<128x32xf32, #tpu.memory_space<vmem>>, vector<16xf32>,
        tpu.vector_store_idx %arg15[%select_n3A_62, %select_n3A_110, %add3A_1635], %get3A_1645 : memref<4x8x129xf32, #tpu.memory_space<vmem>>[vector<16xi32>, vector<16xi32>, vector<16xi32>], vector<16xf32>,
        %broadcast_in_dim3A_1646 = arith.constant 0 : i32
        %broadcast_in_dim3A_1647 = vector.broadcast %broadcast_in_dim3A_1646 : i32 to vector<16xi32>
        %add3A_1648 = arith.constant 3 : i32
        %add3A_1649 = arith.addi %mul3A_1599, %add3A_1648 : i32
        %add3A_1650 = vector.broadcast %add3A_1649 : i32 to vector<16xi32>
        %add3A_1651 = arith.addi %broadcast_in_dim3A_1647, %add3A_1650 : vector<16xi32>
        %add3A_1652 = arith.constant 3 : i32
        %add3A_1653 = arith.addi %mul3A_1599, %add3A_1652 : i32
        %get3A_1654 = arith.index_cast %add3A_1653 : i32 to index
        %get3A_1655 = arith.constant 0 : index
        %get3A_1656 = tpu.vector_load %arg7[%get3A_1654, %get3A_1655] {strides = array<i32>} : memref<128x32xf32, #tpu.memory_space<vmem>>, vector<16xf32>,
        tpu.vector_store_idx %arg15[%select_n3A, %select_n3A_85, %add3A_1651], %get3A_1656 : memref<4x8x129xf32, #tpu.memory_space<vmem>>[vector<16xi32>, vector<16xi32>, vector<16xi32>], vector<16xf32>,
        %add3A_1657 = arith.constant 3 : i32
        %add3A_1658 = arith.addi %mul3A_1599, %add3A_1657 : i32
        %get3A_1659 = arith.index_cast %add3A_1658 : i32 to index
        %get3A_1660 = arith.constant 16 : index
        %get3A_1661 = tpu.vector_load %arg7[%get3A_1659, %get3A_1660] {strides = array<i32>} : memref<128x32xf32, #tpu.memory_space<vmem>>, vector<16xf32>,
        tpu.vector_store_idx %arg15[%select_n3A_62, %select_n3A_110, %add3A_1651], %get3A_1661 : memref<4x8x129xf32, #tpu.memory_space<vmem>>[vector<16xi32>, vector<16xi32>, vector<16xi32>], vector<16xf32>,
      }
      %scan3A_339 = arith.constant 32 : i32
      %add3A_340 = arith.constant 1 : i32
      %add3A_341 = arith.addi %mul3A_228, %add3A_340 : i32
      %jit3A_342 = arith.constant 4 : i32
      %div3A_343 = arith.divsi %add3A_341, %jit3A_342 : i32
      %sign3A_344 = arith.constant 0 : i32
      %sign3A_345 = arith.cmpi sgt, %add3A_341, %sign3A_344 : i32
      %sign3A_346 = arith.extui %sign3A_345 : i1 to i32
      %sign3A_347 = arith.constant 0 : i32
      %sign3A_348 = arith.cmpi slt, %add3A_341, %sign3A_347 : i32
      %sign3A_349 = arith.extui %sign3A_348 : i1 to i32
      %sign3A_350 = arith.subi %sign3A_346, %sign3A_349 : i32
      %sign3A_351 = arith.constant 0 : i32
      %sign3A_352 = arith.cmpi sgt, %jit3A_342, %sign3A_351 : i32
      %sign3A_353 = arith.extui %sign3A_352 : i1 to i32
      %sign3A_354 = arith.constant 0 : i32
      %sign3A_355 = arith.cmpi slt, %jit3A_342, %sign3A_354 : i32
      %sign3A_356 = arith.extui %sign3A_355 : i1 to i32
      %sign3A_357 = arith.subi %sign3A_353, %sign3A_356 : i32
      %ne3A_358 = arith.cmpi ne, %sign3A_350, %sign3A_357 : i32
      %rem3A_359 = arith.remsi %add3A_341, %jit3A_342 : i32
      %ne3A_360 = arith.constant 0 : i32
      %ne3A_361 = arith.cmpi ne, %rem3A_359, %ne3A_360 : i32
      %and3A_362 = arith.andi %ne3A_358, %ne3A_361 : i1
      %sub3A_363 = arith.constant 1 : i32
      %sub3A_364 = arith.subi %div3A_343, %sub3A_363 : i32
      %select_n3A_365 = arith.select %and3A_362, %sub3A_364, %div3A_343 : i32
      %jit3A_366 = arith.constant 4 : i32
      %eq3A_367 = arith.constant 0 : i32
      %eq3A_368 = arith.cmpi eq, %jit3A_366, %eq3A_367 : i32
      %jit3A_369 = arith.constant 1 : i32
      %select_n3A_370 = arith.select %eq3A_368, %jit3A_369, %jit3A_366 : i32
      %rem3A_371 = arith.remsi %add3A_341, %select_n3A_370 : i32
      %ne3A_372 = arith.constant 0 : i32
      %ne3A_373 = arith.cmpi ne, %rem3A_371, %ne3A_372 : i32
      %lt3A_374 = arith.constant 0 : i32
      %lt3A_375 = arith.cmpi slt, %rem3A_371, %lt3A_374 : i32
      %lt3A_376 = arith.constant 0 : i32
      %lt3A_377 = arith.cmpi slt, %select_n3A_370, %lt3A_376 : i32
      %ne3A_378 = arith.xori %lt3A_375, %lt3A_377 : i1
      %and3A_379 = arith.andi %ne3A_378, %ne3A_373 : i1
      %add3A_380 = arith.addi %rem3A_371, %select_n3A_370 : i32
      %select_n3A_381 = arith.select %and3A_379, %add3A_380, %rem3A_371 : i32
      %jit3A_382 = arith.constant 128 : i32
      %div3A_383 = arith.divsi %mul3A_2, %jit3A_382 : i32
      %sign3A_384 = arith.constant 0 : i32
      %sign3A_385 = arith.cmpi sgt, %mul3A_2, %sign3A_384 : i32
      %sign3A_386 = arith.extui %sign3A_385 : i1 to i32
      %sign3A_387 = arith.constant 0 : i32
      %sign3A_388 = arith.cmpi slt, %mul3A_2, %sign3A_387 : i32
      %sign3A_389 = arith.extui %sign3A_388 : i1 to i32
      %sign3A_390 = arith.subi %sign3A_386, %sign3A_389 : i32
      %sign3A_391 = arith.constant 0 : i32
      %sign3A_392 = arith.cmpi sgt, %jit3A_382, %sign3A_391 : i32
      %sign3A_393 = arith.extui %sign3A_392 : i1 to i32
      %sign3A_394 = arith.constant 0 : i32
      %sign3A_395 = arith.cmpi slt, %jit3A_382, %sign3A_394 : i32
      %sign3A_396 = arith.extui %sign3A_395 : i1 to i32
      %sign3A_397 = arith.subi %sign3A_393, %sign3A_396 : i32
      %ne3A_398 = arith.cmpi ne, %sign3A_390, %sign3A_397 : i32
      %rem3A_399 = arith.remsi %mul3A_2, %jit3A_382 : i32
      %ne3A_400 = arith.constant 0 : i32
      %ne3A_401 = arith.cmpi ne, %rem3A_399, %ne3A_400 : i32
      %and3A_402 = arith.andi %ne3A_398, %ne3A_401 : i1
      %sub3A_403 = arith.constant 1 : i32
      %sub3A_404 = arith.subi %div3A_383, %sub3A_403 : i32
      %select_n3A_405 = arith.select %and3A_402, %sub3A_404, %div3A_383 : i32
      %add3A_406 = arith.addi %select_n3A_405, %select_n3A_381 : i32
      %dma_start3A_407 = arith.constant 0 : i32
      %dma_start3A_408 = arith.constant 0 : i32
      %dma_start3A_409 = arith.constant 0 : i32
      %dma_start3A_410 = tpu.memref_slice %arg15[%dma_start3A_407, %dma_start3A_408, %dma_start3A_409] : memref<4x8x129xf32, #tpu.memory_space<vmem>> -> memref<4x8x128xf32, #tpu.memory_space<vmem>>
      %dma_start3A_411 = arith.constant 0 : i32
      %dma_start3A_412 = arith.constant 0 : i32
      %dma_start3A_413 = arith.constant 0 : i32
      %dma_start3A_414 = tpu.memref_slice %arg4[%select_n3A_365, %dma_start3A_411, %add3A_406, %dma_start3A_412, %dma_start3A_413] : memref<50x4x128x8x128xf32, #tpu.memory_space<hbm>> -> memref<1x4x1x8x128xf32, #tpu.memory_space<hbm>>
      %dma_start3A_415 = tpu.memref_squeeze %dma_start3A_414 : memref<1x4x1x8x128xf32, #tpu.memory_space<hbm>> -> memref<4x8x128xf32, #tpu.memory_space<hbm>>
      %dma_start3A_416 = arith.constant 0 : i32
      %dma_start3A_417 = arith.constant 0 : i32
      %dma_start3A_418 = arith.constant 0 : i32
      %dma_start3A_419 = tpu.memref_slice %arg4[%select_n3A_365, %dma_start3A_416, %add3A_406, %dma_start3A_417, %dma_start3A_418] : memref<50x4x128x8x128xf32, #tpu.memory_space<hbm>> -> memref<1x4x1x8x128xf32, #tpu.memory_space<hbm>>
      %dma_start3A_420 = tpu.memref_squeeze %dma_start3A_419 : memref<1x4x1x8x128xf32, #tpu.memory_space<hbm>> -> memref<4x8x128xf32, #tpu.memory_space<hbm>>
      %dma_start3A_421 = arith.constant 0 : i32
      %dma_start3A_422 = arith.constant 0 : i32
      %dma_start3A_423 = arith.constant 0 : i32
      %dma_start3A_424 = tpu.memref_slice %arg15[%dma_start3A_421, %dma_start3A_422, %dma_start3A_423] : memref<4x8x129xf32, #tpu.memory_space<vmem>> -> memref<4x8x128xf32, #tpu.memory_space<vmem>>
      tpu.enqueue_dma source(%dma_start3A_424 : memref<4x8x128xf32, #tpu.memory_space<vmem>>) target(%dma_start3A_420 : memref<4x8x128xf32, #tpu.memory_space<hbm>>) target_semaphore(%arg31 : memref<!tpu.dma_semaphore, #tpu.memory_space<semaphore_mem>>)
      %dma_wait3A_425 = arith.constant 0 : i32
      %dma_wait3A_426 = arith.constant 0 : i32
      %dma_wait3A_427 = tpu.memref_slice %arg5[%dma_wait3A_425, %dma_wait3A_426] : memref<50x512xi32, #tpu.memory_space<vmem>> -> memref<1x128xi32, #tpu.memory_space<vmem>>
      %dma_wait3A_428 = tpu.memref_squeeze %dma_wait3A_427 : memref<1x128xi32, #tpu.memory_space<vmem>> -> memref<128xi32, #tpu.memory_space<vmem>>
      %dma_wait3A_429 = arith.constant 0 : i32
      %dma_wait3A_430 = arith.constant 0 : i32
      %dma_wait3A_431 = tpu.memref_slice %arg3[%dma_wait3A_429, %dma_wait3A_430] : memref<1000000x32xf32, #tpu.memory_space<hbm>> -> memref<1000000x32xf32, #tpu.memory_space<hbm>>
      tpu.wait_indirect_dma semaphore(%arg24 : memref<!tpu.dma_semaphore, #tpu.memory_space<semaphore_mem>>) src(%dma_wait3A_431 : memref<1000000x32xf32, #tpu.memory_space<hbm>>) dst(%arg8 : memref<128x32xf32, #tpu.memory_space<vmem>>)
      %scan3A_432 = arith.constant 0 : i32
      %scan3A_433 = arith.constant 0 : i32
      %scan3A_434 = arith.constant 32 : i32
      %scan3A_435 = arith.addi %scan3A_433, %scan3A_434 : i32
      %scan3A_436 = arith.constant 1 : i32
      scf.for %scan3A_1597 = %scan3A_433 to %scan3A_435 step %scan3A_436  : i32 {
        %mul3A_1598 = arith.constant 4 : i32
        %mul3A_1599 = arith.muli %scan3A_1597, %mul3A_1598 : i32
        %broadcast_in_dim3A = arith.constant 0 : i32
        %broadcast_in_dim3A_1600 = vector.broadcast %broadcast_in_dim3A : i32 to vector<16xi32>
        %add3A_1601 = arith.constant 0 : i32
        %add3A_1602 = arith.addi %mul3A_1599, %add3A_1601 : i32
        %add3A_1603 = vector.broadcast %add3A_1602 : i32 to vector<16xi32>
        %add3A_1604 = arith.addi %broadcast_in_dim3A_1600, %add3A_1603 : vector<16xi32>
        %add3A_1605 = arith.constant 0 : i32
        %add3A_1606 = arith.addi %mul3A_1599, %add3A_1605 : i32
        %get3A = arith.index_cast %add3A_1606 : i32 to index
        %get3A_1607 = arith.constant 0 : index
        %get3A_1608 = tpu.vector_load %arg8[%get3A, %get3A_1607] {strides = array<i32>} : memref<128x32xf32, #tpu.memory_space<vmem>>, vector<16xf32>,
        tpu.vector_store_idx %arg16[%select_n3A, %select_n3A_85, %add3A_1604], %get3A_1608 : memref<4x8x129xf32, #tpu.memory_space<vmem>>[vector<16xi32>, vector<16xi32>, vector<16xi32>], vector<16xf32>,
        %add3A_1609 = arith.constant 0 : i32
        %add3A_1610 = arith.addi %mul3A_1599, %add3A_1609 : i32
        %get3A_1611 = arith.index_cast %add3A_1610 : i32 to index
        %get3A_1612 = arith.constant 16 : index
        %get3A_1613 = tpu.vector_load %arg8[%get3A_1611, %get3A_1612] {strides = array<i32>} : memref<128x32xf32, #tpu.memory_space<vmem>>, vector<16xf32>,
        tpu.vector_store_idx %arg16[%select_n3A_62, %select_n3A_110, %add3A_1604], %get3A_1613 : memref<4x8x129xf32, #tpu.memory_space<vmem>>[vector<16xi32>, vector<16xi32>, vector<16xi32>], vector<16xf32>,
        %broadcast_in_dim3A_1614 = arith.constant 0 : i32
        %broadcast_in_dim3A_1615 = vector.broadcast %broadcast_in_dim3A_1614 : i32 to vector<16xi32>
        %add3A_1616 = arith.constant 1 : i32
        %add3A_1617 = arith.addi %mul3A_1599, %add3A_1616 : i32
        %add3A_1618 = vector.broadcast %add3A_1617 : i32 to vector<16xi32>
        %add3A_1619 = arith.addi %broadcast_in_dim3A_1615, %add3A_1618 : vector<16xi32>
        %add3A_1620 = arith.constant 1 : i32
        %add3A_1621 = arith.addi %mul3A_1599, %add3A_1620 : i32
        %get3A_1622 = arith.index_cast %add3A_1621 : i32 to index
        %get3A_1623 = arith.constant 0 : index
        %get3A_1624 = tpu.vector_load %arg8[%get3A_1622, %get3A_1623] {strides = array<i32>} : memref<128x32xf32, #tpu.memory_space<vmem>>, vector<16xf32>,
        tpu.vector_store_idx %arg16[%select_n3A, %select_n3A_85, %add3A_1619], %get3A_1624 : memref<4x8x129xf32, #tpu.memory_space<vmem>>[vector<16xi32>, vector<16xi32>, vector<16xi32>], vector<16xf32>,
        %add3A_1625 = arith.constant 1 : i32
        %add3A_1626 = arith.addi %mul3A_1599, %add3A_1625 : i32
        %get3A_1627 = arith.index_cast %add3A_1626 : i32 to index
        %get3A_1628 = arith.constant 16 : index
        %get3A_1629 = tpu.vector_load %arg8[%get3A_1627, %get3A_1628] {strides = array<i32>} : memref<128x32xf32, #tpu.memory_space<vmem>>, vector<16xf32>,
        tpu.vector_store_idx %arg16[%select_n3A_62, %select_n3A_110, %add3A_1619], %get3A_1629 : memref<4x8x129xf32, #tpu.memory_space<vmem>>[vector<16xi32>, vector<16xi32>, vector<16xi32>], vector<16xf32>,
        %broadcast_in_dim3A_1630 = arith.constant 0 : i32
        %broadcast_in_dim3A_1631 = vector.broadcast %broadcast_in_dim3A_1630 : i32 to vector<16xi32>
        %add3A_1632 = arith.constant 2 : i32
        %add3A_1633 = arith.addi %mul3A_1599, %add3A_1632 : i32
        %add3A_1634 = vector.broadcast %add3A_1633 : i32 to vector<16xi32>
        %add3A_1635 = arith.addi %broadcast_in_dim3A_1631, %add3A_1634 : vector<16xi32>
        %add3A_1636 = arith.constant 2 : i32
        %add3A_1637 = arith.addi %mul3A_1599, %add3A_1636 : i32
        %get3A_1638 = arith.index_cast %add3A_1637 : i32 to index
        %get3A_1639 = arith.constant 0 : index
        %get3A_1640 = tpu.vector_load %arg8[%get3A_1638, %get3A_1639] {strides = array<i32>} : memref<128x32xf32, #tpu.memory_space<vmem>>, vector<16xf32>,
        tpu.vector_store_idx %arg16[%select_n3A, %select_n3A_85, %add3A_1635], %get3A_1640 : memref<4x8x129xf32, #tpu.memory_space<vmem>>[vector<16xi32>, vector<16xi32>, vector<16xi32>], vector<16xf32>,
        %add3A_1641 = arith.constant 2 : i32
        %add3A_1642 = arith.addi %mul3A_1599, %add3A_1641 : i32
        %get3A_1643 = arith.index_cast %add3A_1642 : i32 to index
        %get3A_1644 = arith.constant 16 : index
        %get3A_1645 = tpu.vector_load %arg8[%get3A_1643, %get3A_1644] {strides = array<i32>} : memref<128x32xf32, #tpu.memory_space<vmem>>, vector<16xf32>,
        tpu.vector_store_idx %arg16[%select_n3A_62, %select_n3A_110, %add3A_1635], %get3A_1645 : memref<4x8x129xf32, #tpu.memory_space<vmem>>[vector<16xi32>, vector<16xi32>, vector<16xi32>], vector<16xf32>,
        %broadcast_in_dim3A_1646 = arith.constant 0 : i32
        %broadcast_in_dim3A_1647 = vector.broadcast %broadcast_in_dim3A_1646 : i32 to vector<16xi32>
        %add3A_1648 = arith.constant 3 : i32
        %add3A_1649 = arith.addi %mul3A_1599, %add3A_1648 : i32
        %add3A_1650 = vector.broadcast %add3A_1649 : i32 to vector<16xi32>
        %add3A_1651 = arith.addi %broadcast_in_dim3A_1647, %add3A_1650 : vector<16xi32>
        %add3A_1652 = arith.constant 3 : i32
        %add3A_1653 = arith.addi %mul3A_1599, %add3A_1652 : i32
        %get3A_1654 = arith.index_cast %add3A_1653 : i32 to index
        %get3A_1655 = arith.constant 0 : index
        %get3A_1656 = tpu.vector_load %arg8[%get3A_1654, %get3A_1655] {strides = array<i32>} : memref<128x32xf32, #tpu.memory_space<vmem>>, vector<16xf32>,
        tpu.vector_store_idx %arg16[%select_n3A, %select_n3A_85, %add3A_1651], %get3A_1656 : memref<4x8x129xf32, #tpu.memory_space<vmem>>[vector<16xi32>, vector<16xi32>, vector<16xi32>], vector<16xf32>,
        %add3A_1657 = arith.constant 3 : i32
        %add3A_1658 = arith.addi %mul3A_1599, %add3A_1657 : i32
        %get3A_1659 = arith.index_cast %add3A_1658 : i32 to index
        %get3A_1660 = arith.constant 16 : index
        %get3A_1661 = tpu.vector_load %arg8[%get3A_1659, %get3A_1660] {strides = array<i32>} : memref<128x32xf32, #tpu.memory_space<vmem>>, vector<16xf32>,
        tpu.vector_store_idx %arg16[%select_n3A_62, %select_n3A_110, %add3A_1651], %get3A_1661 : memref<4x8x129xf32, #tpu.memory_space<vmem>>[vector<16xi32>, vector<16xi32>, vector<16xi32>], vector<16xf32>,
      }
      %scan3A_437 = arith.constant 32 : i32
      %add3A_438 = arith.constant 2 : i32
      %add3A_439 = arith.addi %mul3A_228, %add3A_438 : i32
      %jit3A_440 = arith.constant 4 : i32
      %div3A_441 = arith.divsi %add3A_439, %jit3A_440 : i32
      %sign3A_442 = arith.constant 0 : i32
      %sign3A_443 = arith.cmpi sgt, %add3A_439, %sign3A_442 : i32
      %sign3A_444 = arith.extui %sign3A_443 : i1 to i32
      %sign3A_445 = arith.constant 0 : i32
      %sign3A_446 = arith.cmpi slt, %add3A_439, %sign3A_445 : i32
      %sign3A_447 = arith.extui %sign3A_446 : i1 to i32
      %sign3A_448 = arith.subi %sign3A_444, %sign3A_447 : i32
      %sign3A_449 = arith.constant 0 : i32
      %sign3A_450 = arith.cmpi sgt, %jit3A_440, %sign3A_449 : i32
      %sign3A_451 = arith.extui %sign3A_450 : i1 to i32
      %sign3A_452 = arith.constant 0 : i32
      %sign3A_453 = arith.cmpi slt, %jit3A_440, %sign3A_452 : i32
      %sign3A_454 = arith.extui %sign3A_453 : i1 to i32
      %sign3A_455 = arith.subi %sign3A_451, %sign3A_454 : i32
      %ne3A_456 = arith.cmpi ne, %sign3A_448, %sign3A_455 : i32
      %rem3A_457 = arith.remsi %add3A_439, %jit3A_440 : i32
      %ne3A_458 = arith.constant 0 : i32
      %ne3A_459 = arith.cmpi ne, %rem3A_457, %ne3A_458 : i32
      %and3A_460 = arith.andi %ne3A_456, %ne3A_459 : i1
      %sub3A_461 = arith.constant 1 : i32
      %sub3A_462 = arith.subi %div3A_441, %sub3A_461 : i32
      %select_n3A_463 = arith.select %and3A_460, %sub3A_462, %div3A_441 : i32
      %jit3A_464 = arith.constant 4 : i32
      %eq3A_465 = arith.constant 0 : i32
      %eq3A_466 = arith.cmpi eq, %jit3A_464, %eq3A_465 : i32
      %jit3A_467 = arith.constant 1 : i32
      %select_n3A_468 = arith.select %eq3A_466, %jit3A_467, %jit3A_464 : i32
      %rem3A_469 = arith.remsi %add3A_439, %select_n3A_468 : i32
      %ne3A_470 = arith.constant 0 : i32
      %ne3A_471 = arith.cmpi ne, %rem3A_469, %ne3A_470 : i32
      %lt3A_472 = arith.constant 0 : i32
      %lt3A_473 = arith.cmpi slt, %rem3A_469, %lt3A_472 : i32
      %lt3A_474 = arith.constant 0 : i32
      %lt3A_475 = arith.cmpi slt, %select_n3A_468, %lt3A_474 : i32
      %ne3A_476 = arith.xori %lt3A_473, %lt3A_475 : i1
      %and3A_477 = arith.andi %ne3A_476, %ne3A_471 : i1
      %add3A_478 = arith.addi %rem3A_469, %select_n3A_468 : i32
      %select_n3A_479 = arith.select %and3A_477, %add3A_478, %rem3A_469 : i32
      %jit3A_480 = arith.constant 128 : i32
      %div3A_481 = arith.divsi %mul3A_2, %jit3A_480 : i32
      %sign3A_482 = arith.constant 0 : i32
      %sign3A_483 = arith.cmpi sgt, %mul3A_2, %sign3A_482 : i32
      %sign3A_484 = arith.extui %sign3A_483 : i1 to i32
      %sign3A_485 = arith.constant 0 : i32
      %sign3A_486 = arith.cmpi slt, %mul3A_2, %sign3A_485 : i32
      %sign3A_487 = arith.extui %sign3A_486 : i1 to i32
      %sign3A_488 = arith.subi %sign3A_484, %sign3A_487 : i32
      %sign3A_489 = arith.constant 0 : i32
      %sign3A_490 = arith.cmpi sgt, %jit3A_480, %sign3A_489 : i32
      %sign3A_491 = arith.extui %sign3A_490 : i1 to i32
      %sign3A_492 = arith.constant 0 : i32
      %sign3A_493 = arith.cmpi slt, %jit3A_480, %sign3A_492 : i32
      %sign3A_494 = arith.extui %sign3A_493 : i1 to i32
      %sign3A_495 = arith.subi %sign3A_491, %sign3A_494 : i32
      %ne3A_496 = arith.cmpi ne, %sign3A_488, %sign3A_495 : i32
      %rem3A_497 = arith.remsi %mul3A_2, %jit3A_480 : i32
      %ne3A_498 = arith.constant 0 : i32
      %ne3A_499 = arith.cmpi ne, %rem3A_497, %ne3A_498 : i32
      %and3A_500 = arith.andi %ne3A_496, %ne3A_499 : i1
      %sub3A_501 = arith.constant 1 : i32
      %sub3A_502 = arith.subi %div3A_481, %sub3A_501 : i32
      %select_n3A_503 = arith.select %and3A_500, %sub3A_502, %div3A_481 : i32
      %add3A_504 = arith.addi %select_n3A_503, %select_n3A_479 : i32
      %dma_start3A_505 = arith.constant 0 : i32
      %dma_start3A_506 = arith.constant 0 : i32
      %dma_start3A_507 = arith.constant 0 : i32
      %dma_start3A_508 = tpu.memref_slice %arg16[%dma_start3A_505, %dma_start3A_506, %dma_start3A_507] : memref<4x8x129xf32, #tpu.memory_space<vmem>> -> memref<4x8x128xf32, #tpu.memory_space<vmem>>
      %dma_start3A_509 = arith.constant 0 : i32
      %dma_start3A_510 = arith.constant 0 : i32
      %dma_start3A_511 = arith.constant 0 : i32
      %dma_start3A_512 = tpu.memref_slice %arg4[%select_n3A_463, %dma_start3A_509, %add3A_504, %dma_start3A_510, %dma_start3A_511] : memref<50x4x128x8x128xf32, #tpu.memory_space<hbm>> -> memref<1x4x1x8x128xf32, #tpu.memory_space<hbm>>
      %dma_start3A_513 = tpu.memref_squeeze %dma_start3A_512 : memref<1x4x1x8x128xf32, #tpu.memory_space<hbm>> -> memref<4x8x128xf32, #tpu.memory_space<hbm>>
      %dma_start3A_514 = arith.constant 0 : i32
      %dma_start3A_515 = arith.constant 0 : i32
      %dma_start3A_516 = arith.constant 0 : i32
      %dma_start3A_517 = tpu.memref_slice %arg4[%select_n3A_463, %dma_start3A_514, %add3A_504, %dma_start3A_515, %dma_start3A_516] : memref<50x4x128x8x128xf32, #tpu.memory_space<hbm>> -> memref<1x4x1x8x128xf32, #tpu.memory_space<hbm>>
      %dma_start3A_518 = tpu.memref_squeeze %dma_start3A_517 : memref<1x4x1x8x128xf32, #tpu.memory_space<hbm>> -> memref<4x8x128xf32, #tpu.memory_space<hbm>>
      %dma_start3A_519 = arith.constant 0 : i32
      %dma_start3A_520 = arith.constant 0 : i32
      %dma_start3A_521 = arith.constant 0 : i32
      %dma_start3A_522 = tpu.memref_slice %arg16[%dma_start3A_519, %dma_start3A_520, %dma_start3A_521] : memref<4x8x129xf32, #tpu.memory_space<vmem>> -> memref<4x8x128xf32, #tpu.memory_space<vmem>>
      tpu.enqueue_dma source(%dma_start3A_522 : memref<4x8x128xf32, #tpu.memory_space<vmem>>) target(%dma_start3A_518 : memref<4x8x128xf32, #tpu.memory_space<hbm>>) target_semaphore(%arg32 : memref<!tpu.dma_semaphore, #tpu.memory_space<semaphore_mem>>)
      %dma_wait3A_523 = arith.constant 0 : i32
      %dma_wait3A_524 = arith.constant 0 : i32
      %dma_wait3A_525 = tpu.memref_slice %arg5[%dma_wait3A_523, %dma_wait3A_524] : memref<50x512xi32, #tpu.memory_space<vmem>> -> memref<1x128xi32, #tpu.memory_space<vmem>>
      %dma_wait3A_526 = tpu.memref_squeeze %dma_wait3A_525 : memref<1x128xi32, #tpu.memory_space<vmem>> -> memref<128xi32, #tpu.memory_space<vmem>>
      %dma_wait3A_527 = arith.constant 0 : i32
      %dma_wait3A_528 = arith.constant 0 : i32
      %dma_wait3A_529 = tpu.memref_slice %arg3[%dma_wait3A_527, %dma_wait3A_528] : memref<1000000x32xf32, #tpu.memory_space<hbm>> -> memref<1000000x32xf32, #tpu.memory_space<hbm>>
      tpu.wait_indirect_dma semaphore(%arg25 : memref<!tpu.dma_semaphore, #tpu.memory_space<semaphore_mem>>) src(%dma_wait3A_529 : memref<1000000x32xf32, #tpu.memory_space<hbm>>) dst(%arg9 : memref<128x32xf32, #tpu.memory_space<vmem>>)
      %scan3A_530 = arith.constant 0 : i32
      %scan3A_531 = arith.constant 0 : i32
      %scan3A_532 = arith.constant 32 : i32
      %scan3A_533 = arith.addi %scan3A_531, %scan3A_532 : i32
      %scan3A_534 = arith.constant 1 : i32
      scf.for %scan3A_1597 = %scan3A_531 to %scan3A_533 step %scan3A_534  : i32 {
        %mul3A_1598 = arith.constant 4 : i32
        %mul3A_1599 = arith.muli %scan3A_1597, %mul3A_1598 : i32
        %broadcast_in_dim3A = arith.constant 0 : i32
        %broadcast_in_dim3A_1600 = vector.broadcast %broadcast_in_dim3A : i32 to vector<16xi32>
        %add3A_1601 = arith.constant 0 : i32
        %add3A_1602 = arith.addi %mul3A_1599, %add3A_1601 : i32
        %add3A_1603 = vector.broadcast %add3A_1602 : i32 to vector<16xi32>
        %add3A_1604 = arith.addi %broadcast_in_dim3A_1600, %add3A_1603 : vector<16xi32>
        %add3A_1605 = arith.constant 0 : i32
        %add3A_1606 = arith.addi %mul3A_1599, %add3A_1605 : i32
        %get3A = arith.index_cast %add3A_1606 : i32 to index
        %get3A_1607 = arith.constant 0 : index
        %get3A_1608 = tpu.vector_load %arg9[%get3A, %get3A_1607] {strides = array<i32>} : memref<128x32xf32, #tpu.memory_space<vmem>>, vector<16xf32>,
        tpu.vector_store_idx %arg17[%select_n3A, %select_n3A_85, %add3A_1604], %get3A_1608 : memref<4x8x129xf32, #tpu.memory_space<vmem>>[vector<16xi32>, vector<16xi32>, vector<16xi32>], vector<16xf32>,
        %add3A_1609 = arith.constant 0 : i32
        %add3A_1610 = arith.addi %mul3A_1599, %add3A_1609 : i32
        %get3A_1611 = arith.index_cast %add3A_1610 : i32 to index
        %get3A_1612 = arith.constant 16 : index
        %get3A_1613 = tpu.vector_load %arg9[%get3A_1611, %get3A_1612] {strides = array<i32>} : memref<128x32xf32, #tpu.memory_space<vmem>>, vector<16xf32>,
        tpu.vector_store_idx %arg17[%select_n3A_62, %select_n3A_110, %add3A_1604], %get3A_1613 : memref<4x8x129xf32, #tpu.memory_space<vmem>>[vector<16xi32>, vector<16xi32>, vector<16xi32>], vector<16xf32>,
        %broadcast_in_dim3A_1614 = arith.constant 0 : i32
        %broadcast_in_dim3A_1615 = vector.broadcast %broadcast_in_dim3A_1614 : i32 to vector<16xi32>
        %add3A_1616 = arith.constant 1 : i32
        %add3A_1617 = arith.addi %mul3A_1599, %add3A_1616 : i32
        %add3A_1618 = vector.broadcast %add3A_1617 : i32 to vector<16xi32>
        %add3A_1619 = arith.addi %broadcast_in_dim3A_1615, %add3A_1618 : vector<16xi32>
        %add3A_1620 = arith.constant 1 : i32
        %add3A_1621 = arith.addi %mul3A_1599, %add3A_1620 : i32
        %get3A_1622 = arith.index_cast %add3A_1621 : i32 to index
        %get3A_1623 = arith.constant 0 : index
        %get3A_1624 = tpu.vector_load %arg9[%get3A_1622, %get3A_1623] {strides = array<i32>} : memref<128x32xf32, #tpu.memory_space<vmem>>, vector<16xf32>,
        tpu.vector_store_idx %arg17[%select_n3A, %select_n3A_85, %add3A_1619], %get3A_1624 : memref<4x8x129xf32, #tpu.memory_space<vmem>>[vector<16xi32>, vector<16xi32>, vector<16xi32>], vector<16xf32>,
        %add3A_1625 = arith.constant 1 : i32
        %add3A_1626 = arith.addi %mul3A_1599, %add3A_1625 : i32
        %get3A_1627 = arith.index_cast %add3A_1626 : i32 to index
        %get3A_1628 = arith.constant 16 : index
        %get3A_1629 = tpu.vector_load %arg9[%get3A_1627, %get3A_1628] {strides = array<i32>} : memref<128x32xf32, #tpu.memory_space<vmem>>, vector<16xf32>,
        tpu.vector_store_idx %arg17[%select_n3A_62, %select_n3A_110, %add3A_1619], %get3A_1629 : memref<4x8x129xf32, #tpu.memory_space<vmem>>[vector<16xi32>, vector<16xi32>, vector<16xi32>], vector<16xf32>,
        %broadcast_in_dim3A_1630 = arith.constant 0 : i32
        %broadcast_in_dim3A_1631 = vector.broadcast %broadcast_in_dim3A_1630 : i32 to vector<16xi32>
        %add3A_1632 = arith.constant 2 : i32
        %add3A_1633 = arith.addi %mul3A_1599, %add3A_1632 : i32
        %add3A_1634 = vector.broadcast %add3A_1633 : i32 to vector<16xi32>
        %add3A_1635 = arith.addi %broadcast_in_dim3A_1631, %add3A_1634 : vector<16xi32>
        %add3A_1636 = arith.constant 2 : i32
        %add3A_1637 = arith.addi %mul3A_1599, %add3A_1636 : i32
        %get3A_1638 = arith.index_cast %add3A_1637 : i32 to index
        %get3A_1639 = arith.constant 0 : index
        %get3A_1640 = tpu.vector_load %arg9[%get3A_1638, %get3A_1639] {strides = array<i32>} : memref<128x32xf32, #tpu.memory_space<vmem>>, vector<16xf32>,
        tpu.vector_store_idx %arg17[%select_n3A, %select_n3A_85, %add3A_1635], %get3A_1640 : memref<4x8x129xf32, #tpu.memory_space<vmem>>[vector<16xi32>, vector<16xi32>, vector<16xi32>], vector<16xf32>,
        %add3A_1641 = arith.constant 2 : i32
        %add3A_1642 = arith.addi %mul3A_1599, %add3A_1641 : i32
        %get3A_1643 = arith.index_cast %add3A_1642 : i32 to index
        %get3A_1644 = arith.constant 16 : index
        %get3A_1645 = tpu.vector_load %arg9[%get3A_1643, %get3A_1644] {strides = array<i32>} : memref<128x32xf32, #tpu.memory_space<vmem>>, vector<16xf32>,
        tpu.vector_store_idx %arg17[%select_n3A_62, %select_n3A_110, %add3A_1635], %get3A_1645 : memref<4x8x129xf32, #tpu.memory_space<vmem>>[vector<16xi32>, vector<16xi32>, vector<16xi32>], vector<16xf32>,
        %broadcast_in_dim3A_1646 = arith.constant 0 : i32
        %broadcast_in_dim3A_1647 = vector.broadcast %broadcast_in_dim3A_1646 : i32 to vector<16xi32>
        %add3A_1648 = arith.constant 3 : i32
        %add3A_1649 = arith.addi %mul3A_1599, %add3A_1648 : i32
        %add3A_1650 = vector.broadcast %add3A_1649 : i32 to vector<16xi32>
        %add3A_1651 = arith.addi %broadcast_in_dim3A_1647, %add3A_1650 : vector<16xi32>
        %add3A_1652 = arith.constant 3 : i32
        %add3A_1653 = arith.addi %mul3A_1599, %add3A_1652 : i32
        %get3A_1654 = arith.index_cast %add3A_1653 : i32 to index
        %get3A_1655 = arith.constant 0 : index
        %get3A_1656 = tpu.vector_load %arg9[%get3A_1654, %get3A_1655] {strides = array<i32>} : memref<128x32xf32, #tpu.memory_space<vmem>>, vector<16xf32>,
        tpu.vector_store_idx %arg17[%select_n3A, %select_n3A_85, %add3A_1651], %get3A_1656 : memref<4x8x129xf32, #tpu.memory_space<vmem>>[vector<16xi32>, vector<16xi32>, vector<16xi32>], vector<16xf32>,
        %add3A_1657 = arith.constant 3 : i32
        %add3A_1658 = arith.addi %mul3A_1599, %add3A_1657 : i32
        %get3A_1659 = arith.index_cast %add3A_1658 : i32 to index
        %get3A_1660 = arith.constant 16 : index
        %get3A_1661 = tpu.vector_load %arg9[%get3A_1659, %get3A_1660] {strides = array<i32>} : memref<128x32xf32, #tpu.memory_space<vmem>>, vector<16xf32>,
        tpu.vector_store_idx %arg17[%select_n3A_62, %select_n3A_110, %add3A_1651], %get3A_1661 : memref<4x8x129xf32, #tpu.memory_space<vmem>>[vector<16xi32>, vector<16xi32>, vector<16xi32>], vector<16xf32>,
      }
      %scan3A_535 = arith.constant 32 : i32
      %add3A_536 = arith.constant 3 : i32
      %add3A_537 = arith.addi %mul3A_228, %add3A_536 : i32
      %jit3A_538 = arith.constant 4 : i32
      %div3A_539 = arith.divsi %add3A_537, %jit3A_538 : i32
      %sign3A_540 = arith.constant 0 : i32
      %sign3A_541 = arith.cmpi sgt, %add3A_537, %sign3A_540 : i32
      %sign3A_542 = arith.extui %sign3A_541 : i1 to i32
      %sign3A_543 = arith.constant 0 : i32
      %sign3A_544 = arith.cmpi slt, %add3A_537, %sign3A_543 : i32
      %sign3A_545 = arith.extui %sign3A_544 : i1 to i32
      %sign3A_546 = arith.subi %sign3A_542, %sign3A_545 : i32
      %sign3A_547 = arith.constant 0 : i32
      %sign3A_548 = arith.cmpi sgt, %jit3A_538, %sign3A_547 : i32
      %sign3A_549 = arith.extui %sign3A_548 : i1 to i32
      %sign3A_550 = arith.constant 0 : i32
      %sign3A_551 = arith.cmpi slt, %jit3A_538, %sign3A_550 : i32
      %sign3A_552 = arith.extui %sign3A_551 : i1 to i32
      %sign3A_553 = arith.subi %sign3A_549, %sign3A_552 : i32
      %ne3A_554 = arith.cmpi ne, %sign3A_546, %sign3A_553 : i32
      %rem3A_555 = arith.remsi %add3A_537, %jit3A_538 : i32
      %ne3A_556 = arith.constant 0 : i32
      %ne3A_557 = arith.cmpi ne, %rem3A_555, %ne3A_556 : i32
      %and3A_558 = arith.andi %ne3A_554, %ne3A_557 : i1
      %sub3A_559 = arith.constant 1 : i32
      %sub3A_560 = arith.subi %div3A_539, %sub3A_559 : i32
      %select_n3A_561 = arith.select %and3A_558, %sub3A_560, %div3A_539 : i32
      %jit3A_562 = arith.constant 4 : i32
      %eq3A_563 = arith.constant 0 : i32
      %eq3A_564 = arith.cmpi eq, %jit3A_562, %eq3A_563 : i32
      %jit3A_565 = arith.constant 1 : i32
      %select_n3A_566 = arith.select %eq3A_564, %jit3A_565, %jit3A_562 : i32
      %rem3A_567 = arith.remsi %add3A_537, %select_n3A_566 : i32
      %ne3A_568 = arith.constant 0 : i32
      %ne3A_569 = arith.cmpi ne, %rem3A_567, %ne3A_568 : i32
      %lt3A_570 = arith.constant 0 : i32
      %lt3A_571 = arith.cmpi slt, %rem3A_567, %lt3A_570 : i32
      %lt3A_572 = arith.constant 0 : i32
      %lt3A_573 = arith.cmpi slt, %select_n3A_566, %lt3A_572 : i32
      %ne3A_574 = arith.xori %lt3A_571, %lt3A_573 : i1
      %and3A_575 = arith.andi %ne3A_574, %ne3A_569 : i1
      %add3A_576 = arith.addi %rem3A_567, %select_n3A_566 : i32
      %select_n3A_577 = arith.select %and3A_575, %add3A_576, %rem3A_567 : i32
      %jit3A_578 = arith.constant 128 : i32
      %div3A_579 = arith.divsi %mul3A_2, %jit3A_578 : i32
      %sign3A_580 = arith.constant 0 : i32
      %sign3A_581 = arith.cmpi sgt, %mul3A_2, %sign3A_580 : i32
      %sign3A_582 = arith.extui %sign3A_581 : i1 to i32
      %sign3A_583 = arith.constant 0 : i32
      %sign3A_584 = arith.cmpi slt, %mul3A_2, %sign3A_583 : i32
      %sign3A_585 = arith.extui %sign3A_584 : i1 to i32
      %sign3A_586 = arith.subi %sign3A_582, %sign3A_585 : i32
      %sign3A_587 = arith.constant 0 : i32
      %sign3A_588 = arith.cmpi sgt, %jit3A_578, %sign3A_587 : i32
      %sign3A_589 = arith.extui %sign3A_588 : i1 to i32
      %sign3A_590 = arith.constant 0 : i32
      %sign3A_591 = arith.cmpi slt, %jit3A_578, %sign3A_590 : i32
      %sign3A_592 = arith.extui %sign3A_591 : i1 to i32
      %sign3A_593 = arith.subi %sign3A_589, %sign3A_592 : i32
      %ne3A_594 = arith.cmpi ne, %sign3A_586, %sign3A_593 : i32
      %rem3A_595 = arith.remsi %mul3A_2, %jit3A_578 : i32
      %ne3A_596 = arith.constant 0 : i32
      %ne3A_597 = arith.cmpi ne, %rem3A_595, %ne3A_596 : i32
      %and3A_598 = arith.andi %ne3A_594, %ne3A_597 : i1
      %sub3A_599 = arith.constant 1 : i32
      %sub3A_600 = arith.subi %div3A_579, %sub3A_599 : i32
      %select_n3A_601 = arith.select %and3A_598, %sub3A_600, %div3A_579 : i32
      %add3A_602 = arith.addi %select_n3A_601, %select_n3A_577 : i32
      %dma_start3A_603 = arith.constant 0 : i32
      %dma_start3A_604 = arith.constant 0 : i32
      %dma_start3A_605 = arith.constant 0 : i32
      %dma_start3A_606 = tpu.memref_slice %arg17[%dma_start3A_603, %dma_start3A_604, %dma_start3A_605] : memref<4x8x129xf32, #tpu.memory_space<vmem>> -> memref<4x8x128xf32, #tpu.memory_space<vmem>>
      %dma_start3A_607 = arith.constant 0 : i32
      %dma_start3A_608 = arith.constant 0 : i32
      %dma_start3A_609 = arith.constant 0 : i32
      %dma_start3A_610 = tpu.memref_slice %arg4[%select_n3A_561, %dma_start3A_607, %add3A_602, %dma_start3A_608, %dma_start3A_609] : memref<50x4x128x8x128xf32, #tpu.memory_space<hbm>> -> memref<1x4x1x8x128xf32, #tpu.memory_space<hbm>>
      %dma_start3A_611 = tpu.memref_squeeze %dma_start3A_610 : memref<1x4x1x8x128xf32, #tpu.memory_space<hbm>> -> memref<4x8x128xf32, #tpu.memory_space<hbm>>
      %dma_start3A_612 = arith.constant 0 : i32
      %dma_start3A_613 = arith.constant 0 : i32
      %dma_start3A_614 = arith.constant 0 : i32
      %dma_start3A_615 = tpu.memref_slice %arg4[%select_n3A_561, %dma_start3A_612, %add3A_602, %dma_start3A_613, %dma_start3A_614] : memref<50x4x128x8x128xf32, #tpu.memory_space<hbm>> -> memref<1x4x1x8x128xf32, #tpu.memory_space<hbm>>
      %dma_start3A_616 = tpu.memref_squeeze %dma_start3A_615 : memref<1x4x1x8x128xf32, #tpu.memory_space<hbm>> -> memref<4x8x128xf32, #tpu.memory_space<hbm>>
      %dma_start3A_617 = arith.constant 0 : i32
      %dma_start3A_618 = arith.constant 0 : i32
      %dma_start3A_619 = arith.constant 0 : i32
      %dma_start3A_620 = tpu.memref_slice %arg17[%dma_start3A_617, %dma_start3A_618, %dma_start3A_619] : memref<4x8x129xf32, #tpu.memory_space<vmem>> -> memref<4x8x128xf32, #tpu.memory_space<vmem>>
      tpu.enqueue_dma source(%dma_start3A_620 : memref<4x8x128xf32, #tpu.memory_space<vmem>>) target(%dma_start3A_616 : memref<4x8x128xf32, #tpu.memory_space<hbm>>) target_semaphore(%arg33 : memref<!tpu.dma_semaphore, #tpu.memory_space<semaphore_mem>>)
      %dma_wait3A_621 = arith.constant 0 : i32
      %dma_wait3A_622 = arith.constant 0 : i32
      %dma_wait3A_623 = tpu.memref_slice %arg5[%dma_wait3A_621, %dma_wait3A_622] : memref<50x512xi32, #tpu.memory_space<vmem>> -> memref<1x128xi32, #tpu.memory_space<vmem>>
      %dma_wait3A_624 = tpu.memref_squeeze %dma_wait3A_623 : memref<1x128xi32, #tpu.memory_space<vmem>> -> memref<128xi32, #tpu.memory_space<vmem>>
      %dma_wait3A_625 = arith.constant 0 : i32
      %dma_wait3A_626 = arith.constant 0 : i32
      %dma_wait3A_627 = tpu.memref_slice %arg3[%dma_wait3A_625, %dma_wait3A_626] : memref<1000000x32xf32, #tpu.memory_space<hbm>> -> memref<1000000x32xf32, #tpu.memory_space<hbm>>
      tpu.wait_indirect_dma semaphore(%arg26 : memref<!tpu.dma_semaphore, #tpu.memory_space<semaphore_mem>>) src(%dma_wait3A_627 : memref<1000000x32xf32, #tpu.memory_space<hbm>>) dst(%arg10 : memref<128x32xf32, #tpu.memory_space<vmem>>)
      %scan3A_628 = arith.constant 0 : i32
      %scan3A_629 = arith.constant 0 : i32
      %scan3A_630 = arith.constant 32 : i32
      %scan3A_631 = arith.addi %scan3A_629, %scan3A_630 : i32
      %scan3A_632 = arith.constant 1 : i32
      scf.for %scan3A_1597 = %scan3A_629 to %scan3A_631 step %scan3A_632  : i32 {
        %mul3A_1598 = arith.constant 4 : i32
        %mul3A_1599 = arith.muli %scan3A_1597, %mul3A_1598 : i32
        %broadcast_in_dim3A = arith.constant 0 : i32
        %broadcast_in_dim3A_1600 = vector.broadcast %broadcast_in_dim3A : i32 to vector<16xi32>
        %add3A_1601 = arith.constant 0 : i32
        %add3A_1602 = arith.addi %mul3A_1599, %add3A_1601 : i32
        %add3A_1603 = vector.broadcast %add3A_1602 : i32 to vector<16xi32>
        %add3A_1604 = arith.addi %broadcast_in_dim3A_1600, %add3A_1603 : vector<16xi32>
        %add3A_1605 = arith.constant 0 : i32
        %add3A_1606 = arith.addi %mul3A_1599, %add3A_1605 : i32
        %get3A = arith.index_cast %add3A_1606 : i32 to index
        %get3A_1607 = arith.constant 0 : index
        %get3A_1608 = tpu.vector_load %arg10[%get3A, %get3A_1607] {strides = array<i32>} : memref<128x32xf32, #tpu.memory_space<vmem>>, vector<16xf32>,
        tpu.vector_store_idx %arg18[%select_n3A, %select_n3A_85, %add3A_1604], %get3A_1608 : memref<4x8x129xf32, #tpu.memory_space<vmem>>[vector<16xi32>, vector<16xi32>, vector<16xi32>], vector<16xf32>,
        %add3A_1609 = arith.constant 0 : i32
        %add3A_1610 = arith.addi %mul3A_1599, %add3A_1609 : i32
        %get3A_1611 = arith.index_cast %add3A_1610 : i32 to index
        %get3A_1612 = arith.constant 16 : index
        %get3A_1613 = tpu.vector_load %arg10[%get3A_1611, %get3A_1612] {strides = array<i32>} : memref<128x32xf32, #tpu.memory_space<vmem>>, vector<16xf32>,
        tpu.vector_store_idx %arg18[%select_n3A_62, %select_n3A_110, %add3A_1604], %get3A_1613 : memref<4x8x129xf32, #tpu.memory_space<vmem>>[vector<16xi32>, vector<16xi32>, vector<16xi32>], vector<16xf32>,
        %broadcast_in_dim3A_1614 = arith.constant 0 : i32
        %broadcast_in_dim3A_1615 = vector.broadcast %broadcast_in_dim3A_1614 : i32 to vector<16xi32>
        %add3A_1616 = arith.constant 1 : i32
        %add3A_1617 = arith.addi %mul3A_1599, %add3A_1616 : i32
        %add3A_1618 = vector.broadcast %add3A_1617 : i32 to vector<16xi32>
        %add3A_1619 = arith.addi %broadcast_in_dim3A_1615, %add3A_1618 : vector<16xi32>
        %add3A_1620 = arith.constant 1 : i32
        %add3A_1621 = arith.addi %mul3A_1599, %add3A_1620 : i32
        %get3A_1622 = arith.index_cast %add3A_1621 : i32 to index
        %get3A_1623 = arith.constant 0 : index
        %get3A_1624 = tpu.vector_load %arg10[%get3A_1622, %get3A_1623] {strides = array<i32>} : memref<128x32xf32, #tpu.memory_space<vmem>>, vector<16xf32>,
        tpu.vector_store_idx %arg18[%select_n3A, %select_n3A_85, %add3A_1619], %get3A_1624 : memref<4x8x129xf32, #tpu.memory_space<vmem>>[vector<16xi32>, vector<16xi32>, vector<16xi32>], vector<16xf32>,
        %add3A_1625 = arith.constant 1 : i32
        %add3A_1626 = arith.addi %mul3A_1599, %add3A_1625 : i32
        %get3A_1627 = arith.index_cast %add3A_1626 : i32 to index
        %get3A_1628 = arith.constant 16 : index
        %get3A_1629 = tpu.vector_load %arg10[%get3A_1627, %get3A_1628] {strides = array<i32>} : memref<128x32xf32, #tpu.memory_space<vmem>>, vector<16xf32>,
        tpu.vector_store_idx %arg18[%select_n3A_62, %select_n3A_110, %add3A_1619], %get3A_1629 : memref<4x8x129xf32, #tpu.memory_space<vmem>>[vector<16xi32>, vector<16xi32>, vector<16xi32>], vector<16xf32>,
        %broadcast_in_dim3A_1630 = arith.constant 0 : i32
        %broadcast_in_dim3A_1631 = vector.broadcast %broadcast_in_dim3A_1630 : i32 to vector<16xi32>
        %add3A_1632 = arith.constant 2 : i32
        %add3A_1633 = arith.addi %mul3A_1599, %add3A_1632 : i32
        %add3A_1634 = vector.broadcast %add3A_1633 : i32 to vector<16xi32>
        %add3A_1635 = arith.addi %broadcast_in_dim3A_1631, %add3A_1634 : vector<16xi32>
        %add3A_1636 = arith.constant 2 : i32
        %add3A_1637 = arith.addi %mul3A_1599, %add3A_1636 : i32
        %get3A_1638 = arith.index_cast %add3A_1637 : i32 to index
        %get3A_1639 = arith.constant 0 : index
        %get3A_1640 = tpu.vector_load %arg10[%get3A_1638, %get3A_1639] {strides = array<i32>} : memref<128x32xf32, #tpu.memory_space<vmem>>, vector<16xf32>,
        tpu.vector_store_idx %arg18[%select_n3A, %select_n3A_85, %add3A_1635], %get3A_1640 : memref<4x8x129xf32, #tpu.memory_space<vmem>>[vector<16xi32>, vector<16xi32>, vector<16xi32>], vector<16xf32>,
        %add3A_1641 = arith.constant 2 : i32
        %add3A_1642 = arith.addi %mul3A_1599, %add3A_1641 : i32
        %get3A_1643 = arith.index_cast %add3A_1642 : i32 to index
        %get3A_1644 = arith.constant 16 : index
        %get3A_1645 = tpu.vector_load %arg10[%get3A_1643, %get3A_1644] {strides = array<i32>} : memref<128x32xf32, #tpu.memory_space<vmem>>, vector<16xf32>,
        tpu.vector_store_idx %arg18[%select_n3A_62, %select_n3A_110, %add3A_1635], %get3A_1645 : memref<4x8x129xf32, #tpu.memory_space<vmem>>[vector<16xi32>, vector<16xi32>, vector<16xi32>], vector<16xf32>,
        %broadcast_in_dim3A_1646 = arith.constant 0 : i32
        %broadcast_in_dim3A_1647 = vector.broadcast %broadcast_in_dim3A_1646 : i32 to vector<16xi32>
        %add3A_1648 = arith.constant 3 : i32
        %add3A_1649 = arith.addi %mul3A_1599, %add3A_1648 : i32
        %add3A_1650 = vector.broadcast %add3A_1649 : i32 to vector<16xi32>
        %add3A_1651 = arith.addi %broadcast_in_dim3A_1647, %add3A_1650 : vector<16xi32>
        %add3A_1652 = arith.constant 3 : i32
        %add3A_1653 = arith.addi %mul3A_1599, %add3A_1652 : i32
        %get3A_1654 = arith.index_cast %add3A_1653 : i32 to index
        %get3A_1655 = arith.constant 0 : index
        %get3A_1656 = tpu.vector_load %arg10[%get3A_1654, %get3A_1655] {strides = array<i32>} : memref<128x32xf32, #tpu.memory_space<vmem>>, vector<16xf32>,
        tpu.vector_store_idx %arg18[%select_n3A, %select_n3A_85, %add3A_1651], %get3A_1656 : memref<4x8x129xf32, #tpu.memory_space<vmem>>[vector<16xi32>, vector<16xi32>, vector<16xi32>], vector<16xf32>,
        %add3A_1657 = arith.constant 3 : i32
        %add3A_1658 = arith.addi %mul3A_1599, %add3A_1657 : i32
        %get3A_1659 = arith.index_cast %add3A_1658 : i32 to index
        %get3A_1660 = arith.constant 16 : index
        %get3A_1661 = tpu.vector_load %arg10[%get3A_1659, %get3A_1660] {strides = array<i32>} : memref<128x32xf32, #tpu.memory_space<vmem>>, vector<16xf32>,
        tpu.vector_store_idx %arg18[%select_n3A_62, %select_n3A_110, %add3A_1651], %get3A_1661 : memref<4x8x129xf32, #tpu.memory_space<vmem>>[vector<16xi32>, vector<16xi32>, vector<16xi32>], vector<16xf32>,
      }
      %scan3A_633 = arith.constant 32 : i32
      %add3A_634 = arith.constant 4 : i32
      %add3A_635 = arith.addi %mul3A_228, %add3A_634 : i32
      %jit3A_636 = arith.constant 4 : i32
      %div3A_637 = arith.divsi %add3A_635, %jit3A_636 : i32
      %sign3A_638 = arith.constant 0 : i32
      %sign3A_639 = arith.cmpi sgt, %add3A_635, %sign3A_638 : i32
      %sign3A_640 = arith.extui %sign3A_639 : i1 to i32
      %sign3A_641 = arith.constant 0 : i32
      %sign3A_642 = arith.cmpi slt, %add3A_635, %sign3A_641 : i32
      %sign3A_643 = arith.extui %sign3A_642 : i1 to i32
      %sign3A_644 = arith.subi %sign3A_640, %sign3A_643 : i32
      %sign3A_645 = arith.constant 0 : i32
      %sign3A_646 = arith.cmpi sgt, %jit3A_636, %sign3A_645 : i32
      %sign3A_647 = arith.extui %sign3A_646 : i1 to i32
      %sign3A_648 = arith.constant 0 : i32
      %sign3A_649 = arith.cmpi slt, %jit3A_636, %sign3A_648 : i32
      %sign3A_650 = arith.extui %sign3A_649 : i1 to i32
      %sign3A_651 = arith.subi %sign3A_647, %sign3A_650 : i32
      %ne3A_652 = arith.cmpi ne, %sign3A_644, %sign3A_651 : i32
      %rem3A_653 = arith.remsi %add3A_635, %jit3A_636 : i32
      %ne3A_654 = arith.constant 0 : i32
      %ne3A_655 = arith.cmpi ne, %rem3A_653, %ne3A_654 : i32
      %and3A_656 = arith.andi %ne3A_652, %ne3A_655 : i1
      %sub3A_657 = arith.constant 1 : i32
      %sub3A_658 = arith.subi %div3A_637, %sub3A_657 : i32
      %select_n3A_659 = arith.select %and3A_656, %sub3A_658, %div3A_637 : i32
      %jit3A_660 = arith.constant 4 : i32
      %eq3A_661 = arith.constant 0 : i32
      %eq3A_662 = arith.cmpi eq, %jit3A_660, %eq3A_661 : i32
      %jit3A_663 = arith.constant 1 : i32
      %select_n3A_664 = arith.select %eq3A_662, %jit3A_663, %jit3A_660 : i32
      %rem3A_665 = arith.remsi %add3A_635, %select_n3A_664 : i32
      %ne3A_666 = arith.constant 0 : i32
      %ne3A_667 = arith.cmpi ne, %rem3A_665, %ne3A_666 : i32
      %lt3A_668 = arith.constant 0 : i32
      %lt3A_669 = arith.cmpi slt, %rem3A_665, %lt3A_668 : i32
      %lt3A_670 = arith.constant 0 : i32
      %lt3A_671 = arith.cmpi slt, %select_n3A_664, %lt3A_670 : i32
      %ne3A_672 = arith.xori %lt3A_669, %lt3A_671 : i1
      %and3A_673 = arith.andi %ne3A_672, %ne3A_667 : i1
      %add3A_674 = arith.addi %rem3A_665, %select_n3A_664 : i32
      %select_n3A_675 = arith.select %and3A_673, %add3A_674, %rem3A_665 : i32
      %jit3A_676 = arith.constant 128 : i32
      %div3A_677 = arith.divsi %mul3A_2, %jit3A_676 : i32
      %sign3A_678 = arith.constant 0 : i32
      %sign3A_679 = arith.cmpi sgt, %mul3A_2, %sign3A_678 : i32
      %sign3A_680 = arith.extui %sign3A_679 : i1 to i32
      %sign3A_681 = arith.constant 0 : i32
      %sign3A_682 = arith.cmpi slt, %mul3A_2, %sign3A_681 : i32
      %sign3A_683 = arith.extui %sign3A_682 : i1 to i32
      %sign3A_684 = arith.subi %sign3A_680, %sign3A_683 : i32
      %sign3A_685 = arith.constant 0 : i32
      %sign3A_686 = arith.cmpi sgt, %jit3A_676, %sign3A_685 : i32
      %sign3A_687 = arith.extui %sign3A_686 : i1 to i32
      %sign3A_688 = arith.constant 0 : i32
      %sign3A_689 = arith.cmpi slt, %jit3A_676, %sign3A_688 : i32
      %sign3A_690 = arith.extui %sign3A_689 : i1 to i32
      %sign3A_691 = arith.subi %sign3A_687, %sign3A_690 : i32
      %ne3A_692 = arith.cmpi ne, %sign3A_684, %sign3A_691 : i32
      %rem3A_693 = arith.remsi %mul3A_2, %jit3A_676 : i32
      %ne3A_694 = arith.constant 0 : i32
      %ne3A_695 = arith.cmpi ne, %rem3A_693, %ne3A_694 : i32
      %and3A_696 = arith.andi %ne3A_692, %ne3A_695 : i1
      %sub3A_697 = arith.constant 1 : i32
      %sub3A_698 = arith.subi %div3A_677, %sub3A_697 : i32
      %select_n3A_699 = arith.select %and3A_696, %sub3A_698, %div3A_677 : i32
      %add3A_700 = arith.addi %select_n3A_699, %select_n3A_675 : i32
      %dma_start3A_701 = arith.constant 0 : i32
      %dma_start3A_702 = arith.constant 0 : i32
      %dma_start3A_703 = arith.constant 0 : i32
      %dma_start3A_704 = tpu.memref_slice %arg18[%dma_start3A_701, %dma_start3A_702, %dma_start3A_703] : memref<4x8x129xf32, #tpu.memory_space<vmem>> -> memref<4x8x128xf32, #tpu.memory_space<vmem>>
      %dma_start3A_705 = arith.constant 0 : i32
      %dma_start3A_706 = arith.constant 0 : i32
      %dma_start3A_707 = arith.constant 0 : i32
      %dma_start3A_708 = tpu.memref_slice %arg4[%select_n3A_659, %dma_start3A_705, %add3A_700, %dma_start3A_706, %dma_start3A_707] : memref<50x4x128x8x128xf32, #tpu.memory_space<hbm>> -> memref<1x4x1x8x128xf32, #tpu.memory_space<hbm>>
      %dma_start3A_709 = tpu.memref_squeeze %dma_start3A_708 : memref<1x4x1x8x128xf32, #tpu.memory_space<hbm>> -> memref<4x8x128xf32, #tpu.memory_space<hbm>>
      %dma_start3A_710 = arith.constant 0 : i32
      %dma_start3A_711 = arith.constant 0 : i32
      %dma_start3A_712 = arith.constant 0 : i32
      %dma_start3A_713 = tpu.memref_slice %arg4[%select_n3A_659, %dma_start3A_710, %add3A_700, %dma_start3A_711, %dma_start3A_712] : memref<50x4x128x8x128xf32, #tpu.memory_space<hbm>> -> memref<1x4x1x8x128xf32, #tpu.memory_space<hbm>>
      %dma_start3A_714 = tpu.memref_squeeze %dma_start3A_713 : memref<1x4x1x8x128xf32, #tpu.memory_space<hbm>> -> memref<4x8x128xf32, #tpu.memory_space<hbm>>
      %dma_start3A_715 = arith.constant 0 : i32
      %dma_start3A_716 = arith.constant 0 : i32
      %dma_start3A_717 = arith.constant 0 : i32
      %dma_start3A_718 = tpu.memref_slice %arg18[%dma_start3A_715, %dma_start3A_716, %dma_start3A_717] : memref<4x8x129xf32, #tpu.memory_space<vmem>> -> memref<4x8x128xf32, #tpu.memory_space<vmem>>
      tpu.enqueue_dma source(%dma_start3A_718 : memref<4x8x128xf32, #tpu.memory_space<vmem>>) target(%dma_start3A_714 : memref<4x8x128xf32, #tpu.memory_space<hbm>>) target_semaphore(%arg34 : memref<!tpu.dma_semaphore, #tpu.memory_space<semaphore_mem>>)
      %dma_wait3A_719 = arith.constant 0 : i32
      %dma_wait3A_720 = arith.constant 0 : i32
      %dma_wait3A_721 = tpu.memref_slice %arg5[%dma_wait3A_719, %dma_wait3A_720] : memref<50x512xi32, #tpu.memory_space<vmem>> -> memref<1x128xi32, #tpu.memory_space<vmem>>
      %dma_wait3A_722 = tpu.memref_squeeze %dma_wait3A_721 : memref<1x128xi32, #tpu.memory_space<vmem>> -> memref<128xi32, #tpu.memory_space<vmem>>
      %dma_wait3A_723 = arith.constant 0 : i32
      %dma_wait3A_724 = arith.constant 0 : i32
      %dma_wait3A_725 = tpu.memref_slice %arg3[%dma_wait3A_723, %dma_wait3A_724] : memref<1000000x32xf32, #tpu.memory_space<hbm>> -> memref<1000000x32xf32, #tpu.memory_space<hbm>>
      tpu.wait_indirect_dma semaphore(%arg27 : memref<!tpu.dma_semaphore, #tpu.memory_space<semaphore_mem>>) src(%dma_wait3A_725 : memref<1000000x32xf32, #tpu.memory_space<hbm>>) dst(%arg11 : memref<128x32xf32, #tpu.memory_space<vmem>>)
      %scan3A_726 = arith.constant 0 : i32
      %scan3A_727 = arith.constant 0 : i32
      %scan3A_728 = arith.constant 32 : i32
      %scan3A_729 = arith.addi %scan3A_727, %scan3A_728 : i32
      %scan3A_730 = arith.constant 1 : i32
      scf.for %scan3A_1597 = %scan3A_727 to %scan3A_729 step %scan3A_730  : i32 {
        %mul3A_1598 = arith.constant 4 : i32
        %mul3A_1599 = arith.muli %scan3A_1597, %mul3A_1598 : i32
        %broadcast_in_dim3A = arith.constant 0 : i32
        %broadcast_in_dim3A_1600 = vector.broadcast %broadcast_in_dim3A : i32 to vector<16xi32>
        %add3A_1601 = arith.constant 0 : i32
        %add3A_1602 = arith.addi %mul3A_1599, %add3A_1601 : i32
        %add3A_1603 = vector.broadcast %add3A_1602 : i32 to vector<16xi32>
        %add3A_1604 = arith.addi %broadcast_in_dim3A_1600, %add3A_1603 : vector<16xi32>
        %add3A_1605 = arith.constant 0 : i32
        %add3A_1606 = arith.addi %mul3A_1599, %add3A_1605 : i32
        %get3A = arith.index_cast %add3A_1606 : i32 to index
        %get3A_1607 = arith.constant 0 : index
        %get3A_1608 = tpu.vector_load %arg11[%get3A, %get3A_1607] {strides = array<i32>} : memref<128x32xf32, #tpu.memory_space<vmem>>, vector<16xf32>,
        tpu.vector_store_idx %arg19[%select_n3A, %select_n3A_85, %add3A_1604], %get3A_1608 : memref<4x8x129xf32, #tpu.memory_space<vmem>>[vector<16xi32>, vector<16xi32>, vector<16xi32>], vector<16xf32>,
        %add3A_1609 = arith.constant 0 : i32
        %add3A_1610 = arith.addi %mul3A_1599, %add3A_1609 : i32
        %get3A_1611 = arith.index_cast %add3A_1610 : i32 to index
        %get3A_1612 = arith.constant 16 : index
        %get3A_1613 = tpu.vector_load %arg11[%get3A_1611, %get3A_1612] {strides = array<i32>} : memref<128x32xf32, #tpu.memory_space<vmem>>, vector<16xf32>,
        tpu.vector_store_idx %arg19[%select_n3A_62, %select_n3A_110, %add3A_1604], %get3A_1613 : memref<4x8x129xf32, #tpu.memory_space<vmem>>[vector<16xi32>, vector<16xi32>, vector<16xi32>], vector<16xf32>,
        %broadcast_in_dim3A_1614 = arith.constant 0 : i32
        %broadcast_in_dim3A_1615 = vector.broadcast %broadcast_in_dim3A_1614 : i32 to vector<16xi32>
        %add3A_1616 = arith.constant 1 : i32
        %add3A_1617 = arith.addi %mul3A_1599, %add3A_1616 : i32
        %add3A_1618 = vector.broadcast %add3A_1617 : i32 to vector<16xi32>
        %add3A_1619 = arith.addi %broadcast_in_dim3A_1615, %add3A_1618 : vector<16xi32>
        %add3A_1620 = arith.constant 1 : i32
        %add3A_1621 = arith.addi %mul3A_1599, %add3A_1620 : i32
        %get3A_1622 = arith.index_cast %add3A_1621 : i32 to index
        %get3A_1623 = arith.constant 0 : index
        %get3A_1624 = tpu.vector_load %arg11[%get3A_1622, %get3A_1623] {strides = array<i32>} : memref<128x32xf32, #tpu.memory_space<vmem>>, vector<16xf32>,
        tpu.vector_store_idx %arg19[%select_n3A, %select_n3A_85, %add3A_1619], %get3A_1624 : memref<4x8x129xf32, #tpu.memory_space<vmem>>[vector<16xi32>, vector<16xi32>, vector<16xi32>], vector<16xf32>,
        %add3A_1625 = arith.constant 1 : i32
        %add3A_1626 = arith.addi %mul3A_1599, %add3A_1625 : i32
        %get3A_1627 = arith.index_cast %add3A_1626 : i32 to index
        %get3A_1628 = arith.constant 16 : index
        %get3A_1629 = tpu.vector_load %arg11[%get3A_1627, %get3A_1628] {strides = array<i32>} : memref<128x32xf32, #tpu.memory_space<vmem>>, vector<16xf32>,
        tpu.vector_store_idx %arg19[%select_n3A_62, %select_n3A_110, %add3A_1619], %get3A_1629 : memref<4x8x129xf32, #tpu.memory_space<vmem>>[vector<16xi32>, vector<16xi32>, vector<16xi32>], vector<16xf32>,
        %broadcast_in_dim3A_1630 = arith.constant 0 : i32
        %broadcast_in_dim3A_1631 = vector.broadcast %broadcast_in_dim3A_1630 : i32 to vector<16xi32>
        %add3A_1632 = arith.constant 2 : i32
        %add3A_1633 = arith.addi %mul3A_1599, %add3A_1632 : i32
        %add3A_1634 = vector.broadcast %add3A_1633 : i32 to vector<16xi32>
        %add3A_1635 = arith.addi %broadcast_in_dim3A_1631, %add3A_1634 : vector<16xi32>
        %add3A_1636 = arith.constant 2 : i32
        %add3A_1637 = arith.addi %mul3A_1599, %add3A_1636 : i32
        %get3A_1638 = arith.index_cast %add3A_1637 : i32 to index
        %get3A_1639 = arith.constant 0 : index
        %get3A_1640 = tpu.vector_load %arg11[%get3A_1638, %get3A_1639] {strides = array<i32>} : memref<128x32xf32, #tpu.memory_space<vmem>>, vector<16xf32>,
        tpu.vector_store_idx %arg19[%select_n3A, %select_n3A_85, %add3A_1635], %get3A_1640 : memref<4x8x129xf32, #tpu.memory_space<vmem>>[vector<16xi32>, vector<16xi32>, vector<16xi32>], vector<16xf32>,
        %add3A_1641 = arith.constant 2 : i32
        %add3A_1642 = arith.addi %mul3A_1599, %add3A_1641 : i32
        %get3A_1643 = arith.index_cast %add3A_1642 : i32 to index
        %get3A_1644 = arith.constant 16 : index
        %get3A_1645 = tpu.vector_load %arg11[%get3A_1643, %get3A_1644] {strides = array<i32>} : memref<128x32xf32, #tpu.memory_space<vmem>>, vector<16xf32>,
        tpu.vector_store_idx %arg19[%select_n3A_62, %select_n3A_110, %add3A_1635], %get3A_1645 : memref<4x8x129xf32, #tpu.memory_space<vmem>>[vector<16xi32>, vector<16xi32>, vector<16xi32>], vector<16xf32>,
        %broadcast_in_dim3A_1646 = arith.constant 0 : i32
        %broadcast_in_dim3A_1647 = vector.broadcast %broadcast_in_dim3A_1646 : i32 to vector<16xi32>
        %add3A_1648 = arith.constant 3 : i32
        %add3A_1649 = arith.addi %mul3A_1599, %add3A_1648 : i32
        %add3A_1650 = vector.broadcast %add3A_1649 : i32 to vector<16xi32>
        %add3A_1651 = arith.addi %broadcast_in_dim3A_1647, %add3A_1650 : vector<16xi32>
        %add3A_1652 = arith.constant 3 : i32
        %add3A_1653 = arith.addi %mul3A_1599, %add3A_1652 : i32
        %get3A_1654 = arith.index_cast %add3A_1653 : i32 to index
        %get3A_1655 = arith.constant 0 : index
        %get3A_1656 = tpu.vector_load %arg11[%get3A_1654, %get3A_1655] {strides = array<i32>} : memref<128x32xf32, #tpu.memory_space<vmem>>, vector<16xf32>,
        tpu.vector_store_idx %arg19[%select_n3A, %select_n3A_85, %add3A_1651], %get3A_1656 : memref<4x8x129xf32, #tpu.memory_space<vmem>>[vector<16xi32>, vector<16xi32>, vector<16xi32>], vector<16xf32>,
        %add3A_1657 = arith.constant 3 : i32
        %add3A_1658 = arith.addi %mul3A_1599, %add3A_1657 : i32
        %get3A_1659 = arith.index_cast %add3A_1658 : i32 to index
        %get3A_1660 = arith.constant 16 : index
        %get3A_1661 = tpu.vector_load %arg11[%get3A_1659, %get3A_1660] {strides = array<i32>} : memref<128x32xf32, #tpu.memory_space<vmem>>, vector<16xf32>,
        tpu.vector_store_idx %arg19[%select_n3A_62, %select_n3A_110, %add3A_1651], %get3A_1661 : memref<4x8x129xf32, #tpu.memory_space<vmem>>[vector<16xi32>, vector<16xi32>, vector<16xi32>], vector<16xf32>,
      }
      %scan3A_731 = arith.constant 32 : i32
      %add3A_732 = arith.constant 5 : i32
      %add3A_733 = arith.addi %mul3A_228, %add3A_732 : i32
      %jit3A_734 = arith.constant 4 : i32
      %div3A_735 = arith.divsi %add3A_733, %jit3A_734 : i32
      %sign3A_736 = arith.constant 0 : i32
      %sign3A_737 = arith.cmpi sgt, %add3A_733, %sign3A_736 : i32
      %sign3A_738 = arith.extui %sign3A_737 : i1 to i32
      %sign3A_739 = arith.constant 0 : i32
      %sign3A_740 = arith.cmpi slt, %add3A_733, %sign3A_739 : i32
      %sign3A_741 = arith.extui %sign3A_740 : i1 to i32
      %sign3A_742 = arith.subi %sign3A_738, %sign3A_741 : i32
      %sign3A_743 = arith.constant 0 : i32
      %sign3A_744 = arith.cmpi sgt, %jit3A_734, %sign3A_743 : i32
      %sign3A_745 = arith.extui %sign3A_744 : i1 to i32
      %sign3A_746 = arith.constant 0 : i32
      %sign3A_747 = arith.cmpi slt, %jit3A_734, %sign3A_746 : i32
      %sign3A_748 = arith.extui %sign3A_747 : i1 to i32
      %sign3A_749 = arith.subi %sign3A_745, %sign3A_748 : i32
      %ne3A_750 = arith.cmpi ne, %sign3A_742, %sign3A_749 : i32
      %rem3A_751 = arith.remsi %add3A_733, %jit3A_734 : i32
      %ne3A_752 = arith.constant 0 : i32
      %ne3A_753 = arith.cmpi ne, %rem3A_751, %ne3A_752 : i32
      %and3A_754 = arith.andi %ne3A_750, %ne3A_753 : i1
      %sub3A_755 = arith.constant 1 : i32
      %sub3A_756 = arith.subi %div3A_735, %sub3A_755 : i32
      %select_n3A_757 = arith.select %and3A_754, %sub3A_756, %div3A_735 : i32
      %jit3A_758 = arith.constant 4 : i32
      %eq3A_759 = arith.constant 0 : i32
      %eq3A_760 = arith.cmpi eq, %jit3A_758, %eq3A_759 : i32
      %jit3A_761 = arith.constant 1 : i32
      %select_n3A_762 = arith.select %eq3A_760, %jit3A_761, %jit3A_758 : i32
      %rem3A_763 = arith.remsi %add3A_733, %select_n3A_762 : i32
      %ne3A_764 = arith.constant 0 : i32
      %ne3A_765 = arith.cmpi ne, %rem3A_763, %ne3A_764 : i32
      %lt3A_766 = arith.constant 0 : i32
      %lt3A_767 = arith.cmpi slt, %rem3A_763, %lt3A_766 : i32
      %lt3A_768 = arith.constant 0 : i32
      %lt3A_769 = arith.cmpi slt, %select_n3A_762, %lt3A_768 : i32
      %ne3A_770 = arith.xori %lt3A_767, %lt3A_769 : i1
      %and3A_771 = arith.andi %ne3A_770, %ne3A_765 : i1
      %add3A_772 = arith.addi %rem3A_763, %select_n3A_762 : i32
      %select_n3A_773 = arith.select %and3A_771, %add3A_772, %rem3A_763 : i32
      %jit3A_774 = arith.constant 128 : i32
      %div3A_775 = arith.divsi %mul3A_2, %jit3A_774 : i32
      %sign3A_776 = arith.constant 0 : i32
      %sign3A_777 = arith.cmpi sgt, %mul3A_2, %sign3A_776 : i32
      %sign3A_778 = arith.extui %sign3A_777 : i1 to i32
      %sign3A_779 = arith.constant 0 : i32
      %sign3A_780 = arith.cmpi slt, %mul3A_2, %sign3A_779 : i32
      %sign3A_781 = arith.extui %sign3A_780 : i1 to i32
      %sign3A_782 = arith.subi %sign3A_778, %sign3A_781 : i32
      %sign3A_783 = arith.constant 0 : i32
      %sign3A_784 = arith.cmpi sgt, %jit3A_774, %sign3A_783 : i32
      %sign3A_785 = arith.extui %sign3A_784 : i1 to i32
      %sign3A_786 = arith.constant 0 : i32
      %sign3A_787 = arith.cmpi slt, %jit3A_774, %sign3A_786 : i32
      %sign3A_788 = arith.extui %sign3A_787 : i1 to i32
      %sign3A_789 = arith.subi %sign3A_785, %sign3A_788 : i32
      %ne3A_790 = arith.cmpi ne, %sign3A_782, %sign3A_789 : i32
      %rem3A_791 = arith.remsi %mul3A_2, %jit3A_774 : i32
      %ne3A_792 = arith.constant 0 : i32
      %ne3A_793 = arith.cmpi ne, %rem3A_791, %ne3A_792 : i32
      %and3A_794 = arith.andi %ne3A_790, %ne3A_793 : i1
      %sub3A_795 = arith.constant 1 : i32
      %sub3A_796 = arith.subi %div3A_775, %sub3A_795 : i32
      %select_n3A_797 = arith.select %and3A_794, %sub3A_796, %div3A_775 : i32
      %add3A_798 = arith.addi %select_n3A_797, %select_n3A_773 : i32
      %dma_start3A_799 = arith.constant 0 : i32
      %dma_start3A_800 = arith.constant 0 : i32
      %dma_start3A_801 = arith.constant 0 : i32
      %dma_start3A_802 = tpu.memref_slice %arg19[%dma_start3A_799, %dma_start3A_800, %dma_start3A_801] : memref<4x8x129xf32, #tpu.memory_space<vmem>> -> memref<4x8x128xf32, #tpu.memory_space<vmem>>
      %dma_start3A_803 = arith.constant 0 : i32
      %dma_start3A_804 = arith.constant 0 : i32
      %dma_start3A_805 = arith.constant 0 : i32
      %dma_start3A_806 = tpu.memref_slice %arg4[%select_n3A_757, %dma_start3A_803, %add3A_798, %dma_start3A_804, %dma_start3A_805] : memref<50x4x128x8x128xf32, #tpu.memory_space<hbm>> -> memref<1x4x1x8x128xf32, #tpu.memory_space<hbm>>
      %dma_start3A_807 = tpu.memref_squeeze %dma_start3A_806 : memref<1x4x1x8x128xf32, #tpu.memory_space<hbm>> -> memref<4x8x128xf32, #tpu.memory_space<hbm>>
      %dma_start3A_808 = arith.constant 0 : i32
      %dma_start3A_809 = arith.constant 0 : i32
      %dma_start3A_810 = arith.constant 0 : i32
      %dma_start3A_811 = tpu.memref_slice %arg4[%select_n3A_757, %dma_start3A_808, %add3A_798, %dma_start3A_809, %dma_start3A_810] : memref<50x4x128x8x128xf32, #tpu.memory_space<hbm>> -> memref<1x4x1x8x128xf32, #tpu.memory_space<hbm>>
      %dma_start3A_812 = tpu.memref_squeeze %dma_start3A_811 : memref<1x4x1x8x128xf32, #tpu.memory_space<hbm>> -> memref<4x8x128xf32, #tpu.memory_space<hbm>>
      %dma_start3A_813 = arith.constant 0 : i32
      %dma_start3A_814 = arith.constant 0 : i32
      %dma_start3A_815 = arith.constant 0 : i32
      %dma_start3A_816 = tpu.memref_slice %arg19[%dma_start3A_813, %dma_start3A_814, %dma_start3A_815] : memref<4x8x129xf32, #tpu.memory_space<vmem>> -> memref<4x8x128xf32, #tpu.memory_space<vmem>>
      tpu.enqueue_dma source(%dma_start3A_816 : memref<4x8x128xf32, #tpu.memory_space<vmem>>) target(%dma_start3A_812 : memref<4x8x128xf32, #tpu.memory_space<hbm>>) target_semaphore(%arg35 : memref<!tpu.dma_semaphore, #tpu.memory_space<semaphore_mem>>)
      %dma_wait3A_817 = arith.constant 0 : i32
      %dma_wait3A_818 = arith.constant 0 : i32
      %dma_wait3A_819 = tpu.memref_slice %arg5[%dma_wait3A_817, %dma_wait3A_818] : memref<50x512xi32, #tpu.memory_space<vmem>> -> memref<1x128xi32, #tpu.memory_space<vmem>>
      %dma_wait3A_820 = tpu.memref_squeeze %dma_wait3A_819 : memref<1x128xi32, #tpu.memory_space<vmem>> -> memref<128xi32, #tpu.memory_space<vmem>>
      %dma_wait3A_821 = arith.constant 0 : i32
      %dma_wait3A_822 = arith.constant 0 : i32
      %dma_wait3A_823 = tpu.memref_slice %arg3[%dma_wait3A_821, %dma_wait3A_822] : memref<1000000x32xf32, #tpu.memory_space<hbm>> -> memref<1000000x32xf32, #tpu.memory_space<hbm>>
      tpu.wait_indirect_dma semaphore(%arg28 : memref<!tpu.dma_semaphore, #tpu.memory_space<semaphore_mem>>) src(%dma_wait3A_823 : memref<1000000x32xf32, #tpu.memory_space<hbm>>) dst(%arg12 : memref<128x32xf32, #tpu.memory_space<vmem>>)
      %scan3A_824 = arith.constant 0 : i32
      %scan3A_825 = arith.constant 0 : i32
      %scan3A_826 = arith.constant 32 : i32
      %scan3A_827 = arith.addi %scan3A_825, %scan3A_826 : i32
      %scan3A_828 = arith.constant 1 : i32
      scf.for %scan3A_1597 = %scan3A_825 to %scan3A_827 step %scan3A_828  : i32 {
        %mul3A_1598 = arith.constant 4 : i32
        %mul3A_1599 = arith.muli %scan3A_1597, %mul3A_1598 : i32
        %broadcast_in_dim3A = arith.constant 0 : i32
        %broadcast_in_dim3A_1600 = vector.broadcast %broadcast_in_dim3A : i32 to vector<16xi32>
        %add3A_1601 = arith.constant 0 : i32
        %add3A_1602 = arith.addi %mul3A_1599, %add3A_1601 : i32
        %add3A_1603 = vector.broadcast %add3A_1602 : i32 to vector<16xi32>
        %add3A_1604 = arith.addi %broadcast_in_dim3A_1600, %add3A_1603 : vector<16xi32>
        %add3A_1605 = arith.constant 0 : i32
        %add3A_1606 = arith.addi %mul3A_1599, %add3A_1605 : i32
        %get3A = arith.index_cast %add3A_1606 : i32 to index
        %get3A_1607 = arith.constant 0 : index
        %get3A_1608 = tpu.vector_load %arg12[%get3A, %get3A_1607] {strides = array<i32>} : memref<128x32xf32, #tpu.memory_space<vmem>>, vector<16xf32>,
        tpu.vector_store_idx %arg20[%select_n3A, %select_n3A_85, %add3A_1604], %get3A_1608 : memref<4x8x129xf32, #tpu.memory_space<vmem>>[vector<16xi32>, vector<16xi32>, vector<16xi32>], vector<16xf32>,
        %add3A_1609 = arith.constant 0 : i32
        %add3A_1610 = arith.addi %mul3A_1599, %add3A_1609 : i32
        %get3A_1611 = arith.index_cast %add3A_1610 : i32 to index
        %get3A_1612 = arith.constant 16 : index
        %get3A_1613 = tpu.vector_load %arg12[%get3A_1611, %get3A_1612] {strides = array<i32>} : memref<128x32xf32, #tpu.memory_space<vmem>>, vector<16xf32>,
        tpu.vector_store_idx %arg20[%select_n3A_62, %select_n3A_110, %add3A_1604], %get3A_1613 : memref<4x8x129xf32, #tpu.memory_space<vmem>>[vector<16xi32>, vector<16xi32>, vector<16xi32>], vector<16xf32>,
        %broadcast_in_dim3A_1614 = arith.constant 0 : i32
        %broadcast_in_dim3A_1615 = vector.broadcast %broadcast_in_dim3A_1614 : i32 to vector<16xi32>
        %add3A_1616 = arith.constant 1 : i32
        %add3A_1617 = arith.addi %mul3A_1599, %add3A_1616 : i32
        %add3A_1618 = vector.broadcast %add3A_1617 : i32 to vector<16xi32>
        %add3A_1619 = arith.addi %broadcast_in_dim3A_1615, %add3A_1618 : vector<16xi32>
        %add3A_1620 = arith.constant 1 : i32
        %add3A_1621 = arith.addi %mul3A_1599, %add3A_1620 : i32
        %get3A_1622 = arith.index_cast %add3A_1621 : i32 to index
        %get3A_1623 = arith.constant 0 : index
        %get3A_1624 = tpu.vector_load %arg12[%get3A_1622, %get3A_1623] {strides = array<i32>} : memref<128x32xf32, #tpu.memory_space<vmem>>, vector<16xf32>,
        tpu.vector_store_idx %arg20[%select_n3A, %select_n3A_85, %add3A_1619], %get3A_1624 : memref<4x8x129xf32, #tpu.memory_space<vmem>>[vector<16xi32>, vector<16xi32>, vector<16xi32>], vector<16xf32>,
        %add3A_1625 = arith.constant 1 : i32
        %add3A_1626 = arith.addi %mul3A_1599, %add3A_1625 : i32
        %get3A_1627 = arith.index_cast %add3A_1626 : i32 to index
        %get3A_1628 = arith.constant 16 : index
        %get3A_1629 = tpu.vector_load %arg12[%get3A_1627, %get3A_1628] {strides = array<i32>} : memref<128x32xf32, #tpu.memory_space<vmem>>, vector<16xf32>,
        tpu.vector_store_idx %arg20[%select_n3A_62, %select_n3A_110, %add3A_1619], %get3A_1629 : memref<4x8x129xf32, #tpu.memory_space<vmem>>[vector<16xi32>, vector<16xi32>, vector<16xi32>], vector<16xf32>,
        %broadcast_in_dim3A_1630 = arith.constant 0 : i32
        %broadcast_in_dim3A_1631 = vector.broadcast %broadcast_in_dim3A_1630 : i32 to vector<16xi32>
        %add3A_1632 = arith.constant 2 : i32
        %add3A_1633 = arith.addi %mul3A_1599, %add3A_1632 : i32
        %add3A_1634 = vector.broadcast %add3A_1633 : i32 to vector<16xi32>
        %add3A_1635 = arith.addi %broadcast_in_dim3A_1631, %add3A_1634 : vector<16xi32>
        %add3A_1636 = arith.constant 2 : i32
        %add3A_1637 = arith.addi %mul3A_1599, %add3A_1636 : i32
        %get3A_1638 = arith.index_cast %add3A_1637 : i32 to index
        %get3A_1639 = arith.constant 0 : index
        %get3A_1640 = tpu.vector_load %arg12[%get3A_1638, %get3A_1639] {strides = array<i32>} : memref<128x32xf32, #tpu.memory_space<vmem>>, vector<16xf32>,
        tpu.vector_store_idx %arg20[%select_n3A, %select_n3A_85, %add3A_1635], %get3A_1640 : memref<4x8x129xf32, #tpu.memory_space<vmem>>[vector<16xi32>, vector<16xi32>, vector<16xi32>], vector<16xf32>,
        %add3A_1641 = arith.constant 2 : i32
        %add3A_1642 = arith.addi %mul3A_1599, %add3A_1641 : i32
        %get3A_1643 = arith.index_cast %add3A_1642 : i32 to index
        %get3A_1644 = arith.constant 16 : index
        %get3A_1645 = tpu.vector_load %arg12[%get3A_1643, %get3A_1644] {strides = array<i32>} : memref<128x32xf32, #tpu.memory_space<vmem>>, vector<16xf32>,
        tpu.vector_store_idx %arg20[%select_n3A_62, %select_n3A_110, %add3A_1635], %get3A_1645 : memref<4x8x129xf32, #tpu.memory_space<vmem>>[vector<16xi32>, vector<16xi32>, vector<16xi32>], vector<16xf32>,
        %broadcast_in_dim3A_1646 = arith.constant 0 : i32
        %broadcast_in_dim3A_1647 = vector.broadcast %broadcast_in_dim3A_1646 : i32 to vector<16xi32>
        %add3A_1648 = arith.constant 3 : i32
        %add3A_1649 = arith.addi %mul3A_1599, %add3A_1648 : i32
        %add3A_1650 = vector.broadcast %add3A_1649 : i32 to vector<16xi32>
        %add3A_1651 = arith.addi %broadcast_in_dim3A_1647, %add3A_1650 : vector<16xi32>
        %add3A_1652 = arith.constant 3 : i32
        %add3A_1653 = arith.addi %mul3A_1599, %add3A_1652 : i32
        %get3A_1654 = arith.index_cast %add3A_1653 : i32 to index
        %get3A_1655 = arith.constant 0 : index
        %get3A_1656 = tpu.vector_load %arg12[%get3A_1654, %get3A_1655] {strides = array<i32>} : memref<128x32xf32, #tpu.memory_space<vmem>>, vector<16xf32>,
        tpu.vector_store_idx %arg20[%select_n3A, %select_n3A_85, %add3A_1651], %get3A_1656 : memref<4x8x129xf32, #tpu.memory_space<vmem>>[vector<16xi32>, vector<16xi32>, vector<16xi32>], vector<16xf32>,
        %add3A_1657 = arith.constant 3 : i32
        %add3A_1658 = arith.addi %mul3A_1599, %add3A_1657 : i32
        %get3A_1659 = arith.index_cast %add3A_1658 : i32 to index
        %get3A_1660 = arith.constant 16 : index
        %get3A_1661 = tpu.vector_load %arg12[%get3A_1659, %get3A_1660] {strides = array<i32>} : memref<128x32xf32, #tpu.memory_space<vmem>>, vector<16xf32>,
        tpu.vector_store_idx %arg20[%select_n3A_62, %select_n3A_110, %add3A_1651], %get3A_1661 : memref<4x8x129xf32, #tpu.memory_space<vmem>>[vector<16xi32>, vector<16xi32>, vector<16xi32>], vector<16xf32>,
      }
      %scan3A_829 = arith.constant 32 : i32
      %add3A_830 = arith.constant 6 : i32
      %add3A_831 = arith.addi %mul3A_228, %add3A_830 : i32
      %jit3A_832 = arith.constant 4 : i32
      %div3A_833 = arith.divsi %add3A_831, %jit3A_832 : i32
      %sign3A_834 = arith.constant 0 : i32
      %sign3A_835 = arith.cmpi sgt, %add3A_831, %sign3A_834 : i32
      %sign3A_836 = arith.extui %sign3A_835 : i1 to i32
      %sign3A_837 = arith.constant 0 : i32
      %sign3A_838 = arith.cmpi slt, %add3A_831, %sign3A_837 : i32
      %sign3A_839 = arith.extui %sign3A_838 : i1 to i32
      %sign3A_840 = arith.subi %sign3A_836, %sign3A_839 : i32
      %sign3A_841 = arith.constant 0 : i32
      %sign3A_842 = arith.cmpi sgt, %jit3A_832, %sign3A_841 : i32
      %sign3A_843 = arith.extui %sign3A_842 : i1 to i32
      %sign3A_844 = arith.constant 0 : i32
      %sign3A_845 = arith.cmpi slt, %jit3A_832, %sign3A_844 : i32
      %sign3A_846 = arith.extui %sign3A_845 : i1 to i32
      %sign3A_847 = arith.subi %sign3A_843, %sign3A_846 : i32
      %ne3A_848 = arith.cmpi ne, %sign3A_840, %sign3A_847 : i32
      %rem3A_849 = arith.remsi %add3A_831, %jit3A_832 : i32
      %ne3A_850 = arith.constant 0 : i32
      %ne3A_851 = arith.cmpi ne, %rem3A_849, %ne3A_850 : i32
      %and3A_852 = arith.andi %ne3A_848, %ne3A_851 : i1
      %sub3A_853 = arith.constant 1 : i32
      %sub3A_854 = arith.subi %div3A_833, %sub3A_853 : i32
      %select_n3A_855 = arith.select %and3A_852, %sub3A_854, %div3A_833 : i32
      %jit3A_856 = arith.constant 4 : i32
      %eq3A_857 = arith.constant 0 : i32
      %eq3A_858 = arith.cmpi eq, %jit3A_856, %eq3A_857 : i32
      %jit3A_859 = arith.constant 1 : i32
      %select_n3A_860 = arith.select %eq3A_858, %jit3A_859, %jit3A_856 : i32
      %rem3A_861 = arith.remsi %add3A_831, %select_n3A_860 : i32
      %ne3A_862 = arith.constant 0 : i32
      %ne3A_863 = arith.cmpi ne, %rem3A_861, %ne3A_862 : i32
      %lt3A_864 = arith.constant 0 : i32
      %lt3A_865 = arith.cmpi slt, %rem3A_861, %lt3A_864 : i32
      %lt3A_866 = arith.constant 0 : i32
      %lt3A_867 = arith.cmpi slt, %select_n3A_860, %lt3A_866 : i32
      %ne3A_868 = arith.xori %lt3A_865, %lt3A_867 : i1
      %and3A_869 = arith.andi %ne3A_868, %ne3A_863 : i1
      %add3A_870 = arith.addi %rem3A_861, %select_n3A_860 : i32
      %select_n3A_871 = arith.select %and3A_869, %add3A_870, %rem3A_861 : i32
      %jit3A_872 = arith.constant 128 : i32
      %div3A_873 = arith.divsi %mul3A_2, %jit3A_872 : i32
      %sign3A_874 = arith.constant 0 : i32
      %sign3A_875 = arith.cmpi sgt, %mul3A_2, %sign3A_874 : i32
      %sign3A_876 = arith.extui %sign3A_875 : i1 to i32
      %sign3A_877 = arith.constant 0 : i32
      %sign3A_878 = arith.cmpi slt, %mul3A_2, %sign3A_877 : i32
      %sign3A_879 = arith.extui %sign3A_878 : i1 to i32
      %sign3A_880 = arith.subi %sign3A_876, %sign3A_879 : i32
      %sign3A_881 = arith.constant 0 : i32
      %sign3A_882 = arith.cmpi sgt, %jit3A_872, %sign3A_881 : i32
      %sign3A_883 = arith.extui %sign3A_882 : i1 to i32
      %sign3A_884 = arith.constant 0 : i32
      %sign3A_885 = arith.cmpi slt, %jit3A_872, %sign3A_884 : i32
      %sign3A_886 = arith.extui %sign3A_885 : i1 to i32
      %sign3A_887 = arith.subi %sign3A_883, %sign3A_886 : i32
      %ne3A_888 = arith.cmpi ne, %sign3A_880, %sign3A_887 : i32
      %rem3A_889 = arith.remsi %mul3A_2, %jit3A_872 : i32
      %ne3A_890 = arith.constant 0 : i32
      %ne3A_891 = arith.cmpi ne, %rem3A_889, %ne3A_890 : i32
      %and3A_892 = arith.andi %ne3A_888, %ne3A_891 : i1
      %sub3A_893 = arith.constant 1 : i32
      %sub3A_894 = arith.subi %div3A_873, %sub3A_893 : i32
      %select_n3A_895 = arith.select %and3A_892, %sub3A_894, %div3A_873 : i32
      %add3A_896 = arith.addi %select_n3A_895, %select_n3A_871 : i32
      %dma_start3A_897 = arith.constant 0 : i32
      %dma_start3A_898 = arith.constant 0 : i32
      %dma_start3A_899 = arith.constant 0 : i32
      %dma_start3A_900 = tpu.memref_slice %arg20[%dma_start3A_897, %dma_start3A_898, %dma_start3A_899] : memref<4x8x129xf32, #tpu.memory_space<vmem>> -> memref<4x8x128xf32, #tpu.memory_space<vmem>>
      %dma_start3A_901 = arith.constant 0 : i32
      %dma_start3A_902 = arith.constant 0 : i32
      %dma_start3A_903 = arith.constant 0 : i32
      %dma_start3A_904 = tpu.memref_slice %arg4[%select_n3A_855, %dma_start3A_901, %add3A_896, %dma_start3A_902, %dma_start3A_903] : memref<50x4x128x8x128xf32, #tpu.memory_space<hbm>> -> memref<1x4x1x8x128xf32, #tpu.memory_space<hbm>>
      %dma_start3A_905 = tpu.memref_squeeze %dma_start3A_904 : memref<1x4x1x8x128xf32, #tpu.memory_space<hbm>> -> memref<4x8x128xf32, #tpu.memory_space<hbm>>
      %dma_start3A_906 = arith.constant 0 : i32
      %dma_start3A_907 = arith.constant 0 : i32
      %dma_start3A_908 = arith.constant 0 : i32
      %dma_start3A_909 = tpu.memref_slice %arg4[%select_n3A_855, %dma_start3A_906, %add3A_896, %dma_start3A_907, %dma_start3A_908] : memref<50x4x128x8x128xf32, #tpu.memory_space<hbm>> -> memref<1x4x1x8x128xf32, #tpu.memory_space<hbm>>
      %dma_start3A_910 = tpu.memref_squeeze %dma_start3A_909 : memref<1x4x1x8x128xf32, #tpu.memory_space<hbm>> -> memref<4x8x128xf32, #tpu.memory_space<hbm>>
      %dma_start3A_911 = arith.constant 0 : i32
      %dma_start3A_912 = arith.constant 0 : i32
      %dma_start3A_913 = arith.constant 0 : i32
      %dma_start3A_914 = tpu.memref_slice %arg20[%dma_start3A_911, %dma_start3A_912, %dma_start3A_913] : memref<4x8x129xf32, #tpu.memory_space<vmem>> -> memref<4x8x128xf32, #tpu.memory_space<vmem>>
      tpu.enqueue_dma source(%dma_start3A_914 : memref<4x8x128xf32, #tpu.memory_space<vmem>>) target(%dma_start3A_910 : memref<4x8x128xf32, #tpu.memory_space<hbm>>) target_semaphore(%arg36 : memref<!tpu.dma_semaphore, #tpu.memory_space<semaphore_mem>>)
      %dma_wait3A_915 = arith.constant 0 : i32
      %dma_wait3A_916 = arith.constant 0 : i32
      %dma_wait3A_917 = tpu.memref_slice %arg5[%dma_wait3A_915, %dma_wait3A_916] : memref<50x512xi32, #tpu.memory_space<vmem>> -> memref<1x128xi32, #tpu.memory_space<vmem>>
      %dma_wait3A_918 = tpu.memref_squeeze %dma_wait3A_917 : memref<1x128xi32, #tpu.memory_space<vmem>> -> memref<128xi32, #tpu.memory_space<vmem>>
      %dma_wait3A_919 = arith.constant 0 : i32
      %dma_wait3A_920 = arith.constant 0 : i32
      %dma_wait3A_921 = tpu.memref_slice %arg3[%dma_wait3A_919, %dma_wait3A_920] : memref<1000000x32xf32, #tpu.memory_space<hbm>> -> memref<1000000x32xf32, #tpu.memory_space<hbm>>
      tpu.wait_indirect_dma semaphore(%arg29 : memref<!tpu.dma_semaphore, #tpu.memory_space<semaphore_mem>>) src(%dma_wait3A_921 : memref<1000000x32xf32, #tpu.memory_space<hbm>>) dst(%arg13 : memref<128x32xf32, #tpu.memory_space<vmem>>)
      %scan3A_922 = arith.constant 0 : i32
      %scan3A_923 = arith.constant 0 : i32
      %scan3A_924 = arith.constant 32 : i32
      %scan3A_925 = arith.addi %scan3A_923, %scan3A_924 : i32
      %scan3A_926 = arith.constant 1 : i32
      scf.for %scan3A_1597 = %scan3A_923 to %scan3A_925 step %scan3A_926  : i32 {
        %mul3A_1598 = arith.constant 4 : i32
        %mul3A_1599 = arith.muli %scan3A_1597, %mul3A_1598 : i32
        %broadcast_in_dim3A = arith.constant 0 : i32
        %broadcast_in_dim3A_1600 = vector.broadcast %broadcast_in_dim3A : i32 to vector<16xi32>
        %add3A_1601 = arith.constant 0 : i32
        %add3A_1602 = arith.addi %mul3A_1599, %add3A_1601 : i32
        %add3A_1603 = vector.broadcast %add3A_1602 : i32 to vector<16xi32>
        %add3A_1604 = arith.addi %broadcast_in_dim3A_1600, %add3A_1603 : vector<16xi32>
        %add3A_1605 = arith.constant 0 : i32
        %add3A_1606 = arith.addi %mul3A_1599, %add3A_1605 : i32
        %get3A = arith.index_cast %add3A_1606 : i32 to index
        %get3A_1607 = arith.constant 0 : index
        %get3A_1608 = tpu.vector_load %arg13[%get3A, %get3A_1607] {strides = array<i32>} : memref<128x32xf32, #tpu.memory_space<vmem>>, vector<16xf32>,
        tpu.vector_store_idx %arg21[%select_n3A, %select_n3A_85, %add3A_1604], %get3A_1608 : memref<4x8x129xf32, #tpu.memory_space<vmem>>[vector<16xi32>, vector<16xi32>, vector<16xi32>], vector<16xf32>,
        %add3A_1609 = arith.constant 0 : i32
        %add3A_1610 = arith.addi %mul3A_1599, %add3A_1609 : i32
        %get3A_1611 = arith.index_cast %add3A_1610 : i32 to index
        %get3A_1612 = arith.constant 16 : index
        %get3A_1613 = tpu.vector_load %arg13[%get3A_1611, %get3A_1612] {strides = array<i32>} : memref<128x32xf32, #tpu.memory_space<vmem>>, vector<16xf32>,
        tpu.vector_store_idx %arg21[%select_n3A_62, %select_n3A_110, %add3A_1604], %get3A_1613 : memref<4x8x129xf32, #tpu.memory_space<vmem>>[vector<16xi32>, vector<16xi32>, vector<16xi32>], vector<16xf32>,
        %broadcast_in_dim3A_1614 = arith.constant 0 : i32
        %broadcast_in_dim3A_1615 = vector.broadcast %broadcast_in_dim3A_1614 : i32 to vector<16xi32>
        %add3A_1616 = arith.constant 1 : i32
        %add3A_1617 = arith.addi %mul3A_1599, %add3A_1616 : i32
        %add3A_1618 = vector.broadcast %add3A_1617 : i32 to vector<16xi32>
        %add3A_1619 = arith.addi %broadcast_in_dim3A_1615, %add3A_1618 : vector<16xi32>
        %add3A_1620 = arith.constant 1 : i32
        %add3A_1621 = arith.addi %mul3A_1599, %add3A_1620 : i32
        %get3A_1622 = arith.index_cast %add3A_1621 : i32 to index
        %get3A_1623 = arith.constant 0 : index
        %get3A_1624 = tpu.vector_load %arg13[%get3A_1622, %get3A_1623] {strides = array<i32>} : memref<128x32xf32, #tpu.memory_space<vmem>>, vector<16xf32>,
        tpu.vector_store_idx %arg21[%select_n3A, %select_n3A_85, %add3A_1619], %get3A_1624 : memref<4x8x129xf32, #tpu.memory_space<vmem>>[vector<16xi32>, vector<16xi32>, vector<16xi32>], vector<16xf32>,
        %add3A_1625 = arith.constant 1 : i32
        %add3A_1626 = arith.addi %mul3A_1599, %add3A_1625 : i32
        %get3A_1627 = arith.index_cast %add3A_1626 : i32 to index
        %get3A_1628 = arith.constant 16 : index
        %get3A_1629 = tpu.vector_load %arg13[%get3A_1627, %get3A_1628] {strides = array<i32>} : memref<128x32xf32, #tpu.memory_space<vmem>>, vector<16xf32>,
        tpu.vector_store_idx %arg21[%select_n3A_62, %select_n3A_110, %add3A_1619], %get3A_1629 : memref<4x8x129xf32, #tpu.memory_space<vmem>>[vector<16xi32>, vector<16xi32>, vector<16xi32>], vector<16xf32>,
        %broadcast_in_dim3A_1630 = arith.constant 0 : i32
        %broadcast_in_dim3A_1631 = vector.broadcast %broadcast_in_dim3A_1630 : i32 to vector<16xi32>
        %add3A_1632 = arith.constant 2 : i32
        %add3A_1633 = arith.addi %mul3A_1599, %add3A_1632 : i32
        %add3A_1634 = vector.broadcast %add3A_1633 : i32 to vector<16xi32>
        %add3A_1635 = arith.addi %broadcast_in_dim3A_1631, %add3A_1634 : vector<16xi32>
        %add3A_1636 = arith.constant 2 : i32
        %add3A_1637 = arith.addi %mul3A_1599, %add3A_1636 : i32
        %get3A_1638 = arith.index_cast %add3A_1637 : i32 to index
        %get3A_1639 = arith.constant 0 : index
        %get3A_1640 = tpu.vector_load %arg13[%get3A_1638, %get3A_1639] {strides = array<i32>} : memref<128x32xf32, #tpu.memory_space<vmem>>, vector<16xf32>,
        tpu.vector_store_idx %arg21[%select_n3A, %select_n3A_85, %add3A_1635], %get3A_1640 : memref<4x8x129xf32, #tpu.memory_space<vmem>>[vector<16xi32>, vector<16xi32>, vector<16xi32>], vector<16xf32>,
        %add3A_1641 = arith.constant 2 : i32
        %add3A_1642 = arith.addi %mul3A_1599, %add3A_1641 : i32
        %get3A_1643 = arith.index_cast %add3A_1642 : i32 to index
        %get3A_1644 = arith.constant 16 : index
        %get3A_1645 = tpu.vector_load %arg13[%get3A_1643, %get3A_1644] {strides = array<i32>} : memref<128x32xf32, #tpu.memory_space<vmem>>, vector<16xf32>,
        tpu.vector_store_idx %arg21[%select_n3A_62, %select_n3A_110, %add3A_1635], %get3A_1645 : memref<4x8x129xf32, #tpu.memory_space<vmem>>[vector<16xi32>, vector<16xi32>, vector<16xi32>], vector<16xf32>,
        %broadcast_in_dim3A_1646 = arith.constant 0 : i32
        %broadcast_in_dim3A_1647 = vector.broadcast %broadcast_in_dim3A_1646 : i32 to vector<16xi32>
        %add3A_1648 = arith.constant 3 : i32
        %add3A_1649 = arith.addi %mul3A_1599, %add3A_1648 : i32
        %add3A_1650 = vector.broadcast %add3A_1649 : i32 to vector<16xi32>
        %add3A_1651 = arith.addi %broadcast_in_dim3A_1647, %add3A_1650 : vector<16xi32>
        %add3A_1652 = arith.constant 3 : i32
        %add3A_1653 = arith.addi %mul3A_1599, %add3A_1652 : i32
        %get3A_1654 = arith.index_cast %add3A_1653 : i32 to index
        %get3A_1655 = arith.constant 0 : index
        %get3A_1656 = tpu.vector_load %arg13[%get3A_1654, %get3A_1655] {strides = array<i32>} : memref<128x32xf32, #tpu.memory_space<vmem>>, vector<16xf32>,
        tpu.vector_store_idx %arg21[%select_n3A, %select_n3A_85, %add3A_1651], %get3A_1656 : memref<4x8x129xf32, #tpu.memory_space<vmem>>[vector<16xi32>, vector<16xi32>, vector<16xi32>], vector<16xf32>,
        %add3A_1657 = arith.constant 3 : i32
        %add3A_1658 = arith.addi %mul3A_1599, %add3A_1657 : i32
        %get3A_1659 = arith.index_cast %add3A_1658 : i32 to index
        %get3A_1660 = arith.constant 16 : index
        %get3A_1661 = tpu.vector_load %arg13[%get3A_1659, %get3A_1660] {strides = array<i32>} : memref<128x32xf32, #tpu.memory_space<vmem>>, vector<16xf32>,
        tpu.vector_store_idx %arg21[%select_n3A_62, %select_n3A_110, %add3A_1651], %get3A_1661 : memref<4x8x129xf32, #tpu.memory_space<vmem>>[vector<16xi32>, vector<16xi32>, vector<16xi32>], vector<16xf32>,
      }
      %scan3A_927 = arith.constant 32 : i32
      %add3A_928 = arith.constant 7 : i32
      %add3A_929 = arith.addi %mul3A_228, %add3A_928 : i32
      %jit3A_930 = arith.constant 4 : i32
      %div3A_931 = arith.divsi %add3A_929, %jit3A_930 : i32
      %sign3A_932 = arith.constant 0 : i32
      %sign3A_933 = arith.cmpi sgt, %add3A_929, %sign3A_932 : i32
      %sign3A_934 = arith.extui %sign3A_933 : i1 to i32
      %sign3A_935 = arith.constant 0 : i32
      %sign3A_936 = arith.cmpi slt, %add3A_929, %sign3A_935 : i32
      %sign3A_937 = arith.extui %sign3A_936 : i1 to i32
      %sign3A_938 = arith.subi %sign3A_934, %sign3A_937 : i32
      %sign3A_939 = arith.constant 0 : i32
      %sign3A_940 = arith.cmpi sgt, %jit3A_930, %sign3A_939 : i32
      %sign3A_941 = arith.extui %sign3A_940 : i1 to i32
      %sign3A_942 = arith.constant 0 : i32
      %sign3A_943 = arith.cmpi slt, %jit3A_930, %sign3A_942 : i32
      %sign3A_944 = arith.extui %sign3A_943 : i1 to i32
      %sign3A_945 = arith.subi %sign3A_941, %sign3A_944 : i32
      %ne3A_946 = arith.cmpi ne, %sign3A_938, %sign3A_945 : i32
      %rem3A_947 = arith.remsi %add3A_929, %jit3A_930 : i32
      %ne3A_948 = arith.constant 0 : i32
      %ne3A_949 = arith.cmpi ne, %rem3A_947, %ne3A_948 : i32
      %and3A_950 = arith.andi %ne3A_946, %ne3A_949 : i1
      %sub3A_951 = arith.constant 1 : i32
      %sub3A_952 = arith.subi %div3A_931, %sub3A_951 : i32
      %select_n3A_953 = arith.select %and3A_950, %sub3A_952, %div3A_931 : i32
      %jit3A_954 = arith.constant 4 : i32
      %eq3A_955 = arith.constant 0 : i32
      %eq3A_956 = arith.cmpi eq, %jit3A_954, %eq3A_955 : i32
      %jit3A_957 = arith.constant 1 : i32
      %select_n3A_958 = arith.select %eq3A_956, %jit3A_957, %jit3A_954 : i32
      %rem3A_959 = arith.remsi %add3A_929, %select_n3A_958 : i32
      %ne3A_960 = arith.constant 0 : i32
      %ne3A_961 = arith.cmpi ne, %rem3A_959, %ne3A_960 : i32
      %lt3A_962 = arith.constant 0 : i32
      %lt3A_963 = arith.cmpi slt, %rem3A_959, %lt3A_962 : i32
      %lt3A_964 = arith.constant 0 : i32
      %lt3A_965 = arith.cmpi slt, %select_n3A_958, %lt3A_964 : i32
      %ne3A_966 = arith.xori %lt3A_963, %lt3A_965 : i1
      %and3A_967 = arith.andi %ne3A_966, %ne3A_961 : i1
      %add3A_968 = arith.addi %rem3A_959, %select_n3A_958 : i32
      %select_n3A_969 = arith.select %and3A_967, %add3A_968, %rem3A_959 : i32
      %jit3A_970 = arith.constant 128 : i32
      %div3A_971 = arith.divsi %mul3A_2, %jit3A_970 : i32
      %sign3A_972 = arith.constant 0 : i32
      %sign3A_973 = arith.cmpi sgt, %mul3A_2, %sign3A_972 : i32
      %sign3A_974 = arith.extui %sign3A_973 : i1 to i32
      %sign3A_975 = arith.constant 0 : i32
      %sign3A_976 = arith.cmpi slt, %mul3A_2, %sign3A_975 : i32
      %sign3A_977 = arith.extui %sign3A_976 : i1 to i32
      %sign3A_978 = arith.subi %sign3A_974, %sign3A_977 : i32
      %sign3A_979 = arith.constant 0 : i32
      %sign3A_980 = arith.cmpi sgt, %jit3A_970, %sign3A_979 : i32
      %sign3A_981 = arith.extui %sign3A_980 : i1 to i32
      %sign3A_982 = arith.constant 0 : i32
      %sign3A_983 = arith.cmpi slt, %jit3A_970, %sign3A_982 : i32
      %sign3A_984 = arith.extui %sign3A_983 : i1 to i32
      %sign3A_985 = arith.subi %sign3A_981, %sign3A_984 : i32
      %ne3A_986 = arith.cmpi ne, %sign3A_978, %sign3A_985 : i32
      %rem3A_987 = arith.remsi %mul3A_2, %jit3A_970 : i32
      %ne3A_988 = arith.constant 0 : i32
      %ne3A_989 = arith.cmpi ne, %rem3A_987, %ne3A_988 : i32
      %and3A_990 = arith.andi %ne3A_986, %ne3A_989 : i1
      %sub3A_991 = arith.constant 1 : i32
      %sub3A_992 = arith.subi %div3A_971, %sub3A_991 : i32
      %select_n3A_993 = arith.select %and3A_990, %sub3A_992, %div3A_971 : i32
      %add3A_994 = arith.addi %select_n3A_993, %select_n3A_969 : i32
      %dma_start3A_995 = arith.constant 0 : i32
      %dma_start3A_996 = arith.constant 0 : i32
      %dma_start3A_997 = arith.constant 0 : i32
      %dma_start3A_998 = tpu.memref_slice %arg21[%dma_start3A_995, %dma_start3A_996, %dma_start3A_997] : memref<4x8x129xf32, #tpu.memory_space<vmem>> -> memref<4x8x128xf32, #tpu.memory_space<vmem>>
      %dma_start3A_999 = arith.constant 0 : i32
      %dma_start3A_1000 = arith.constant 0 : i32
      %dma_start3A_1001 = arith.constant 0 : i32
      %dma_start3A_1002 = tpu.memref_slice %arg4[%select_n3A_953, %dma_start3A_999, %add3A_994, %dma_start3A_1000, %dma_start3A_1001] : memref<50x4x128x8x128xf32, #tpu.memory_space<hbm>> -> memref<1x4x1x8x128xf32, #tpu.memory_space<hbm>>
      %dma_start3A_1003 = tpu.memref_squeeze %dma_start3A_1002 : memref<1x4x1x8x128xf32, #tpu.memory_space<hbm>> -> memref<4x8x128xf32, #tpu.memory_space<hbm>>
      %dma_start3A_1004 = arith.constant 0 : i32
      %dma_start3A_1005 = arith.constant 0 : i32
      %dma_start3A_1006 = arith.constant 0 : i32
      %dma_start3A_1007 = tpu.memref_slice %arg4[%select_n3A_953, %dma_start3A_1004, %add3A_994, %dma_start3A_1005, %dma_start3A_1006] : memref<50x4x128x8x128xf32, #tpu.memory_space<hbm>> -> memref<1x4x1x8x128xf32, #tpu.memory_space<hbm>>
      %dma_start3A_1008 = tpu.memref_squeeze %dma_start3A_1007 : memref<1x4x1x8x128xf32, #tpu.memory_space<hbm>> -> memref<4x8x128xf32, #tpu.memory_space<hbm>>
      %dma_start3A_1009 = arith.constant 0 : i32
      %dma_start3A_1010 = arith.constant 0 : i32
      %dma_start3A_1011 = arith.constant 0 : i32
      %dma_start3A_1012 = tpu.memref_slice %arg21[%dma_start3A_1009, %dma_start3A_1010, %dma_start3A_1011] : memref<4x8x129xf32, #tpu.memory_space<vmem>> -> memref<4x8x128xf32, #tpu.memory_space<vmem>>
      tpu.enqueue_dma source(%dma_start3A_1012 : memref<4x8x128xf32, #tpu.memory_space<vmem>>) target(%dma_start3A_1008 : memref<4x8x128xf32, #tpu.memory_space<hbm>>) target_semaphore(%arg37 : memref<!tpu.dma_semaphore, #tpu.memory_space<semaphore_mem>>)
      %dma_wait3A_1013 = arith.constant 0 : i32
      %dma_wait3A_1014 = arith.constant 0 : i32
      %dma_wait3A_1015 = arith.constant 0 : i32
      %dma_wait3A_1016 = arith.constant 0 : i32
      %dma_wait3A_1017 = arith.constant 0 : i32
      %dma_wait3A_1018 = tpu.memref_slice %arg14[%dma_wait3A_1015, %dma_wait3A_1016, %dma_wait3A_1017] : memref<4x8x129xf32, #tpu.memory_space<vmem>> -> memref<4x8x128xf32, #tpu.memory_space<vmem>>
      %dma_wait3A_1019 = arith.constant 0 : i32
      %dma_wait3A_1020 = arith.constant 0 : i32
      %dma_wait3A_1021 = arith.constant 0 : i32
      %dma_wait3A_1022 = tpu.memref_slice %arg4[%dma_wait3A_1013, %dma_wait3A_1019, %dma_wait3A_1014, %dma_wait3A_1020, %dma_wait3A_1021] : memref<50x4x128x8x128xf32, #tpu.memory_space<hbm>> -> memref<1x4x1x8x128xf32, #tpu.memory_space<hbm>>
      %dma_wait3A_1023 = tpu.memref_squeeze %dma_wait3A_1022 : memref<1x4x1x8x128xf32, #tpu.memory_space<hbm>> -> memref<4x8x128xf32, #tpu.memory_space<hbm>>
      %dma_wait3A_1024 = arith.constant 0 : i32
      %dma_wait3A_1025 = arith.constant 0 : i32
      %dma_wait3A_1026 = arith.constant 0 : i32
      %dma_wait3A_1027 = tpu.memref_slice %arg4[%dma_wait3A_1013, %dma_wait3A_1024, %dma_wait3A_1014, %dma_wait3A_1025, %dma_wait3A_1026] : memref<50x4x128x8x128xf32, #tpu.memory_space<hbm>> -> memref<1x4x1x8x128xf32, #tpu.memory_space<hbm>>
      %dma_wait3A_1028 = tpu.memref_squeeze %dma_wait3A_1027 : memref<1x4x1x8x128xf32, #tpu.memory_space<hbm>> -> memref<4x8x128xf32, #tpu.memory_space<hbm>>
      %dma_wait3A_1029 = arith.constant 0 : i32
      %dma_wait3A_1030 = arith.constant 0 : i32
      %dma_wait3A_1031 = arith.constant 0 : i32
      %dma_wait3A_1032 = tpu.memref_slice %arg14[%dma_wait3A_1029, %dma_wait3A_1030, %dma_wait3A_1031] : memref<4x8x129xf32, #tpu.memory_space<vmem>> -> memref<4x8x128xf32, #tpu.memory_space<vmem>>
      tpu.wait_dma2 semaphore(%arg30 : memref<!tpu.dma_semaphore, #tpu.memory_space<semaphore_mem>>) src(%dma_wait3A_1032 : memref<4x8x128xf32, #tpu.memory_space<vmem>>) dst(%dma_wait3A_1028 : memref<4x8x128xf32, #tpu.memory_space<hbm>>)
      %add3A_1033 = arith.constant 8 : i32
      %add3A_1034 = arith.addi %mul3A_228, %add3A_1033 : i32
      %add3A_1035 = arith.constant 0 : i32
      %add3A_1036 = arith.addi %add3A_1034, %add3A_1035 : i32
      %rem3A_1037 = arith.constant 200 : i32
      %rem3A_1038 = arith.remsi %add3A_1036, %rem3A_1037 : i32
      %jit3A_1039 = arith.constant 4 : i32
      %div3A_1040 = arith.divsi %rem3A_1038, %jit3A_1039 : i32
      %sign3A_1041 = arith.constant 0 : i32
      %sign3A_1042 = arith.cmpi sgt, %rem3A_1038, %sign3A_1041 : i32
      %sign3A_1043 = arith.extui %sign3A_1042 : i1 to i32
      %sign3A_1044 = arith.constant 0 : i32
      %sign3A_1045 = arith.cmpi slt, %rem3A_1038, %sign3A_1044 : i32
      %sign3A_1046 = arith.extui %sign3A_1045 : i1 to i32
      %sign3A_1047 = arith.subi %sign3A_1043, %sign3A_1046 : i32
      %sign3A_1048 = arith.constant 0 : i32
      %sign3A_1049 = arith.cmpi sgt, %jit3A_1039, %sign3A_1048 : i32
      %sign3A_1050 = arith.extui %sign3A_1049 : i1 to i32
      %sign3A_1051 = arith.constant 0 : i32
      %sign3A_1052 = arith.cmpi slt, %jit3A_1039, %sign3A_1051 : i32
      %sign3A_1053 = arith.extui %sign3A_1052 : i1 to i32
      %sign3A_1054 = arith.subi %sign3A_1050, %sign3A_1053 : i32
      %ne3A_1055 = arith.cmpi ne, %sign3A_1047, %sign3A_1054 : i32
      %rem3A_1056 = arith.remsi %rem3A_1038, %jit3A_1039 : i32
      %ne3A_1057 = arith.constant 0 : i32
      %ne3A_1058 = arith.cmpi ne, %rem3A_1056, %ne3A_1057 : i32
      %and3A_1059 = arith.andi %ne3A_1055, %ne3A_1058 : i1
      %sub3A_1060 = arith.constant 1 : i32
      %sub3A_1061 = arith.subi %div3A_1040, %sub3A_1060 : i32
      %select_n3A_1062 = arith.select %and3A_1059, %sub3A_1061, %div3A_1040 : i32
      %jit3A_1063 = arith.constant 4 : i32
      %eq3A_1064 = arith.constant 0 : i32
      %eq3A_1065 = arith.cmpi eq, %jit3A_1063, %eq3A_1064 : i32
      %jit3A_1066 = arith.constant 1 : i32
      %select_n3A_1067 = arith.select %eq3A_1065, %jit3A_1066, %jit3A_1063 : i32
      %rem3A_1068 = arith.remsi %rem3A_1038, %select_n3A_1067 : i32
      %ne3A_1069 = arith.constant 0 : i32
      %ne3A_1070 = arith.cmpi ne, %rem3A_1068, %ne3A_1069 : i32
      %lt3A_1071 = arith.constant 0 : i32
      %lt3A_1072 = arith.cmpi slt, %rem3A_1068, %lt3A_1071 : i32
      %lt3A_1073 = arith.constant 0 : i32
      %lt3A_1074 = arith.cmpi slt, %select_n3A_1067, %lt3A_1073 : i32
      %ne3A_1075 = arith.xori %lt3A_1072, %lt3A_1074 : i1
      %and3A_1076 = arith.andi %ne3A_1075, %ne3A_1070 : i1
      %add3A_1077 = arith.addi %rem3A_1068, %select_n3A_1067 : i32
      %select_n3A_1078 = arith.select %and3A_1076, %add3A_1077, %rem3A_1068 : i32
      %mul3A_1079 = arith.constant 128 : i32
      %mul3A_1080 = arith.muli %select_n3A_1078, %mul3A_1079 : i32
      %dma_start3A_1081 = tpu.memref_slice %arg5[%select_n3A_1062, %mul3A_1080] : memref<50x512xi32, #tpu.memory_space<vmem>> -> memref<1x128xi32, #tpu.memory_space<vmem>>
      %dma_start3A_1082 = tpu.memref_squeeze %dma_start3A_1081 : memref<1x128xi32, #tpu.memory_space<vmem>> -> memref<128xi32, #tpu.memory_space<vmem>>
      %dma_start3A_1083 = arith.constant 0 : i32
      %dma_start3A_1084 = arith.constant 0 : i32
      %dma_start3A_1085 = tpu.memref_slice %arg3[%dma_start3A_1083, %dma_start3A_1084] : memref<1000000x32xf32, #tpu.memory_space<hbm>> -> memref<1000000x32xf32, #tpu.memory_space<hbm>>
      tpu.enqueue_indirect_dma source(%dma_start3A_1085 : memref<1000000x32xf32, #tpu.memory_space<hbm>>) target(%arg6 : memref<128x32xf32, #tpu.memory_space<vmem>>) offsets(%dma_start3A_1082 : memref<128xi32, #tpu.memory_space<vmem>>) semaphore(%arg22 : memref<!tpu.dma_semaphore, #tpu.memory_space<semaphore_mem>>)
      %dma_wait3A_1086 = arith.constant 0 : i32
      %dma_wait3A_1087 = arith.constant 0 : i32
      %dma_wait3A_1088 = arith.constant 0 : i32
      %dma_wait3A_1089 = arith.constant 0 : i32
      %dma_wait3A_1090 = arith.constant 0 : i32
      %dma_wait3A_1091 = tpu.memref_slice %arg15[%dma_wait3A_1088, %dma_wait3A_1089, %dma_wait3A_1090] : memref<4x8x129xf32, #tpu.memory_space<vmem>> -> memref<4x8x128xf32, #tpu.memory_space<vmem>>
      %dma_wait3A_1092 = arith.constant 0 : i32
      %dma_wait3A_1093 = arith.constant 0 : i32
      %dma_wait3A_1094 = arith.constant 0 : i32
      %dma_wait3A_1095 = tpu.memref_slice %arg4[%dma_wait3A_1086, %dma_wait3A_1092, %dma_wait3A_1087, %dma_wait3A_1093, %dma_wait3A_1094] : memref<50x4x128x8x128xf32, #tpu.memory_space<hbm>> -> memref<1x4x1x8x128xf32, #tpu.memory_space<hbm>>
      %dma_wait3A_1096 = tpu.memref_squeeze %dma_wait3A_1095 : memref<1x4x1x8x128xf32, #tpu.memory_space<hbm>> -> memref<4x8x128xf32, #tpu.memory_space<hbm>>
      %dma_wait3A_1097 = arith.constant 0 : i32
      %dma_wait3A_1098 = arith.constant 0 : i32
      %dma_wait3A_1099 = arith.constant 0 : i32
      %dma_wait3A_1100 = tpu.memref_slice %arg4[%dma_wait3A_1086, %dma_wait3A_1097, %dma_wait3A_1087, %dma_wait3A_1098, %dma_wait3A_1099] : memref<50x4x128x8x128xf32, #tpu.memory_space<hbm>> -> memref<1x4x1x8x128xf32, #tpu.memory_space<hbm>>
      %dma_wait3A_1101 = tpu.memref_squeeze %dma_wait3A_1100 : memref<1x4x1x8x128xf32, #tpu.memory_space<hbm>> -> memref<4x8x128xf32, #tpu.memory_space<hbm>>
      %dma_wait3A_1102 = arith.constant 0 : i32
      %dma_wait3A_1103 = arith.constant 0 : i32
      %dma_wait3A_1104 = arith.constant 0 : i32
      %dma_wait3A_1105 = tpu.memref_slice %arg15[%dma_wait3A_1102, %dma_wait3A_1103, %dma_wait3A_1104] : memref<4x8x129xf32, #tpu.memory_space<vmem>> -> memref<4x8x128xf32, #tpu.memory_space<vmem>>
      tpu.wait_dma2 semaphore(%arg31 : memref<!tpu.dma_semaphore, #tpu.memory_space<semaphore_mem>>) src(%dma_wait3A_1105 : memref<4x8x128xf32, #tpu.memory_space<vmem>>) dst(%dma_wait3A_1101 : memref<4x8x128xf32, #tpu.memory_space<hbm>>)
      %add3A_1106 = arith.constant 8 : i32
      %add3A_1107 = arith.addi %mul3A_228, %add3A_1106 : i32
      %add3A_1108 = arith.constant 1 : i32
      %add3A_1109 = arith.addi %add3A_1107, %add3A_1108 : i32
      %rem3A_1110 = arith.constant 200 : i32
      %rem3A_1111 = arith.remsi %add3A_1109, %rem3A_1110 : i32
      %jit3A_1112 = arith.constant 4 : i32
      %div3A_1113 = arith.divsi %rem3A_1111, %jit3A_1112 : i32
      %sign3A_1114 = arith.constant 0 : i32
      %sign3A_1115 = arith.cmpi sgt, %rem3A_1111, %sign3A_1114 : i32
      %sign3A_1116 = arith.extui %sign3A_1115 : i1 to i32
      %sign3A_1117 = arith.constant 0 : i32
      %sign3A_1118 = arith.cmpi slt, %rem3A_1111, %sign3A_1117 : i32
      %sign3A_1119 = arith.extui %sign3A_1118 : i1 to i32
      %sign3A_1120 = arith.subi %sign3A_1116, %sign3A_1119 : i32
      %sign3A_1121 = arith.constant 0 : i32
      %sign3A_1122 = arith.cmpi sgt, %jit3A_1112, %sign3A_1121 : i32
      %sign3A_1123 = arith.extui %sign3A_1122 : i1 to i32
      %sign3A_1124 = arith.constant 0 : i32
      %sign3A_1125 = arith.cmpi slt, %jit3A_1112, %sign3A_1124 : i32
      %sign3A_1126 = arith.extui %sign3A_1125 : i1 to i32
      %sign3A_1127 = arith.subi %sign3A_1123, %sign3A_1126 : i32
      %ne3A_1128 = arith.cmpi ne, %sign3A_1120, %sign3A_1127 : i32
      %rem3A_1129 = arith.remsi %rem3A_1111, %jit3A_1112 : i32
      %ne3A_1130 = arith.constant 0 : i32
      %ne3A_1131 = arith.cmpi ne, %rem3A_1129, %ne3A_1130 : i32
      %and3A_1132 = arith.andi %ne3A_1128, %ne3A_1131 : i1
      %sub3A_1133 = arith.constant 1 : i32
      %sub3A_1134 = arith.subi %div3A_1113, %sub3A_1133 : i32
      %select_n3A_1135 = arith.select %and3A_1132, %sub3A_1134, %div3A_1113 : i32
      %jit3A_1136 = arith.constant 4 : i32
      %eq3A_1137 = arith.constant 0 : i32
      %eq3A_1138 = arith.cmpi eq, %jit3A_1136, %eq3A_1137 : i32
      %jit3A_1139 = arith.constant 1 : i32
      %select_n3A_1140 = arith.select %eq3A_1138, %jit3A_1139, %jit3A_1136 : i32
      %rem3A_1141 = arith.remsi %rem3A_1111, %select_n3A_1140 : i32
      %ne3A_1142 = arith.constant 0 : i32
      %ne3A_1143 = arith.cmpi ne, %rem3A_1141, %ne3A_1142 : i32
      %lt3A_1144 = arith.constant 0 : i32
      %lt3A_1145 = arith.cmpi slt, %rem3A_1141, %lt3A_1144 : i32
      %lt3A_1146 = arith.constant 0 : i32
      %lt3A_1147 = arith.cmpi slt, %select_n3A_1140, %lt3A_1146 : i32
      %ne3A_1148 = arith.xori %lt3A_1145, %lt3A_1147 : i1
      %and3A_1149 = arith.andi %ne3A_1148, %ne3A_1143 : i1
      %add3A_1150 = arith.addi %rem3A_1141, %select_n3A_1140 : i32
      %select_n3A_1151 = arith.select %and3A_1149, %add3A_1150, %rem3A_1141 : i32
      %mul3A_1152 = arith.constant 128 : i32
      %mul3A_1153 = arith.muli %select_n3A_1151, %mul3A_1152 : i32
      %dma_start3A_1154 = tpu.memref_slice %arg5[%select_n3A_1135, %mul3A_1153] : memref<50x512xi32, #tpu.memory_space<vmem>> -> memref<1x128xi32, #tpu.memory_space<vmem>>
      %dma_start3A_1155 = tpu.memref_squeeze %dma_start3A_1154 : memref<1x128xi32, #tpu.memory_space<vmem>> -> memref<128xi32, #tpu.memory_space<vmem>>
      %dma_start3A_1156 = arith.constant 0 : i32
      %dma_start3A_1157 = arith.constant 0 : i32
      %dma_start3A_1158 = tpu.memref_slice %arg3[%dma_start3A_1156, %dma_start3A_1157] : memref<1000000x32xf32, #tpu.memory_space<hbm>> -> memref<1000000x32xf32, #tpu.memory_space<hbm>>
      tpu.enqueue_indirect_dma source(%dma_start3A_1158 : memref<1000000x32xf32, #tpu.memory_space<hbm>>) target(%arg7 : memref<128x32xf32, #tpu.memory_space<vmem>>) offsets(%dma_start3A_1155 : memref<128xi32, #tpu.memory_space<vmem>>) semaphore(%arg23 : memref<!tpu.dma_semaphore, #tpu.memory_space<semaphore_mem>>)
      %dma_wait3A_1159 = arith.constant 0 : i32
      %dma_wait3A_1160 = arith.constant 0 : i32
      %dma_wait3A_1161 = arith.constant 0 : i32
      %dma_wait3A_1162 = arith.constant 0 : i32
      %dma_wait3A_1163 = arith.constant 0 : i32
      %dma_wait3A_1164 = tpu.memref_slice %arg16[%dma_wait3A_1161, %dma_wait3A_1162, %dma_wait3A_1163] : memref<4x8x129xf32, #tpu.memory_space<vmem>> -> memref<4x8x128xf32, #tpu.memory_space<vmem>>
      %dma_wait3A_1165 = arith.constant 0 : i32
      %dma_wait3A_1166 = arith.constant 0 : i32
      %dma_wait3A_1167 = arith.constant 0 : i32
      %dma_wait3A_1168 = tpu.memref_slice %arg4[%dma_wait3A_1159, %dma_wait3A_1165, %dma_wait3A_1160, %dma_wait3A_1166, %dma_wait3A_1167] : memref<50x4x128x8x128xf32, #tpu.memory_space<hbm>> -> memref<1x4x1x8x128xf32, #tpu.memory_space<hbm>>
      %dma_wait3A_1169 = tpu.memref_squeeze %dma_wait3A_1168 : memref<1x4x1x8x128xf32, #tpu.memory_space<hbm>> -> memref<4x8x128xf32, #tpu.memory_space<hbm>>
      %dma_wait3A_1170 = arith.constant 0 : i32
      %dma_wait3A_1171 = arith.constant 0 : i32
      %dma_wait3A_1172 = arith.constant 0 : i32
      %dma_wait3A_1173 = tpu.memref_slice %arg4[%dma_wait3A_1159, %dma_wait3A_1170, %dma_wait3A_1160, %dma_wait3A_1171, %dma_wait3A_1172] : memref<50x4x128x8x128xf32, #tpu.memory_space<hbm>> -> memref<1x4x1x8x128xf32, #tpu.memory_space<hbm>>
      %dma_wait3A_1174 = tpu.memref_squeeze %dma_wait3A_1173 : memref<1x4x1x8x128xf32, #tpu.memory_space<hbm>> -> memref<4x8x128xf32, #tpu.memory_space<hbm>>
      %dma_wait3A_1175 = arith.constant 0 : i32
      %dma_wait3A_1176 = arith.constant 0 : i32
      %dma_wait3A_1177 = arith.constant 0 : i32
      %dma_wait3A_1178 = tpu.memref_slice %arg16[%dma_wait3A_1175, %dma_wait3A_1176, %dma_wait3A_1177] : memref<4x8x129xf32, #tpu.memory_space<vmem>> -> memref<4x8x128xf32, #tpu.memory_space<vmem>>
      tpu.wait_dma2 semaphore(%arg32 : memref<!tpu.dma_semaphore, #tpu.memory_space<semaphore_mem>>) src(%dma_wait3A_1178 : memref<4x8x128xf32, #tpu.memory_space<vmem>>) dst(%dma_wait3A_1174 : memref<4x8x128xf32, #tpu.memory_space<hbm>>)
      %add3A_1179 = arith.constant 8 : i32
      %add3A_1180 = arith.addi %mul3A_228, %add3A_1179 : i32
      %add3A_1181 = arith.constant 2 : i32
      %add3A_1182 = arith.addi %add3A_1180, %add3A_1181 : i32
      %rem3A_1183 = arith.constant 200 : i32
      %rem3A_1184 = arith.remsi %add3A_1182, %rem3A_1183 : i32
      %jit3A_1185 = arith.constant 4 : i32
      %div3A_1186 = arith.divsi %rem3A_1184, %jit3A_1185 : i32
      %sign3A_1187 = arith.constant 0 : i32
      %sign3A_1188 = arith.cmpi sgt, %rem3A_1184, %sign3A_1187 : i32
      %sign3A_1189 = arith.extui %sign3A_1188 : i1 to i32
      %sign3A_1190 = arith.constant 0 : i32
      %sign3A_1191 = arith.cmpi slt, %rem3A_1184, %sign3A_1190 : i32
      %sign3A_1192 = arith.extui %sign3A_1191 : i1 to i32
      %sign3A_1193 = arith.subi %sign3A_1189, %sign3A_1192 : i32
      %sign3A_1194 = arith.constant 0 : i32
      %sign3A_1195 = arith.cmpi sgt, %jit3A_1185, %sign3A_1194 : i32
      %sign3A_1196 = arith.extui %sign3A_1195 : i1 to i32
      %sign3A_1197 = arith.constant 0 : i32
      %sign3A_1198 = arith.cmpi slt, %jit3A_1185, %sign3A_1197 : i32
      %sign3A_1199 = arith.extui %sign3A_1198 : i1 to i32
      %sign3A_1200 = arith.subi %sign3A_1196, %sign3A_1199 : i32
      %ne3A_1201 = arith.cmpi ne, %sign3A_1193, %sign3A_1200 : i32
      %rem3A_1202 = arith.remsi %rem3A_1184, %jit3A_1185 : i32
      %ne3A_1203 = arith.constant 0 : i32
      %ne3A_1204 = arith.cmpi ne, %rem3A_1202, %ne3A_1203 : i32
      %and3A_1205 = arith.andi %ne3A_1201, %ne3A_1204 : i1
      %sub3A_1206 = arith.constant 1 : i32
      %sub3A_1207 = arith.subi %div3A_1186, %sub3A_1206 : i32
      %select_n3A_1208 = arith.select %and3A_1205, %sub3A_1207, %div3A_1186 : i32
      %jit3A_1209 = arith.constant 4 : i32
      %eq3A_1210 = arith.constant 0 : i32
      %eq3A_1211 = arith.cmpi eq, %jit3A_1209, %eq3A_1210 : i32
      %jit3A_1212 = arith.constant 1 : i32
      %select_n3A_1213 = arith.select %eq3A_1211, %jit3A_1212, %jit3A_1209 : i32
      %rem3A_1214 = arith.remsi %rem3A_1184, %select_n3A_1213 : i32
      %ne3A_1215 = arith.constant 0 : i32
      %ne3A_1216 = arith.cmpi ne, %rem3A_1214, %ne3A_1215 : i32
      %lt3A_1217 = arith.constant 0 : i32
      %lt3A_1218 = arith.cmpi slt, %rem3A_1214, %lt3A_1217 : i32
      %lt3A_1219 = arith.constant 0 : i32
      %lt3A_1220 = arith.cmpi slt, %select_n3A_1213, %lt3A_1219 : i32
      %ne3A_1221 = arith.xori %lt3A_1218, %lt3A_1220 : i1
      %and3A_1222 = arith.andi %ne3A_1221, %ne3A_1216 : i1
      %add3A_1223 = arith.addi %rem3A_1214, %select_n3A_1213 : i32
      %select_n3A_1224 = arith.select %and3A_1222, %add3A_1223, %rem3A_1214 : i32
      %mul3A_1225 = arith.constant 128 : i32
      %mul3A_1226 = arith.muli %select_n3A_1224, %mul3A_1225 : i32
      %dma_start3A_1227 = tpu.memref_slice %arg5[%select_n3A_1208, %mul3A_1226] : memref<50x512xi32, #tpu.memory_space<vmem>> -> memref<1x128xi32, #tpu.memory_space<vmem>>
      %dma_start3A_1228 = tpu.memref_squeeze %dma_start3A_1227 : memref<1x128xi32, #tpu.memory_space<vmem>> -> memref<128xi32, #tpu.memory_space<vmem>>
      %dma_start3A_1229 = arith.constant 0 : i32
      %dma_start3A_1230 = arith.constant 0 : i32
      %dma_start3A_1231 = tpu.memref_slice %arg3[%dma_start3A_1229, %dma_start3A_1230] : memref<1000000x32xf32, #tpu.memory_space<hbm>> -> memref<1000000x32xf32, #tpu.memory_space<hbm>>
      tpu.enqueue_indirect_dma source(%dma_start3A_1231 : memref<1000000x32xf32, #tpu.memory_space<hbm>>) target(%arg8 : memref<128x32xf32, #tpu.memory_space<vmem>>) offsets(%dma_start3A_1228 : memref<128xi32, #tpu.memory_space<vmem>>) semaphore(%arg24 : memref<!tpu.dma_semaphore, #tpu.memory_space<semaphore_mem>>)
      %dma_wait3A_1232 = arith.constant 0 : i32
      %dma_wait3A_1233 = arith.constant 0 : i32
      %dma_wait3A_1234 = arith.constant 0 : i32
      %dma_wait3A_1235 = arith.constant 0 : i32
      %dma_wait3A_1236 = arith.constant 0 : i32
      %dma_wait3A_1237 = tpu.memref_slice %arg17[%dma_wait3A_1234, %dma_wait3A_1235, %dma_wait3A_1236] : memref<4x8x129xf32, #tpu.memory_space<vmem>> -> memref<4x8x128xf32, #tpu.memory_space<vmem>>
      %dma_wait3A_1238 = arith.constant 0 : i32
      %dma_wait3A_1239 = arith.constant 0 : i32
      %dma_wait3A_1240 = arith.constant 0 : i32
      %dma_wait3A_1241 = tpu.memref_slice %arg4[%dma_wait3A_1232, %dma_wait3A_1238, %dma_wait3A_1233, %dma_wait3A_1239, %dma_wait3A_1240] : memref<50x4x128x8x128xf32, #tpu.memory_space<hbm>> -> memref<1x4x1x8x128xf32, #tpu.memory_space<hbm>>
      %dma_wait3A_1242 = tpu.memref_squeeze %dma_wait3A_1241 : memref<1x4x1x8x128xf32, #tpu.memory_space<hbm>> -> memref<4x8x128xf32, #tpu.memory_space<hbm>>
      %dma_wait3A_1243 = arith.constant 0 : i32
      %dma_wait3A_1244 = arith.constant 0 : i32
      %dma_wait3A_1245 = arith.constant 0 : i32
      %dma_wait3A_1246 = tpu.memref_slice %arg4[%dma_wait3A_1232, %dma_wait3A_1243, %dma_wait3A_1233, %dma_wait3A_1244, %dma_wait3A_1245] : memref<50x4x128x8x128xf32, #tpu.memory_space<hbm>> -> memref<1x4x1x8x128xf32, #tpu.memory_space<hbm>>
      %dma_wait3A_1247 = tpu.memref_squeeze %dma_wait3A_1246 : memref<1x4x1x8x128xf32, #tpu.memory_space<hbm>> -> memref<4x8x128xf32, #tpu.memory_space<hbm>>
      %dma_wait3A_1248 = arith.constant 0 : i32
      %dma_wait3A_1249 = arith.constant 0 : i32
      %dma_wait3A_1250 = arith.constant 0 : i32
      %dma_wait3A_1251 = tpu.memref_slice %arg17[%dma_wait3A_1248, %dma_wait3A_1249, %dma_wait3A_1250] : memref<4x8x129xf32, #tpu.memory_space<vmem>> -> memref<4x8x128xf32, #tpu.memory_space<vmem>>
      tpu.wait_dma2 semaphore(%arg33 : memref<!tpu.dma_semaphore, #tpu.memory_space<semaphore_mem>>) src(%dma_wait3A_1251 : memref<4x8x128xf32, #tpu.memory_space<vmem>>) dst(%dma_wait3A_1247 : memref<4x8x128xf32, #tpu.memory_space<hbm>>)
      %add3A_1252 = arith.constant 8 : i32
      %add3A_1253 = arith.addi %mul3A_228, %add3A_1252 : i32
      %add3A_1254 = arith.constant 3 : i32
      %add3A_1255 = arith.addi %add3A_1253, %add3A_1254 : i32
      %rem3A_1256 = arith.constant 200 : i32
      %rem3A_1257 = arith.remsi %add3A_1255, %rem3A_1256 : i32
      %jit3A_1258 = arith.constant 4 : i32
      %div3A_1259 = arith.divsi %rem3A_1257, %jit3A_1258 : i32
      %sign3A_1260 = arith.constant 0 : i32
      %sign3A_1261 = arith.cmpi sgt, %rem3A_1257, %sign3A_1260 : i32
      %sign3A_1262 = arith.extui %sign3A_1261 : i1 to i32
      %sign3A_1263 = arith.constant 0 : i32
      %sign3A_1264 = arith.cmpi slt, %rem3A_1257, %sign3A_1263 : i32
      %sign3A_1265 = arith.extui %sign3A_1264 : i1 to i32
      %sign3A_1266 = arith.subi %sign3A_1262, %sign3A_1265 : i32
      %sign3A_1267 = arith.constant 0 : i32
      %sign3A_1268 = arith.cmpi sgt, %jit3A_1258, %sign3A_1267 : i32
      %sign3A_1269 = arith.extui %sign3A_1268 : i1 to i32
      %sign3A_1270 = arith.constant 0 : i32
      %sign3A_1271 = arith.cmpi slt, %jit3A_1258, %sign3A_1270 : i32
      %sign3A_1272 = arith.extui %sign3A_1271 : i1 to i32
      %sign3A_1273 = arith.subi %sign3A_1269, %sign3A_1272 : i32
      %ne3A_1274 = arith.cmpi ne, %sign3A_1266, %sign3A_1273 : i32
      %rem3A_1275 = arith.remsi %rem3A_1257, %jit3A_1258 : i32
      %ne3A_1276 = arith.constant 0 : i32
      %ne3A_1277 = arith.cmpi ne, %rem3A_1275, %ne3A_1276 : i32
      %and3A_1278 = arith.andi %ne3A_1274, %ne3A_1277 : i1
      %sub3A_1279 = arith.constant 1 : i32
      %sub3A_1280 = arith.subi %div3A_1259, %sub3A_1279 : i32
      %select_n3A_1281 = arith.select %and3A_1278, %sub3A_1280, %div3A_1259 : i32
      %jit3A_1282 = arith.constant 4 : i32
      %eq3A_1283 = arith.constant 0 : i32
      %eq3A_1284 = arith.cmpi eq, %jit3A_1282, %eq3A_1283 : i32
      %jit3A_1285 = arith.constant 1 : i32
      %select_n3A_1286 = arith.select %eq3A_1284, %jit3A_1285, %jit3A_1282 : i32
      %rem3A_1287 = arith.remsi %rem3A_1257, %select_n3A_1286 : i32
      %ne3A_1288 = arith.constant 0 : i32
      %ne3A_1289 = arith.cmpi ne, %rem3A_1287, %ne3A_1288 : i32
      %lt3A_1290 = arith.constant 0 : i32
      %lt3A_1291 = arith.cmpi slt, %rem3A_1287, %lt3A_1290 : i32
      %lt3A_1292 = arith.constant 0 : i32
      %lt3A_1293 = arith.cmpi slt, %select_n3A_1286, %lt3A_1292 : i32
      %ne3A_1294 = arith.xori %lt3A_1291, %lt3A_1293 : i1
      %and3A_1295 = arith.andi %ne3A_1294, %ne3A_1289 : i1
      %add3A_1296 = arith.addi %rem3A_1287, %select_n3A_1286 : i32
      %select_n3A_1297 = arith.select %and3A_1295, %add3A_1296, %rem3A_1287 : i32
      %mul3A_1298 = arith.constant 128 : i32
      %mul3A_1299 = arith.muli %select_n3A_1297, %mul3A_1298 : i32
      %dma_start3A_1300 = tpu.memref_slice %arg5[%select_n3A_1281, %mul3A_1299] : memref<50x512xi32, #tpu.memory_space<vmem>> -> memref<1x128xi32, #tpu.memory_space<vmem>>
      %dma_start3A_1301 = tpu.memref_squeeze %dma_start3A_1300 : memref<1x128xi32, #tpu.memory_space<vmem>> -> memref<128xi32, #tpu.memory_space<vmem>>
      %dma_start3A_1302 = arith.constant 0 : i32
      %dma_start3A_1303 = arith.constant 0 : i32
      %dma_start3A_1304 = tpu.memref_slice %arg3[%dma_start3A_1302, %dma_start3A_1303] : memref<1000000x32xf32, #tpu.memory_space<hbm>> -> memref<1000000x32xf32, #tpu.memory_space<hbm>>
      tpu.enqueue_indirect_dma source(%dma_start3A_1304 : memref<1000000x32xf32, #tpu.memory_space<hbm>>) target(%arg9 : memref<128x32xf32, #tpu.memory_space<vmem>>) offsets(%dma_start3A_1301 : memref<128xi32, #tpu.memory_space<vmem>>) semaphore(%arg25 : memref<!tpu.dma_semaphore, #tpu.memory_space<semaphore_mem>>)
      %dma_wait3A_1305 = arith.constant 0 : i32
      %dma_wait3A_1306 = arith.constant 0 : i32
      %dma_wait3A_1307 = arith.constant 0 : i32
      %dma_wait3A_1308 = arith.constant 0 : i32
      %dma_wait3A_1309 = arith.constant 0 : i32
      %dma_wait3A_1310 = tpu.memref_slice %arg18[%dma_wait3A_1307, %dma_wait3A_1308, %dma_wait3A_1309] : memref<4x8x129xf32, #tpu.memory_space<vmem>> -> memref<4x8x128xf32, #tpu.memory_space<vmem>>
      %dma_wait3A_1311 = arith.constant 0 : i32
      %dma_wait3A_1312 = arith.constant 0 : i32
      %dma_wait3A_1313 = arith.constant 0 : i32
      %dma_wait3A_1314 = tpu.memref_slice %arg4[%dma_wait3A_1305, %dma_wait3A_1311, %dma_wait3A_1306, %dma_wait3A_1312, %dma_wait3A_1313] : memref<50x4x128x8x128xf32, #tpu.memory_space<hbm>> -> memref<1x4x1x8x128xf32, #tpu.memory_space<hbm>>
      %dma_wait3A_1315 = tpu.memref_squeeze %dma_wait3A_1314 : memref<1x4x1x8x128xf32, #tpu.memory_space<hbm>> -> memref<4x8x128xf32, #tpu.memory_space<hbm>>
      %dma_wait3A_1316 = arith.constant 0 : i32
      %dma_wait3A_1317 = arith.constant 0 : i32
      %dma_wait3A_1318 = arith.constant 0 : i32
      %dma_wait3A_1319 = tpu.memref_slice %arg4[%dma_wait3A_1305, %dma_wait3A_1316, %dma_wait3A_1306, %dma_wait3A_1317, %dma_wait3A_1318] : memref<50x4x128x8x128xf32, #tpu.memory_space<hbm>> -> memref<1x4x1x8x128xf32, #tpu.memory_space<hbm>>
      %dma_wait3A_1320 = tpu.memref_squeeze %dma_wait3A_1319 : memref<1x4x1x8x128xf32, #tpu.memory_space<hbm>> -> memref<4x8x128xf32, #tpu.memory_space<hbm>>
      %dma_wait3A_1321 = arith.constant 0 : i32
      %dma_wait3A_1322 = arith.constant 0 : i32
      %dma_wait3A_1323 = arith.constant 0 : i32
      %dma_wait3A_1324 = tpu.memref_slice %arg18[%dma_wait3A_1321, %dma_wait3A_1322, %dma_wait3A_1323] : memref<4x8x129xf32, #tpu.memory_space<vmem>> -> memref<4x8x128xf32, #tpu.memory_space<vmem>>
      tpu.wait_dma2 semaphore(%arg34 : memref<!tpu.dma_semaphore, #tpu.memory_space<semaphore_mem>>) src(%dma_wait3A_1324 : memref<4x8x128xf32, #tpu.memory_space<vmem>>) dst(%dma_wait3A_1320 : memref<4x8x128xf32, #tpu.memory_space<hbm>>)
      %add3A_1325 = arith.constant 8 : i32
      %add3A_1326 = arith.addi %mul3A_228, %add3A_1325 : i32
      %add3A_1327 = arith.constant 4 : i32
      %add3A_1328 = arith.addi %add3A_1326, %add3A_1327 : i32
      %rem3A_1329 = arith.constant 200 : i32
      %rem3A_1330 = arith.remsi %add3A_1328, %rem3A_1329 : i32
      %jit3A_1331 = arith.constant 4 : i32
      %div3A_1332 = arith.divsi %rem3A_1330, %jit3A_1331 : i32
      %sign3A_1333 = arith.constant 0 : i32
      %sign3A_1334 = arith.cmpi sgt, %rem3A_1330, %sign3A_1333 : i32
      %sign3A_1335 = arith.extui %sign3A_1334 : i1 to i32
      %sign3A_1336 = arith.constant 0 : i32
      %sign3A_1337 = arith.cmpi slt, %rem3A_1330, %sign3A_1336 : i32
      %sign3A_1338 = arith.extui %sign3A_1337 : i1 to i32
      %sign3A_1339 = arith.subi %sign3A_1335, %sign3A_1338 : i32
      %sign3A_1340 = arith.constant 0 : i32
      %sign3A_1341 = arith.cmpi sgt, %jit3A_1331, %sign3A_1340 : i32
      %sign3A_1342 = arith.extui %sign3A_1341 : i1 to i32
      %sign3A_1343 = arith.constant 0 : i32
      %sign3A_1344 = arith.cmpi slt, %jit3A_1331, %sign3A_1343 : i32
      %sign3A_1345 = arith.extui %sign3A_1344 : i1 to i32
      %sign3A_1346 = arith.subi %sign3A_1342, %sign3A_1345 : i32
      %ne3A_1347 = arith.cmpi ne, %sign3A_1339, %sign3A_1346 : i32
      %rem3A_1348 = arith.remsi %rem3A_1330, %jit3A_1331 : i32
      %ne3A_1349 = arith.constant 0 : i32
      %ne3A_1350 = arith.cmpi ne, %rem3A_1348, %ne3A_1349 : i32
      %and3A_1351 = arith.andi %ne3A_1347, %ne3A_1350 : i1
      %sub3A_1352 = arith.constant 1 : i32
      %sub3A_1353 = arith.subi %div3A_1332, %sub3A_1352 : i32
      %select_n3A_1354 = arith.select %and3A_1351, %sub3A_1353, %div3A_1332 : i32
      %jit3A_1355 = arith.constant 4 : i32
      %eq3A_1356 = arith.constant 0 : i32
      %eq3A_1357 = arith.cmpi eq, %jit3A_1355, %eq3A_1356 : i32
      %jit3A_1358 = arith.constant 1 : i32
      %select_n3A_1359 = arith.select %eq3A_1357, %jit3A_1358, %jit3A_1355 : i32
      %rem3A_1360 = arith.remsi %rem3A_1330, %select_n3A_1359 : i32
      %ne3A_1361 = arith.constant 0 : i32
      %ne3A_1362 = arith.cmpi ne, %rem3A_1360, %ne3A_1361 : i32
      %lt3A_1363 = arith.constant 0 : i32
      %lt3A_1364 = arith.cmpi slt, %rem3A_1360, %lt3A_1363 : i32
      %lt3A_1365 = arith.constant 0 : i32
      %lt3A_1366 = arith.cmpi slt, %select_n3A_1359, %lt3A_1365 : i32
      %ne3A_1367 = arith.xori %lt3A_1364, %lt3A_1366 : i1
      %and3A_1368 = arith.andi %ne3A_1367, %ne3A_1362 : i1
      %add3A_1369 = arith.addi %rem3A_1360, %select_n3A_1359 : i32
      %select_n3A_1370 = arith.select %and3A_1368, %add3A_1369, %rem3A_1360 : i32
      %mul3A_1371 = arith.constant 128 : i32
      %mul3A_1372 = arith.muli %select_n3A_1370, %mul3A_1371 : i32
      %dma_start3A_1373 = tpu.memref_slice %arg5[%select_n3A_1354, %mul3A_1372] : memref<50x512xi32, #tpu.memory_space<vmem>> -> memref<1x128xi32, #tpu.memory_space<vmem>>
      %dma_start3A_1374 = tpu.memref_squeeze %dma_start3A_1373 : memref<1x128xi32, #tpu.memory_space<vmem>> -> memref<128xi32, #tpu.memory_space<vmem>>
      %dma_start3A_1375 = arith.constant 0 : i32
      %dma_start3A_1376 = arith.constant 0 : i32
      %dma_start3A_1377 = tpu.memref_slice %arg3[%dma_start3A_1375, %dma_start3A_1376] : memref<1000000x32xf32, #tpu.memory_space<hbm>> -> memref<1000000x32xf32, #tpu.memory_space<hbm>>
      tpu.enqueue_indirect_dma source(%dma_start3A_1377 : memref<1000000x32xf32, #tpu.memory_space<hbm>>) target(%arg10 : memref<128x32xf32, #tpu.memory_space<vmem>>) offsets(%dma_start3A_1374 : memref<128xi32, #tpu.memory_space<vmem>>) semaphore(%arg26 : memref<!tpu.dma_semaphore, #tpu.memory_space<semaphore_mem>>)
      %dma_wait3A_1378 = arith.constant 0 : i32
      %dma_wait3A_1379 = arith.constant 0 : i32
      %dma_wait3A_1380 = arith.constant 0 : i32
      %dma_wait3A_1381 = arith.constant 0 : i32
      %dma_wait3A_1382 = arith.constant 0 : i32
      %dma_wait3A_1383 = tpu.memref_slice %arg19[%dma_wait3A_1380, %dma_wait3A_1381, %dma_wait3A_1382] : memref<4x8x129xf32, #tpu.memory_space<vmem>> -> memref<4x8x128xf32, #tpu.memory_space<vmem>>
      %dma_wait3A_1384 = arith.constant 0 : i32
      %dma_wait3A_1385 = arith.constant 0 : i32
      %dma_wait3A_1386 = arith.constant 0 : i32
      %dma_wait3A_1387 = tpu.memref_slice %arg4[%dma_wait3A_1378, %dma_wait3A_1384, %dma_wait3A_1379, %dma_wait3A_1385, %dma_wait3A_1386] : memref<50x4x128x8x128xf32, #tpu.memory_space<hbm>> -> memref<1x4x1x8x128xf32, #tpu.memory_space<hbm>>
      %dma_wait3A_1388 = tpu.memref_squeeze %dma_wait3A_1387 : memref<1x4x1x8x128xf32, #tpu.memory_space<hbm>> -> memref<4x8x128xf32, #tpu.memory_space<hbm>>
      %dma_wait3A_1389 = arith.constant 0 : i32
      %dma_wait3A_1390 = arith.constant 0 : i32
      %dma_wait3A_1391 = arith.constant 0 : i32
      %dma_wait3A_1392 = tpu.memref_slice %arg4[%dma_wait3A_1378, %dma_wait3A_1389, %dma_wait3A_1379, %dma_wait3A_1390, %dma_wait3A_1391] : memref<50x4x128x8x128xf32, #tpu.memory_space<hbm>> -> memref<1x4x1x8x128xf32, #tpu.memory_space<hbm>>
      %dma_wait3A_1393 = tpu.memref_squeeze %dma_wait3A_1392 : memref<1x4x1x8x128xf32, #tpu.memory_space<hbm>> -> memref<4x8x128xf32, #tpu.memory_space<hbm>>
      %dma_wait3A_1394 = arith.constant 0 : i32
      %dma_wait3A_1395 = arith.constant 0 : i32
      %dma_wait3A_1396 = arith.constant 0 : i32
      %dma_wait3A_1397 = tpu.memref_slice %arg19[%dma_wait3A_1394, %dma_wait3A_1395, %dma_wait3A_1396] : memref<4x8x129xf32, #tpu.memory_space<vmem>> -> memref<4x8x128xf32, #tpu.memory_space<vmem>>
      tpu.wait_dma2 semaphore(%arg35 : memref<!tpu.dma_semaphore, #tpu.memory_space<semaphore_mem>>) src(%dma_wait3A_1397 : memref<4x8x128xf32, #tpu.memory_space<vmem>>) dst(%dma_wait3A_1393 : memref<4x8x128xf32, #tpu.memory_space<hbm>>)
      %add3A_1398 = arith.constant 8 : i32
      %add3A_1399 = arith.addi %mul3A_228, %add3A_1398 : i32
      %add3A_1400 = arith.constant 5 : i32
      %add3A_1401 = arith.addi %add3A_1399, %add3A_1400 : i32
      %rem3A_1402 = arith.constant 200 : i32
      %rem3A_1403 = arith.remsi %add3A_1401, %rem3A_1402 : i32
      %jit3A_1404 = arith.constant 4 : i32
      %div3A_1405 = arith.divsi %rem3A_1403, %jit3A_1404 : i32
      %sign3A_1406 = arith.constant 0 : i32
      %sign3A_1407 = arith.cmpi sgt, %rem3A_1403, %sign3A_1406 : i32
      %sign3A_1408 = arith.extui %sign3A_1407 : i1 to i32
      %sign3A_1409 = arith.constant 0 : i32
      %sign3A_1410 = arith.cmpi slt, %rem3A_1403, %sign3A_1409 : i32
      %sign3A_1411 = arith.extui %sign3A_1410 : i1 to i32
      %sign3A_1412 = arith.subi %sign3A_1408, %sign3A_1411 : i32
      %sign3A_1413 = arith.constant 0 : i32
      %sign3A_1414 = arith.cmpi sgt, %jit3A_1404, %sign3A_1413 : i32
      %sign3A_1415 = arith.extui %sign3A_1414 : i1 to i32
      %sign3A_1416 = arith.constant 0 : i32
      %sign3A_1417 = arith.cmpi slt, %jit3A_1404, %sign3A_1416 : i32
      %sign3A_1418 = arith.extui %sign3A_1417 : i1 to i32
      %sign3A_1419 = arith.subi %sign3A_1415, %sign3A_1418 : i32
      %ne3A_1420 = arith.cmpi ne, %sign3A_1412, %sign3A_1419 : i32
      %rem3A_1421 = arith.remsi %rem3A_1403, %jit3A_1404 : i32
      %ne3A_1422 = arith.constant 0 : i32
      %ne3A_1423 = arith.cmpi ne, %rem3A_1421, %ne3A_1422 : i32
      %and3A_1424 = arith.andi %ne3A_1420, %ne3A_1423 : i1
      %sub3A_1425 = arith.constant 1 : i32
      %sub3A_1426 = arith.subi %div3A_1405, %sub3A_1425 : i32
      %select_n3A_1427 = arith.select %and3A_1424, %sub3A_1426, %div3A_1405 : i32
      %jit3A_1428 = arith.constant 4 : i32
      %eq3A_1429 = arith.constant 0 : i32
      %eq3A_1430 = arith.cmpi eq, %jit3A_1428, %eq3A_1429 : i32
      %jit3A_1431 = arith.constant 1 : i32
      %select_n3A_1432 = arith.select %eq3A_1430, %jit3A_1431, %jit3A_1428 : i32
      %rem3A_1433 = arith.remsi %rem3A_1403, %select_n3A_1432 : i32
      %ne3A_1434 = arith.constant 0 : i32
      %ne3A_1435 = arith.cmpi ne, %rem3A_1433, %ne3A_1434 : i32
      %lt3A_1436 = arith.constant 0 : i32
      %lt3A_1437 = arith.cmpi slt, %rem3A_1433, %lt3A_1436 : i32
      %lt3A_1438 = arith.constant 0 : i32
      %lt3A_1439 = arith.cmpi slt, %select_n3A_1432, %lt3A_1438 : i32
      %ne3A_1440 = arith.xori %lt3A_1437, %lt3A_1439 : i1
      %and3A_1441 = arith.andi %ne3A_1440, %ne3A_1435 : i1
      %add3A_1442 = arith.addi %rem3A_1433, %select_n3A_1432 : i32
      %select_n3A_1443 = arith.select %and3A_1441, %add3A_1442, %rem3A_1433 : i32
      %mul3A_1444 = arith.constant 128 : i32
      %mul3A_1445 = arith.muli %select_n3A_1443, %mul3A_1444 : i32
      %dma_start3A_1446 = tpu.memref_slice %arg5[%select_n3A_1427, %mul3A_1445] : memref<50x512xi32, #tpu.memory_space<vmem>> -> memref<1x128xi32, #tpu.memory_space<vmem>>
      %dma_start3A_1447 = tpu.memref_squeeze %dma_start3A_1446 : memref<1x128xi32, #tpu.memory_space<vmem>> -> memref<128xi32, #tpu.memory_space<vmem>>
      %dma_start3A_1448 = arith.constant 0 : i32
      %dma_start3A_1449 = arith.constant 0 : i32
      %dma_start3A_1450 = tpu.memref_slice %arg3[%dma_start3A_1448, %dma_start3A_1449] : memref<1000000x32xf32, #tpu.memory_space<hbm>> -> memref<1000000x32xf32, #tpu.memory_space<hbm>>
      tpu.enqueue_indirect_dma source(%dma_start3A_1450 : memref<1000000x32xf32, #tpu.memory_space<hbm>>) target(%arg11 : memref<128x32xf32, #tpu.memory_space<vmem>>) offsets(%dma_start3A_1447 : memref<128xi32, #tpu.memory_space<vmem>>) semaphore(%arg27 : memref<!tpu.dma_semaphore, #tpu.memory_space<semaphore_mem>>)
      %dma_wait3A_1451 = arith.constant 0 : i32
      %dma_wait3A_1452 = arith.constant 0 : i32
      %dma_wait3A_1453 = arith.constant 0 : i32
      %dma_wait3A_1454 = arith.constant 0 : i32
      %dma_wait3A_1455 = arith.constant 0 : i32
      %dma_wait3A_1456 = tpu.memref_slice %arg20[%dma_wait3A_1453, %dma_wait3A_1454, %dma_wait3A_1455] : memref<4x8x129xf32, #tpu.memory_space<vmem>> -> memref<4x8x128xf32, #tpu.memory_space<vmem>>
      %dma_wait3A_1457 = arith.constant 0 : i32
      %dma_wait3A_1458 = arith.constant 0 : i32
      %dma_wait3A_1459 = arith.constant 0 : i32
      %dma_wait3A_1460 = tpu.memref_slice %arg4[%dma_wait3A_1451, %dma_wait3A_1457, %dma_wait3A_1452, %dma_wait3A_1458, %dma_wait3A_1459] : memref<50x4x128x8x128xf32, #tpu.memory_space<hbm>> -> memref<1x4x1x8x128xf32, #tpu.memory_space<hbm>>
      %dma_wait3A_1461 = tpu.memref_squeeze %dma_wait3A_1460 : memref<1x4x1x8x128xf32, #tpu.memory_space<hbm>> -> memref<4x8x128xf32, #tpu.memory_space<hbm>>
      %dma_wait3A_1462 = arith.constant 0 : i32
      %dma_wait3A_1463 = arith.constant 0 : i32
      %dma_wait3A_1464 = arith.constant 0 : i32
      %dma_wait3A_1465 = tpu.memref_slice %arg4[%dma_wait3A_1451, %dma_wait3A_1462, %dma_wait3A_1452, %dma_wait3A_1463, %dma_wait3A_1464] : memref<50x4x128x8x128xf32, #tpu.memory_space<hbm>> -> memref<1x4x1x8x128xf32, #tpu.memory_space<hbm>>
      %dma_wait3A_1466 = tpu.memref_squeeze %dma_wait3A_1465 : memref<1x4x1x8x128xf32, #tpu.memory_space<hbm>> -> memref<4x8x128xf32, #tpu.memory_space<hbm>>
      %dma_wait3A_1467 = arith.constant 0 : i32
      %dma_wait3A_1468 = arith.constant 0 : i32
      %dma_wait3A_1469 = arith.constant 0 : i32
      %dma_wait3A_1470 = tpu.memref_slice %arg20[%dma_wait3A_1467, %dma_wait3A_1468, %dma_wait3A_1469] : memref<4x8x129xf32, #tpu.memory_space<vmem>> -> memref<4x8x128xf32, #tpu.memory_space<vmem>>
      tpu.wait_dma2 semaphore(%arg36 : memref<!tpu.dma_semaphore, #tpu.memory_space<semaphore_mem>>) src(%dma_wait3A_1470 : memref<4x8x128xf32, #tpu.memory_space<vmem>>) dst(%dma_wait3A_1466 : memref<4x8x128xf32, #tpu.memory_space<hbm>>)
      %add3A_1471 = arith.constant 8 : i32
      %add3A_1472 = arith.addi %mul3A_228, %add3A_1471 : i32
      %add3A_1473 = arith.constant 6 : i32
      %add3A_1474 = arith.addi %add3A_1472, %add3A_1473 : i32
      %rem3A_1475 = arith.constant 200 : i32
      %rem3A_1476 = arith.remsi %add3A_1474, %rem3A_1475 : i32
      %jit3A_1477 = arith.constant 4 : i32
      %div3A_1478 = arith.divsi %rem3A_1476, %jit3A_1477 : i32
      %sign3A_1479 = arith.constant 0 : i32
      %sign3A_1480 = arith.cmpi sgt, %rem3A_1476, %sign3A_1479 : i32
      %sign3A_1481 = arith.extui %sign3A_1480 : i1 to i32
      %sign3A_1482 = arith.constant 0 : i32
      %sign3A_1483 = arith.cmpi slt, %rem3A_1476, %sign3A_1482 : i32
      %sign3A_1484 = arith.extui %sign3A_1483 : i1 to i32
      %sign3A_1485 = arith.subi %sign3A_1481, %sign3A_1484 : i32
      %sign3A_1486 = arith.constant 0 : i32
      %sign3A_1487 = arith.cmpi sgt, %jit3A_1477, %sign3A_1486 : i32
      %sign3A_1488 = arith.extui %sign3A_1487 : i1 to i32
      %sign3A_1489 = arith.constant 0 : i32
      %sign3A_1490 = arith.cmpi slt, %jit3A_1477, %sign3A_1489 : i32
      %sign3A_1491 = arith.extui %sign3A_1490 : i1 to i32
      %sign3A_1492 = arith.subi %sign3A_1488, %sign3A_1491 : i32
      %ne3A_1493 = arith.cmpi ne, %sign3A_1485, %sign3A_1492 : i32
      %rem3A_1494 = arith.remsi %rem3A_1476, %jit3A_1477 : i32
      %ne3A_1495 = arith.constant 0 : i32
      %ne3A_1496 = arith.cmpi ne, %rem3A_1494, %ne3A_1495 : i32
      %and3A_1497 = arith.andi %ne3A_1493, %ne3A_1496 : i1
      %sub3A_1498 = arith.constant 1 : i32
      %sub3A_1499 = arith.subi %div3A_1478, %sub3A_1498 : i32
      %select_n3A_1500 = arith.select %and3A_1497, %sub3A_1499, %div3A_1478 : i32
      %jit3A_1501 = arith.constant 4 : i32
      %eq3A_1502 = arith.constant 0 : i32
      %eq3A_1503 = arith.cmpi eq, %jit3A_1501, %eq3A_1502 : i32
      %jit3A_1504 = arith.constant 1 : i32
      %select_n3A_1505 = arith.select %eq3A_1503, %jit3A_1504, %jit3A_1501 : i32
      %rem3A_1506 = arith.remsi %rem3A_1476, %select_n3A_1505 : i32
      %ne3A_1507 = arith.constant 0 : i32
      %ne3A_1508 = arith.cmpi ne, %rem3A_1506, %ne3A_1507 : i32
      %lt3A_1509 = arith.constant 0 : i32
      %lt3A_1510 = arith.cmpi slt, %rem3A_1506, %lt3A_1509 : i32
      %lt3A_1511 = arith.constant 0 : i32
      %lt3A_1512 = arith.cmpi slt, %select_n3A_1505, %lt3A_1511 : i32
      %ne3A_1513 = arith.xori %lt3A_1510, %lt3A_1512 : i1
      %and3A_1514 = arith.andi %ne3A_1513, %ne3A_1508 : i1
      %add3A_1515 = arith.addi %rem3A_1506, %select_n3A_1505 : i32
      %select_n3A_1516 = arith.select %and3A_1514, %add3A_1515, %rem3A_1506 : i32
      %mul3A_1517 = arith.constant 128 : i32
      %mul3A_1518 = arith.muli %select_n3A_1516, %mul3A_1517 : i32
      %dma_start3A_1519 = tpu.memref_slice %arg5[%select_n3A_1500, %mul3A_1518] : memref<50x512xi32, #tpu.memory_space<vmem>> -> memref<1x128xi32, #tpu.memory_space<vmem>>
      %dma_start3A_1520 = tpu.memref_squeeze %dma_start3A_1519 : memref<1x128xi32, #tpu.memory_space<vmem>> -> memref<128xi32, #tpu.memory_space<vmem>>
      %dma_start3A_1521 = arith.constant 0 : i32
      %dma_start3A_1522 = arith.constant 0 : i32
      %dma_start3A_1523 = tpu.memref_slice %arg3[%dma_start3A_1521, %dma_start3A_1522] : memref<1000000x32xf32, #tpu.memory_space<hbm>> -> memref<1000000x32xf32, #tpu.memory_space<hbm>>
      tpu.enqueue_indirect_dma source(%dma_start3A_1523 : memref<1000000x32xf32, #tpu.memory_space<hbm>>) target(%arg12 : memref<128x32xf32, #tpu.memory_space<vmem>>) offsets(%dma_start3A_1520 : memref<128xi32, #tpu.memory_space<vmem>>) semaphore(%arg28 : memref<!tpu.dma_semaphore, #tpu.memory_space<semaphore_mem>>)
      %dma_wait3A_1524 = arith.constant 0 : i32
      %dma_wait3A_1525 = arith.constant 0 : i32
      %dma_wait3A_1526 = arith.constant 0 : i32
      %dma_wait3A_1527 = arith.constant 0 : i32
      %dma_wait3A_1528 = arith.constant 0 : i32
      %dma_wait3A_1529 = tpu.memref_slice %arg21[%dma_wait3A_1526, %dma_wait3A_1527, %dma_wait3A_1528] : memref<4x8x129xf32, #tpu.memory_space<vmem>> -> memref<4x8x128xf32, #tpu.memory_space<vmem>>
      %dma_wait3A_1530 = arith.constant 0 : i32
      %dma_wait3A_1531 = arith.constant 0 : i32
      %dma_wait3A_1532 = arith.constant 0 : i32
      %dma_wait3A_1533 = tpu.memref_slice %arg4[%dma_wait3A_1524, %dma_wait3A_1530, %dma_wait3A_1525, %dma_wait3A_1531, %dma_wait3A_1532] : memref<50x4x128x8x128xf32, #tpu.memory_space<hbm>> -> memref<1x4x1x8x128xf32, #tpu.memory_space<hbm>>
      %dma_wait3A_1534 = tpu.memref_squeeze %dma_wait3A_1533 : memref<1x4x1x8x128xf32, #tpu.memory_space<hbm>> -> memref<4x8x128xf32, #tpu.memory_space<hbm>>
      %dma_wait3A_1535 = arith.constant 0 : i32
      %dma_wait3A_1536 = arith.constant 0 : i32
      %dma_wait3A_1537 = arith.constant 0 : i32
      %dma_wait3A_1538 = tpu.memref_slice %arg4[%dma_wait3A_1524, %dma_wait3A_1535, %dma_wait3A_1525, %dma_wait3A_1536, %dma_wait3A_1537] : memref<50x4x128x8x128xf32, #tpu.memory_space<hbm>> -> memref<1x4x1x8x128xf32, #tpu.memory_space<hbm>>
      %dma_wait3A_1539 = tpu.memref_squeeze %dma_wait3A_1538 : memref<1x4x1x8x128xf32, #tpu.memory_space<hbm>> -> memref<4x8x128xf32, #tpu.memory_space<hbm>>
      %dma_wait3A_1540 = arith.constant 0 : i32
      %dma_wait3A_1541 = arith.constant 0 : i32
      %dma_wait3A_1542 = arith.constant 0 : i32
      %dma_wait3A_1543 = tpu.memref_slice %arg21[%dma_wait3A_1540, %dma_wait3A_1541, %dma_wait3A_1542] : memref<4x8x129xf32, #tpu.memory_space<vmem>> -> memref<4x8x128xf32, #tpu.memory_space<vmem>>
      tpu.wait_dma2 semaphore(%arg37 : memref<!tpu.dma_semaphore, #tpu.memory_space<semaphore_mem>>) src(%dma_wait3A_1543 : memref<4x8x128xf32, #tpu.memory_space<vmem>>) dst(%dma_wait3A_1539 : memref<4x8x128xf32, #tpu.memory_space<hbm>>)
      %add3A_1544 = arith.constant 8 : i32
      %add3A_1545 = arith.addi %mul3A_228, %add3A_1544 : i32
      %add3A_1546 = arith.constant 7 : i32
      %add3A_1547 = arith.addi %add3A_1545, %add3A_1546 : i32
      %rem3A_1548 = arith.constant 200 : i32
      %rem3A_1549 = arith.remsi %add3A_1547, %rem3A_1548 : i32
      %jit3A_1550 = arith.constant 4 : i32
      %div3A_1551 = arith.divsi %rem3A_1549, %jit3A_1550 : i32
      %sign3A_1552 = arith.constant 0 : i32
      %sign3A_1553 = arith.cmpi sgt, %rem3A_1549, %sign3A_1552 : i32
      %sign3A_1554 = arith.extui %sign3A_1553 : i1 to i32
      %sign3A_1555 = arith.constant 0 : i32
      %sign3A_1556 = arith.cmpi slt, %rem3A_1549, %sign3A_1555 : i32
      %sign3A_1557 = arith.extui %sign3A_1556 : i1 to i32
      %sign3A_1558 = arith.subi %sign3A_1554, %sign3A_1557 : i32
      %sign3A_1559 = arith.constant 0 : i32
      %sign3A_1560 = arith.cmpi sgt, %jit3A_1550, %sign3A_1559 : i32
      %sign3A_1561 = arith.extui %sign3A_1560 : i1 to i32
      %sign3A_1562 = arith.constant 0 : i32
      %sign3A_1563 = arith.cmpi slt, %jit3A_1550, %sign3A_1562 : i32
      %sign3A_1564 = arith.extui %sign3A_1563 : i1 to i32
      %sign3A_1565 = arith.subi %sign3A_1561, %sign3A_1564 : i32
      %ne3A_1566 = arith.cmpi ne, %sign3A_1558, %sign3A_1565 : i32
      %rem3A_1567 = arith.remsi %rem3A_1549, %jit3A_1550 : i32
      %ne3A_1568 = arith.constant 0 : i32
      %ne3A_1569 = arith.cmpi ne, %rem3A_1567, %ne3A_1568 : i32
      %and3A_1570 = arith.andi %ne3A_1566, %ne3A_1569 : i1
      %sub3A_1571 = arith.constant 1 : i32
      %sub3A_1572 = arith.subi %div3A_1551, %sub3A_1571 : i32
      %select_n3A_1573 = arith.select %and3A_1570, %sub3A_1572, %div3A_1551 : i32
      %jit3A_1574 = arith.constant 4 : i32
      %eq3A_1575 = arith.constant 0 : i32
      %eq3A_1576 = arith.cmpi eq, %jit3A_1574, %eq3A_1575 : i32
      %jit3A_1577 = arith.constant 1 : i32
      %select_n3A_1578 = arith.select %eq3A_1576, %jit3A_1577, %jit3A_1574 : i32
      %rem3A_1579 = arith.remsi %rem3A_1549, %select_n3A_1578 : i32
      %ne3A_1580 = arith.constant 0 : i32
      %ne3A_1581 = arith.cmpi ne, %rem3A_1579, %ne3A_1580 : i32
      %lt3A_1582 = arith.constant 0 : i32
      %lt3A_1583 = arith.cmpi slt, %rem3A_1579, %lt3A_1582 : i32
      %lt3A_1584 = arith.constant 0 : i32
      %lt3A_1585 = arith.cmpi slt, %select_n3A_1578, %lt3A_1584 : i32
      %ne3A_1586 = arith.xori %lt3A_1583, %lt3A_1585 : i1
      %and3A_1587 = arith.andi %ne3A_1586, %ne3A_1581 : i1
      %add3A_1588 = arith.addi %rem3A_1579, %select_n3A_1578 : i32
      %select_n3A_1589 = arith.select %and3A_1587, %add3A_1588, %rem3A_1579 : i32
      %mul3A_1590 = arith.constant 128 : i32
      %mul3A_1591 = arith.muli %select_n3A_1589, %mul3A_1590 : i32
      %dma_start3A_1592 = tpu.memref_slice %arg5[%select_n3A_1573, %mul3A_1591] : memref<50x512xi32, #tpu.memory_space<vmem>> -> memref<1x128xi32, #tpu.memory_space<vmem>>
      %dma_start3A_1593 = tpu.memref_squeeze %dma_start3A_1592 : memref<1x128xi32, #tpu.memory_space<vmem>> -> memref<128xi32, #tpu.memory_space<vmem>>
      %dma_start3A_1594 = arith.constant 0 : i32
      %dma_start3A_1595 = arith.constant 0 : i32
      %dma_start3A_1596 = tpu.memref_slice %arg3[%dma_start3A_1594, %dma_start3A_1595] : memref<1000000x32xf32, #tpu.memory_space<hbm>> -> memref<1000000x32xf32, #tpu.memory_space<hbm>>
      tpu.enqueue_indirect_dma source(%dma_start3A_1596 : memref<1000000x32xf32, #tpu.memory_space<hbm>>) target(%arg13 : memref<128x32xf32, #tpu.memory_space<vmem>>) offsets(%dma_start3A_1593 : memref<128xi32, #tpu.memory_space<vmem>>) semaphore(%arg29 : memref<!tpu.dma_semaphore, #tpu.memory_space<semaphore_mem>>)
    }
    %scan3A_170 = arith.constant 25 : i32
    %dma_wait3A = arith.constant 0 : i32
    %dma_wait3A_171 = arith.constant 0 : i32
    %dma_wait3A_172 = tpu.memref_slice %arg5[%dma_wait3A, %dma_wait3A_171] : memref<50x512xi32, #tpu.memory_space<vmem>> -> memref<1x128xi32, #tpu.memory_space<vmem>>
    %dma_wait3A_173 = tpu.memref_squeeze %dma_wait3A_172 : memref<1x128xi32, #tpu.memory_space<vmem>> -> memref<128xi32, #tpu.memory_space<vmem>>
    %dma_wait3A_174 = arith.constant 0 : i32
    %dma_wait3A_175 = arith.constant 0 : i32
    %dma_wait3A_176 = tpu.memref_slice %arg3[%dma_wait3A_174, %dma_wait3A_175] : memref<1000000x32xf32, #tpu.memory_space<hbm>> -> memref<1000000x32xf32, #tpu.memory_space<hbm>>
    tpu.wait_indirect_dma semaphore(%arg22 : memref<!tpu.dma_semaphore, #tpu.memory_space<semaphore_mem>>) src(%dma_wait3A_176 : memref<1000000x32xf32, #tpu.memory_space<hbm>>) dst(%arg6 : memref<128x32xf32, #tpu.memory_space<vmem>>)
    %dma_wait3A_177 = arith.constant 0 : i32
    %dma_wait3A_178 = arith.constant 0 : i32
    %dma_wait3A_179 = tpu.memref_slice %arg5[%dma_wait3A_177, %dma_wait3A_178] : memref<50x512xi32, #tpu.memory_space<vmem>> -> memref<1x128xi32, #tpu.memory_space<vmem>>
    %dma_wait3A_180 = tpu.memref_squeeze %dma_wait3A_179 : memref<1x128xi32, #tpu.memory_space<vmem>> -> memref<128xi32, #tpu.memory_space<vmem>>
    %dma_wait3A_181 = arith.constant 0 : i32
    %dma_wait3A_182 = arith.constant 0 : i32
    %dma_wait3A_183 = tpu.memref_slice %arg3[%dma_wait3A_181, %dma_wait3A_182] : memref<1000000x32xf32, #tpu.memory_space<hbm>> -> memref<1000000x32xf32, #tpu.memory_space<hbm>>
    tpu.wait_indirect_dma semaphore(%arg23 : memref<!tpu.dma_semaphore, #tpu.memory_space<semaphore_mem>>) src(%dma_wait3A_183 : memref<1000000x32xf32, #tpu.memory_space<hbm>>) dst(%arg7 : memref<128x32xf32, #tpu.memory_space<vmem>>)
    %dma_wait3A_184 = arith.constant 0 : i32
    %dma_wait3A_185 = arith.constant 0 : i32
    %dma_wait3A_186 = tpu.memref_slice %arg5[%dma_wait3A_184, %dma_wait3A_185] : memref<50x512xi32, #tpu.memory_space<vmem>> -> memref<1x128xi32, #tpu.memory_space<vmem>>
    %dma_wait3A_187 = tpu.memref_squeeze %dma_wait3A_186 : memref<1x128xi32, #tpu.memory_space<vmem>> -> memref<128xi32, #tpu.memory_space<vmem>>
    %dma_wait3A_188 = arith.constant 0 : i32
    %dma_wait3A_189 = arith.constant 0 : i32
    %dma_wait3A_190 = tpu.memref_slice %arg3[%dma_wait3A_188, %dma_wait3A_189] : memref<1000000x32xf32, #tpu.memory_space<hbm>> -> memref<1000000x32xf32, #tpu.memory_space<hbm>>
    tpu.wait_indirect_dma semaphore(%arg24 : memref<!tpu.dma_semaphore, #tpu.memory_space<semaphore_mem>>) src(%dma_wait3A_190 : memref<1000000x32xf32, #tpu.memory_space<hbm>>) dst(%arg8 : memref<128x32xf32, #tpu.memory_space<vmem>>)
    %dma_wait3A_191 = arith.constant 0 : i32
    %dma_wait3A_192 = arith.constant 0 : i32
    %dma_wait3A_193 = tpu.memref_slice %arg5[%dma_wait3A_191, %dma_wait3A_192] : memref<50x512xi32, #tpu.memory_space<vmem>> -> memref<1x128xi32, #tpu.memory_space<vmem>>
    %dma_wait3A_194 = tpu.memref_squeeze %dma_wait3A_193 : memref<1x128xi32, #tpu.memory_space<vmem>> -> memref<128xi32, #tpu.memory_space<vmem>>
    %dma_wait3A_195 = arith.constant 0 : i32
    %dma_wait3A_196 = arith.constant 0 : i32
    %dma_wait3A_197 = tpu.memref_slice %arg3[%dma_wait3A_195, %dma_wait3A_196] : memref<1000000x32xf32, #tpu.memory_space<hbm>> -> memref<1000000x32xf32, #tpu.memory_space<hbm>>
    tpu.wait_indirect_dma semaphore(%arg25 : memref<!tpu.dma_semaphore, #tpu.memory_space<semaphore_mem>>) src(%dma_wait3A_197 : memref<1000000x32xf32, #tpu.memory_space<hbm>>) dst(%arg9 : memref<128x32xf32, #tpu.memory_space<vmem>>)
    %dma_wait3A_198 = arith.constant 0 : i32
    %dma_wait3A_199 = arith.constant 0 : i32
    %dma_wait3A_200 = tpu.memref_slice %arg5[%dma_wait3A_198, %dma_wait3A_199] : memref<50x512xi32, #tpu.memory_space<vmem>> -> memref<1x128xi32, #tpu.memory_space<vmem>>
    %dma_wait3A_201 = tpu.memref_squeeze %dma_wait3A_200 : memref<1x128xi32, #tpu.memory_space<vmem>> -> memref<128xi32, #tpu.memory_space<vmem>>
    %dma_wait3A_202 = arith.constant 0 : i32
    %dma_wait3A_203 = arith.constant 0 : i32
    %dma_wait3A_204 = tpu.memref_slice %arg3[%dma_wait3A_202, %dma_wait3A_203] : memref<1000000x32xf32, #tpu.memory_space<hbm>> -> memref<1000000x32xf32, #tpu.memory_space<hbm>>
    tpu.wait_indirect_dma semaphore(%arg26 : memref<!tpu.dma_semaphore, #tpu.memory_space<semaphore_mem>>) src(%dma_wait3A_204 : memref<1000000x32xf32, #tpu.memory_space<hbm>>) dst(%arg10 : memref<128x32xf32, #tpu.memory_space<vmem>>)
    %dma_wait3A_205 = arith.constant 0 : i32
    %dma_wait3A_206 = arith.constant 0 : i32
    %dma_wait3A_207 = tpu.memref_slice %arg5[%dma_wait3A_205, %dma_wait3A_206] : memref<50x512xi32, #tpu.memory_space<vmem>> -> memref<1x128xi32, #tpu.memory_space<vmem>>
    %dma_wait3A_208 = tpu.memref_squeeze %dma_wait3A_207 : memref<1x128xi32, #tpu.memory_space<vmem>> -> memref<128xi32, #tpu.memory_space<vmem>>
    %dma_wait3A_209 = arith.constant 0 : i32
    %dma_wait3A_210 = arith.constant 0 : i32
    %dma_wait3A_211 = tpu.memref_slice %arg3[%dma_wait3A_209, %dma_wait3A_210] : memref<1000000x32xf32, #tpu.memory_space<hbm>> -> memref<1000000x32xf32, #tpu.memory_space<hbm>>
    tpu.wait_indirect_dma semaphore(%arg27 : memref<!tpu.dma_semaphore, #tpu.memory_space<semaphore_mem>>) src(%dma_wait3A_211 : memref<1000000x32xf32, #tpu.memory_space<hbm>>) dst(%arg11 : memref<128x32xf32, #tpu.memory_space<vmem>>)
    %dma_wait3A_212 = arith.constant 0 : i32
    %dma_wait3A_213 = arith.constant 0 : i32
    %dma_wait3A_214 = tpu.memref_slice %arg5[%dma_wait3A_212, %dma_wait3A_213] : memref<50x512xi32, #tpu.memory_space<vmem>> -> memref<1x128xi32, #tpu.memory_space<vmem>>
    %dma_wait3A_215 = tpu.memref_squeeze %dma_wait3A_214 : memref<1x128xi32, #tpu.memory_space<vmem>> -> memref<128xi32, #tpu.memory_space<vmem>>
    %dma_wait3A_216 = arith.constant 0 : i32
    %dma_wait3A_217 = arith.constant 0 : i32
    %dma_wait3A_218 = tpu.memref_slice %arg3[%dma_wait3A_216, %dma_wait3A_217] : memref<1000000x32xf32, #tpu.memory_space<hbm>> -> memref<1000000x32xf32, #tpu.memory_space<hbm>>
    tpu.wait_indirect_dma semaphore(%arg28 : memref<!tpu.dma_semaphore, #tpu.memory_space<semaphore_mem>>) src(%dma_wait3A_218 : memref<1000000x32xf32, #tpu.memory_space<hbm>>) dst(%arg12 : memref<128x32xf32, #tpu.memory_space<vmem>>)
    %dma_wait3A_219 = arith.constant 0 : i32
    %dma_wait3A_220 = arith.constant 0 : i32
    %dma_wait3A_221 = tpu.memref_slice %arg5[%dma_wait3A_219, %dma_wait3A_220] : memref<50x512xi32, #tpu.memory_space<vmem>> -> memref<1x128xi32, #tpu.memory_space<vmem>>
    %dma_wait3A_222 = tpu.memref_squeeze %dma_wait3A_221 : memref<1x128xi32, #tpu.memory_space<vmem>> -> memref<128xi32, #tpu.memory_space<vmem>>
    %dma_wait3A_223 = arith.constant 0 : i32
    %dma_wait3A_224 = arith.constant 0 : i32
    %dma_wait3A_225 = tpu.memref_slice %arg3[%dma_wait3A_223, %dma_wait3A_224] : memref<1000000x32xf32, #tpu.memory_space<hbm>> -> memref<1000000x32xf32, #tpu.memory_space<hbm>>
    tpu.wait_indirect_dma semaphore(%arg29 : memref<!tpu.dma_semaphore, #tpu.memory_space<semaphore_mem>>) src(%dma_wait3A_225 : memref<1000000x32xf32, #tpu.memory_space<hbm>>) dst(%arg13 : memref<128x32xf32, #tpu.memory_space<vmem>>)
    return
  }
}

</mosaic_0001>

<sc_bundles>
// kernel: kernel.3.cloned.1.call-start
scs
__scs_entry_jumppad:
0x0: {  	(pc) =	sbr.rel $0x88, $3  }
0x1: {  	(tag) =	ssettag $0x0;
	lr =	simm.s32 $0x1  }
0x2: {  	[smem:$0x3F9F] =	sst lr;
	_ =	strace $0xD0000000  }
0x3: {  	_ = 	snop  }
0x4: {  	_ = 	snop  }
0x5: {  	_ = 	snop  }
0x6: {  	_ = 	snop  }
0x7: {  	_ = 	snop  }
__scs_overlays_trampoline_lowered:
0x8: {  	[smem:$0x3FAE] =	sst s0  }
0x9: {  	[smem:$0x3FAF] =	sst s1  }
0xa: {  	[smem:$0x3FB0] =	sst s2  }
0xb: {  	[smem:$0x3FB1] =	sst s3  }
0xc: {  	[smem:$0x3FB2] =	sst s4  }
0xd: {  	[smem:$0x3FB3] =	sst s5  }
0xe: {  	[smem:$0x3FB4] =	sst s6  }
0xf: {  	[smem:$0x3FB5] =	sst s7  }
0x10: {  	[smem:$0x3FB6] =	sst s8  }
0x11: {  	[smem:$0x3FB7] =	sst s9;
	s0 =	simm.s32 @!p0 $0x0  }
0x12: {  	s1 =	sld [smem:$0x3F9D];
	s0 =	simm.s32 @p0 $0x1  }
0x13: {  	[smem:$0x3FB8] =	sst s0;
	s0 =	simm.s32 @!p1 $0x0  }
0x14: {  	s2 =	sld [smem:$0x3F9C];
	s0 =	simm.s32 @p1 $0x1  }
0x15: {  	[smem:$0x3FB9] =	sst s0;
	s0 =	simm.s32 @!p2 $0x0  }
0x16: {  	s3 =	sld [smem:$0x3FDB];
	s0 =	simm.s32 @p2 $0x1  }
0x17: {  	s4 =	simm.s32 $0x1BF5;
	[smem:$0x3FBB] =	sst s0  }
0x18: {  	s0 =	sld [smem:$0x3F9E];
	_ =	swait.ge [sflag:s4], $0x0  }
0x19: {  	s7 =	sld [smem:$0x3F9F]  }
0x1a: {  	s8 =	sadd.s32 $0xFFFFE003, lr  }
0x1b: {  	s9 =	sadd.s32 $0xFFFFFEF7, lr;
	s5 =	simm.s32 $0xFFFFFFFF;
	p2 =	slt.u32 s8, $0xFFFFF086  }
0x1c: {  	p1 =	slt.u32 s9, $0xF7A;
	s5 =	simm.s32 @!p2 $0x0  }
0x1d: {  	s5 =	simm.s32 @p1 $0x1;
	p0 =	seq.s32 s7, s2  }
0x1e: {  	s7 =	smul.u32 @!p0 $0xF7A, s2;
	p2 =	seq.s32 @!p0 s5, $0x0  }
0x1f: {  	s9 =	smul.u32 $0xF7A, s1;
	s8 =	simm.s32 @!p0 $0x1BF5;
	p2 =	por !p2, p0  }
0x20: {  	[sflag:s8] =	ssyncset.s32 @!p0 $0xFFFFF086;
	s6 =	sadd.s32 @!p0 s3, s7;
	s7 =	simm.s32 @!p0 $0x108  }
0x21: {  	s3 =	sadd.s32 s3, s9;
	s6 =	sadd.s32 @!p0 $0x88, s6;
	s7 =	simm.s32 @p2 $0x1082  }
0x22: {  	[simem:s7], [sflag:s8] =	dma.local @!p0 [hbm:s6], $0xF7A  }
0x23: {  	s9 =	sor.u32 $0xD0000000, s2;
	s6 =	simm.s32 $0x108;
	_ =	swait.ge @!p0 [sflag:s8], $0x0  }
0x24: {  	s3 =	sadd.s32 $0x88, s3;
	s6 =	simm.s32 @!p1 $0x1082;
	[sflag:s4] =	ssyncset.s32 $0xFFFFF086  }
0x25: {  	[simem:s6], [sflag:s4] =	dma.local [hbm:s3], $0xF7A  }
0x26: {  	[smem:$0x3F9F] =	sst s1;
	(tag) =	ssettag s2;
	_ =	strace s9  }
0x27: {  	s1 =	sld [smem:$0x3FAF]  }
0x28: {  	s2 =	sld [smem:$0x3FB0]  }
0x29: {  	s4 =	sld [smem:$0x3FB2]  }
0x2a: {  	p0 =	seq.s32 s5, $0x0;
	s5 =	sld [smem:$0x3FB3]  }
0x2b: {  	s6 =	sld [smem:$0x3FB4]  }
0x2c: {  	s7 =	sld [smem:$0x3FB5]  }
0x2d: {  	s3 =	simm.s32 $0x108;
	s8 =	sld [smem:$0x3FB6]  }
0x2e: {  	s3 =	simm.s32 @!p0 $0x1082;
	s9 =	sld [smem:$0x3FB7]  }
0x2f: {  	lr =	sadd.s32 s0, s3;
	s0 =	sld [smem:$0x3FAE]  }
0x30: {  	s3 =	sld [smem:$0x3FB1]  }
0x31: {  	[smem:$0x3FBA] =	sst s10  }
0x32: {  	s10 =	sld [smem:$0x3FB8];
	_ =	sdelay $0x3  }
0x33: {  	p0 =	seq.s32 s10, $0x1;
	s10 =	sld [smem:$0x3FBA];
	_ =	sdelay $0x3  }
0x34: {  	[smem:$0x3FBA] =	sst s10  }
0x35: {  	s10 =	sld [smem:$0x3FB9];
	_ =	sdelay $0x3  }
0x36: {  	p1 =	seq.s32 s10, $0x1;
	s10 =	sld [smem:$0x3FBA];
	_ =	sdelay $0x3  }
0x37: {  	[smem:$0x3FBA] =	sst s10  }
0x38: {  	s10 =	sld [smem:$0x3FBB]  }
0x39: {  	_ = 	snop;
	(pc) =	sbr.ind lr, $3  }
0x3a: {  	_ = 	snop  }
0x3b: {  	_ = 	snop  }
0x3c: {  	p2 =	seq.s32 s10, $0x1;
	s10 =	sld [smem:$0x3FBA]  }
0x3d: {  	_ =	shalt  }
0x3e: {  	_ =	shalt  }
0x3f: {  	_ =	shalt  }
0x40: {  	_ =	shalt  }
0x41: {  	_ =	shalt  }
0x42: {  	_ =	shalt  }
0x43: {  	_ =	shalt  }
0x44: {  	_ =	shalt  }
0x45: {  	_ =	shalt  }
0x46: {  	_ =	shalt  }
0x47: {  	_ =	shalt  }
0x48: {  	_ =	shalt  }
0x49: {  	_ =	shalt  }
0x4a: {  	_ =	shalt  }
0x4b: {  	_ =	shalt  }
0x4c: {  	_ =	shalt  }
0x4d: {  	_ =	shalt  }
0x4e: {  	_ =	shalt  }
0x4f: {  	_ =	shalt  }
0x50: {  	_ =	shalt  }
0x51: {  	_ =	shalt  }
0x52: {  	_ =	shalt  }
0x53: {  	_ =	shalt  }
0x54: {  	_ =	shalt  }
0x55: {  	_ =	shalt  }
0x56: {  	_ =	shalt  }
0x57: {  	_ =	shalt  }
0x58: {  	_ =	shalt  }
0x59: {  	_ =	shalt  }
0x5a: {  	_ =	shalt  }
0x5b: {  	_ =	shalt  }
0x5c: {  	_ =	shalt  }
0x5d: {  	_ =	shalt  }
0x5e: {  	_ =	shalt  }
0x5f: {  	_ =	shalt  }
0x60: {  	_ =	shalt  }
0x61: {  	_ =	shalt  }
0x62: {  	_ =	shalt  }
0x63: {  	_ =	shalt  }
0x64: {  	_ =	shalt  }
0x65: {  	_ =	shalt  }
0x66: {  	_ =	shalt  }
0x67: {  	_ =	shalt  }
0x68: {  	_ =	shalt  }
0x69: {  	_ =	shalt  }
0x6a: {  	_ =	shalt  }
0x6b: {  	_ =	shalt  }
0x6c: {  	_ =	shalt  }
0x6d: {  	_ =	shalt  }
0x6e: {  	_ =	shalt  }
0x6f: {  	_ =	shalt  }
0x70: {  	_ =	shalt  }
0x71: {  	_ =	shalt  }
0x72: {  	_ =	shalt  }
0x73: {  	_ =	shalt  }
0x74: {  	_ =	shalt  }
0x75: {  	_ =	shalt  }
0x76: {  	_ =	shalt  }
0x77: {  	_ =	shalt  }
0x78: {  	_ =	shalt  }
0x79: {  	_ =	shalt  }
0x7a: {  	_ =	shalt  }
0x7b: {  	_ =	shalt  }
0x7c: {  	_ =	shalt  }
0x7d: {  	_ =	shalt  }
0x7e: {  	_ =	shalt  }
0x7f: {  	_ =	shalt  }
0x80: {  	_ =	shalt  }
0x81: {  	_ =	shalt  }
0x82: {  	_ =	shalt  }
0x83: {  	_ =	shalt  }
0x84: {  	_ =	shalt  }
0x85: {  	_ =	shalt  }
0x86: {  	_ =	shalt  }
0x87: {  	_ =	shalt  }
.Lfunc_end0:
.L_simem_size_0:
called_computation_lowered:
.L_overlay_start_0:
0x88: {  	s2 =	sld [smem:$0x3FD9]  }
0x89: {  	s3 =	sld [smem:$0x3FFE];
	_ =	sdelay $0x1  }
0x8a: {  	s1 =	srdreg.scid  }
0x8b: {  	s0 =	sand.u32 $0x1, s1  }
0x8c: {  	s17 =	sshll.u32 s0, $0xA;
	s2 =	sadd.s32 s3, s2  }
0x8d: {  	s2 =	sadd.s32 s2, s17  }
0x8e: {  	[smem:$0x3FC6] =	sst s2  }
0x8f: {  	_ = 	snop  }
0x90: {  	s2 =	sld [smem:$0x3FD0];
	(tm) =	ssettm $0x1  }
0x91: {  	s18 =	sld [smem:$0x3FFB];
	_ =	sdelay $0x3  }
0x92: {  	_ =	strace s18  }
0x93: {  	s3 =	sld [smem:$0x3FFC];
	_ =	sdelay $0x3  }
0x94: {  	_ =	strace s3  }
0x95: {  	s3 =	sld [smem:$0x3FFD];
	_ =	sdelay $0x3  }
0x96: {  	_ =	strace s3  }
0x97: {  	_ =	strace $0x8FFFFFFF  }
0x98: {  	s19 =	sld [smem:$0x3FDB];
	_ =	sdelay $0x1  }
0x99: {  	s4 =	simm.s32 $_scs_section_size  }
0x9a: {  	s5 =	simm.s32 $_size__tile_overlayer_lowered;
	s6 =	simm.s32 $_tile_overlayer_lowered  }
0x9b: {  	s22 =	simm.s32 $0x1BFF;
	s21 =	sshll.u32 s6, $0x1;
	s3 =	sadd.s32 s4, s19  }
0x9c: {  	s7 =	simm.s32 $0x0;
	s20 =	sshll.u32 s5, $0x1;
	s5 =	sadd.s32 s21, s3  }
0x9d: {  	[timem:s7], [sflag:s22] =	dma.local [hbm:s5], s20  }
0x9e: {  	_ =	swait.ge [sflag:s22], s20  }
0x9f: {  	s4 =	ssub.s32 $0x0, s20;
	[sflag:s22] =	ssyncset.done $0x0  }
0xa0: {  	[sflag:s22] =	ssyncadd.s32 s4;
	_ =	sdelay $0x1  }
0xa1: {  	s23 =	simm.s32 $0x1B8B  }
0xa2: {  	_ =	swait.ge [sflag:s23], $0x1  }
0xa3: {  	[sflag:s23] =	ssyncset.done $0x0  }
0xa4: {  	s25 =	simm.s32 $0x1B8E;
	s24 =	sld [smem:$0x3FFE];
	[sflag:s23] =	ssyncadd.s32 $0xFFFFFFFF  }
0xa5: {  	s26 =	simm.s32 $execute0_lowered;
	[smem:$0x3FD2] =	sst s25  }
0xa6: {  	s5 =	sshll.u32 s26, $0x1;
	_ =	strace $0x80000046;
	[dreg:$0x1] =	wrdreg $0xFFFFFFFF  }
0xa7: {  	s28 =	simm.s32 $_size_execute0_lowered;
	s3 =	sadd.s32 s3, s5;
	[dreg:$0x0] =	wrdreg $0x0  }
0xa8: {  	s5 =	sshll.u32 s28, $0x1;
	[dreg:$0x2] =	wrdreg s3  }
0xa9: {  	[dreg:$0x3] =	wrdreg s5  }
0xaa: {  	[dreg:$0x4] =	wrdreg $0xC0  }
0xab: {  	_ =	task [dreg:s7], $0x5FFFF  }
0xac: {  	[dreg:$0x1] =	wrdreg $0xFFFFFFFF  }
0xad: {  	[dreg:$0x0] =	wrdreg $0x60  }
0xae: {  	[dreg:$0x2] =	wrdreg s24  }
0xaf: {  	[dreg:$0x3] =	wrdreg s2  }
0xb0: {  	[dreg:$0x4] =	wrdreg $0x9  }
0xb1: {  	_ =	task.clear_ibuf [dreg:s7], $0x5FFFF;
	_ =	strace $0x90000046  }
0xb2: {  	s29 =	simm.s32 $0x9;
	_ =	strace $0x80000048  }
0xb3: {  	_ =	swait.ge [sflag:s29], $0x1  }
0xb4: {  	[sflag:s29] =	ssyncadd.s32 $0xFFFFFFFF  }
0xb5: {  	_ =	strace $0x90000048  }
0xb6: {  	_ =	sfence  }
0xb7: {  	s30 =	sld [smem:$0x0];
	_ =	sdelay $0x2  }
0xb8: {  	s31 =	sshll.u32 s1, $0xD;
	s1 =	sshrl.u32 s1, $0x2  }
0xb9: {  	s3 =	sand.u32 $0x4000, s31;
	s1 =	sadd.s32 s1, s30  }
0xba: {  	s0 =	sor.u32 s3, s0;
	s1 =	sshll.u32 s1, $0x11  }
0xbb: {  	s0 =	sor.u32 s1, s0  }
0xbc: {  	s0 =	sadd.s32 $0x8F2B, s0  }
0xbd: {  	[sflag:s0] =	ssyncadd.remote.s32 $0x1  }
0xbe: {  	_ =	sfence.sel $0xFFFF  }
0xbf: {  	[dreg:$0x0] =	wrdreg $0xFFFFFFFF;
	(pc) =	sbr.abs _section_cstart, $3  }
0xc0: {  	[dreg:$0x1] =	wrdreg $0xFFFFFFFF  }
0xc1: {  	_ =	task.clear_ibuf [dreg:s7], $0x2FFFF;
	_ =	strace $0x9FFFFFFF  }
0xc2: {  	(tm) =	ssettm $0x7FFFFFFF  }
0xc3: {  	_ =	shalt  }
tec
execute0_lowered:
.L_overlay_start_1:
0x0: {  	(tag) =	ssettag $0x1  }
0x1: {  	s0 =	srdreg.scid  }
0x2: {  	s1 =	rddreg [dreg:$0x0];
	s2 =	stileid.u32  }
0x3: {  	s6 =	rddreg [dreg:$0x1];
	s3 =	simm.s32 $0x0;
	s16 =	simm.s32 $0xE400  }
0x4: {  	s31 =	simm.s32 $0x4;
	s15 =	simm.s32 $0x11700;
	s30 =	simm.s32 $0x5  }
0x5: {  	s29 =	simm.s32 $0x6;
	s14 =	simm.s32 $0x15B00;
	s17 =	simm.s32 $0xA  }
0x6: {  	s28 =	simm.s32 $0xB;
	s7 =	simm.s32 $0xE;
	s8 =	simm.s32 $0xF  }
0x7: {  	s9 =	simm.s32 $0x10;
	s0 =	sand.u32 $0x1, s0;
	s2 =	sshll.u32 s2, $0xA  }
0x8: {  	[smem:$0x7FF] =	sst s3;
	s5 =	sadd.s32 $0xF42A00, s1;
	s23 =	sadd.s32 $0x10000, s6  }
0x9: {  	s24 =	sadd.s32 $0x10080, s6;
	_ =	strace $0x80000047;
	[dreg:$0x8] =	wrdreg s23  }
0xa: {  	s25 =	sadd.s32 $0x10100, s6;
	s26 =	sadd.s32 $0x10180, s6;
	[dreg:$0x9] =	wrdreg s24  }
0xb: {  	s4 =	sshll.u32 s0, $0x9;
	s0 =	ssub.s32 $0x2, s0;
	[dreg:$0xa] =	wrdreg s25  }
0xc: {  	[dreg:$0xb] =	wrdreg s26;
	s26 =	simm.s32 $0xF500;
	s24 =	simm.s32 $0x14A00  }
0xd: {  	s25 =	simm.s32 $0x8;
	s4 =	sor.u32 s4, s2;
	s18 =	sshrl.u32 s0, $0x1  }
0xe: {  	s2 =	sshrl.u32 s4, $0x3;
	[dreg:$0x3] =	wrdreg s4;
	s4 =	sadd.s32 s4, s6  }
0xf: {  	s0 =	ssub.s32 s0, s18;
	s18 =	simm.s32 $0x80;
	s20 =	sadd.s32 $0x80, s4  }
0x10: {  	s6 =	simm.s32 $0x9;
	s21 =	sadd.s32 $0x100, s4;
	[dreg:$0x5] =	wrdreg s20  }
0x11: {  	s2 =	sadd.s32 s2, s1;
	s22 =	sadd.s32 $0x180, s4;
	[dreg:$0x6] =	wrdreg s21  }
0x12: {  	v0 =	vlaneseq.u32;
	s0 =	smax.u32 s0, $0x1;
	s1 =	simm.s32 $0x7;
	[dreg:$0x7] =	wrdreg s22  }
0x13: {  	v0 =	vmul.u32 $0x88, v0;
	s4 =	simm.s32 $0xD;
	s19 =	sadd.s32 $0x600, s2;
	[dreg:$0xc] =	wrdreg s0  }
0x14: {  	s20 =	simm.s32 $0x10600;
	s21 =	simm.s32 $0x12800;
	s22 =	simm.s32 $0x13900  }
0x15: {  	v1 =	vadd.s32 $0x880, v0;
	s2 =	simm.s32 $0x0;
	[dreg:$0x4] =	wrdreg s19;
	s19 =	simm.s32 $0xC  }
.LBB2_1:
0x16: {  	[dreg:$0xd] =	wrdreg s2  }
0x17: {  	s0 =	rddreg [dreg:$0x4]  }
0x18: {  	s2 =	simm.s32 $0x200;
	s10 =	simm.s32 $0x4000;
	s12 =	simm.s32 $0x11  }
0x19: {  	[tilespmem:s3], [sflag:$0x11] =	stream.strided.gather [hbm4b:s0+s2], $0x6400, s10, s2, $0x38;
	[tilespmem:$0x16C00] =	vst v63  }
0x1a: {  	_ =	swait.ge [sflag:s12], $0x6400  }
0x1b: {  	[sflag:s12] =	ssyncset.done $0x0  }
0x1c: {  	s13 =	simm.s32 $0x6400;
	[sflag:s12] =	ssyncadd.s32 $0xFFFF9C00  }
0x1d: {  	[tilespmem:s13], [sflag:$0x1] =	stream.indirect.gather [hbm4b:s5+s18], $0x20, s3, s18, $0xb8;
	[tilespmem:$0x16C00] =	vst v63  }
0x1e: {  	s23 =	simm.s32 $0x7400  }
0x1f: {  	[tilespmem:s23], [sflag:$0x2] =	stream.indirect.gather [hbm4b:s5+s18], $0x20, s18, s18, $0xb8;
	[tilespmem:$0x16C00] =	vst v63  }
0x20: {  	s11 =	simm.s32 $0x8400;
	s10 =	simm.s32 $0x100  }
0x21: {  	[tilespmem:s11], [sflag:$0x3] =	stream.indirect.gather [hbm4b:s5+s18], $0x20, s10, s18, $0xb8;
	[tilespmem:$0x16C00] =	vst v63  }
0x22: {  	s12 =	simm.s32 $0x180;
	s13 =	simm.s32 $0x9400  }
0x23: {  	[tilespmem:s13], [sflag:$0x4] =	stream.indirect.gather [hbm4b:s5+s18], $0x20, s12, s18, $0xb8;
	[tilespmem:$0x16C00] =	vst v63  }
0x24: {  	s23 =	simm.s32 $0xA400  }
0x25: {  	[tilespmem:s23], [sflag:$0x5] =	stream.indirect.gather [hbm4b:s5+s18], $0x20, s2, s18, $0xb8;
	[tilespmem:$0x16C00] =	vst v63  }
0x26: {  	s10 =	simm.s32 $0xB400;
	s2 =	simm.s32 $0x280  }
0x27: {  	[tilespmem:s10], [sflag:$0x6] =	stream.indirect.gather [hbm4b:s5+s18], $0x20, s2, s18, $0xb8;
	[tilespmem:$0x16C00] =	vst v63  }
0x28: {  	s11 =	simm.s32 $0x300;
	s12 =	simm.s32 $0xC400  }
0x29: {  	[tilespmem:s12], [sflag:$0x7] =	stream.indirect.gather [hbm4b:s5+s18], $0x20, s11, s18, $0xb8;
	[tilespmem:$0x16C00] =	vst v63  }
0x2a: {  	s13 =	simm.s32 $0x380;
	s23 =	simm.s32 $0xD400;
	s10 =	simm.s32 $0x0  }
0x2b: {  	[tilespmem:s23], [sflag:$0x8] =	stream.indirect.gather [hbm4b:s5+s18], $0x20, s13, s18, $0xb8;
	[tilespmem:$0x16C00] =	vst v63  }
.LBB2_2:
0x2c: {  	s2 =	simm.s32 $0x1  }
0x2d: {  	s0 =	simm.s32 $0x0;
	_ =	swait.ge [sflag:s2], $0x1000  }
0x2e: {  	v2 =	vmov s0;
	[sflag:s2] =	ssyncset.done $0x0  }
0x2f: {  	s11 =	simm.s32 $0x6440;
	v2 =	vand.u32 $0x7C, v2;
	[sflag:s2] =	ssyncadd.s32 $0xFFFFF000  }
0x30: {  	v4 =	vadd.s32 v0, v2;
	v3 =	vld [tilespmem:s11+$0xFFFFFFC0];
	_ =	sdelay $0x4  }
0x31: {  	[tilespmem:v4+s16+$0x0] =	vst.idx.msk $0xffff, v3  }
0x32: {  	v2 =	vadd.s32 v1, v2;
	v3 =	vld [tilespmem:s11+$0xFFFFFFD0];
	_ =	sdelay $0x2  }
0x33: {  	s12 =	simm.s32 $0x1  }
0x34: {  	v4 =	vmov s12  }
0x35: {  	[tilespmem:v2+s16+$0x0] =	vst.idx.msk $0xffff, v3;
	v2 =	vand.u32 $0x7D, v4  }
0x36: {  	v3 =	vld [tilespmem:s11+$0xFFFFFFE0];
	v4 =	vadd.s32 v0, v2;
	_ =	sdelay $0x4  }
0x37: {  	[tilespmem:v4+s16+$0x0] =	vst.idx.msk $0xffff, v3  }
0x38: {  	v2 =	vadd.s32 v1, v2;
	v3 =	vld [tilespmem:s11+$0xFFFFFFF0];
	_ =	sdelay $0x2  }
0x39: {  	s13 =	simm.s32 $0x2  }
0x3a: {  	v4 =	vmov s13  }
0x3b: {  	[tilespmem:v2+s16+$0x0] =	vst.idx.msk $0xffff, v3;
	v2 =	vand.u32 $0x7E, v4  }
0x3c: {  	v3 =	vld [tilespmem:s11+$0x0];
	v4 =	vadd.s32 v0, v2;
	_ =	sdelay $0x4  }
0x3d: {  	[tilespmem:v4+s16+$0x0] =	vst.idx.msk $0xffff, v3  }
0x3e: {  	v2 =	vadd.s32 v1, v2;
	v3 =	vld [tilespmem:s11+$0x10];
	_ =	sdelay $0x2  }
0x3f: {  	s23 =	simm.s32 $0x3  }
0x40: {  	v4 =	vmov s23  }
0x41: {  	[tilespmem:v2+s16+$0x0] =	vst.idx.msk $0xffff, v3;
	v3 =	vand.u32 $0x7F, v4  }
0x42: {  	v2 =	vld [tilespmem:s11+$0x20];
	v4 =	vadd.s32 v0, v3;
	_ =	sdelay $0x4  }
0x43: {  	[tilespmem:v4+s16+$0x0] =	vst.idx.msk $0xffff, v2  }
0x44: {  	v3 =	vadd.s32 v1, v3;
	v2 =	vld [tilespmem:s11+$0x30];
	_ =	sdelay $0x2  }
0x45: {  	s12 =	simm.s32 $0x4  }
0x46: {  	s0 =	simm.s32 $0x8;
	v4 =	vmov s12  }
.LBB2_3:
0x47: {  	p0 =	sne.s32 s0, $0x7C;
	v4 =	vand.u32 $0x7C, v4;
	[tilespmem:v3+s16+$0x0] =	vst.idx.msk $0xffff, v2;
	s11 =	sadd.s32 $0x80, s11  }
0x48: {  	v2 =	vld [tilespmem:s11+$0xFFFFFFC0];
	v3 =	vadd.s32 v0, v4;
	_ =	sdelay $0x4  }
0x49: {  	[tilespmem:v3+s16+$0x0] =	vst.idx.msk $0xffff, v2  }
0x4a: {  	v3 =	vadd.s32 v1, v4;
	v2 =	vld [tilespmem:s11+$0xFFFFFFD0];
	_ =	sdelay $0x2  }
0x4b: {  	s13 =	sadd.s32 $0x1, s12  }
0x4c: {  	v4 =	vmov s13  }
0x4d: {  	[tilespmem:v3+s16+$0x0] =	vst.idx.msk $0xffff, v2;
	v2 =	vand.u32 $0x7D, v4  }
0x4e: {  	v3 =	vld [tilespmem:s11+$0xFFFFFFE0];
	v4 =	vadd.s32 v0, v2;
	_ =	sdelay $0x4  }
0x4f: {  	[tilespmem:v4+s16+$0x0] =	vst.idx.msk $0xffff, v3  }
0x50: {  	v2 =	vadd.s32 v1, v2;
	v3 =	vld [tilespmem:s11+$0xFFFFFFF0];
	_ =	sdelay $0x2  }
0x51: {  	s13 =	sadd.s32 $0x2, s12  }
0x52: {  	v4 =	vmov s13  }
0x53: {  	[tilespmem:v2+s16+$0x0] =	vst.idx.msk $0xffff, v3;
	v2 =	vand.u32 $0x7E, v4  }
0x54: {  	v3 =	vld [tilespmem:s11+$0x0];
	v4 =	vadd.s32 v0, v2;
	_ =	sdelay $0x4  }
0x55: {  	[tilespmem:v4+s16+$0x0] =	vst.idx.msk $0xffff, v3  }
0x56: {  	v2 =	vadd.s32 v1, v2;
	v3 =	vld [tilespmem:s11+$0x10];
	_ =	sdelay $0x2  }
0x57: {  	s13 =	sadd.s32 $0x3, s12;
	s12 =	smov.u32 s0  }
0x58: {  	v4 =	vmov s13  }
0x59: {  	[tilespmem:v2+s16+$0x0] =	vst.idx.msk $0xffff, v3;
	v3 =	vand.u32 $0x7F, v4  }
0x5a: {  	v2 =	vld [tilespmem:s11+$0x20];
	v4 =	vadd.s32 v0, v3;
	_ =	sdelay $0x4  }
0x5b: {  	[tilespmem:v4+s16+$0x0] =	vst.idx.msk $0xffff, v2  }
.Ltmp0:
0x5c: {  	v3 =	vadd.s32 v1, v3;
	v2 =	vld [tilespmem:s11+$0x30];
	(pc) =	sbr.rel @p0 .LBB2_3-.Ltmp0, $2  }
0x5d: {  	_ =	sdelay $0x2  }
0x5e: {  	s0 =	sadd.s32 $0x4, s0;
	v4 =	vmov s12  }
0x5f: {  	_ =	sdelay $0x3  }
0x60: {  	v4 =	vand.u32 $0x7C, v4;
	[tilespmem:v3+s16+$0x0] =	vst.idx.msk $0xffff, v2;
	s0 =	sadd.s32 $0x80, s11  }
0x61: {  	v2 =	vld [tilespmem:s0+$0xFFFFFFC0];
	v3 =	vadd.s32 v0, v4;
	_ =	sdelay $0x4  }
0x62: {  	[tilespmem:v3+s16+$0x0] =	vst.idx.msk $0xffff, v2  }
0x63: {  	v3 =	vadd.s32 v1, v4;
	v2 =	vld [tilespmem:s0+$0xFFFFFFD0];
	_ =	sdelay $0x2  }
0x64: {  	s13 =	sadd.s32 $0x1, s12  }
0x65: {  	v4 =	vmov s13  }
0x66: {  	[tilespmem:v3+s16+$0x0] =	vst.idx.msk $0xffff, v2;
	v2 =	vand.u32 $0x7D, v4  }
0x67: {  	v3 =	vld [tilespmem:s0+$0xFFFFFFE0];
	v4 =	vadd.s32 v0, v2;
	_ =	sdelay $0x4  }
0x68: {  	[tilespmem:v4+s16+$0x0] =	vst.idx.msk $0xffff, v3  }
0x69: {  	v2 =	vadd.s32 v1, v2;
	v3 =	vld [tilespmem:s0+$0xFFFFFFF0];
	_ =	sdelay $0x2  }
0x6a: {  	s23 =	sadd.s32 $0x2, s12  }
0x6b: {  	v4 =	vmov s23  }
0x6c: {  	[tilespmem:v2+s16+$0x0] =	vst.idx.msk $0xffff, v3;
	v2 =	vand.u32 $0x7E, v4  }
0x6d: {  	v3 =	vld [tilespmem:s0+$0x0];
	v4 =	vadd.s32 v0, v2;
	_ =	sdelay $0x4  }
0x6e: {  	[tilespmem:v4+s16+$0x0] =	vst.idx.msk $0xffff, v3  }
0x6f: {  	v2 =	vadd.s32 v1, v2;
	v3 =	vld [tilespmem:s0+$0x10];
	_ =	sdelay $0x2  }
0x70: {  	s2 =	sadd.s32 $0x3, s12  }
0x71: {  	v4 =	vmov s2  }
0x72: {  	[tilespmem:v2+s16+$0x0] =	vst.idx.msk $0xffff, v3;
	v2 =	vand.u32 $0x7F, v4  }
0x73: {  	v3 =	vld [tilespmem:s0+$0x20];
	v4 =	vadd.s32 v0, v2;
	_ =	sdelay $0x4  }
0x74: {  	[tilespmem:v4+s16+$0x0] =	vst.idx.msk $0xffff, v3  }
0x75: {  	v2 =	vadd.s32 v1, v2;
	v3 =	vld [tilespmem:s0+$0x30];
	_ =	sdelay $0x2  }
0x76: {  	s12 =	sshll.u32 s10, $0x11;
	s11 =	rddreg [dreg:$0x3]  }
0x77: {  	s11 =	sor.u32 s11, s12;
	s13 =	rddreg [dreg:$0x1]  }
0x78: {  	s13 =	sadd.s32 s13, s11;
	s0 =	simm.s32 $0x0;
	[tilespmem:v2+s16+$0x0] =	vst.idx.msk $0xffff, v3  }
0x79: {  	[hbm4b:s13+s0] =	stream.linear.scatter [tilespmem:s16], [sflag:$0x9], $0x80, $0x38;
	[tilespmem:$0x16C00] =	vst v63  }
0x7a: {  	s23 =	sadd.s32 $0x10, s13;
	s2 =	simm.s32 $0xE488  }
0x7b: {  	[hbm4b:s23+s0] =	stream.linear.scatter [tilespmem:s2], [sflag:$0x9], $0x80, $0x38;
	[tilespmem:$0x16C00] =	vst v63  }
0x7c: {  	s23 =	sadd.s32 $0x20, s13;
	s2 =	simm.s32 $0xE510  }
0x7d: {  	[hbm4b:s23+s0] =	stream.linear.scatter [tilespmem:s2], [sflag:$0x9], $0x80, $0x38;
	[tilespmem:$0x16C00] =	vst v63  }
0x7e: {  	s23 =	sadd.s32 $0x30, s13;
	s2 =	simm.s32 $0xE598  }
0x7f: {  	[hbm4b:s23+s0] =	stream.linear.scatter [tilespmem:s2], [sflag:$0x9], $0x80, $0x38;
	[tilespmem:$0x16C00] =	vst v63  }
0x80: {  	s23 =	sadd.s32 $0x40, s13;
	s2 =	simm.s32 $0xE620  }
0x81: {  	[hbm4b:s23+s0] =	stream.linear.scatter [tilespmem:s2], [sflag:$0x9], $0x80, $0x38;
	[tilespmem:$0x16C00] =	vst v63  }
0x82: {  	s23 =	sadd.s32 $0x50, s13;
	s2 =	simm.s32 $0xE6A8  }
0x83: {  	[hbm4b:s23+s0] =	stream.linear.scatter [tilespmem:s2], [sflag:$0x9], $0x80, $0x38;
	[tilespmem:$0x16C00] =	vst v63  }
0x84: {  	s23 =	sadd.s32 $0x60, s13;
	s2 =	simm.s32 $0xE730  }
0x85: {  	[hbm4b:s23+s0] =	stream.linear.scatter [tilespmem:s2], [sflag:$0x9], $0x80, $0x38;
	[tilespmem:$0x16C00] =	vst v63  }
0x86: {  	s23 =	sadd.s32 $0x70, s13;
	s2 =	simm.s32 $0xE7B8  }
0x87: {  	[hbm4b:s23+s0] =	stream.linear.scatter [tilespmem:s2], [sflag:$0x9], $0x80, $0x38;
	[tilespmem:$0x16C00] =	vst v63  }
0x88: {  	s23 =	sadd.s32 $0x4000, s13;
	s2 =	simm.s32 $0xE840  }
0x89: {  	[hbm4b:s23+s0] =	stream.linear.scatter [tilespmem:s2], [sflag:$0x9], $0x80, $0x38;
	[tilespmem:$0x16C00] =	vst v63  }
0x8a: {  	s23 =	sadd.s32 $0x4010, s13;
	s2 =	simm.s32 $0xE8C8  }
0x8b: {  	[hbm4b:s23+s0] =	stream.linear.scatter [tilespmem:s2], [sflag:$0x9], $0x80, $0x38;
	[tilespmem:$0x16C00] =	vst v63  }
0x8c: {  	s23 =	sadd.s32 $0x4020, s13;
	s2 =	simm.s32 $0xE950  }
0x8d: {  	[hbm4b:s23+s0] =	stream.linear.scatter [tilespmem:s2], [sflag:$0x9], $0x80, $0x38;
	[tilespmem:$0x16C00] =	vst v63  }
0x8e: {  	s23 =	sadd.s32 $0x4030, s13;
	s2 =	simm.s32 $0xE9D8  }
0x8f: {  	[hbm4b:s23+s0] =	stream.linear.scatter [tilespmem:s2], [sflag:$0x9], $0x80, $0x38;
	[tilespmem:$0x16C00] =	vst v63  }
0x90: {  	s23 =	sadd.s32 $0x4040, s13;
	s2 =	simm.s32 $0xEA60  }
0x91: {  	[hbm4b:s23+s0] =	stream.linear.scatter [tilespmem:s2], [sflag:$0x9], $0x80, $0x38;
	[tilespmem:$0x16C00] =	vst v63  }
0x92: {  	s23 =	sadd.s32 $0x4050, s13;
	s2 =	simm.s32 $0xEAE8  }
0x93: {  	[hbm4b:s23+s0] =	stream.linear.scatter [tilespmem:s2], [sflag:$0x9], $0x80, $0x38;
	[tilespmem:$0x16C00] =	vst v63  }
0x94: {  	s23 =	sadd.s32 $0x4060, s13;
	s2 =	simm.s32 $0xEB70  }
0x95: {  	[hbm4b:s23+s0] =	stream.linear.scatter [tilespmem:s2], [sflag:$0x9], $0x80, $0x38;
	[tilespmem:$0x16C00] =	vst v63  }
0x96: {  	s23 =	sadd.s32 $0x4070, s13;
	s2 =	simm.s32 $0xEBF8  }
0x97: {  	[hbm4b:s23+s0] =	stream.linear.scatter [tilespmem:s2], [sflag:$0x9], $0x80, $0x38;
	[tilespmem:$0x16C00] =	vst v63  }
0x98: {  	s23 =	sadd.s32 $0x8000, s13;
	s2 =	simm.s32 $0xEC80  }
0x99: {  	[hbm4b:s23+s0] =	stream.linear.scatter [tilespmem:s2], [sflag:$0x9], $0x80, $0x38;
	[tilespmem:$0x16C00] =	vst v63  }
0x9a: {  	s23 =	sadd.s32 $0x8010, s13;
	s2 =	simm.s32 $0xED08  }
0x9b: {  	[hbm4b:s23+s0] =	stream.linear.scatter [tilespmem:s2], [sflag:$0x9], $0x80, $0x38;
	[tilespmem:$0x16C00] =	vst v63  }
0x9c: {  	s23 =	sadd.s32 $0x8020, s13;
	s2 =	simm.s32 $0xED90  }
0x9d: {  	[hbm4b:s23+s0] =	stream.linear.scatter [tilespmem:s2], [sflag:$0x9], $0x80, $0x38;
	[tilespmem:$0x16C00] =	vst v63  }
0x9e: {  	s23 =	sadd.s32 $0x8030, s13;
	s2 =	simm.s32 $0xEE18  }
0x9f: {  	[hbm4b:s23+s0] =	stream.linear.scatter [tilespmem:s2], [sflag:$0x9], $0x80, $0x38;
	[tilespmem:$0x16C00] =	vst v63  }
0xa0: {  	s23 =	sadd.s32 $0x8040, s13;
	s2 =	simm.s32 $0xEEA0  }
0xa1: {  	[hbm4b:s23+s0] =	stream.linear.scatter [tilespmem:s2], [sflag:$0x9], $0x80, $0x38;
	[tilespmem:$0x16C00] =	vst v63  }
0xa2: {  	s23 =	sadd.s32 $0x8050, s13;
	s2 =	simm.s32 $0xEF28  }
0xa3: {  	[hbm4b:s23+s0] =	stream.linear.scatter [tilespmem:s2], [sflag:$0x9], $0x80, $0x38;
	[tilespmem:$0x16C00] =	vst v63  }
0xa4: {  	s23 =	sadd.s32 $0x8060, s13;
	s2 =	simm.s32 $0xEFB0  }
0xa5: {  	[hbm4b:s23+s0] =	stream.linear.scatter [tilespmem:s2], [sflag:$0x9], $0x80, $0x38;
	[tilespmem:$0x16C00] =	vst v63  }
0xa6: {  	s23 =	sadd.s32 $0x8070, s13;
	s2 =	simm.s32 $0xF038  }
0xa7: {  	[hbm4b:s23+s0] =	stream.linear.scatter [tilespmem:s2], [sflag:$0x9], $0x80, $0x38;
	[tilespmem:$0x16C00] =	vst v63  }
0xa8: {  	s23 =	sadd.s32 $0xC000, s13;
	s2 =	simm.s32 $0xF0C0  }
0xa9: {  	[hbm4b:s23+s0] =	stream.linear.scatter [tilespmem:s2], [sflag:$0x9], $0x80, $0x38;
	[tilespmem:$0x16C00] =	vst v63  }
0xaa: {  	s23 =	sadd.s32 $0xC010, s13;
	s2 =	simm.s32 $0xF148  }
0xab: {  	[hbm4b:s23+s0] =	stream.linear.scatter [tilespmem:s2], [sflag:$0x9], $0x80, $0x38;
	[tilespmem:$0x16C00] =	vst v63  }
0xac: {  	s23 =	sadd.s32 $0xC020, s13;
	s2 =	simm.s32 $0xF1D0  }
0xad: {  	[hbm4b:s23+s0] =	stream.linear.scatter [tilespmem:s2], [sflag:$0x9], $0x80, $0x38;
	[tilespmem:$0x16C00] =	vst v63  }
0xae: {  	s23 =	sadd.s32 $0xC030, s13;
	s2 =	simm.s32 $0xF258  }
0xaf: {  	[hbm4b:s23+s0] =	stream.linear.scatter [tilespmem:s2], [sflag:$0x9], $0x80, $0x38;
	[tilespmem:$0x16C00] =	vst v63  }
0xb0: {  	s23 =	sadd.s32 $0xC040, s13;
	s2 =	simm.s32 $0xF2E0  }
0xb1: {  	[hbm4b:s23+s0] =	stream.linear.scatter [tilespmem:s2], [sflag:$0x9], $0x80, $0x38;
	[tilespmem:$0x16C00] =	vst v63  }
0xb2: {  	s23 =	sadd.s32 $0xC050, s13;
	s2 =	simm.s32 $0xF368  }
0xb3: {  	[hbm4b:s23+s0] =	stream.linear.scatter [tilespmem:s2], [sflag:$0x9], $0x80, $0x38;
	[tilespmem:$0x16C00] =	vst v63  }
0xb4: {  	s23 =	sadd.s32 $0xC060, s13;
	s2 =	simm.s32 $0xF3F0  }
0xb5: {  	[hbm4b:s23+s0] =	stream.linear.scatter [tilespmem:s2], [sflag:$0x9], $0x80, $0x38;
	[tilespmem:$0x16C00] =	vst v63  }
0xb6: {  	s13 =	sadd.s32 $0xC070, s13;
	s23 =	simm.s32 $0xF478  }
0xb7: {  	[hbm4b:s13+s0] =	stream.linear.scatter [tilespmem:s23], [sflag:$0x9], $0x80, $0x38;
	[tilespmem:$0x16C00] =	vst v63  }
0xb8: {  	s13 =	simm.s32 $0x2  }
0xb9: {  	_ =	swait.ge [sflag:s13], $0x1000  }
0xba: {  	v2 =	vmov s0;
	[sflag:s13] =	ssyncset.done $0x0  }
0xbb: {  	v2 =	vand.u32 $0x7C, v2;
	[sflag:s13] =	ssyncadd.s32 $0xFFFFF000;
	s13 =	simm.s32 $0x7440  }
0xbc: {  	v4 =	vadd.s32 v0, v2;
	v3 =	vld [tilespmem:s13+$0xFFFFFFC0];
	_ =	sdelay $0x4  }
0xbd: {  	[tilespmem:v4+s26+$0x0] =	vst.idx.msk $0xffff, v3  }
0xbe: {  	v2 =	vadd.s32 v1, v2;
	v3 =	vld [tilespmem:s13+$0xFFFFFFD0];
	_ =	sdelay $0x2  }
0xbf: {  	s23 =	simm.s32 $0x1  }
0xc0: {  	v4 =	vmov s23  }
0xc1: {  	[tilespmem:v2+s26+$0x0] =	vst.idx.msk $0xffff, v3;
	v2 =	vand.u32 $0x7D, v4  }
0xc2: {  	v3 =	vld [tilespmem:s13+$0xFFFFFFE0];
	v4 =	vadd.s32 v0, v2;
	_ =	sdelay $0x4  }
0xc3: {  	[tilespmem:v4+s26+$0x0] =	vst.idx.msk $0xffff, v3  }
0xc4: {  	v2 =	vadd.s32 v1, v2;
	v3 =	vld [tilespmem:s13+$0xFFFFFFF0];
	_ =	sdelay $0x2  }
0xc5: {  	s2 =	simm.s32 $0x2  }
0xc6: {  	v4 =	vmov s2  }
0xc7: {  	[tilespmem:v2+s26+$0x0] =	vst.idx.msk $0xffff, v3;
	v2 =	vand.u32 $0x7E, v4  }
0xc8: {  	v3 =	vld [tilespmem:s13+$0x0];
	v4 =	vadd.s32 v0, v2;
	_ =	sdelay $0x4  }
0xc9: {  	[tilespmem:v4+s26+$0x0] =	vst.idx.msk $0xffff, v3  }
0xca: {  	v2 =	vadd.s32 v1, v2;
	v3 =	vld [tilespmem:s13+$0x10];
	_ =	sdelay $0x2  }
0xcb: {  	s23 =	simm.s32 $0x3  }
0xcc: {  	v4 =	vmov s23  }
0xcd: {  	[tilespmem:v2+s26+$0x0] =	vst.idx.msk $0xffff, v3;
	v3 =	vand.u32 $0x7F, v4  }
0xce: {  	v2 =	vld [tilespmem:s13+$0x20];
	v4 =	vadd.s32 v0, v3;
	_ =	sdelay $0x4  }
0xcf: {  	[tilespmem:v4+s26+$0x0] =	vst.idx.msk $0xffff, v2  }
0xd0: {  	v3 =	vadd.s32 v1, v3;
	v2 =	vld [tilespmem:s13+$0x30];
	_ =	sdelay $0x2  }
0xd1: {  	s0 =	simm.s32 $0x4  }
0xd2: {  	s23 =	simm.s32 $0x8;
	v4 =	vmov s0  }
.LBB2_5:
0xd3: {  	p0 =	sne.s32 s23, $0x7C;
	v4 =	vand.u32 $0x7C, v4;
	[tilespmem:v3+s26+$0x0] =	vst.idx.msk $0xffff, v2;
	s13 =	sadd.s32 $0x80, s13  }
0xd4: {  	v2 =	vld [tilespmem:s13+$0xFFFFFFC0];
	v3 =	vadd.s32 v0, v4;
	_ =	sdelay $0x4  }
0xd5: {  	[tilespmem:v3+s26+$0x0] =	vst.idx.msk $0xffff, v2  }
0xd6: {  	v3 =	vadd.s32 v1, v4;
	v2 =	vld [tilespmem:s13+$0xFFFFFFD0];
	_ =	sdelay $0x2  }
0xd7: {  	s2 =	sadd.s32 $0x1, s0  }
0xd8: {  	v4 =	vmov s2  }
0xd9: {  	[tilespmem:v3+s26+$0x0] =	vst.idx.msk $0xffff, v2;
	v2 =	vand.u32 $0x7D, v4  }
0xda: {  	v3 =	vld [tilespmem:s13+$0xFFFFFFE0];
	v4 =	vadd.s32 v0, v2;
	_ =	sdelay $0x4  }
0xdb: {  	[tilespmem:v4+s26+$0x0] =	vst.idx.msk $0xffff, v3  }
0xdc: {  	v2 =	vadd.s32 v1, v2;
	v3 =	vld [tilespmem:s13+$0xFFFFFFF0];
	_ =	sdelay $0x2  }
0xdd: {  	s2 =	sadd.s32 $0x2, s0  }
0xde: {  	v4 =	vmov s2  }
0xdf: {  	[tilespmem:v2+s26+$0x0] =	vst.idx.msk $0xffff, v3;
	v2 =	vand.u32 $0x7E, v4  }
0xe0: {  	v3 =	vld [tilespmem:s13+$0x0];
	v4 =	vadd.s32 v0, v2;
	_ =	sdelay $0x4  }
0xe1: {  	[tilespmem:v4+s26+$0x0] =	vst.idx.msk $0xffff, v3  }
0xe2: {  	v2 =	vadd.s32 v1, v2;
	v3 =	vld [tilespmem:s13+$0x10];
	_ =	sdelay $0x2  }
0xe3: {  	s2 =	sadd.s32 $0x3, s0;
	s0 =	smov.u32 s23  }
0xe4: {  	v4 =	vmov s2  }
0xe5: {  	[tilespmem:v2+s26+$0x0] =	vst.idx.msk $0xffff, v3;
	v3 =	vand.u32 $0x7F, v4  }
0xe6: {  	v2 =	vld [tilespmem:s13+$0x20];
	v4 =	vadd.s32 v0, v3;
	_ =	sdelay $0x4  }
0xe7: {  	[tilespmem:v4+s26+$0x0] =	vst.idx.msk $0xffff, v2  }
.Ltmp1:
0xe8: {  	v3 =	vadd.s32 v1, v3;
	v2 =	vld [tilespmem:s13+$0x30];
	(pc) =	sbr.rel @p0 .LBB2_5-.Ltmp1, $2  }
0xe9: {  	_ =	sdelay $0x2  }
0xea: {  	s23 =	sadd.s32 $0x4, s23;
	v4 =	vmov s0  }
0xeb: {  	_ =	sdelay $0x3  }
0xec: {  	v4 =	vand.u32 $0x7C, v4;
	[tilespmem:v3+s26+$0x0] =	vst.idx.msk $0xffff, v2;
	s2 =	sadd.s32 $0x80, s13  }
0xed: {  	v2 =	vld [tilespmem:s2+$0xFFFFFFC0];
	v3 =	vadd.s32 v0, v4;
	_ =	sdelay $0x4  }
0xee: {  	[tilespmem:v3+s26+$0x0] =	vst.idx.msk $0xffff, v2  }
0xef: {  	v3 =	vadd.s32 v1, v4;
	v2 =	vld [tilespmem:s2+$0xFFFFFFD0];
	_ =	sdelay $0x2  }
0xf0: {  	s23 =	sadd.s32 $0x1, s0  }
0xf1: {  	v4 =	vmov s23  }
0xf2: {  	[tilespmem:v3+s26+$0x0] =	vst.idx.msk $0xffff, v2;
	v2 =	vand.u32 $0x7D, v4  }
0xf3: {  	v3 =	vld [tilespmem:s2+$0xFFFFFFE0];
	v4 =	vadd.s32 v0, v2;
	_ =	sdelay $0x4  }
0xf4: {  	[tilespmem:v4+s26+$0x0] =	vst.idx.msk $0xffff, v3  }
0xf5: {  	v2 =	vadd.s32 v1, v2;
	v3 =	vld [tilespmem:s2+$0xFFFFFFF0];
	_ =	sdelay $0x2  }
0xf6: {  	s23 =	sadd.s32 $0x2, s0  }
0xf7: {  	v4 =	vmov s23  }
0xf8: {  	[tilespmem:v2+s26+$0x0] =	vst.idx.msk $0xffff, v3;
	v2 =	vand.u32 $0x7E, v4  }
0xf9: {  	v3 =	vld [tilespmem:s2+$0x0];
	v4 =	vadd.s32 v0, v2;
	_ =	sdelay $0x4  }
0xfa: {  	[tilespmem:v4+s26+$0x0] =	vst.idx.msk $0xffff, v3  }
0xfb: {  	v2 =	vadd.s32 v1, v2;
	v3 =	vld [tilespmem:s2+$0x10];
	_ =	sdelay $0x2  }
0xfc: {  	s23 =	sadd.s32 $0x3, s0  }
0xfd: {  	v4 =	vmov s23  }
0xfe: {  	[tilespmem:v2+s26+$0x0] =	vst.idx.msk $0xffff, v3;
	v2 =	vand.u32 $0x7F, v4  }
0xff: {  	v3 =	vld [tilespmem:s2+$0x20];
	v4 =	vadd.s32 v0, v2;
	_ =	sdelay $0x4  }
0x100: {  	[tilespmem:v4+s26+$0x0] =	vst.idx.msk $0xffff, v3  }
0x101: {  	v2 =	vadd.s32 v1, v2;
	v3 =	vld [tilespmem:s2+$0x30];
	_ =	sdelay $0x3  }
0x102: {  	s2 =	rddreg [dreg:$0x5]  }
0x103: {  	s0 =	simm.s32 $0x0;
	s13 =	sadd.s32 s12, s2;
	[tilespmem:v2+s26+$0x0] =	vst.idx.msk $0xffff, v3  }
0x104: {  	[hbm4b:s13+s0] =	stream.linear.scatter [tilespmem:s26], [sflag:$0xA], $0x80, $0x38;
	[tilespmem:$0x16C00] =	vst v63  }
0x105: {  	s23 =	simm.s32 $0xF588;
	s2 =	sadd.s32 $0x10, s13  }
0x106: {  	[hbm4b:s2+s0] =	stream.linear.scatter [tilespmem:s23], [sflag:$0xA], $0x80, $0x38;
	[tilespmem:$0x16C00] =	vst v63  }
0x107: {  	s2 =	sadd.s32 $0x20, s13;
	s23 =	simm.s32 $0xF610  }
0x108: {  	[hbm4b:s2+s0] =	stream.linear.scatter [tilespmem:s23], [sflag:$0xA], $0x80, $0x38;
	[tilespmem:$0x16C00] =	vst v63  }
0x109: {  	s2 =	sadd.s32 $0x30, s13;
	s23 =	simm.s32 $0xF698  }
0x10a: {  	[hbm4b:s2+s0] =	stream.linear.scatter [tilespmem:s23], [sflag:$0xA], $0x80, $0x38;
	[tilespmem:$0x16C00] =	vst v63  }
0x10b: {  	s2 =	sadd.s32 $0x40, s13;
	s23 =	simm.s32 $0xF720  }
0x10c: {  	[hbm4b:s2+s0] =	stream.linear.scatter [tilespmem:s23], [sflag:$0xA], $0x80, $0x38;
	[tilespmem:$0x16C00] =	vst v63  }
0x10d: {  	s2 =	sadd.s32 $0x50, s13;
	s23 =	simm.s32 $0xF7A8  }
0x10e: {  	[hbm4b:s2+s0] =	stream.linear.scatter [tilespmem:s23], [sflag:$0xA], $0x80, $0x38;
	[tilespmem:$0x16C00] =	vst v63  }
0x10f: {  	s2 =	sadd.s32 $0x60, s13;
	s23 =	simm.s32 $0xF830  }
0x110: {  	[hbm4b:s2+s0] =	stream.linear.scatter [tilespmem:s23], [sflag:$0xA], $0x80, $0x38;
	[tilespmem:$0x16C00] =	vst v63  }
0x111: {  	s2 =	sadd.s32 $0x70, s13;
	s23 =	simm.s32 $0xF8B8  }
0x112: {  	[hbm4b:s2+s0] =	stream.linear.scatter [tilespmem:s23], [sflag:$0xA], $0x80, $0x38;
	[tilespmem:$0x16C00] =	vst v63  }
0x113: {  	s2 =	sadd.s32 $0x4000, s13;
	s23 =	simm.s32 $0xF940  }
0x114: {  	[hbm4b:s2+s0] =	stream.linear.scatter [tilespmem:s23], [sflag:$0xA], $0x80, $0x38;
	[tilespmem:$0x16C00] =	vst v63  }
0x115: {  	s2 =	sadd.s32 $0x4010, s13;
	s23 =	simm.s32 $0xF9C8  }
0x116: {  	[hbm4b:s2+s0] =	stream.linear.scatter [tilespmem:s23], [sflag:$0xA], $0x80, $0x38;
	[tilespmem:$0x16C00] =	vst v63  }
0x117: {  	s2 =	sadd.s32 $0x4020, s13;
	s23 =	simm.s32 $0xFA50  }
0x118: {  	[hbm4b:s2+s0] =	stream.linear.scatter [tilespmem:s23], [sflag:$0xA], $0x80, $0x38;
	[tilespmem:$0x16C00] =	vst v63  }
0x119: {  	s2 =	sadd.s32 $0x4030, s13;
	s23 =	simm.s32 $0xFAD8  }
0x11a: {  	[hbm4b:s2+s0] =	stream.linear.scatter [tilespmem:s23], [sflag:$0xA], $0x80, $0x38;
	[tilespmem:$0x16C00] =	vst v63  }
0x11b: {  	s2 =	sadd.s32 $0x4040, s13;
	s23 =	simm.s32 $0xFB60  }
0x11c: {  	[hbm4b:s2+s0] =	stream.linear.scatter [tilespmem:s23], [sflag:$0xA], $0x80, $0x38;
	[tilespmem:$0x16C00] =	vst v63  }
0x11d: {  	s2 =	sadd.s32 $0x4050, s13;
	s23 =	simm.s32 $0xFBE8  }
0x11e: {  	[hbm4b:s2+s0] =	stream.linear.scatter [tilespmem:s23], [sflag:$0xA], $0x80, $0x38;
	[tilespmem:$0x16C00] =	vst v63  }
0x11f: {  	s2 =	sadd.s32 $0x4060, s13;
	s23 =	simm.s32 $0xFC70  }
0x120: {  	[hbm4b:s2+s0] =	stream.linear.scatter [tilespmem:s23], [sflag:$0xA], $0x80, $0x38;
	[tilespmem:$0x16C00] =	vst v63  }
0x121: {  	s2 =	sadd.s32 $0x4070, s13;
	s23 =	simm.s32 $0xFCF8  }
0x122: {  	[hbm4b:s2+s0] =	stream.linear.scatter [tilespmem:s23], [sflag:$0xA], $0x80, $0x38;
	[tilespmem:$0x16C00] =	vst v63  }
0x123: {  	s2 =	sadd.s32 $0x8000, s13;
	s23 =	simm.s32 $0xFD80  }
0x124: {  	[hbm4b:s2+s0] =	stream.linear.scatter [tilespmem:s23], [sflag:$0xA], $0x80, $0x38;
	[tilespmem:$0x16C00] =	vst v63  }
0x125: {  	s2 =	sadd.s32 $0x8010, s13;
	s23 =	simm.s32 $0xFE08  }
0x126: {  	[hbm4b:s2+s0] =	stream.linear.scatter [tilespmem:s23], [sflag:$0xA], $0x80, $0x38;
	[tilespmem:$0x16C00] =	vst v63  }
0x127: {  	s2 =	sadd.s32 $0x8020, s13;
	s23 =	simm.s32 $0xFE90  }
0x128: {  	[hbm4b:s2+s0] =	stream.linear.scatter [tilespmem:s23], [sflag:$0xA], $0x80, $0x38;
	[tilespmem:$0x16C00] =	vst v63  }
0x129: {  	s2 =	sadd.s32 $0x8030, s13;
	s23 =	simm.s32 $0xFF18  }
0x12a: {  	[hbm4b:s2+s0] =	stream.linear.scatter [tilespmem:s23], [sflag:$0xA], $0x80, $0x38;
	[tilespmem:$0x16C00] =	vst v63  }
0x12b: {  	s2 =	sadd.s32 $0x8040, s13;
	s23 =	simm.s32 $0xFFA0  }
0x12c: {  	[hbm4b:s2+s0] =	stream.linear.scatter [tilespmem:s23], [sflag:$0xA], $0x80, $0x38;
	[tilespmem:$0x16C00] =	vst v63  }
0x12d: {  	s2 =	sadd.s32 $0x8050, s13;
	s23 =	simm.s32 $0x10028  }
0x12e: {  	[hbm4b:s2+s0] =	stream.linear.scatter [tilespmem:s23], [sflag:$0xA], $0x80, $0x38;
	[tilespmem:$0x16C00] =	vst v63  }
0x12f: {  	s2 =	sadd.s32 $0x8060, s13;
	s23 =	simm.s32 $0x100B0  }
0x130: {  	[hbm4b:s2+s0] =	stream.linear.scatter [tilespmem:s23], [sflag:$0xA], $0x80, $0x38;
	[tilespmem:$0x16C00] =	vst v63  }
0x131: {  	s2 =	sadd.s32 $0x8070, s13;
	s23 =	simm.s32 $0x10138  }
0x132: {  	[hbm4b:s2+s0] =	stream.linear.scatter [tilespmem:s23], [sflag:$0xA], $0x80, $0x38;
	[tilespmem:$0x16C00] =	vst v63  }
0x133: {  	s2 =	sadd.s32 $0xC000, s13;
	s23 =	simm.s32 $0x101C0  }
0x134: {  	[hbm4b:s2+s0] =	stream.linear.scatter [tilespmem:s23], [sflag:$0xA], $0x80, $0x38;
	[tilespmem:$0x16C00] =	vst v63  }
0x135: {  	s2 =	sadd.s32 $0xC010, s13;
	s23 =	simm.s32 $0x10248  }
0x136: {  	[hbm4b:s2+s0] =	stream.linear.scatter [tilespmem:s23], [sflag:$0xA], $0x80, $0x38;
	[tilespmem:$0x16C00] =	vst v63  }
0x137: {  	s2 =	sadd.s32 $0xC020, s13;
	s23 =	simm.s32 $0x102D0  }
0x138: {  	[hbm4b:s2+s0] =	stream.linear.scatter [tilespmem:s23], [sflag:$0xA], $0x80, $0x38;
	[tilespmem:$0x16C00] =	vst v63  }
0x139: {  	s2 =	sadd.s32 $0xC030, s13;
	s23 =	simm.s32 $0x10358  }
0x13a: {  	[hbm4b:s2+s0] =	stream.linear.scatter [tilespmem:s23], [sflag:$0xA], $0x80, $0x38;
	[tilespmem:$0x16C00] =	vst v63  }
0x13b: {  	s2 =	sadd.s32 $0xC040, s13;
	s23 =	simm.s32 $0x103E0  }
0x13c: {  	[hbm4b:s2+s0] =	stream.linear.scatter [tilespmem:s23], [sflag:$0xA], $0x80, $0x38;
	[tilespmem:$0x16C00] =	vst v63  }
0x13d: {  	s2 =	sadd.s32 $0xC050, s13;
	s23 =	simm.s32 $0x10468  }
0x13e: {  	[hbm4b:s2+s0] =	stream.linear.scatter [tilespmem:s23], [sflag:$0xA], $0x80, $0x38;
	[tilespmem:$0x16C00] =	vst v63  }
0x13f: {  	s2 =	sadd.s32 $0xC060, s13;
	s23 =	simm.s32 $0x104F0  }
0x140: {  	[hbm4b:s2+s0] =	stream.linear.scatter [tilespmem:s23], [sflag:$0xA], $0x80, $0x38;
	[tilespmem:$0x16C00] =	vst v63  }
0x141: {  	s13 =	sadd.s32 $0xC070, s13;
	s23 =	simm.s32 $0x10578  }
0x142: {  	[hbm4b:s13+s0] =	stream.linear.scatter [tilespmem:s23], [sflag:$0xA], $0x80, $0x38;
	[tilespmem:$0x16C00] =	vst v63  }
0x143: {  	s13 =	simm.s32 $0x3  }
0x144: {  	_ =	swait.ge [sflag:s13], $0x1000  }
0x145: {  	v2 =	vmov s0;
	[sflag:s13] =	ssyncset.done $0x0  }
0x146: {  	v2 =	vand.u32 $0x7C, v2;
	[sflag:s13] =	ssyncadd.s32 $0xFFFFF000;
	s13 =	simm.s32 $0x8440  }
0x147: {  	v4 =	vadd.s32 v0, v2;
	v3 =	vld [tilespmem:s13+$0xFFFFFFC0];
	_ =	sdelay $0x4  }
0x148: {  	[tilespmem:v4+s20+$0x0] =	vst.idx.msk $0xffff, v3  }
0x149: {  	v2 =	vadd.s32 v1, v2;
	v3 =	vld [tilespmem:s13+$0xFFFFFFD0];
	_ =	sdelay $0x2  }
0x14a: {  	s23 =	simm.s32 $0x1  }
0x14b: {  	v4 =	vmov s23  }
0x14c: {  	[tilespmem:v2+s20+$0x0] =	vst.idx.msk $0xffff, v3;
	v2 =	vand.u32 $0x7D, v4  }
0x14d: {  	v3 =	vld [tilespmem:s13+$0xFFFFFFE0];
	v4 =	vadd.s32 v0, v2;
	_ =	sdelay $0x4  }
0x14e: {  	[tilespmem:v4+s20+$0x0] =	vst.idx.msk $0xffff, v3  }
0x14f: {  	v2 =	vadd.s32 v1, v2;
	v3 =	vld [tilespmem:s13+$0xFFFFFFF0];
	_ =	sdelay $0x2  }
0x150: {  	s2 =	simm.s32 $0x2  }
0x151: {  	v4 =	vmov s2  }
0x152: {  	[tilespmem:v2+s20+$0x0] =	vst.idx.msk $0xffff, v3;
	v2 =	vand.u32 $0x7E, v4  }
0x153: {  	v3 =	vld [tilespmem:s13+$0x0];
	v4 =	vadd.s32 v0, v2;
	_ =	sdelay $0x4  }
0x154: {  	[tilespmem:v4+s20+$0x0] =	vst.idx.msk $0xffff, v3  }
0x155: {  	v2 =	vadd.s32 v1, v2;
	v3 =	vld [tilespmem:s13+$0x10];
	_ =	sdelay $0x2  }
0x156: {  	s23 =	simm.s32 $0x3  }
0x157: {  	v4 =	vmov s23  }
0x158: {  	[tilespmem:v2+s20+$0x0] =	vst.idx.msk $0xffff, v3;
	v3 =	vand.u32 $0x7F, v4  }
0x159: {  	v2 =	vld [tilespmem:s13+$0x20];
	v4 =	vadd.s32 v0, v3;
	_ =	sdelay $0x4  }
0x15a: {  	[tilespmem:v4+s20+$0x0] =	vst.idx.msk $0xffff, v2  }
0x15b: {  	v3 =	vadd.s32 v1, v3;
	v2 =	vld [tilespmem:s13+$0x30];
	_ =	sdelay $0x2  }
0x15c: {  	s0 =	simm.s32 $0x4  }
0x15d: {  	s23 =	simm.s32 $0x8;
	v4 =	vmov s0  }
.LBB2_7:
0x15e: {  	p0 =	sne.s32 s23, $0x7C;
	v4 =	vand.u32 $0x7C, v4;
	[tilespmem:v3+s20+$0x0] =	vst.idx.msk $0xffff, v2;
	s13 =	sadd.s32 $0x80, s13  }
0x15f: {  	v2 =	vld [tilespmem:s13+$0xFFFFFFC0];
	v3 =	vadd.s32 v0, v4;
	_ =	sdelay $0x4  }
0x160: {  	[tilespmem:v3+s20+$0x0] =	vst.idx.msk $0xffff, v2  }
0x161: {  	v3 =	vadd.s32 v1, v4;
	v2 =	vld [tilespmem:s13+$0xFFFFFFD0];
	_ =	sdelay $0x2  }
0x162: {  	s2 =	sadd.s32 $0x1, s0  }
0x163: {  	v4 =	vmov s2  }
0x164: {  	[tilespmem:v3+s20+$0x0] =	vst.idx.msk $0xffff, v2;
	v2 =	vand.u32 $0x7D, v4  }
0x165: {  	v3 =	vld [tilespmem:s13+$0xFFFFFFE0];
	v4 =	vadd.s32 v0, v2;
	_ =	sdelay $0x4  }
0x166: {  	[tilespmem:v4+s20+$0x0] =	vst.idx.msk $0xffff, v3  }
0x167: {  	v2 =	vadd.s32 v1, v2;
	v3 =	vld [tilespmem:s13+$0xFFFFFFF0];
	_ =	sdelay $0x2  }
0x168: {  	s2 =	sadd.s32 $0x2, s0  }
0x169: {  	v4 =	vmov s2  }
0x16a: {  	[tilespmem:v2+s20+$0x0] =	vst.idx.msk $0xffff, v3;
	v2 =	vand.u32 $0x7E, v4  }
0x16b: {  	v3 =	vld [tilespmem:s13+$0x0];
	v4 =	vadd.s32 v0, v2;
	_ =	sdelay $0x4  }
0x16c: {  	[tilespmem:v4+s20+$0x0] =	vst.idx.msk $0xffff, v3  }
0x16d: {  	v2 =	vadd.s32 v1, v2;
	v3 =	vld [tilespmem:s13+$0x10];
	_ =	sdelay $0x2  }
0x16e: {  	s2 =	sadd.s32 $0x3, s0;
	s0 =	smov.u32 s23  }
0x16f: {  	v4 =	vmov s2  }
0x170: {  	[tilespmem:v2+s20+$0x0] =	vst.idx.msk $0xffff, v3;
	v3 =	vand.u32 $0x7F, v4  }
0x171: {  	v2 =	vld [tilespmem:s13+$0x20];
	v4 =	vadd.s32 v0, v3;
	_ =	sdelay $0x4  }
0x172: {  	[tilespmem:v4+s20+$0x0] =	vst.idx.msk $0xffff, v2  }
.Ltmp2:
0x173: {  	v3 =	vadd.s32 v1, v3;
	v2 =	vld [tilespmem:s13+$0x30];
	(pc) =	sbr.rel @p0 .LBB2_7-.Ltmp2, $2  }
0x174: {  	_ =	sdelay $0x2  }
0x175: {  	s23 =	sadd.s32 $0x4, s23;
	v4 =	vmov s0  }
0x176: {  	_ =	sdelay $0x3  }
0x177: {  	v4 =	vand.u32 $0x7C, v4;
	[tilespmem:v3+s20+$0x0] =	vst.idx.msk $0xffff, v2;
	s2 =	sadd.s32 $0x80, s13  }
0x178: {  	v2 =	vld [tilespmem:s2+$0xFFFFFFC0];
	v3 =	vadd.s32 v0, v4;
	_ =	sdelay $0x4  }
0x179: {  	[tilespmem:v3+s20+$0x0] =	vst.idx.msk $0xffff, v2  }
0x17a: {  	v3 =	vadd.s32 v1, v4;
	v2 =	vld [tilespmem:s2+$0xFFFFFFD0];
	_ =	sdelay $0x2  }
0x17b: {  	s23 =	sadd.s32 $0x1, s0  }
0x17c: {  	v4 =	vmov s23  }
0x17d: {  	[tilespmem:v3+s20+$0x0] =	vst.idx.msk $0xffff, v2;
	v2 =	vand.u32 $0x7D, v4  }
0x17e: {  	v3 =	vld [tilespmem:s2+$0xFFFFFFE0];
	v4 =	vadd.s32 v0, v2;
	_ =	sdelay $0x4  }
0x17f: {  	[tilespmem:v4+s20+$0x0] =	vst.idx.msk $0xffff, v3  }
0x180: {  	v2 =	vadd.s32 v1, v2;
	v3 =	vld [tilespmem:s2+$0xFFFFFFF0];
	_ =	sdelay $0x2  }
0x181: {  	s23 =	sadd.s32 $0x2, s0  }
0x182: {  	v4 =	vmov s23  }
0x183: {  	[tilespmem:v2+s20+$0x0] =	vst.idx.msk $0xffff, v3;
	v2 =	vand.u32 $0x7E, v4  }
0x184: {  	v3 =	vld [tilespmem:s2+$0x0];
	v4 =	vadd.s32 v0, v2;
	_ =	sdelay $0x4  }
0x185: {  	[tilespmem:v4+s20+$0x0] =	vst.idx.msk $0xffff, v3  }
0x186: {  	v2 =	vadd.s32 v1, v2;
	v3 =	vld [tilespmem:s2+$0x10];
	_ =	sdelay $0x2  }
0x187: {  	s23 =	sadd.s32 $0x3, s0  }
0x188: {  	v4 =	vmov s23  }
0x189: {  	[tilespmem:v2+s20+$0x0] =	vst.idx.msk $0xffff, v3;
	v2 =	vand.u32 $0x7F, v4  }
0x18a: {  	v3 =	vld [tilespmem:s2+$0x20];
	v4 =	vadd.s32 v0, v2;
	_ =	sdelay $0x4  }
0x18b: {  	[tilespmem:v4+s20+$0x0] =	vst.idx.msk $0xffff, v3  }
0x18c: {  	v2 =	vadd.s32 v1, v2;
	v3 =	vld [tilespmem:s2+$0x30];
	_ =	sdelay $0x3  }
0x18d: {  	s2 =	rddreg [dreg:$0x6]  }
0x18e: {  	s0 =	simm.s32 $0x0;
	s13 =	sadd.s32 s12, s2;
	[tilespmem:v2+s20+$0x0] =	vst.idx.msk $0xffff, v3  }
0x18f: {  	[hbm4b:s13+s0] =	stream.linear.scatter [tilespmem:s20], [sflag:$0xB], $0x80, $0x38;
	[tilespmem:$0x16C00] =	vst v63  }
0x190: {  	s23 =	simm.s32 $0x10688;
	s2 =	sadd.s32 $0x10, s13  }
0x191: {  	[hbm4b:s2+s0] =	stream.linear.scatter [tilespmem:s23], [sflag:$0xB], $0x80, $0x38;
	[tilespmem:$0x16C00] =	vst v63  }
0x192: {  	s2 =	sadd.s32 $0x20, s13;
	s23 =	simm.s32 $0x10710  }
0x193: {  	[hbm4b:s2+s0] =	stream.linear.scatter [tilespmem:s23], [sflag:$0xB], $0x80, $0x38;
	[tilespmem:$0x16C00] =	vst v63  }
0x194: {  	s2 =	sadd.s32 $0x30, s13;
	s23 =	simm.s32 $0x10798  }
0x195: {  	[hbm4b:s2+s0] =	stream.linear.scatter [tilespmem:s23], [sflag:$0xB], $0x80, $0x38;
	[tilespmem:$0x16C00] =	vst v63  }
0x196: {  	s2 =	sadd.s32 $0x40, s13;
	s23 =	simm.s32 $0x10820  }
0x197: {  	[hbm4b:s2+s0] =	stream.linear.scatter [tilespmem:s23], [sflag:$0xB], $0x80, $0x38;
	[tilespmem:$0x16C00] =	vst v63  }
0x198: {  	s2 =	sadd.s32 $0x50, s13;
	s23 =	simm.s32 $0x108A8  }
0x199: {  	[hbm4b:s2+s0] =	stream.linear.scatter [tilespmem:s23], [sflag:$0xB], $0x80, $0x38;
	[tilespmem:$0x16C00] =	vst v63  }
0x19a: {  	s2 =	sadd.s32 $0x60, s13;
	s23 =	simm.s32 $0x10930  }
0x19b: {  	[hbm4b:s2+s0] =	stream.linear.scatter [tilespmem:s23], [sflag:$0xB], $0x80, $0x38;
	[tilespmem:$0x16C00] =	vst v63  }
0x19c: {  	s2 =	sadd.s32 $0x70, s13;
	s23 =	simm.s32 $0x109B8  }
0x19d: {  	[hbm4b:s2+s0] =	stream.linear.scatter [tilespmem:s23], [sflag:$0xB], $0x80, $0x38;
	[tilespmem:$0x16C00] =	vst v63  }
0x19e: {  	s2 =	sadd.s32 $0x4000, s13;
	s23 =	simm.s32 $0x10A40  }
0x19f: {  	[hbm4b:s2+s0] =	stream.linear.scatter [tilespmem:s23], [sflag:$0xB], $0x80, $0x38;
	[tilespmem:$0x16C00] =	vst v63  }
0x1a0: {  	s2 =	sadd.s32 $0x4010, s13;
	s23 =	simm.s32 $0x10AC8  }
0x1a1: {  	[hbm4b:s2+s0] =	stream.linear.scatter [tilespmem:s23], [sflag:$0xB], $0x80, $0x38;
	[tilespmem:$0x16C00] =	vst v63  }
0x1a2: {  	s2 =	sadd.s32 $0x4020, s13;
	s23 =	simm.s32 $0x10B50  }
0x1a3: {  	[hbm4b:s2+s0] =	stream.linear.scatter [tilespmem:s23], [sflag:$0xB], $0x80, $0x38;
	[tilespmem:$0x16C00] =	vst v63  }
0x1a4: {  	s2 =	sadd.s32 $0x4030, s13;
	s23 =	simm.s32 $0x10BD8  }
0x1a5: {  	[hbm4b:s2+s0] =	stream.linear.scatter [tilespmem:s23], [sflag:$0xB], $0x80, $0x38;
	[tilespmem:$0x16C00] =	vst v63  }
0x1a6: {  	s2 =	sadd.s32 $0x4040, s13;
	s23 =	simm.s32 $0x10C60  }
0x1a7: {  	[hbm4b:s2+s0] =	stream.linear.scatter [tilespmem:s23], [sflag:$0xB], $0x80, $0x38;
	[tilespmem:$0x16C00] =	vst v63  }
0x1a8: {  	s2 =	sadd.s32 $0x4050, s13;
	s23 =	simm.s32 $0x10CE8  }
0x1a9: {  	[hbm4b:s2+s0] =	stream.linear.scatter [tilespmem:s23], [sflag:$0xB], $0x80, $0x38;
	[tilespmem:$0x16C00] =	vst v63  }
0x1aa: {  	s2 =	sadd.s32 $0x4060, s13;
	s23 =	simm.s32 $0x10D70  }
0x1ab: {  	[hbm4b:s2+s0] =	stream.linear.scatter [tilespmem:s23], [sflag:$0xB], $0x80, $0x38;
	[tilespmem:$0x16C00] =	vst v63  }
0x1ac: {  	s2 =	sadd.s32 $0x4070, s13;
	s23 =	simm.s32 $0x10DF8  }
0x1ad: {  	[hbm4b:s2+s0] =	stream.linear.scatter [tilespmem:s23], [sflag:$0xB], $0x80, $0x38;
	[tilespmem:$0x16C00] =	vst v63  }
0x1ae: {  	s2 =	sadd.s32 $0x8000, s13;
	s23 =	simm.s32 $0x10E80  }
0x1af: {  	[hbm4b:s2+s0] =	stream.linear.scatter [tilespmem:s23], [sflag:$0xB], $0x80, $0x38;
	[tilespmem:$0x16C00] =	vst v63  }
0x1b0: {  	s2 =	sadd.s32 $0x8010, s13;
	s23 =	simm.s32 $0x10F08  }
0x1b1: {  	[hbm4b:s2+s0] =	stream.linear.scatter [tilespmem:s23], [sflag:$0xB], $0x80, $0x38;
	[tilespmem:$0x16C00] =	vst v63  }
0x1b2: {  	s2 =	sadd.s32 $0x8020, s13;
	s23 =	simm.s32 $0x10F90  }
0x1b3: {  	[hbm4b:s2+s0] =	stream.linear.scatter [tilespmem:s23], [sflag:$0xB], $0x80, $0x38;
	[tilespmem:$0x16C00] =	vst v63  }
0x1b4: {  	s2 =	sadd.s32 $0x8030, s13;
	s23 =	simm.s32 $0x11018  }
0x1b5: {  	[hbm4b:s2+s0] =	stream.linear.scatter [tilespmem:s23], [sflag:$0xB], $0x80, $0x38;
	[tilespmem:$0x16C00] =	vst v63  }
0x1b6: {  	s2 =	sadd.s32 $0x8040, s13;
	s23 =	simm.s32 $0x110A0  }
0x1b7: {  	[hbm4b:s2+s0] =	stream.linear.scatter [tilespmem:s23], [sflag:$0xB], $0x80, $0x38;
	[tilespmem:$0x16C00] =	vst v63  }
0x1b8: {  	s2 =	sadd.s32 $0x8050, s13;
	s23 =	simm.s32 $0x11128  }
0x1b9: {  	[hbm4b:s2+s0] =	stream.linear.scatter [tilespmem:s23], [sflag:$0xB], $0x80, $0x38;
	[tilespmem:$0x16C00] =	vst v63  }
0x1ba: {  	s2 =	sadd.s32 $0x8060, s13;
	s23 =	simm.s32 $0x111B0  }
0x1bb: {  	[hbm4b:s2+s0] =	stream.linear.scatter [tilespmem:s23], [sflag:$0xB], $0x80, $0x38;
	[tilespmem:$0x16C00] =	vst v63  }
0x1bc: {  	s2 =	sadd.s32 $0x8070, s13;
	s23 =	simm.s32 $0x11238  }
0x1bd: {  	[hbm4b:s2+s0] =	stream.linear.scatter [tilespmem:s23], [sflag:$0xB], $0x80, $0x38;
	[tilespmem:$0x16C00] =	vst v63  }
0x1be: {  	s2 =	sadd.s32 $0xC000, s13;
	s23 =	simm.s32 $0x112C0  }
0x1bf: {  	[hbm4b:s2+s0] =	stream.linear.scatter [tilespmem:s23], [sflag:$0xB], $0x80, $0x38;
	[tilespmem:$0x16C00] =	vst v63  }
0x1c0: {  	s2 =	sadd.s32 $0xC010, s13;
	s23 =	simm.s32 $0x11348  }
0x1c1: {  	[hbm4b:s2+s0] =	stream.linear.scatter [tilespmem:s23], [sflag:$0xB], $0x80, $0x38;
	[tilespmem:$0x16C00] =	vst v63  }
0x1c2: {  	s2 =	sadd.s32 $0xC020, s13;
	s23 =	simm.s32 $0x113D0  }
0x1c3: {  	[hbm4b:s2+s0] =	stream.linear.scatter [tilespmem:s23], [sflag:$0xB], $0x80, $0x38;
	[tilespmem:$0x16C00] =	vst v63  }
0x1c4: {  	s2 =	sadd.s32 $0xC030, s13;
	s23 =	simm.s32 $0x11458  }
0x1c5: {  	[hbm4b:s2+s0] =	stream.linear.scatter [tilespmem:s23], [sflag:$0xB], $0x80, $0x38;
	[tilespmem:$0x16C00] =	vst v63  }
0x1c6: {  	s2 =	sadd.s32 $0xC040, s13;
	s23 =	simm.s32 $0x114E0  }
0x1c7: {  	[hbm4b:s2+s0] =	stream.linear.scatter [tilespmem:s23], [sflag:$0xB], $0x80, $0x38;
	[tilespmem:$0x16C00] =	vst v63  }
0x1c8: {  	s2 =	sadd.s32 $0xC050, s13;
	s23 =	simm.s32 $0x11568  }
0x1c9: {  	[hbm4b:s2+s0] =	stream.linear.scatter [tilespmem:s23], [sflag:$0xB], $0x80, $0x38;
	[tilespmem:$0x16C00] =	vst v63  }
0x1ca: {  	s2 =	sadd.s32 $0xC060, s13;
	s23 =	simm.s32 $0x115F0  }
0x1cb: {  	[hbm4b:s2+s0] =	stream.linear.scatter [tilespmem:s23], [sflag:$0xB], $0x80, $0x38;
	[tilespmem:$0x16C00] =	vst v63  }
0x1cc: {  	s13 =	sadd.s32 $0xC070, s13;
	s23 =	simm.s32 $0x11678  }
0x1cd: {  	[hbm4b:s13+s0] =	stream.linear.scatter [tilespmem:s23], [sflag:$0xB], $0x80, $0x38;
	[tilespmem:$0x16C00] =	vst v63  }
0x1ce: {  	_ =	swait.ge [sflag:s31], $0x1000  }
0x1cf: {  	v2 =	vmov s0;
	[sflag:s31] =	ssyncset.done $0x0  }
0x1d0: {  	v2 =	vand.u32 $0x7C, v2;
	s13 =	simm.s32 $0x9440;
	[sflag:s31] =	ssyncadd.s32 $0xFFFFF000  }
0x1d1: {  	v4 =	vadd.s32 v0, v2;
	v3 =	vld [tilespmem:s13+$0xFFFFFFC0];
	_ =	sdelay $0x4  }
0x1d2: {  	[tilespmem:v4+s15+$0x0] =	vst.idx.msk $0xffff, v3  }
0x1d3: {  	v2 =	vadd.s32 v1, v2;
	v3 =	vld [tilespmem:s13+$0xFFFFFFD0];
	_ =	sdelay $0x2  }
0x1d4: {  	s23 =	simm.s32 $0x1  }
0x1d5: {  	v4 =	vmov s23  }
0x1d6: {  	[tilespmem:v2+s15+$0x0] =	vst.idx.msk $0xffff, v3;
	v2 =	vand.u32 $0x7D, v4  }
0x1d7: {  	v3 =	vld [tilespmem:s13+$0xFFFFFFE0];
	v4 =	vadd.s32 v0, v2;
	_ =	sdelay $0x4  }
0x1d8: {  	[tilespmem:v4+s15+$0x0] =	vst.idx.msk $0xffff, v3  }
0x1d9: {  	v2 =	vadd.s32 v1, v2;
	v3 =	vld [tilespmem:s13+$0xFFFFFFF0];
	_ =	sdelay $0x2  }
0x1da: {  	s2 =	simm.s32 $0x2  }
0x1db: {  	v4 =	vmov s2  }
0x1dc: {  	[tilespmem:v2+s15+$0x0] =	vst.idx.msk $0xffff, v3;
	v2 =	vand.u32 $0x7E, v4  }
0x1dd: {  	v3 =	vld [tilespmem:s13+$0x0];
	v4 =	vadd.s32 v0, v2;
	_ =	sdelay $0x4  }
0x1de: {  	[tilespmem:v4+s15+$0x0] =	vst.idx.msk $0xffff, v3  }
0x1df: {  	v2 =	vadd.s32 v1, v2;
	v3 =	vld [tilespmem:s13+$0x10];
	_ =	sdelay $0x2  }
0x1e0: {  	s23 =	simm.s32 $0x3  }
0x1e1: {  	v4 =	vmov s23  }
0x1e2: {  	[tilespmem:v2+s15+$0x0] =	vst.idx.msk $0xffff, v3;
	v3 =	vand.u32 $0x7F, v4  }
0x1e3: {  	v2 =	vld [tilespmem:s13+$0x20];
	v4 =	vadd.s32 v0, v3;
	_ =	sdelay $0x4  }
0x1e4: {  	[tilespmem:v4+s15+$0x0] =	vst.idx.msk $0xffff, v2  }
0x1e5: {  	v3 =	vadd.s32 v1, v3;
	v2 =	vld [tilespmem:s13+$0x30];
	_ =	sdelay $0x2  }
0x1e6: {  	s0 =	simm.s32 $0x4  }
0x1e7: {  	s23 =	simm.s32 $0x8;
	v4 =	vmov s0  }
.LBB2_9:
0x1e8: {  	p0 =	sne.s32 s23, $0x7C;
	v4 =	vand.u32 $0x7C, v4;
	[tilespmem:v3+s15+$0x0] =	vst.idx.msk $0xffff, v2;
	s13 =	sadd.s32 $0x80, s13  }
0x1e9: {  	v2 =	vld [tilespmem:s13+$0xFFFFFFC0];
	v3 =	vadd.s32 v0, v4;
	_ =	sdelay $0x4  }
0x1ea: {  	[tilespmem:v3+s15+$0x0] =	vst.idx.msk $0xffff, v2  }
0x1eb: {  	v3 =	vadd.s32 v1, v4;
	v2 =	vld [tilespmem:s13+$0xFFFFFFD0];
	_ =	sdelay $0x2  }
0x1ec: {  	s2 =	sadd.s32 $0x1, s0  }
0x1ed: {  	v4 =	vmov s2  }
0x1ee: {  	[tilespmem:v3+s15+$0x0] =	vst.idx.msk $0xffff, v2;
	v2 =	vand.u32 $0x7D, v4  }
0x1ef: {  	v3 =	vld [tilespmem:s13+$0xFFFFFFE0];
	v4 =	vadd.s32 v0, v2;
	_ =	sdelay $0x4  }
0x1f0: {  	[tilespmem:v4+s15+$0x0] =	vst.idx.msk $0xffff, v3  }
0x1f1: {  	v2 =	vadd.s32 v1, v2;
	v3 =	vld [tilespmem:s13+$0xFFFFFFF0];
	_ =	sdelay $0x2  }
0x1f2: {  	s2 =	sadd.s32 $0x2, s0  }
0x1f3: {  	v4 =	vmov s2  }
0x1f4: {  	[tilespmem:v2+s15+$0x0] =	vst.idx.msk $0xffff, v3;
	v2 =	vand.u32 $0x7E, v4  }
0x1f5: {  	v3 =	vld [tilespmem:s13+$0x0];
	v4 =	vadd.s32 v0, v2;
	_ =	sdelay $0x4  }
0x1f6: {  	[tilespmem:v4+s15+$0x0] =	vst.idx.msk $0xffff, v3  }
0x1f7: {  	v2 =	vadd.s32 v1, v2;
	v3 =	vld [tilespmem:s13+$0x10];
	_ =	sdelay $0x2  }
0x1f8: {  	s2 =	sadd.s32 $0x3, s0;
	s0 =	smov.u32 s23  }
0x1f9: {  	v4 =	vmov s2  }
0x1fa: {  	[tilespmem:v2+s15+$0x0] =	vst.idx.msk $0xffff, v3;
	v3 =	vand.u32 $0x7F, v4  }
0x1fb: {  	v2 =	vld [tilespmem:s13+$0x20];
	v4 =	vadd.s32 v0, v3;
	_ =	sdelay $0x4  }
0x1fc: {  	[tilespmem:v4+s15+$0x0] =	vst.idx.msk $0xffff, v2  }
.Ltmp3:
0x1fd: {  	v3 =	vadd.s32 v1, v3;
	v2 =	vld [tilespmem:s13+$0x30];
	(pc) =	sbr.rel @p0 .LBB2_9-.Ltmp3, $2  }
0x1fe: {  	_ =	sdelay $0x2  }
0x1ff: {  	s23 =	sadd.s32 $0x4, s23;
	v4 =	vmov s0  }
0x200: {  	_ =	sdelay $0x3  }
0x201: {  	v4 =	vand.u32 $0x7C, v4;
	[tilespmem:v3+s15+$0x0] =	vst.idx.msk $0xffff, v2;
	s2 =	sadd.s32 $0x80, s13  }
0x202: {  	v2 =	vld [tilespmem:s2+$0xFFFFFFC0];
	v3 =	vadd.s32 v0, v4;
	_ =	sdelay $0x4  }
0x203: {  	[tilespmem:v3+s15+$0x0] =	vst.idx.msk $0xffff, v2  }
0x204: {  	v3 =	vadd.s32 v1, v4;
	v2 =	vld [tilespmem:s2+$0xFFFFFFD0];
	_ =	sdelay $0x2  }
0x205: {  	s23 =	sadd.s32 $0x1, s0  }
0x206: {  	v4 =	vmov s23  }
0x207: {  	[tilespmem:v3+s15+$0x0] =	vst.idx.msk $0xffff, v2;
	v2 =	vand.u32 $0x7D, v4  }
0x208: {  	v3 =	vld [tilespmem:s2+$0xFFFFFFE0];
	v4 =	vadd.s32 v0, v2;
	_ =	sdelay $0x4  }
0x209: {  	[tilespmem:v4+s15+$0x0] =	vst.idx.msk $0xffff, v3  }
0x20a: {  	v2 =	vadd.s32 v1, v2;
	v3 =	vld [tilespmem:s2+$0xFFFFFFF0];
	_ =	sdelay $0x2  }
0x20b: {  	s23 =	sadd.s32 $0x2, s0  }
0x20c: {  	v4 =	vmov s23  }
0x20d: {  	[tilespmem:v2+s15+$0x0] =	vst.idx.msk $0xffff, v3;
	v2 =	vand.u32 $0x7E, v4  }
0x20e: {  	v3 =	vld [tilespmem:s2+$0x0];
	v4 =	vadd.s32 v0, v2;
	_ =	sdelay $0x4  }
0x20f: {  	[tilespmem:v4+s15+$0x0] =	vst.idx.msk $0xffff, v3  }
0x210: {  	v2 =	vadd.s32 v1, v2;
	v3 =	vld [tilespmem:s2+$0x10];
	_ =	sdelay $0x2  }
0x211: {  	s23 =	sadd.s32 $0x3, s0  }
0x212: {  	v4 =	vmov s23  }
0x213: {  	[tilespmem:v2+s15+$0x0] =	vst.idx.msk $0xffff, v3;
	v2 =	vand.u32 $0x7F, v4  }
0x214: {  	v3 =	vld [tilespmem:s2+$0x20];
	v4 =	vadd.s32 v0, v2;
	_ =	sdelay $0x4  }
0x215: {  	[tilespmem:v4+s15+$0x0] =	vst.idx.msk $0xffff, v3  }
0x216: {  	v2 =	vadd.s32 v1, v2;
	v3 =	vld [tilespmem:s2+$0x30];
	_ =	sdelay $0x3  }
0x217: {  	s2 =	rddreg [dreg:$0x7]  }
0x218: {  	s0 =	simm.s32 $0x0;
	s12 =	sadd.s32 s12, s2;
	[tilespmem:v2+s15+$0x0] =	vst.idx.msk $0xffff, v3  }
0x219: {  	[hbm4b:s12+s0] =	stream.linear.scatter [tilespmem:s15], [sflag:$0xC], $0x80, $0x38;
	[tilespmem:$0x16C00] =	vst v63  }
0x21a: {  	s23 =	simm.s32 $0x11788;
	s13 =	sadd.s32 $0x10, s12  }
0x21b: {  	[hbm4b:s13+s0] =	stream.linear.scatter [tilespmem:s23], [sflag:$0xC], $0x80, $0x38;
	[tilespmem:$0x16C00] =	vst v63  }
0x21c: {  	s13 =	sadd.s32 $0x20, s12;
	s23 =	simm.s32 $0x11810  }
0x21d: {  	[hbm4b:s13+s0] =	stream.linear.scatter [tilespmem:s23], [sflag:$0xC], $0x80, $0x38;
	[tilespmem:$0x16C00] =	vst v63  }
0x21e: {  	s13 =	sadd.s32 $0x30, s12;
	s23 =	simm.s32 $0x11898  }
0x21f: {  	[hbm4b:s13+s0] =	stream.linear.scatter [tilespmem:s23], [sflag:$0xC], $0x80, $0x38;
	[tilespmem:$0x16C00] =	vst v63  }
0x220: {  	s13 =	sadd.s32 $0x40, s12;
	s23 =	simm.s32 $0x11920  }
0x221: {  	[hbm4b:s13+s0] =	stream.linear.scatter [tilespmem:s23], [sflag:$0xC], $0x80, $0x38;
	[tilespmem:$0x16C00] =	vst v63  }
0x222: {  	s13 =	sadd.s32 $0x50, s12;
	s23 =	simm.s32 $0x119A8  }
0x223: {  	[hbm4b:s13+s0] =	stream.linear.scatter [tilespmem:s23], [sflag:$0xC], $0x80, $0x38;
	[tilespmem:$0x16C00] =	vst v63  }
0x224: {  	s13 =	sadd.s32 $0x60, s12;
	s23 =	simm.s32 $0x11A30  }
0x225: {  	[hbm4b:s13+s0] =	stream.linear.scatter [tilespmem:s23], [sflag:$0xC], $0x80, $0x38;
	[tilespmem:$0x16C00] =	vst v63  }
0x226: {  	s13 =	sadd.s32 $0x70, s12;
	s23 =	simm.s32 $0x11AB8  }
0x227: {  	[hbm4b:s13+s0] =	stream.linear.scatter [tilespmem:s23], [sflag:$0xC], $0x80, $0x38;
	[tilespmem:$0x16C00] =	vst v63  }
0x228: {  	s13 =	sadd.s32 $0x4000, s12;
	s23 =	simm.s32 $0x11B40  }
0x229: {  	[hbm4b:s13+s0] =	stream.linear.scatter [tilespmem:s23], [sflag:$0xC], $0x80, $0x38;
	[tilespmem:$0x16C00] =	vst v63  }
0x22a: {  	s13 =	sadd.s32 $0x4010, s12;
	s23 =	simm.s32 $0x11BC8  }
0x22b: {  	[hbm4b:s13+s0] =	stream.linear.scatter [tilespmem:s23], [sflag:$0xC], $0x80, $0x38;
	[tilespmem:$0x16C00] =	vst v63  }
0x22c: {  	s13 =	sadd.s32 $0x4020, s12;
	s23 =	simm.s32 $0x11C50  }
0x22d: {  	[hbm4b:s13+s0] =	stream.linear.scatter [tilespmem:s23], [sflag:$0xC], $0x80, $0x38;
	[tilespmem:$0x16C00] =	vst v63  }
0x22e: {  	s13 =	sadd.s32 $0x4030, s12;
	s23 =	simm.s32 $0x11CD8  }
0x22f: {  	[hbm4b:s13+s0] =	stream.linear.scatter [tilespmem:s23], [sflag:$0xC], $0x80, $0x38;
	[tilespmem:$0x16C00] =	vst v63  }
0x230: {  	s13 =	sadd.s32 $0x4040, s12;
	s23 =	simm.s32 $0x11D60  }
0x231: {  	[hbm4b:s13+s0] =	stream.linear.scatter [tilespmem:s23], [sflag:$0xC], $0x80, $0x38;
	[tilespmem:$0x16C00] =	vst v63  }
0x232: {  	s13 =	sadd.s32 $0x4050, s12;
	s23 =	simm.s32 $0x11DE8  }
0x233: {  	[hbm4b:s13+s0] =	stream.linear.scatter [tilespmem:s23], [sflag:$0xC], $0x80, $0x38;
	[tilespmem:$0x16C00] =	vst v63  }
0x234: {  	s13 =	sadd.s32 $0x4060, s12;
	s23 =	simm.s32 $0x11E70  }
0x235: {  	[hbm4b:s13+s0] =	stream.linear.scatter [tilespmem:s23], [sflag:$0xC], $0x80, $0x38;
	[tilespmem:$0x16C00] =	vst v63  }
0x236: {  	s13 =	sadd.s32 $0x4070, s12;
	s23 =	simm.s32 $0x11EF8  }
0x237: {  	[hbm4b:s13+s0] =	stream.linear.scatter [tilespmem:s23], [sflag:$0xC], $0x80, $0x38;
	[tilespmem:$0x16C00] =	vst v63  }
0x238: {  	s13 =	sadd.s32 $0x8000, s12;
	s23 =	simm.s32 $0x11F80  }
0x239: {  	[hbm4b:s13+s0] =	stream.linear.scatter [tilespmem:s23], [sflag:$0xC], $0x80, $0x38;
	[tilespmem:$0x16C00] =	vst v63  }
0x23a: {  	s13 =	sadd.s32 $0x8010, s12;
	s23 =	simm.s32 $0x12008  }
0x23b: {  	[hbm4b:s13+s0] =	stream.linear.scatter [tilespmem:s23], [sflag:$0xC], $0x80, $0x38;
	[tilespmem:$0x16C00] =	vst v63  }
0x23c: {  	s13 =	sadd.s32 $0x8020, s12;
	s23 =	simm.s32 $0x12090  }
0x23d: {  	[hbm4b:s13+s0] =	stream.linear.scatter [tilespmem:s23], [sflag:$0xC], $0x80, $0x38;
	[tilespmem:$0x16C00] =	vst v63  }
0x23e: {  	s13 =	sadd.s32 $0x8030, s12;
	s23 =	simm.s32 $0x12118  }
0x23f: {  	[hbm4b:s13+s0] =	stream.linear.scatter [tilespmem:s23], [sflag:$0xC], $0x80, $0x38;
	[tilespmem:$0x16C00] =	vst v63  }
0x240: {  	s13 =	sadd.s32 $0x8040, s12;
	s23 =	simm.s32 $0x121A0  }
0x241: {  	[hbm4b:s13+s0] =	stream.linear.scatter [tilespmem:s23], [sflag:$0xC], $0x80, $0x38;
	[tilespmem:$0x16C00] =	vst v63  }
0x242: {  	s13 =	sadd.s32 $0x8050, s12;
	s23 =	simm.s32 $0x12228  }
0x243: {  	[hbm4b:s13+s0] =	stream.linear.scatter [tilespmem:s23], [sflag:$0xC], $0x80, $0x38;
	[tilespmem:$0x16C00] =	vst v63  }
0x244: {  	s13 =	sadd.s32 $0x8060, s12;
	s23 =	simm.s32 $0x122B0  }
0x245: {  	[hbm4b:s13+s0] =	stream.linear.scatter [tilespmem:s23], [sflag:$0xC], $0x80, $0x38;
	[tilespmem:$0x16C00] =	vst v63  }
0x246: {  	s13 =	sadd.s32 $0x8070, s12;
	s23 =	simm.s32 $0x12338  }
0x247: {  	[hbm4b:s13+s0] =	stream.linear.scatter [tilespmem:s23], [sflag:$0xC], $0x80, $0x38;
	[tilespmem:$0x16C00] =	vst v63  }
0x248: {  	s13 =	sadd.s32 $0xC000, s12;
	s23 =	simm.s32 $0x123C0  }
0x249: {  	[hbm4b:s13+s0] =	stream.linear.scatter [tilespmem:s23], [sflag:$0xC], $0x80, $0x38;
	[tilespmem:$0x16C00] =	vst v63  }
0x24a: {  	s13 =	sadd.s32 $0xC010, s12;
	s23 =	simm.s32 $0x12448  }
0x24b: {  	[hbm4b:s13+s0] =	stream.linear.scatter [tilespmem:s23], [sflag:$0xC], $0x80, $0x38;
	[tilespmem:$0x16C00] =	vst v63  }
0x24c: {  	s13 =	sadd.s32 $0xC020, s12;
	s23 =	simm.s32 $0x124D0  }
0x24d: {  	[hbm4b:s13+s0] =	stream.linear.scatter [tilespmem:s23], [sflag:$0xC], $0x80, $0x38;
	[tilespmem:$0x16C00] =	vst v63  }
0x24e: {  	s13 =	sadd.s32 $0xC030, s12;
	s23 =	simm.s32 $0x12558  }
0x24f: {  	[hbm4b:s13+s0] =	stream.linear.scatter [tilespmem:s23], [sflag:$0xC], $0x80, $0x38;
	[tilespmem:$0x16C00] =	vst v63  }
0x250: {  	s13 =	sadd.s32 $0xC040, s12;
	s23 =	simm.s32 $0x125E0  }
0x251: {  	[hbm4b:s13+s0] =	stream.linear.scatter [tilespmem:s23], [sflag:$0xC], $0x80, $0x38;
	[tilespmem:$0x16C00] =	vst v63  }
0x252: {  	s13 =	sadd.s32 $0xC050, s12;
	s23 =	simm.s32 $0x12668  }
0x253: {  	[hbm4b:s13+s0] =	stream.linear.scatter [tilespmem:s23], [sflag:$0xC], $0x80, $0x38;
	[tilespmem:$0x16C00] =	vst v63  }
0x254: {  	s13 =	sadd.s32 $0xC060, s12;
	s23 =	simm.s32 $0x126F0  }
0x255: {  	[hbm4b:s13+s0] =	stream.linear.scatter [tilespmem:s23], [sflag:$0xC], $0x80, $0x38;
	[tilespmem:$0x16C00] =	vst v63  }
0x256: {  	s13 =	sadd.s32 $0xC070, s12;
	s23 =	simm.s32 $0x12778  }
0x257: {  	[hbm4b:s13+s0] =	stream.linear.scatter [tilespmem:s23], [sflag:$0xC], $0x80, $0x38;
	[tilespmem:$0x16C00] =	vst v63  }
0x258: {  	_ =	swait.ge [sflag:s30], $0x1000  }
0x259: {  	v2 =	vmov s0;
	[sflag:s30] =	ssyncset.done $0x0  }
0x25a: {  	v2 =	vand.u32 $0x7C, v2;
	s12 =	simm.s32 $0xA440;
	[sflag:s30] =	ssyncadd.s32 $0xFFFFF000  }
0x25b: {  	v4 =	vadd.s32 v0, v2;
	v3 =	vld [tilespmem:s12+$0xFFFFFFC0];
	_ =	sdelay $0x4  }
0x25c: {  	[tilespmem:v4+s21+$0x0] =	vst.idx.msk $0xffff, v3  }
0x25d: {  	v2 =	vadd.s32 v1, v2;
	v3 =	vld [tilespmem:s12+$0xFFFFFFD0];
	_ =	sdelay $0x2  }
0x25e: {  	s2 =	simm.s32 $0x1  }
0x25f: {  	v4 =	vmov s2  }
0x260: {  	[tilespmem:v2+s21+$0x0] =	vst.idx.msk $0xffff, v3;
	v2 =	vand.u32 $0x7D, v4  }
0x261: {  	v3 =	vld [tilespmem:s12+$0xFFFFFFE0];
	v4 =	vadd.s32 v0, v2;
	_ =	sdelay $0x4  }
0x262: {  	[tilespmem:v4+s21+$0x0] =	vst.idx.msk $0xffff, v3  }
0x263: {  	v2 =	vadd.s32 v1, v2;
	v3 =	vld [tilespmem:s12+$0xFFFFFFF0];
	_ =	sdelay $0x2  }
0x264: {  	s13 =	simm.s32 $0x2  }
0x265: {  	v4 =	vmov s13  }
0x266: {  	[tilespmem:v2+s21+$0x0] =	vst.idx.msk $0xffff, v3;
	v2 =	vand.u32 $0x7E, v4  }
0x267: {  	v3 =	vld [tilespmem:s12+$0x0];
	v4 =	vadd.s32 v0, v2;
	_ =	sdelay $0x4  }
0x268: {  	[tilespmem:v4+s21+$0x0] =	vst.idx.msk $0xffff, v3  }
0x269: {  	v2 =	vadd.s32 v1, v2;
	v3 =	vld [tilespmem:s12+$0x10];
	_ =	sdelay $0x2  }
0x26a: {  	s23 =	simm.s32 $0x3  }
0x26b: {  	v4 =	vmov s23  }
0x26c: {  	[tilespmem:v2+s21+$0x0] =	vst.idx.msk $0xffff, v3;
	v3 =	vand.u32 $0x7F, v4  }
0x26d: {  	v2 =	vld [tilespmem:s12+$0x20];
	v4 =	vadd.s32 v0, v3;
	_ =	sdelay $0x4  }
0x26e: {  	[tilespmem:v4+s21+$0x0] =	vst.idx.msk $0xffff, v2  }
0x26f: {  	v3 =	vadd.s32 v1, v3;
	v2 =	vld [tilespmem:s12+$0x30];
	_ =	sdelay $0x2  }
0x270: {  	s0 =	simm.s32 $0x4  }
0x271: {  	s13 =	simm.s32 $0x8;
	v4 =	vmov s0  }
.LBB2_11:
0x272: {  	p0 =	sne.s32 s13, $0x7C;
	v4 =	vand.u32 $0x7C, v4;
	[tilespmem:v3+s21+$0x0] =	vst.idx.msk $0xffff, v2;
	s12 =	sadd.s32 $0x80, s12  }
0x273: {  	v2 =	vld [tilespmem:s12+$0xFFFFFFC0];
	v3 =	vadd.s32 v0, v4;
	_ =	sdelay $0x4  }
0x274: {  	[tilespmem:v3+s21+$0x0] =	vst.idx.msk $0xffff, v2  }
0x275: {  	v3 =	vadd.s32 v1, v4;
	v2 =	vld [tilespmem:s12+$0xFFFFFFD0];
	_ =	sdelay $0x2  }
0x276: {  	s2 =	sadd.s32 $0x1, s0  }
0x277: {  	v4 =	vmov s2  }
0x278: {  	[tilespmem:v3+s21+$0x0] =	vst.idx.msk $0xffff, v2;
	v2 =	vand.u32 $0x7D, v4  }
0x279: {  	v3 =	vld [tilespmem:s12+$0xFFFFFFE0];
	v4 =	vadd.s32 v0, v2;
	_ =	sdelay $0x4  }
0x27a: {  	[tilespmem:v4+s21+$0x0] =	vst.idx.msk $0xffff, v3  }
0x27b: {  	v2 =	vadd.s32 v1, v2;
	v3 =	vld [tilespmem:s12+$0xFFFFFFF0];
	_ =	sdelay $0x2  }
0x27c: {  	s2 =	sadd.s32 $0x2, s0  }
0x27d: {  	v4 =	vmov s2  }
0x27e: {  	[tilespmem:v2+s21+$0x0] =	vst.idx.msk $0xffff, v3;
	v2 =	vand.u32 $0x7E, v4  }
0x27f: {  	v3 =	vld [tilespmem:s12+$0x0];
	v4 =	vadd.s32 v0, v2;
	_ =	sdelay $0x4  }
0x280: {  	[tilespmem:v4+s21+$0x0] =	vst.idx.msk $0xffff, v3  }
0x281: {  	v2 =	vadd.s32 v1, v2;
	v3 =	vld [tilespmem:s12+$0x10];
	_ =	sdelay $0x2  }
0x282: {  	s2 =	sadd.s32 $0x3, s0;
	s0 =	smov.u32 s13  }
0x283: {  	v4 =	vmov s2  }
0x284: {  	[tilespmem:v2+s21+$0x0] =	vst.idx.msk $0xffff, v3;
	v3 =	vand.u32 $0x7F, v4  }
0x285: {  	v2 =	vld [tilespmem:s12+$0x20];
	v4 =	vadd.s32 v0, v3;
	_ =	sdelay $0x4  }
0x286: {  	[tilespmem:v4+s21+$0x0] =	vst.idx.msk $0xffff, v2  }
.Ltmp4:
0x287: {  	v3 =	vadd.s32 v1, v3;
	v2 =	vld [tilespmem:s12+$0x30];
	(pc) =	sbr.rel @p0 .LBB2_11-.Ltmp4, $2  }
0x288: {  	_ =	sdelay $0x2  }
0x289: {  	s13 =	sadd.s32 $0x4, s13;
	v4 =	vmov s0  }
0x28a: {  	_ =	sdelay $0x3  }
0x28b: {  	v4 =	vand.u32 $0x7C, v4;
	[tilespmem:v3+s21+$0x0] =	vst.idx.msk $0xffff, v2;
	s2 =	sadd.s32 $0x80, s12  }
0x28c: {  	v2 =	vld [tilespmem:s2+$0xFFFFFFC0];
	v3 =	vadd.s32 v0, v4;
	_ =	sdelay $0x4  }
0x28d: {  	[tilespmem:v3+s21+$0x0] =	vst.idx.msk $0xffff, v2  }
0x28e: {  	v3 =	vadd.s32 v1, v4;
	v2 =	vld [tilespmem:s2+$0xFFFFFFD0];
	_ =	sdelay $0x2  }
0x28f: {  	s13 =	sadd.s32 $0x1, s0  }
0x290: {  	v4 =	vmov s13  }
0x291: {  	[tilespmem:v3+s21+$0x0] =	vst.idx.msk $0xffff, v2;
	v2 =	vand.u32 $0x7D, v4  }
0x292: {  	v3 =	vld [tilespmem:s2+$0xFFFFFFE0];
	v4 =	vadd.s32 v0, v2;
	_ =	sdelay $0x4  }
0x293: {  	[tilespmem:v4+s21+$0x0] =	vst.idx.msk $0xffff, v3  }
0x294: {  	v2 =	vadd.s32 v1, v2;
	v3 =	vld [tilespmem:s2+$0xFFFFFFF0];
	_ =	sdelay $0x2  }
0x295: {  	s23 =	sadd.s32 $0x2, s0  }
0x296: {  	v4 =	vmov s23  }
0x297: {  	[tilespmem:v2+s21+$0x0] =	vst.idx.msk $0xffff, v3;
	v2 =	vand.u32 $0x7E, v4  }
0x298: {  	v3 =	vld [tilespmem:s2+$0x0];
	v4 =	vadd.s32 v0, v2;
	_ =	sdelay $0x4  }
0x299: {  	[tilespmem:v4+s21+$0x0] =	vst.idx.msk $0xffff, v3  }
0x29a: {  	v2 =	vadd.s32 v1, v2;
	v3 =	vld [tilespmem:s2+$0x10];
	_ =	sdelay $0x2  }
0x29b: {  	s12 =	sadd.s32 $0x3, s0  }
0x29c: {  	v4 =	vmov s12  }
0x29d: {  	[tilespmem:v2+s21+$0x0] =	vst.idx.msk $0xffff, v3;
	v2 =	vand.u32 $0x7F, v4  }
0x29e: {  	v3 =	vld [tilespmem:s2+$0x20];
	v4 =	vadd.s32 v0, v2;
	_ =	sdelay $0x4  }
0x29f: {  	[tilespmem:v4+s21+$0x0] =	vst.idx.msk $0xffff, v3  }
0x2a0: {  	v2 =	vadd.s32 v1, v2;
	v3 =	vld [tilespmem:s2+$0x30];
	_ =	sdelay $0x3  }
0x2a1: {  	s13 =	rddreg [dreg:$0x8]  }
0x2a2: {  	s0 =	simm.s32 $0x0;
	s12 =	sadd.s32 s11, s13;
	[tilespmem:v2+s21+$0x0] =	vst.idx.msk $0xffff, v3  }
0x2a3: {  	[hbm4b:s12+s0] =	stream.linear.scatter [tilespmem:s21], [sflag:$0xD], $0x80, $0x38;
	[tilespmem:$0x16C00] =	vst v63  }
0x2a4: {  	s13 =	simm.s32 $0x12888;
	s23 =	sadd.s32 $0x10, s12  }
0x2a5: {  	[hbm4b:s23+s0] =	stream.linear.scatter [tilespmem:s13], [sflag:$0xD], $0x80, $0x38;
	[tilespmem:$0x16C00] =	vst v63  }
0x2a6: {  	s13 =	sadd.s32 $0x20, s12;
	s23 =	simm.s32 $0x12910  }
0x2a7: {  	[hbm4b:s13+s0] =	stream.linear.scatter [tilespmem:s23], [sflag:$0xD], $0x80, $0x38;
	[tilespmem:$0x16C00] =	vst v63  }
0x2a8: {  	s13 =	sadd.s32 $0x30, s12;
	s23 =	simm.s32 $0x12998  }
0x2a9: {  	[hbm4b:s13+s0] =	stream.linear.scatter [tilespmem:s23], [sflag:$0xD], $0x80, $0x38;
	[tilespmem:$0x16C00] =	vst v63  }
0x2aa: {  	s13 =	sadd.s32 $0x40, s12;
	s23 =	simm.s32 $0x12A20  }
0x2ab: {  	[hbm4b:s13+s0] =	stream.linear.scatter [tilespmem:s23], [sflag:$0xD], $0x80, $0x38;
	[tilespmem:$0x16C00] =	vst v63  }
0x2ac: {  	s13 =	sadd.s32 $0x50, s12;
	s23 =	simm.s32 $0x12AA8  }
0x2ad: {  	[hbm4b:s13+s0] =	stream.linear.scatter [tilespmem:s23], [sflag:$0xD], $0x80, $0x38;
	[tilespmem:$0x16C00] =	vst v63  }
0x2ae: {  	s13 =	sadd.s32 $0x60, s12;
	s23 =	simm.s32 $0x12B30  }
0x2af: {  	[hbm4b:s13+s0] =	stream.linear.scatter [tilespmem:s23], [sflag:$0xD], $0x80, $0x38;
	[tilespmem:$0x16C00] =	vst v63  }
0x2b0: {  	s13 =	sadd.s32 $0x70, s12;
	s23 =	simm.s32 $0x12BB8  }
0x2b1: {  	[hbm4b:s13+s0] =	stream.linear.scatter [tilespmem:s23], [sflag:$0xD], $0x80, $0x38;
	[tilespmem:$0x16C00] =	vst v63  }
0x2b2: {  	s13 =	sadd.s32 $0x4000, s12;
	s23 =	simm.s32 $0x12C40  }
0x2b3: {  	[hbm4b:s13+s0] =	stream.linear.scatter [tilespmem:s23], [sflag:$0xD], $0x80, $0x38;
	[tilespmem:$0x16C00] =	vst v63  }
0x2b4: {  	s13 =	sadd.s32 $0x4010, s12;
	s23 =	simm.s32 $0x12CC8  }
0x2b5: {  	[hbm4b:s13+s0] =	stream.linear.scatter [tilespmem:s23], [sflag:$0xD], $0x80, $0x38;
	[tilespmem:$0x16C00] =	vst v63  }
0x2b6: {  	s13 =	sadd.s32 $0x4020, s12;
	s23 =	simm.s32 $0x12D50  }
0x2b7: {  	[hbm4b:s13+s0] =	stream.linear.scatter [tilespmem:s23], [sflag:$0xD], $0x80, $0x38;
	[tilespmem:$0x16C00] =	vst v63  }
0x2b8: {  	s13 =	sadd.s32 $0x4030, s12;
	s23 =	simm.s32 $0x12DD8  }
0x2b9: {  	[hbm4b:s13+s0] =	stream.linear.scatter [tilespmem:s23], [sflag:$0xD], $0x80, $0x38;
	[tilespmem:$0x16C00] =	vst v63  }
0x2ba: {  	s13 =	sadd.s32 $0x4040, s12;
	s23 =	simm.s32 $0x12E60  }
0x2bb: {  	[hbm4b:s13+s0] =	stream.linear.scatter [tilespmem:s23], [sflag:$0xD], $0x80, $0x38;
	[tilespmem:$0x16C00] =	vst v63  }
0x2bc: {  	s13 =	sadd.s32 $0x4050, s12;
	s23 =	simm.s32 $0x12EE8  }
0x2bd: {  	[hbm4b:s13+s0] =	stream.linear.scatter [tilespmem:s23], [sflag:$0xD], $0x80, $0x38;
	[tilespmem:$0x16C00] =	vst v63  }
0x2be: {  	s13 =	sadd.s32 $0x4060, s12;
	s23 =	simm.s32 $0x12F70  }
0x2bf: {  	[hbm4b:s13+s0] =	stream.linear.scatter [tilespmem:s23], [sflag:$0xD], $0x80, $0x38;
	[tilespmem:$0x16C00] =	vst v63  }
0x2c0: {  	s13 =	sadd.s32 $0x4070, s12;
	s23 =	simm.s32 $0x12FF8  }
0x2c1: {  	[hbm4b:s13+s0] =	stream.linear.scatter [tilespmem:s23], [sflag:$0xD], $0x80, $0x38;
	[tilespmem:$0x16C00] =	vst v63  }
0x2c2: {  	s13 =	sadd.s32 $0x8000, s12;
	s23 =	simm.s32 $0x13080  }
0x2c3: {  	[hbm4b:s13+s0] =	stream.linear.scatter [tilespmem:s23], [sflag:$0xD], $0x80, $0x38;
	[tilespmem:$0x16C00] =	vst v63  }
0x2c4: {  	s13 =	sadd.s32 $0x8010, s12;
	s23 =	simm.s32 $0x13108  }
0x2c5: {  	[hbm4b:s13+s0] =	stream.linear.scatter [tilespmem:s23], [sflag:$0xD], $0x80, $0x38;
	[tilespmem:$0x16C00] =	vst v63  }
0x2c6: {  	s13 =	sadd.s32 $0x8020, s12;
	s23 =	simm.s32 $0x13190  }
0x2c7: {  	[hbm4b:s13+s0] =	stream.linear.scatter [tilespmem:s23], [sflag:$0xD], $0x80, $0x38;
	[tilespmem:$0x16C00] =	vst v63  }
0x2c8: {  	s13 =	sadd.s32 $0x8030, s12;
	s23 =	simm.s32 $0x13218  }
0x2c9: {  	[hbm4b:s13+s0] =	stream.linear.scatter [tilespmem:s23], [sflag:$0xD], $0x80, $0x38;
	[tilespmem:$0x16C00] =	vst v63  }
0x2ca: {  	s13 =	sadd.s32 $0x8040, s12;
	s23 =	simm.s32 $0x132A0  }
0x2cb: {  	[hbm4b:s13+s0] =	stream.linear.scatter [tilespmem:s23], [sflag:$0xD], $0x80, $0x38;
	[tilespmem:$0x16C00] =	vst v63  }
0x2cc: {  	s13 =	sadd.s32 $0x8050, s12;
	s23 =	simm.s32 $0x13328  }
0x2cd: {  	[hbm4b:s13+s0] =	stream.linear.scatter [tilespmem:s23], [sflag:$0xD], $0x80, $0x38;
	[tilespmem:$0x16C00] =	vst v63  }
0x2ce: {  	s13 =	sadd.s32 $0x8060, s12;
	s23 =	simm.s32 $0x133B0  }
0x2cf: {  	[hbm4b:s13+s0] =	stream.linear.scatter [tilespmem:s23], [sflag:$0xD], $0x80, $0x38;
	[tilespmem:$0x16C00] =	vst v63  }
0x2d0: {  	s13 =	sadd.s32 $0x8070, s12;
	s23 =	simm.s32 $0x13438  }
0x2d1: {  	[hbm4b:s13+s0] =	stream.linear.scatter [tilespmem:s23], [sflag:$0xD], $0x80, $0x38;
	[tilespmem:$0x16C00] =	vst v63  }
0x2d2: {  	s13 =	sadd.s32 $0xC000, s12;
	s23 =	simm.s32 $0x134C0  }
0x2d3: {  	[hbm4b:s13+s0] =	stream.linear.scatter [tilespmem:s23], [sflag:$0xD], $0x80, $0x38;
	[tilespmem:$0x16C00] =	vst v63  }
0x2d4: {  	s13 =	sadd.s32 $0xC010, s12;
	s23 =	simm.s32 $0x13548  }
0x2d5: {  	[hbm4b:s13+s0] =	stream.linear.scatter [tilespmem:s23], [sflag:$0xD], $0x80, $0x38;
	[tilespmem:$0x16C00] =	vst v63  }
0x2d6: {  	s13 =	sadd.s32 $0xC020, s12;
	s23 =	simm.s32 $0x135D0  }
0x2d7: {  	[hbm4b:s13+s0] =	stream.linear.scatter [tilespmem:s23], [sflag:$0xD], $0x80, $0x38;
	[tilespmem:$0x16C00] =	vst v63  }
0x2d8: {  	s13 =	sadd.s32 $0xC030, s12;
	s23 =	simm.s32 $0x13658  }
0x2d9: {  	[hbm4b:s13+s0] =	stream.linear.scatter [tilespmem:s23], [sflag:$0xD], $0x80, $0x38;
	[tilespmem:$0x16C00] =	vst v63  }
0x2da: {  	s13 =	sadd.s32 $0xC040, s12;
	s23 =	simm.s32 $0x136E0  }
0x2db: {  	[hbm4b:s13+s0] =	stream.linear.scatter [tilespmem:s23], [sflag:$0xD], $0x80, $0x38;
	[tilespmem:$0x16C00] =	vst v63  }
0x2dc: {  	s13 =	sadd.s32 $0xC050, s12;
	s23 =	simm.s32 $0x13768  }
0x2dd: {  	[hbm4b:s13+s0] =	stream.linear.scatter [tilespmem:s23], [sflag:$0xD], $0x80, $0x38;
	[tilespmem:$0x16C00] =	vst v63  }
0x2de: {  	s13 =	sadd.s32 $0xC060, s12;
	s23 =	simm.s32 $0x137F0  }
0x2df: {  	[hbm4b:s13+s0] =	stream.linear.scatter [tilespmem:s23], [sflag:$0xD], $0x80, $0x38;
	[tilespmem:$0x16C00] =	vst v63  }
0x2e0: {  	s13 =	sadd.s32 $0xC070, s12;
	s23 =	simm.s32 $0x13878  }
0x2e1: {  	[hbm4b:s13+s0] =	stream.linear.scatter [tilespmem:s23], [sflag:$0xD], $0x80, $0x38;
	[tilespmem:$0x16C00] =	vst v63  }
0x2e2: {  	_ =	swait.ge [sflag:s29], $0x1000  }
0x2e3: {  	v2 =	vmov s0;
	[sflag:s29] =	ssyncset.done $0x0  }
0x2e4: {  	v2 =	vand.u32 $0x7C, v2;
	s12 =	simm.s32 $0xB440;
	[sflag:s29] =	ssyncadd.s32 $0xFFFFF000  }
0x2e5: {  	v4 =	vadd.s32 v0, v2;
	v3 =	vld [tilespmem:s12+$0xFFFFFFC0];
	_ =	sdelay $0x4  }
0x2e6: {  	[tilespmem:v4+s22+$0x0] =	vst.idx.msk $0xffff, v3  }
0x2e7: {  	v2 =	vadd.s32 v1, v2;
	v3 =	vld [tilespmem:s12+$0xFFFFFFD0];
	_ =	sdelay $0x2  }
0x2e8: {  	s2 =	simm.s32 $0x1  }
0x2e9: {  	v4 =	vmov s2  }
0x2ea: {  	[tilespmem:v2+s22+$0x0] =	vst.idx.msk $0xffff, v3;
	v2 =	vand.u32 $0x7D, v4  }
0x2eb: {  	v3 =	vld [tilespmem:s12+$0xFFFFFFE0];
	v4 =	vadd.s32 v0, v2;
	_ =	sdelay $0x4  }
0x2ec: {  	[tilespmem:v4+s22+$0x0] =	vst.idx.msk $0xffff, v3  }
0x2ed: {  	v2 =	vadd.s32 v1, v2;
	v3 =	vld [tilespmem:s12+$0xFFFFFFF0];
	_ =	sdelay $0x2  }
0x2ee: {  	s13 =	simm.s32 $0x2  }
0x2ef: {  	v4 =	vmov s13  }
0x2f0: {  	[tilespmem:v2+s22+$0x0] =	vst.idx.msk $0xffff, v3;
	v2 =	vand.u32 $0x7E, v4  }
0x2f1: {  	v3 =	vld [tilespmem:s12+$0x0];
	v4 =	vadd.s32 v0, v2;
	_ =	sdelay $0x4  }
0x2f2: {  	[tilespmem:v4+s22+$0x0] =	vst.idx.msk $0xffff, v3  }
0x2f3: {  	v2 =	vadd.s32 v1, v2;
	v3 =	vld [tilespmem:s12+$0x10];
	_ =	sdelay $0x2  }
0x2f4: {  	s23 =	simm.s32 $0x3  }
0x2f5: {  	v4 =	vmov s23  }
0x2f6: {  	[tilespmem:v2+s22+$0x0] =	vst.idx.msk $0xffff, v3;
	v3 =	vand.u32 $0x7F, v4  }
0x2f7: {  	v2 =	vld [tilespmem:s12+$0x20];
	v4 =	vadd.s32 v0, v3;
	_ =	sdelay $0x4  }
0x2f8: {  	[tilespmem:v4+s22+$0x0] =	vst.idx.msk $0xffff, v2  }
0x2f9: {  	v3 =	vadd.s32 v1, v3;
	v2 =	vld [tilespmem:s12+$0x30];
	_ =	sdelay $0x2  }
0x2fa: {  	s0 =	simm.s32 $0x4  }
0x2fb: {  	s13 =	simm.s32 $0x8;
	v4 =	vmov s0  }
.LBB2_13:
0x2fc: {  	p0 =	sne.s32 s13, $0x7C;
	v4 =	vand.u32 $0x7C, v4;
	[tilespmem:v3+s22+$0x0] =	vst.idx.msk $0xffff, v2;
	s12 =	sadd.s32 $0x80, s12  }
0x2fd: {  	v2 =	vld [tilespmem:s12+$0xFFFFFFC0];
	v3 =	vadd.s32 v0, v4;
	_ =	sdelay $0x4  }
0x2fe: {  	[tilespmem:v3+s22+$0x0] =	vst.idx.msk $0xffff, v2  }
0x2ff: {  	v3 =	vadd.s32 v1, v4;
	v2 =	vld [tilespmem:s12+$0xFFFFFFD0];
	_ =	sdelay $0x2  }
0x300: {  	s2 =	sadd.s32 $0x1, s0  }
0x301: {  	v4 =	vmov s2  }
0x302: {  	[tilespmem:v3+s22+$0x0] =	vst.idx.msk $0xffff, v2;
	v2 =	vand.u32 $0x7D, v4  }
0x303: {  	v3 =	vld [tilespmem:s12+$0xFFFFFFE0];
	v4 =	vadd.s32 v0, v2;
	_ =	sdelay $0x4  }
0x304: {  	[tilespmem:v4+s22+$0x0] =	vst.idx.msk $0xffff, v3  }
0x305: {  	v2 =	vadd.s32 v1, v2;
	v3 =	vld [tilespmem:s12+$0xFFFFFFF0];
	_ =	sdelay $0x2  }
0x306: {  	s2 =	sadd.s32 $0x2, s0  }
0x307: {  	v4 =	vmov s2  }
0x308: {  	[tilespmem:v2+s22+$0x0] =	vst.idx.msk $0xffff, v3;
	v2 =	vand.u32 $0x7E, v4  }
0x309: {  	v3 =	vld [tilespmem:s12+$0x0];
	v4 =	vadd.s32 v0, v2;
	_ =	sdelay $0x4  }
0x30a: {  	[tilespmem:v4+s22+$0x0] =	vst.idx.msk $0xffff, v3  }
0x30b: {  	v2 =	vadd.s32 v1, v2;
	v3 =	vld [tilespmem:s12+$0x10];
	_ =	sdelay $0x2  }
0x30c: {  	s2 =	sadd.s32 $0x3, s0;
	s0 =	smov.u32 s13  }
0x30d: {  	v4 =	vmov s2  }
0x30e: {  	[tilespmem:v2+s22+$0x0] =	vst.idx.msk $0xffff, v3;
	v3 =	vand.u32 $0x7F, v4  }
0x30f: {  	v2 =	vld [tilespmem:s12+$0x20];
	v4 =	vadd.s32 v0, v3;
	_ =	sdelay $0x4  }
0x310: {  	[tilespmem:v4+s22+$0x0] =	vst.idx.msk $0xffff, v2  }
.Ltmp5:
0x311: {  	v3 =	vadd.s32 v1, v3;
	v2 =	vld [tilespmem:s12+$0x30];
	(pc) =	sbr.rel @p0 .LBB2_13-.Ltmp5, $2  }
0x312: {  	_ =	sdelay $0x2  }
0x313: {  	s13 =	sadd.s32 $0x4, s13;
	v4 =	vmov s0  }
0x314: {  	_ =	sdelay $0x3  }
0x315: {  	v4 =	vand.u32 $0x7C, v4;
	[tilespmem:v3+s22+$0x0] =	vst.idx.msk $0xffff, v2;
	s2 =	sadd.s32 $0x80, s12  }
0x316: {  	v2 =	vld [tilespmem:s2+$0xFFFFFFC0];
	v3 =	vadd.s32 v0, v4;
	_ =	sdelay $0x4  }
0x317: {  	[tilespmem:v3+s22+$0x0] =	vst.idx.msk $0xffff, v2  }
0x318: {  	v3 =	vadd.s32 v1, v4;
	v2 =	vld [tilespmem:s2+$0xFFFFFFD0];
	_ =	sdelay $0x2  }
0x319: {  	s13 =	sadd.s32 $0x1, s0  }
0x31a: {  	v4 =	vmov s13  }
0x31b: {  	[tilespmem:v3+s22+$0x0] =	vst.idx.msk $0xffff, v2;
	v2 =	vand.u32 $0x7D, v4  }
0x31c: {  	v3 =	vld [tilespmem:s2+$0xFFFFFFE0];
	v4 =	vadd.s32 v0, v2;
	_ =	sdelay $0x4  }
0x31d: {  	[tilespmem:v4+s22+$0x0] =	vst.idx.msk $0xffff, v3  }
0x31e: {  	v2 =	vadd.s32 v1, v2;
	v3 =	vld [tilespmem:s2+$0xFFFFFFF0];
	_ =	sdelay $0x2  }
0x31f: {  	s23 =	sadd.s32 $0x2, s0  }
0x320: {  	v4 =	vmov s23  }
0x321: {  	[tilespmem:v2+s22+$0x0] =	vst.idx.msk $0xffff, v3;
	v2 =	vand.u32 $0x7E, v4  }
0x322: {  	v3 =	vld [tilespmem:s2+$0x0];
	v4 =	vadd.s32 v0, v2;
	_ =	sdelay $0x4  }
0x323: {  	[tilespmem:v4+s22+$0x0] =	vst.idx.msk $0xffff, v3  }
0x324: {  	v2 =	vadd.s32 v1, v2;
	v3 =	vld [tilespmem:s2+$0x10];
	_ =	sdelay $0x2  }
0x325: {  	s12 =	sadd.s32 $0x3, s0  }
0x326: {  	v4 =	vmov s12  }
0x327: {  	[tilespmem:v2+s22+$0x0] =	vst.idx.msk $0xffff, v3;
	v2 =	vand.u32 $0x7F, v4  }
0x328: {  	v3 =	vld [tilespmem:s2+$0x20];
	v4 =	vadd.s32 v0, v2;
	_ =	sdelay $0x4  }
0x329: {  	[tilespmem:v4+s22+$0x0] =	vst.idx.msk $0xffff, v3  }
0x32a: {  	v2 =	vadd.s32 v1, v2;
	v3 =	vld [tilespmem:s2+$0x30];
	_ =	sdelay $0x3  }
0x32b: {  	s13 =	rddreg [dreg:$0x9]  }
0x32c: {  	s0 =	simm.s32 $0x0;
	s12 =	sadd.s32 s11, s13;
	[tilespmem:v2+s22+$0x0] =	vst.idx.msk $0xffff, v3  }
0x32d: {  	[hbm4b:s12+s0] =	stream.linear.scatter [tilespmem:s22], [sflag:$0xE], $0x80, $0x38;
	[tilespmem:$0x16C00] =	vst v63  }
0x32e: {  	s13 =	simm.s32 $0x13988;
	s23 =	sadd.s32 $0x10, s12  }
0x32f: {  	[hbm4b:s23+s0] =	stream.linear.scatter [tilespmem:s13], [sflag:$0xE], $0x80, $0x38;
	[tilespmem:$0x16C00] =	vst v63  }
0x330: {  	s13 =	sadd.s32 $0x20, s12;
	s23 =	simm.s32 $0x13A10  }
0x331: {  	[hbm4b:s13+s0] =	stream.linear.scatter [tilespmem:s23], [sflag:$0xE], $0x80, $0x38;
	[tilespmem:$0x16C00] =	vst v63  }
0x332: {  	s13 =	sadd.s32 $0x30, s12;
	s23 =	simm.s32 $0x13A98  }
0x333: {  	[hbm4b:s13+s0] =	stream.linear.scatter [tilespmem:s23], [sflag:$0xE], $0x80, $0x38;
	[tilespmem:$0x16C00] =	vst v63  }
0x334: {  	s13 =	sadd.s32 $0x40, s12;
	s23 =	simm.s32 $0x13B20  }
0x335: {  	[hbm4b:s13+s0] =	stream.linear.scatter [tilespmem:s23], [sflag:$0xE], $0x80, $0x38;
	[tilespmem:$0x16C00] =	vst v63  }
0x336: {  	s13 =	sadd.s32 $0x50, s12;
	s23 =	simm.s32 $0x13BA8  }
0x337: {  	[hbm4b:s13+s0] =	stream.linear.scatter [tilespmem:s23], [sflag:$0xE], $0x80, $0x38;
	[tilespmem:$0x16C00] =	vst v63  }
0x338: {  	s13 =	sadd.s32 $0x60, s12;
	s23 =	simm.s32 $0x13C30  }
0x339: {  	[hbm4b:s13+s0] =	stream.linear.scatter [tilespmem:s23], [sflag:$0xE], $0x80, $0x38;
	[tilespmem:$0x16C00] =	vst v63  }
0x33a: {  	s13 =	sadd.s32 $0x70, s12;
	s23 =	simm.s32 $0x13CB8  }
0x33b: {  	[hbm4b:s13+s0] =	stream.linear.scatter [tilespmem:s23], [sflag:$0xE], $0x80, $0x38;
	[tilespmem:$0x16C00] =	vst v63  }
0x33c: {  	s13 =	sadd.s32 $0x4000, s12;
	s23 =	simm.s32 $0x13D40  }
0x33d: {  	[hbm4b:s13+s0] =	stream.linear.scatter [tilespmem:s23], [sflag:$0xE], $0x80, $0x38;
	[tilespmem:$0x16C00] =	vst v63  }
0x33e: {  	s13 =	sadd.s32 $0x4010, s12;
	s23 =	simm.s32 $0x13DC8  }
0x33f: {  	[hbm4b:s13+s0] =	stream.linear.scatter [tilespmem:s23], [sflag:$0xE], $0x80, $0x38;
	[tilespmem:$0x16C00] =	vst v63  }
0x340: {  	s13 =	sadd.s32 $0x4020, s12;
	s23 =	simm.s32 $0x13E50  }
0x341: {  	[hbm4b:s13+s0] =	stream.linear.scatter [tilespmem:s23], [sflag:$0xE], $0x80, $0x38;
	[tilespmem:$0x16C00] =	vst v63  }
0x342: {  	s13 =	sadd.s32 $0x4030, s12;
	s23 =	simm.s32 $0x13ED8  }
0x343: {  	[hbm4b:s13+s0] =	stream.linear.scatter [tilespmem:s23], [sflag:$0xE], $0x80, $0x38;
	[tilespmem:$0x16C00] =	vst v63  }
0x344: {  	s13 =	sadd.s32 $0x4040, s12;
	s23 =	simm.s32 $0x13F60  }
0x345: {  	[hbm4b:s13+s0] =	stream.linear.scatter [tilespmem:s23], [sflag:$0xE], $0x80, $0x38;
	[tilespmem:$0x16C00] =	vst v63  }
0x346: {  	s13 =	sadd.s32 $0x4050, s12;
	s23 =	simm.s32 $0x13FE8  }
0x347: {  	[hbm4b:s13+s0] =	stream.linear.scatter [tilespmem:s23], [sflag:$0xE], $0x80, $0x38;
	[tilespmem:$0x16C00] =	vst v63  }
0x348: {  	s13 =	sadd.s32 $0x4060, s12;
	s23 =	simm.s32 $0x14070  }
0x349: {  	[hbm4b:s13+s0] =	stream.linear.scatter [tilespmem:s23], [sflag:$0xE], $0x80, $0x38;
	[tilespmem:$0x16C00] =	vst v63  }
0x34a: {  	s13 =	sadd.s32 $0x4070, s12;
	s23 =	simm.s32 $0x140F8  }
0x34b: {  	[hbm4b:s13+s0] =	stream.linear.scatter [tilespmem:s23], [sflag:$0xE], $0x80, $0x38;
	[tilespmem:$0x16C00] =	vst v63  }
0x34c: {  	s13 =	sadd.s32 $0x8000, s12;
	s23 =	simm.s32 $0x14180  }
0x34d: {  	[hbm4b:s13+s0] =	stream.linear.scatter [tilespmem:s23], [sflag:$0xE], $0x80, $0x38;
	[tilespmem:$0x16C00] =	vst v63  }
0x34e: {  	s13 =	sadd.s32 $0x8010, s12;
	s23 =	simm.s32 $0x14208  }
0x34f: {  	[hbm4b:s13+s0] =	stream.linear.scatter [tilespmem:s23], [sflag:$0xE], $0x80, $0x38;
	[tilespmem:$0x16C00] =	vst v63  }
0x350: {  	s13 =	sadd.s32 $0x8020, s12;
	s23 =	simm.s32 $0x14290  }
0x351: {  	[hbm4b:s13+s0] =	stream.linear.scatter [tilespmem:s23], [sflag:$0xE], $0x80, $0x38;
	[tilespmem:$0x16C00] =	vst v63  }
0x352: {  	s13 =	sadd.s32 $0x8030, s12;
	s23 =	simm.s32 $0x14318  }
0x353: {  	[hbm4b:s13+s0] =	stream.linear.scatter [tilespmem:s23], [sflag:$0xE], $0x80, $0x38;
	[tilespmem:$0x16C00] =	vst v63  }
0x354: {  	s13 =	sadd.s32 $0x8040, s12;
	s23 =	simm.s32 $0x143A0  }
0x355: {  	[hbm4b:s13+s0] =	stream.linear.scatter [tilespmem:s23], [sflag:$0xE], $0x80, $0x38;
	[tilespmem:$0x16C00] =	vst v63  }
0x356: {  	s13 =	sadd.s32 $0x8050, s12;
	s23 =	simm.s32 $0x14428  }
0x357: {  	[hbm4b:s13+s0] =	stream.linear.scatter [tilespmem:s23], [sflag:$0xE], $0x80, $0x38;
	[tilespmem:$0x16C00] =	vst v63  }
0x358: {  	s13 =	sadd.s32 $0x8060, s12;
	s23 =	simm.s32 $0x144B0  }
0x359: {  	[hbm4b:s13+s0] =	stream.linear.scatter [tilespmem:s23], [sflag:$0xE], $0x80, $0x38;
	[tilespmem:$0x16C00] =	vst v63  }
0x35a: {  	s13 =	sadd.s32 $0x8070, s12;
	s23 =	simm.s32 $0x14538  }
0x35b: {  	[hbm4b:s13+s0] =	stream.linear.scatter [tilespmem:s23], [sflag:$0xE], $0x80, $0x38;
	[tilespmem:$0x16C00] =	vst v63  }
0x35c: {  	s13 =	sadd.s32 $0xC000, s12;
	s23 =	simm.s32 $0x145C0  }
0x35d: {  	[hbm4b:s13+s0] =	stream.linear.scatter [tilespmem:s23], [sflag:$0xE], $0x80, $0x38;
	[tilespmem:$0x16C00] =	vst v63  }
0x35e: {  	s13 =	sadd.s32 $0xC010, s12;
	s23 =	simm.s32 $0x14648  }
0x35f: {  	[hbm4b:s13+s0] =	stream.linear.scatter [tilespmem:s23], [sflag:$0xE], $0x80, $0x38;
	[tilespmem:$0x16C00] =	vst v63  }
0x360: {  	s13 =	sadd.s32 $0xC020, s12;
	s23 =	simm.s32 $0x146D0  }
0x361: {  	[hbm4b:s13+s0] =	stream.linear.scatter [tilespmem:s23], [sflag:$0xE], $0x80, $0x38;
	[tilespmem:$0x16C00] =	vst v63  }
0x362: {  	s13 =	sadd.s32 $0xC030, s12;
	s23 =	simm.s32 $0x14758  }
0x363: {  	[hbm4b:s13+s0] =	stream.linear.scatter [tilespmem:s23], [sflag:$0xE], $0x80, $0x38;
	[tilespmem:$0x16C00] =	vst v63  }
0x364: {  	s13 =	sadd.s32 $0xC040, s12;
	s23 =	simm.s32 $0x147E0  }
0x365: {  	[hbm4b:s13+s0] =	stream.linear.scatter [tilespmem:s23], [sflag:$0xE], $0x80, $0x38;
	[tilespmem:$0x16C00] =	vst v63  }
0x366: {  	s13 =	sadd.s32 $0xC050, s12;
	s23 =	simm.s32 $0x14868  }
0x367: {  	[hbm4b:s13+s0] =	stream.linear.scatter [tilespmem:s23], [sflag:$0xE], $0x80, $0x38;
	[tilespmem:$0x16C00] =	vst v63  }
0x368: {  	s13 =	sadd.s32 $0xC060, s12;
	s23 =	simm.s32 $0x148F0  }
0x369: {  	[hbm4b:s13+s0] =	stream.linear.scatter [tilespmem:s23], [sflag:$0xE], $0x80, $0x38;
	[tilespmem:$0x16C00] =	vst v63  }
0x36a: {  	s13 =	sadd.s32 $0xC070, s12;
	s23 =	simm.s32 $0x14978  }
0x36b: {  	[hbm4b:s13+s0] =	stream.linear.scatter [tilespmem:s23], [sflag:$0xE], $0x80, $0x38;
	[tilespmem:$0x16C00] =	vst v63  }
0x36c: {  	_ =	swait.ge [sflag:s1], $0x1000  }
0x36d: {  	v2 =	vmov s0;
	[sflag:s1] =	ssyncset.done $0x0  }
0x36e: {  	v2 =	vand.u32 $0x7C, v2;
	s12 =	simm.s32 $0xC440;
	[sflag:s1] =	ssyncadd.s32 $0xFFFFF000  }
0x36f: {  	v4 =	vadd.s32 v0, v2;
	v3 =	vld [tilespmem:s12+$0xFFFFFFC0];
	_ =	sdelay $0x4  }
0x370: {  	[tilespmem:v4+s24+$0x0] =	vst.idx.msk $0xffff, v3  }
0x371: {  	v2 =	vadd.s32 v1, v2;
	v3 =	vld [tilespmem:s12+$0xFFFFFFD0];
	_ =	sdelay $0x2  }
0x372: {  	s2 =	simm.s32 $0x1  }
0x373: {  	v4 =	vmov s2  }
0x374: {  	[tilespmem:v2+s24+$0x0] =	vst.idx.msk $0xffff, v3;
	v2 =	vand.u32 $0x7D, v4  }
0x375: {  	v3 =	vld [tilespmem:s12+$0xFFFFFFE0];
	v4 =	vadd.s32 v0, v2;
	_ =	sdelay $0x4  }
0x376: {  	[tilespmem:v4+s24+$0x0] =	vst.idx.msk $0xffff, v3  }
0x377: {  	v2 =	vadd.s32 v1, v2;
	v3 =	vld [tilespmem:s12+$0xFFFFFFF0];
	_ =	sdelay $0x2  }
0x378: {  	s13 =	simm.s32 $0x2  }
0x379: {  	v4 =	vmov s13  }
0x37a: {  	[tilespmem:v2+s24+$0x0] =	vst.idx.msk $0xffff, v3;
	v2 =	vand.u32 $0x7E, v4  }
0x37b: {  	v3 =	vld [tilespmem:s12+$0x0];
	v4 =	vadd.s32 v0, v2;
	_ =	sdelay $0x4  }
0x37c: {  	[tilespmem:v4+s24+$0x0] =	vst.idx.msk $0xffff, v3  }
0x37d: {  	v2 =	vadd.s32 v1, v2;
	v3 =	vld [tilespmem:s12+$0x10];
	_ =	sdelay $0x2  }
0x37e: {  	s23 =	simm.s32 $0x3  }
0x37f: {  	v4 =	vmov s23  }
0x380: {  	[tilespmem:v2+s24+$0x0] =	vst.idx.msk $0xffff, v3;
	v3 =	vand.u32 $0x7F, v4  }
0x381: {  	v2 =	vld [tilespmem:s12+$0x20];
	v4 =	vadd.s32 v0, v3;
	_ =	sdelay $0x4  }
0x382: {  	[tilespmem:v4+s24+$0x0] =	vst.idx.msk $0xffff, v2  }
0x383: {  	v3 =	vadd.s32 v1, v3;
	v2 =	vld [tilespmem:s12+$0x30];
	_ =	sdelay $0x2  }
0x384: {  	s0 =	simm.s32 $0x4  }
0x385: {  	s13 =	simm.s32 $0x8;
	v4 =	vmov s0  }
.LBB2_15:
0x386: {  	p0 =	sne.s32 s13, $0x7C;
	v4 =	vand.u32 $0x7C, v4;
	[tilespmem:v3+s24+$0x0] =	vst.idx.msk $0xffff, v2;
	s12 =	sadd.s32 $0x80, s12  }
0x387: {  	v2 =	vld [tilespmem:s12+$0xFFFFFFC0];
	v3 =	vadd.s32 v0, v4;
	_ =	sdelay $0x4  }
0x388: {  	[tilespmem:v3+s24+$0x0] =	vst.idx.msk $0xffff, v2  }
0x389: {  	v3 =	vadd.s32 v1, v4;
	v2 =	vld [tilespmem:s12+$0xFFFFFFD0];
	_ =	sdelay $0x2  }
0x38a: {  	s2 =	sadd.s32 $0x1, s0  }
0x38b: {  	v4 =	vmov s2  }
0x38c: {  	[tilespmem:v3+s24+$0x0] =	vst.idx.msk $0xffff, v2;
	v2 =	vand.u32 $0x7D, v4  }
0x38d: {  	v3 =	vld [tilespmem:s12+$0xFFFFFFE0];
	v4 =	vadd.s32 v0, v2;
	_ =	sdelay $0x4  }
0x38e: {  	[tilespmem:v4+s24+$0x0] =	vst.idx.msk $0xffff, v3  }
0x38f: {  	v2 =	vadd.s32 v1, v2;
	v3 =	vld [tilespmem:s12+$0xFFFFFFF0];
	_ =	sdelay $0x2  }
0x390: {  	s2 =	sadd.s32 $0x2, s0  }
0x391: {  	v4 =	vmov s2  }
0x392: {  	[tilespmem:v2+s24+$0x0] =	vst.idx.msk $0xffff, v3;
	v2 =	vand.u32 $0x7E, v4  }
0x393: {  	v3 =	vld [tilespmem:s12+$0x0];
	v4 =	vadd.s32 v0, v2;
	_ =	sdelay $0x4  }
0x394: {  	[tilespmem:v4+s24+$0x0] =	vst.idx.msk $0xffff, v3  }
0x395: {  	v2 =	vadd.s32 v1, v2;
	v3 =	vld [tilespmem:s12+$0x10];
	_ =	sdelay $0x2  }
0x396: {  	s2 =	sadd.s32 $0x3, s0;
	s0 =	smov.u32 s13  }
0x397: {  	v4 =	vmov s2  }
0x398: {  	[tilespmem:v2+s24+$0x0] =	vst.idx.msk $0xffff, v3;
	v3 =	vand.u32 $0x7F, v4  }
0x399: {  	v2 =	vld [tilespmem:s12+$0x20];
	v4 =	vadd.s32 v0, v3;
	_ =	sdelay $0x4  }
0x39a: {  	[tilespmem:v4+s24+$0x0] =	vst.idx.msk $0xffff, v2  }
.Ltmp6:
0x39b: {  	v3 =	vadd.s32 v1, v3;
	v2 =	vld [tilespmem:s12+$0x30];
	(pc) =	sbr.rel @p0 .LBB2_15-.Ltmp6, $2  }
0x39c: {  	_ =	sdelay $0x2  }
0x39d: {  	s13 =	sadd.s32 $0x4, s13;
	v4 =	vmov s0  }
0x39e: {  	_ =	sdelay $0x3  }
0x39f: {  	v4 =	vand.u32 $0x7C, v4;
	[tilespmem:v3+s24+$0x0] =	vst.idx.msk $0xffff, v2;
	s2 =	sadd.s32 $0x80, s12  }
0x3a0: {  	v2 =	vld [tilespmem:s2+$0xFFFFFFC0];
	v3 =	vadd.s32 v0, v4;
	_ =	sdelay $0x4  }
0x3a1: {  	[tilespmem:v3+s24+$0x0] =	vst.idx.msk $0xffff, v2  }
0x3a2: {  	v3 =	vadd.s32 v1, v4;
	v2 =	vld [tilespmem:s2+$0xFFFFFFD0];
	_ =	sdelay $0x2  }
0x3a3: {  	s13 =	sadd.s32 $0x1, s0  }
0x3a4: {  	v4 =	vmov s13  }
0x3a5: {  	[tilespmem:v3+s24+$0x0] =	vst.idx.msk $0xffff, v2;
	v2 =	vand.u32 $0x7D, v4  }
0x3a6: {  	v3 =	vld [tilespmem:s2+$0xFFFFFFE0];
	v4 =	vadd.s32 v0, v2;
	_ =	sdelay $0x4  }
0x3a7: {  	[tilespmem:v4+s24+$0x0] =	vst.idx.msk $0xffff, v3  }
0x3a8: {  	v2 =	vadd.s32 v1, v2;
	v3 =	vld [tilespmem:s2+$0xFFFFFFF0];
	_ =	sdelay $0x2  }
0x3a9: {  	s23 =	sadd.s32 $0x2, s0  }
0x3aa: {  	v4 =	vmov s23  }
0x3ab: {  	[tilespmem:v2+s24+$0x0] =	vst.idx.msk $0xffff, v3;
	v2 =	vand.u32 $0x7E, v4  }
0x3ac: {  	v3 =	vld [tilespmem:s2+$0x0];
	v4 =	vadd.s32 v0, v2;
	_ =	sdelay $0x4  }
0x3ad: {  	[tilespmem:v4+s24+$0x0] =	vst.idx.msk $0xffff, v3  }
0x3ae: {  	v2 =	vadd.s32 v1, v2;
	v3 =	vld [tilespmem:s2+$0x10];
	_ =	sdelay $0x2  }
0x3af: {  	s12 =	sadd.s32 $0x3, s0  }
0x3b0: {  	v4 =	vmov s12  }
0x3b1: {  	[tilespmem:v2+s24+$0x0] =	vst.idx.msk $0xffff, v3;
	v2 =	vand.u32 $0x7F, v4  }
0x3b2: {  	v3 =	vld [tilespmem:s2+$0x20];
	v4 =	vadd.s32 v0, v2;
	_ =	sdelay $0x4  }
0x3b3: {  	[tilespmem:v4+s24+$0x0] =	vst.idx.msk $0xffff, v3  }
0x3b4: {  	v2 =	vadd.s32 v1, v2;
	v3 =	vld [tilespmem:s2+$0x30];
	_ =	sdelay $0x3  }
0x3b5: {  	s13 =	rddreg [dreg:$0xa]  }
0x3b6: {  	s0 =	simm.s32 $0x0;
	s12 =	sadd.s32 s11, s13;
	[tilespmem:v2+s24+$0x0] =	vst.idx.msk $0xffff, v3  }
0x3b7: {  	[hbm4b:s12+s0] =	stream.linear.scatter [tilespmem:s24], [sflag:$0xF], $0x80, $0x38;
	[tilespmem:$0x16C00] =	vst v63  }
0x3b8: {  	s13 =	simm.s32 $0x14A88;
	s23 =	sadd.s32 $0x10, s12  }
0x3b9: {  	[hbm4b:s23+s0] =	stream.linear.scatter [tilespmem:s13], [sflag:$0xF], $0x80, $0x38;
	[tilespmem:$0x16C00] =	vst v63  }
0x3ba: {  	s13 =	sadd.s32 $0x20, s12;
	s23 =	simm.s32 $0x14B10  }
0x3bb: {  	[hbm4b:s13+s0] =	stream.linear.scatter [tilespmem:s23], [sflag:$0xF], $0x80, $0x38;
	[tilespmem:$0x16C00] =	vst v63  }
0x3bc: {  	s13 =	sadd.s32 $0x30, s12;
	s23 =	simm.s32 $0x14B98  }
0x3bd: {  	[hbm4b:s13+s0] =	stream.linear.scatter [tilespmem:s23], [sflag:$0xF], $0x80, $0x38;
	[tilespmem:$0x16C00] =	vst v63  }
0x3be: {  	s13 =	sadd.s32 $0x40, s12;
	s23 =	simm.s32 $0x14C20  }
0x3bf: {  	[hbm4b:s13+s0] =	stream.linear.scatter [tilespmem:s23], [sflag:$0xF], $0x80, $0x38;
	[tilespmem:$0x16C00] =	vst v63  }
0x3c0: {  	s13 =	sadd.s32 $0x50, s12;
	s23 =	simm.s32 $0x14CA8  }
0x3c1: {  	[hbm4b:s13+s0] =	stream.linear.scatter [tilespmem:s23], [sflag:$0xF], $0x80, $0x38;
	[tilespmem:$0x16C00] =	vst v63  }
0x3c2: {  	s13 =	sadd.s32 $0x60, s12;
	s23 =	simm.s32 $0x14D30  }
0x3c3: {  	[hbm4b:s13+s0] =	stream.linear.scatter [tilespmem:s23], [sflag:$0xF], $0x80, $0x38;
	[tilespmem:$0x16C00] =	vst v63  }
0x3c4: {  	s13 =	sadd.s32 $0x70, s12;
	s23 =	simm.s32 $0x14DB8  }
0x3c5: {  	[hbm4b:s13+s0] =	stream.linear.scatter [tilespmem:s23], [sflag:$0xF], $0x80, $0x38;
	[tilespmem:$0x16C00] =	vst v63  }
0x3c6: {  	s13 =	sadd.s32 $0x4000, s12;
	s23 =	simm.s32 $0x14E40  }
0x3c7: {  	[hbm4b:s13+s0] =	stream.linear.scatter [tilespmem:s23], [sflag:$0xF], $0x80, $0x38;
	[tilespmem:$0x16C00] =	vst v63  }
0x3c8: {  	s13 =	sadd.s32 $0x4010, s12;
	s23 =	simm.s32 $0x14EC8  }
0x3c9: {  	[hbm4b:s13+s0] =	stream.linear.scatter [tilespmem:s23], [sflag:$0xF], $0x80, $0x38;
	[tilespmem:$0x16C00] =	vst v63  }
0x3ca: {  	s13 =	sadd.s32 $0x4020, s12;
	s23 =	simm.s32 $0x14F50  }
0x3cb: {  	[hbm4b:s13+s0] =	stream.linear.scatter [tilespmem:s23], [sflag:$0xF], $0x80, $0x38;
	[tilespmem:$0x16C00] =	vst v63  }
0x3cc: {  	s13 =	sadd.s32 $0x4030, s12;
	s23 =	simm.s32 $0x14FD8  }
0x3cd: {  	[hbm4b:s13+s0] =	stream.linear.scatter [tilespmem:s23], [sflag:$0xF], $0x80, $0x38;
	[tilespmem:$0x16C00] =	vst v63  }
0x3ce: {  	s13 =	sadd.s32 $0x4040, s12;
	s23 =	simm.s32 $0x15060  }
0x3cf: {  	[hbm4b:s13+s0] =	stream.linear.scatter [tilespmem:s23], [sflag:$0xF], $0x80, $0x38;
	[tilespmem:$0x16C00] =	vst v63  }
0x3d0: {  	s13 =	sadd.s32 $0x4050, s12;
	s23 =	simm.s32 $0x150E8  }
0x3d1: {  	[hbm4b:s13+s0] =	stream.linear.scatter [tilespmem:s23], [sflag:$0xF], $0x80, $0x38;
	[tilespmem:$0x16C00] =	vst v63  }
0x3d2: {  	s13 =	sadd.s32 $0x4060, s12;
	s23 =	simm.s32 $0x15170  }
0x3d3: {  	[hbm4b:s13+s0] =	stream.linear.scatter [tilespmem:s23], [sflag:$0xF], $0x80, $0x38;
	[tilespmem:$0x16C00] =	vst v63  }
0x3d4: {  	s13 =	sadd.s32 $0x4070, s12;
	s23 =	simm.s32 $0x151F8  }
0x3d5: {  	[hbm4b:s13+s0] =	stream.linear.scatter [tilespmem:s23], [sflag:$0xF], $0x80, $0x38;
	[tilespmem:$0x16C00] =	vst v63  }
0x3d6: {  	s13 =	sadd.s32 $0x8000, s12;
	s23 =	simm.s32 $0x15280  }
0x3d7: {  	[hbm4b:s13+s0] =	stream.linear.scatter [tilespmem:s23], [sflag:$0xF], $0x80, $0x38;
	[tilespmem:$0x16C00] =	vst v63  }
0x3d8: {  	s13 =	sadd.s32 $0x8010, s12;
	s23 =	simm.s32 $0x15308  }
0x3d9: {  	[hbm4b:s13+s0] =	stream.linear.scatter [tilespmem:s23], [sflag:$0xF], $0x80, $0x38;
	[tilespmem:$0x16C00] =	vst v63  }
0x3da: {  	s13 =	sadd.s32 $0x8020, s12;
	s23 =	simm.s32 $0x15390  }
0x3db: {  	[hbm4b:s13+s0] =	stream.linear.scatter [tilespmem:s23], [sflag:$0xF], $0x80, $0x38;
	[tilespmem:$0x16C00] =	vst v63  }
0x3dc: {  	s13 =	sadd.s32 $0x8030, s12;
	s23 =	simm.s32 $0x15418  }
0x3dd: {  	[hbm4b:s13+s0] =	stream.linear.scatter [tilespmem:s23], [sflag:$0xF], $0x80, $0x38;
	[tilespmem:$0x16C00] =	vst v63  }
0x3de: {  	s13 =	sadd.s32 $0x8040, s12;
	s23 =	simm.s32 $0x154A0  }
0x3df: {  	[hbm4b:s13+s0] =	stream.linear.scatter [tilespmem:s23], [sflag:$0xF], $0x80, $0x38;
	[tilespmem:$0x16C00] =	vst v63  }
0x3e0: {  	s13 =	sadd.s32 $0x8050, s12;
	s23 =	simm.s32 $0x15528  }
0x3e1: {  	[hbm4b:s13+s0] =	stream.linear.scatter [tilespmem:s23], [sflag:$0xF], $0x80, $0x38;
	[tilespmem:$0x16C00] =	vst v63  }
0x3e2: {  	s13 =	sadd.s32 $0x8060, s12;
	s23 =	simm.s32 $0x155B0  }
0x3e3: {  	[hbm4b:s13+s0] =	stream.linear.scatter [tilespmem:s23], [sflag:$0xF], $0x80, $0x38;
	[tilespmem:$0x16C00] =	vst v63  }
0x3e4: {  	s13 =	sadd.s32 $0x8070, s12;
	s23 =	simm.s32 $0x15638  }
0x3e5: {  	[hbm4b:s13+s0] =	stream.linear.scatter [tilespmem:s23], [sflag:$0xF], $0x80, $0x38;
	[tilespmem:$0x16C00] =	vst v63  }
0x3e6: {  	s13 =	sadd.s32 $0xC000, s12;
	s23 =	simm.s32 $0x156C0  }
0x3e7: {  	[hbm4b:s13+s0] =	stream.linear.scatter [tilespmem:s23], [sflag:$0xF], $0x80, $0x38;
	[tilespmem:$0x16C00] =	vst v63  }
0x3e8: {  	s13 =	sadd.s32 $0xC010, s12;
	s23 =	simm.s32 $0x15748  }
0x3e9: {  	[hbm4b:s13+s0] =	stream.linear.scatter [tilespmem:s23], [sflag:$0xF], $0x80, $0x38;
	[tilespmem:$0x16C00] =	vst v63  }
0x3ea: {  	s13 =	sadd.s32 $0xC020, s12;
	s23 =	simm.s32 $0x157D0  }
0x3eb: {  	[hbm4b:s13+s0] =	stream.linear.scatter [tilespmem:s23], [sflag:$0xF], $0x80, $0x38;
	[tilespmem:$0x16C00] =	vst v63  }
0x3ec: {  	s13 =	sadd.s32 $0xC030, s12;
	s23 =	simm.s32 $0x15858  }
0x3ed: {  	[hbm4b:s13+s0] =	stream.linear.scatter [tilespmem:s23], [sflag:$0xF], $0x80, $0x38;
	[tilespmem:$0x16C00] =	vst v63  }
0x3ee: {  	s13 =	sadd.s32 $0xC040, s12;
	s23 =	simm.s32 $0x158E0  }
0x3ef: {  	[hbm4b:s13+s0] =	stream.linear.scatter [tilespmem:s23], [sflag:$0xF], $0x80, $0x38;
	[tilespmem:$0x16C00] =	vst v63  }
0x3f0: {  	s13 =	sadd.s32 $0xC050, s12;
	s23 =	simm.s32 $0x15968  }
0x3f1: {  	[hbm4b:s13+s0] =	stream.linear.scatter [tilespmem:s23], [sflag:$0xF], $0x80, $0x38;
	[tilespmem:$0x16C00] =	vst v63  }
0x3f2: {  	s13 =	sadd.s32 $0xC060, s12;
	s23 =	simm.s32 $0x159F0  }
0x3f3: {  	[hbm4b:s13+s0] =	stream.linear.scatter [tilespmem:s23], [sflag:$0xF], $0x80, $0x38;
	[tilespmem:$0x16C00] =	vst v63  }
0x3f4: {  	s13 =	sadd.s32 $0xC070, s12;
	s23 =	simm.s32 $0x15A78  }
0x3f5: {  	[hbm4b:s13+s0] =	stream.linear.scatter [tilespmem:s23], [sflag:$0xF], $0x80, $0x38;
	[tilespmem:$0x16C00] =	vst v63  }
0x3f6: {  	_ =	swait.ge [sflag:s25], $0x1000  }
0x3f7: {  	v2 =	vmov s0;
	[sflag:s25] =	ssyncset.done $0x0  }
0x3f8: {  	v2 =	vand.u32 $0x7C, v2;
	s12 =	simm.s32 $0xD440;
	[sflag:s25] =	ssyncadd.s32 $0xFFFFF000  }
0x3f9: {  	v4 =	vadd.s32 v0, v2;
	v3 =	vld [tilespmem:s12+$0xFFFFFFC0];
	_ =	sdelay $0x4  }
0x3fa: {  	[tilespmem:v4+s14+$0x0] =	vst.idx.msk $0xffff, v3  }
0x3fb: {  	v2 =	vadd.s32 v1, v2;
	v3 =	vld [tilespmem:s12+$0xFFFFFFD0];
	_ =	sdelay $0x2  }
0x3fc: {  	s2 =	simm.s32 $0x1  }
0x3fd: {  	v4 =	vmov s2  }
0x3fe: {  	[tilespmem:v2+s14+$0x0] =	vst.idx.msk $0xffff, v3;
	v2 =	vand.u32 $0x7D, v4  }
0x3ff: {  	v3 =	vld [tilespmem:s12+$0xFFFFFFE0];
	v4 =	vadd.s32 v0, v2;
	_ =	sdelay $0x4  }
0x400: {  	[tilespmem:v4+s14+$0x0] =	vst.idx.msk $0xffff, v3  }
0x401: {  	v2 =	vadd.s32 v1, v2;
	v3 =	vld [tilespmem:s12+$0xFFFFFFF0];
	_ =	sdelay $0x2  }
0x402: {  	s13 =	simm.s32 $0x2  }
0x403: {  	v4 =	vmov s13  }
0x404: {  	[tilespmem:v2+s14+$0x0] =	vst.idx.msk $0xffff, v3;
	v2 =	vand.u32 $0x7E, v4  }
0x405: {  	v3 =	vld [tilespmem:s12+$0x0];
	v4 =	vadd.s32 v0, v2;
	_ =	sdelay $0x4  }
0x406: {  	[tilespmem:v4+s14+$0x0] =	vst.idx.msk $0xffff, v3  }
0x407: {  	v2 =	vadd.s32 v1, v2;
	v3 =	vld [tilespmem:s12+$0x10];
	_ =	sdelay $0x2  }
0x408: {  	s23 =	simm.s32 $0x3  }
0x409: {  	v4 =	vmov s23  }
0x40a: {  	[tilespmem:v2+s14+$0x0] =	vst.idx.msk $0xffff, v3;
	v3 =	vand.u32 $0x7F, v4  }
0x40b: {  	v2 =	vld [tilespmem:s12+$0x20];
	v4 =	vadd.s32 v0, v3;
	_ =	sdelay $0x4  }
0x40c: {  	[tilespmem:v4+s14+$0x0] =	vst.idx.msk $0xffff, v2  }
0x40d: {  	v3 =	vadd.s32 v1, v3;
	v2 =	vld [tilespmem:s12+$0x30];
	_ =	sdelay $0x2  }
0x40e: {  	s0 =	simm.s32 $0x4  }
0x40f: {  	s13 =	simm.s32 $0x8;
	v4 =	vmov s0  }
.LBB2_17:
0x410: {  	p0 =	sne.s32 s13, $0x7C;
	v4 =	vand.u32 $0x7C, v4;
	[tilespmem:v3+s14+$0x0] =	vst.idx.msk $0xffff, v2;
	s12 =	sadd.s32 $0x80, s12  }
0x411: {  	v2 =	vld [tilespmem:s12+$0xFFFFFFC0];
	v3 =	vadd.s32 v0, v4;
	_ =	sdelay $0x4  }
0x412: {  	[tilespmem:v3+s14+$0x0] =	vst.idx.msk $0xffff, v2  }
0x413: {  	v3 =	vadd.s32 v1, v4;
	v2 =	vld [tilespmem:s12+$0xFFFFFFD0];
	_ =	sdelay $0x2  }
0x414: {  	s2 =	sadd.s32 $0x1, s0  }
0x415: {  	v4 =	vmov s2  }
0x416: {  	[tilespmem:v3+s14+$0x0] =	vst.idx.msk $0xffff, v2;
	v2 =	vand.u32 $0x7D, v4  }
0x417: {  	v3 =	vld [tilespmem:s12+$0xFFFFFFE0];
	v4 =	vadd.s32 v0, v2;
	_ =	sdelay $0x4  }
0x418: {  	[tilespmem:v4+s14+$0x0] =	vst.idx.msk $0xffff, v3  }
0x419: {  	v2 =	vadd.s32 v1, v2;
	v3 =	vld [tilespmem:s12+$0xFFFFFFF0];
	_ =	sdelay $0x2  }
0x41a: {  	s2 =	sadd.s32 $0x2, s0  }
0x41b: {  	v4 =	vmov s2  }
0x41c: {  	[tilespmem:v2+s14+$0x0] =	vst.idx.msk $0xffff, v3;
	v2 =	vand.u32 $0x7E, v4  }
0x41d: {  	v3 =	vld [tilespmem:s12+$0x0];
	v4 =	vadd.s32 v0, v2;
	_ =	sdelay $0x4  }
0x41e: {  	[tilespmem:v4+s14+$0x0] =	vst.idx.msk $0xffff, v3  }
0x41f: {  	v2 =	vadd.s32 v1, v2;
	v3 =	vld [tilespmem:s12+$0x10];
	_ =	sdelay $0x2  }
0x420: {  	s2 =	sadd.s32 $0x3, s0;
	s0 =	smov.u32 s13  }
0x421: {  	v4 =	vmov s2  }
0x422: {  	[tilespmem:v2+s14+$0x0] =	vst.idx.msk $0xffff, v3;
	v3 =	vand.u32 $0x7F, v4  }
0x423: {  	v2 =	vld [tilespmem:s12+$0x20];
	v4 =	vadd.s32 v0, v3;
	_ =	sdelay $0x4  }
0x424: {  	[tilespmem:v4+s14+$0x0] =	vst.idx.msk $0xffff, v2  }
.Ltmp7:
0x425: {  	v3 =	vadd.s32 v1, v3;
	v2 =	vld [tilespmem:s12+$0x30];
	(pc) =	sbr.rel @p0 .LBB2_17-.Ltmp7, $2  }
0x426: {  	_ =	sdelay $0x2  }
0x427: {  	s13 =	sadd.s32 $0x4, s13;
	v4 =	vmov s0  }
0x428: {  	_ =	sdelay $0x3  }
0x429: {  	v4 =	vand.u32 $0x7C, v4;
	[tilespmem:v3+s14+$0x0] =	vst.idx.msk $0xffff, v2;
	s2 =	sadd.s32 $0x80, s12  }
0x42a: {  	v2 =	vld [tilespmem:s2+$0xFFFFFFC0];
	v3 =	vadd.s32 v0, v4;
	_ =	sdelay $0x4  }
0x42b: {  	[tilespmem:v3+s14+$0x0] =	vst.idx.msk $0xffff, v2  }
0x42c: {  	v3 =	vadd.s32 v1, v4;
	v2 =	vld [tilespmem:s2+$0xFFFFFFD0];
	_ =	sdelay $0x2  }
0x42d: {  	s23 =	sadd.s32 $0x1, s0  }
0x42e: {  	v61 =	vmov s23  }
0x42f: {  	[tilespmem:v3+s14+$0x0] =	vst.idx.msk $0xffff, v2;
	v2 =	vand.u32 $0x7D, v61  }
0x430: {  	v3 =	vld [tilespmem:s2+$0xFFFFFFE0];
	v4 =	vadd.s32 v0, v2;
	_ =	sdelay $0x4  }
0x431: {  	[tilespmem:v4+s14+$0x0] =	vst.idx.msk $0xffff, v3  }
0x432: {  	v2 =	vadd.s32 v1, v2;
	v3 =	vld [tilespmem:s2+$0xFFFFFFF0];
	_ =	sdelay $0x2  }
0x433: {  	s13 =	sadd.s32 $0x2, s0  }
0x434: {  	v62 =	vmov s13  }
0x435: {  	[tilespmem:v2+s14+$0x0] =	vst.idx.msk $0xffff, v3;
	v2 =	vand.u32 $0x7E, v62  }
0x436: {  	v3 =	vld [tilespmem:s2+$0x0];
	v4 =	vadd.s32 v0, v2;
	_ =	sdelay $0x4  }
0x437: {  	[tilespmem:v4+s14+$0x0] =	vst.idx.msk $0xffff, v3  }
0x438: {  	v2 =	vadd.s32 v1, v2;
	v3 =	vld [tilespmem:s2+$0x10];
	_ =	sdelay $0x2  }
0x439: {  	s23 =	sadd.s32 $0x3, s0  }
0x43a: {  	v63 =	vmov s23  }
0x43b: {  	[tilespmem:v2+s14+$0x0] =	vst.idx.msk $0xffff, v3;
	v2 =	vand.u32 $0x7F, v63  }
0x43c: {  	v3 =	vld [tilespmem:s2+$0x20];
	v4 =	vadd.s32 v0, v2;
	_ =	sdelay $0x4  }
0x43d: {  	[tilespmem:v4+s14+$0x0] =	vst.idx.msk $0xffff, v3  }
0x43e: {  	v2 =	vadd.s32 v1, v2;
	v3 =	vld [tilespmem:s2+$0x30];
	_ =	sdelay $0x3  }
0x43f: {  	s2 =	rddreg [dreg:$0xb]  }
0x440: {  	s0 =	sadd.s32 s11, s2;
	[tilespmem:v2+s14+$0x0] =	vst.idx.msk $0xffff, v3  }
0x441: {  	[hbm4b:s0+s3] =	stream.linear.scatter [tilespmem:s14], [sflag:$0x10], $0x80, $0x38;
	[tilespmem:$0x16C00] =	vst v63  }
0x442: {  	s12 =	simm.s32 $0x15B88;
	s11 =	sadd.s32 $0x10, s0  }
0x443: {  	[hbm4b:s11+s3] =	stream.linear.scatter [tilespmem:s12], [sflag:$0x10], $0x80, $0x38;
	[tilespmem:$0x16C00] =	vst v63  }
0x444: {  	s23 =	simm.s32 $0x15C10;
	s13 =	sadd.s32 $0x20, s0  }
0x445: {  	[hbm4b:s13+s3] =	stream.linear.scatter [tilespmem:s23], [sflag:$0x10], $0x80, $0x38;
	[tilespmem:$0x16C00] =	vst v63  }
0x446: {  	s11 =	sadd.s32 $0x30, s0;
	s12 =	simm.s32 $0x15C98  }
0x447: {  	[hbm4b:s11+s3] =	stream.linear.scatter [tilespmem:s12], [sflag:$0x10], $0x80, $0x38;
	[tilespmem:$0x16C00] =	vst v63  }
0x448: {  	s13 =	sadd.s32 $0x40, s0;
	s23 =	simm.s32 $0x15D20  }
0x449: {  	[hbm4b:s13+s3] =	stream.linear.scatter [tilespmem:s23], [sflag:$0x10], $0x80, $0x38;
	[tilespmem:$0x16C00] =	vst v63  }
0x44a: {  	s11 =	sadd.s32 $0x50, s0;
	s12 =	simm.s32 $0x15DA8  }
0x44b: {  	[hbm4b:s11+s3] =	stream.linear.scatter [tilespmem:s12], [sflag:$0x10], $0x80, $0x38;
	[tilespmem:$0x16C00] =	vst v63  }
0x44c: {  	s13 =	sadd.s32 $0x60, s0;
	s23 =	simm.s32 $0x15E30  }
0x44d: {  	[hbm4b:s13+s3] =	stream.linear.scatter [tilespmem:s23], [sflag:$0x10], $0x80, $0x38;
	[tilespmem:$0x16C00] =	vst v63  }
0x44e: {  	s11 =	sadd.s32 $0x70, s0;
	s12 =	simm.s32 $0x15EB8  }
0x44f: {  	[hbm4b:s11+s3] =	stream.linear.scatter [tilespmem:s12], [sflag:$0x10], $0x80, $0x38;
	[tilespmem:$0x16C00] =	vst v63  }
0x450: {  	s13 =	sadd.s32 $0x4000, s0;
	s23 =	simm.s32 $0x15F40  }
0x451: {  	[hbm4b:s13+s3] =	stream.linear.scatter [tilespmem:s23], [sflag:$0x10], $0x80, $0x38;
	[tilespmem:$0x16C00] =	vst v63  }
0x452: {  	s11 =	sadd.s32 $0x4010, s0;
	s12 =	simm.s32 $0x15FC8  }
0x453: {  	[hbm4b:s11+s3] =	stream.linear.scatter [tilespmem:s12], [sflag:$0x10], $0x80, $0x38;
	[tilespmem:$0x16C00] =	vst v63  }
0x454: {  	s13 =	sadd.s32 $0x4020, s0;
	s23 =	simm.s32 $0x16050  }
0x455: {  	[hbm4b:s13+s3] =	stream.linear.scatter [tilespmem:s23], [sflag:$0x10], $0x80, $0x38;
	[tilespmem:$0x16C00] =	vst v63  }
0x456: {  	s11 =	sadd.s32 $0x4030, s0;
	s12 =	simm.s32 $0x160D8  }
0x457: {  	[hbm4b:s11+s3] =	stream.linear.scatter [tilespmem:s12], [sflag:$0x10], $0x80, $0x38;
	[tilespmem:$0x16C00] =	vst v63  }
0x458: {  	s13 =	sadd.s32 $0x4040, s0;
	s23 =	simm.s32 $0x16160  }
0x459: {  	[hbm4b:s13+s3] =	stream.linear.scatter [tilespmem:s23], [sflag:$0x10], $0x80, $0x38;
	[tilespmem:$0x16C00] =	vst v63  }
0x45a: {  	s11 =	sadd.s32 $0x4050, s0;
	s12 =	simm.s32 $0x161E8  }
0x45b: {  	[hbm4b:s11+s3] =	stream.linear.scatter [tilespmem:s12], [sflag:$0x10], $0x80, $0x38;
	[tilespmem:$0x16C00] =	vst v63  }
0x45c: {  	s13 =	sadd.s32 $0x4060, s0;
	s23 =	simm.s32 $0x16270  }
0x45d: {  	[hbm4b:s13+s3] =	stream.linear.scatter [tilespmem:s23], [sflag:$0x10], $0x80, $0x38;
	[tilespmem:$0x16C00] =	vst v63  }
0x45e: {  	s11 =	sadd.s32 $0x4070, s0;
	s12 =	simm.s32 $0x162F8  }
0x45f: {  	[hbm4b:s11+s3] =	stream.linear.scatter [tilespmem:s12], [sflag:$0x10], $0x80, $0x38;
	[tilespmem:$0x16C00] =	vst v63  }
0x460: {  	s13 =	sadd.s32 $0x8000, s0;
	s23 =	simm.s32 $0x16380  }
0x461: {  	[hbm4b:s13+s3] =	stream.linear.scatter [tilespmem:s23], [sflag:$0x10], $0x80, $0x38;
	[tilespmem:$0x16C00] =	vst v63  }
0x462: {  	s11 =	sadd.s32 $0x8010, s0;
	s12 =	simm.s32 $0x16408  }
0x463: {  	[hbm4b:s11+s3] =	stream.linear.scatter [tilespmem:s12], [sflag:$0x10], $0x80, $0x38;
	[tilespmem:$0x16C00] =	vst v63  }
0x464: {  	s13 =	sadd.s32 $0x8020, s0;
	s23 =	simm.s32 $0x16490  }
0x465: {  	[hbm4b:s13+s3] =	stream.linear.scatter [tilespmem:s23], [sflag:$0x10], $0x80, $0x38;
	[tilespmem:$0x16C00] =	vst v63  }
0x466: {  	s11 =	sadd.s32 $0x8030, s0;
	s12 =	simm.s32 $0x16518  }
0x467: {  	[hbm4b:s11+s3] =	stream.linear.scatter [tilespmem:s12], [sflag:$0x10], $0x80, $0x38;
	[tilespmem:$0x16C00] =	vst v63  }
0x468: {  	s13 =	sadd.s32 $0x8040, s0;
	s23 =	simm.s32 $0x165A0  }
0x469: {  	[hbm4b:s13+s3] =	stream.linear.scatter [tilespmem:s23], [sflag:$0x10], $0x80, $0x38;
	[tilespmem:$0x16C00] =	vst v63  }
0x46a: {  	s11 =	sadd.s32 $0x8050, s0;
	s12 =	simm.s32 $0x16628  }
0x46b: {  	[hbm4b:s11+s3] =	stream.linear.scatter [tilespmem:s12], [sflag:$0x10], $0x80, $0x38;
	[tilespmem:$0x16C00] =	vst v63  }
0x46c: {  	s13 =	sadd.s32 $0x8060, s0;
	s23 =	simm.s32 $0x166B0  }
0x46d: {  	[hbm4b:s13+s3] =	stream.linear.scatter [tilespmem:s23], [sflag:$0x10], $0x80, $0x38;
	[tilespmem:$0x16C00] =	vst v63  }
0x46e: {  	s11 =	sadd.s32 $0x8070, s0;
	s12 =	simm.s32 $0x16738  }
0x46f: {  	[hbm4b:s11+s3] =	stream.linear.scatter [tilespmem:s12], [sflag:$0x10], $0x80, $0x38;
	[tilespmem:$0x16C00] =	vst v63  }
0x470: {  	s13 =	sadd.s32 $0xC000, s0;
	s23 =	simm.s32 $0x167C0  }
0x471: {  	[hbm4b:s13+s3] =	stream.linear.scatter [tilespmem:s23], [sflag:$0x10], $0x80, $0x38;
	[tilespmem:$0x16C00] =	vst v63  }
0x472: {  	s11 =	sadd.s32 $0xC010, s0;
	s12 =	simm.s32 $0x16848  }
0x473: {  	[hbm4b:s11+s3] =	stream.linear.scatter [tilespmem:s12], [sflag:$0x10], $0x80, $0x38;
	[tilespmem:$0x16C00] =	vst v63  }
0x474: {  	s13 =	sadd.s32 $0xC020, s0;
	s23 =	simm.s32 $0x168D0  }
0x475: {  	[hbm4b:s13+s3] =	stream.linear.scatter [tilespmem:s23], [sflag:$0x10], $0x80, $0x38;
	[tilespmem:$0x16C00] =	vst v63  }
0x476: {  	s11 =	sadd.s32 $0xC030, s0;
	s12 =	simm.s32 $0x16958  }
0x477: {  	[hbm4b:s11+s3] =	stream.linear.scatter [tilespmem:s12], [sflag:$0x10], $0x80, $0x38;
	[tilespmem:$0x16C00] =	vst v63  }
0x478: {  	s13 =	sadd.s32 $0xC040, s0;
	s23 =	simm.s32 $0x169E0  }
0x479: {  	[hbm4b:s13+s3] =	stream.linear.scatter [tilespmem:s23], [sflag:$0x10], $0x80, $0x38;
	[tilespmem:$0x16C00] =	vst v63  }
0x47a: {  	s11 =	sadd.s32 $0xC050, s0;
	s12 =	simm.s32 $0x16A68  }
0x47b: {  	[hbm4b:s11+s3] =	stream.linear.scatter [tilespmem:s12], [sflag:$0x10], $0x80, $0x38;
	[tilespmem:$0x16C00] =	vst v63  }
0x47c: {  	s13 =	sadd.s32 $0xC060, s0;
	s23 =	simm.s32 $0x16AF0  }
0x47d: {  	[hbm4b:s13+s3] =	stream.linear.scatter [tilespmem:s23], [sflag:$0x10], $0x80, $0x38;
	[tilespmem:$0x16C00] =	vst v63  }
0x47e: {  	s0 =	sadd.s32 $0xC070, s0;
	s12 =	simm.s32 $0x16B78  }
0x47f: {  	[hbm4b:s0+s3] =	stream.linear.scatter [tilespmem:s12], [sflag:$0x10], $0x80, $0x38;
	[tilespmem:$0x16C00] =	vst v63  }
0x480: {  	s0 =	sshll.u32 s10, $0x3  }
0x481: {  	s13 =	sadd.s32 $0x8, s0;
	_ =	swait.ge [sflag:s6], $0x1000  }
0x482: {  	s11 =	sadd.s32 $0x9, s0;
	p0 =	seq.s32 s13, $0xC8;
	s2 =	sshll.u32 s13, $0x9  }
0x483: {  	[sflag:s6] =	ssyncset.done $0x0;
	s23 =	smulhi.u32 $0x51EB851F, s11;
	s2 =	simm.s32 @p0 $0x0  }
0x484: {  	s13 =	simm.s32 $0x6400;
	[sflag:s6] =	ssyncadd.s32 $0xFFFFF000;
	s2 =	sshrl.u32 s2, $0x2  }
0x485: {  	[tilespmem:s13], [sflag:$0x1] =	stream.indirect.gather [hbm4b:s5+s18], $0x20, s2, s18, $0xb8;
	[tilespmem:$0x16C00] =	vst v63  }
0x486: {  	s13 =	sshrl.u32 s23, $0x6  }
0x487: {  	s2 =	smul.u32 $0xC8, s13  }
0x488: {  	s23 =	simm.s32 $0x7400;
	_ =	swait.ge [sflag:s17], $0x1000  }
0x489: {  	[sflag:s17] =	ssyncset.done $0x0;
	s2 =	ssub.s32 s11, s2;
	s11 =	sadd.s32 $0xA, s0  }
0x48a: {  	[sflag:s17] =	ssyncadd.s32 $0xFFFFF000;
	s2 =	sshll.u32 s2, $0x7;
	s12 =	smulhi.u32 $0x51EB851F, s11  }
0x48b: {  	[tilespmem:s23], [sflag:$0x2] =	stream.indirect.gather [hbm4b:s5+s18], $0x20, s2, s18, $0xb8;
	[tilespmem:$0x16C00] =	vst v63  }
0x48c: {  	s13 =	sshrl.u32 s12, $0x6  }
0x48d: {  	s2 =	smul.u32 $0xC8, s13  }
0x48e: {  	s23 =	simm.s32 $0x8400;
	_ =	swait.ge [sflag:s28], $0x1000  }
0x48f: {  	[sflag:s28] =	ssyncset.done $0x0;
	s2 =	ssub.s32 s11, s2;
	s11 =	sadd.s32 $0xB, s0  }
0x490: {  	[sflag:s28] =	ssyncadd.s32 $0xFFFFF000;
	s2 =	sshll.u32 s2, $0x7;
	s12 =	smulhi.u32 $0x51EB851F, s11  }
0x491: {  	[tilespmem:s23], [sflag:$0x3] =	stream.indirect.gather [hbm4b:s5+s18], $0x20, s2, s18, $0xb8;
	[tilespmem:$0x16C00] =	vst v63  }
0x492: {  	s13 =	sshrl.u32 s12, $0x6  }
0x493: {  	s2 =	smul.u32 $0xC8, s13  }
0x494: {  	s23 =	simm.s32 $0x9400;
	_ =	swait.ge [sflag:s19], $0x1000  }
0x495: {  	[sflag:s19] =	ssyncset.done $0x0;
	s2 =	ssub.s32 s11, s2;
	s11 =	sadd.s32 $0xC, s0  }
0x496: {  	[sflag:s19] =	ssyncadd.s32 $0xFFFFF000;
	s2 =	sshll.u32 s2, $0x7;
	s12 =	smulhi.u32 $0x51EB851F, s11  }
0x497: {  	[tilespmem:s23], [sflag:$0x4] =	stream.indirect.gather [hbm4b:s5+s18], $0x20, s2, s18, $0xb8;
	[tilespmem:$0x16C00] =	vst v63  }
0x498: {  	s13 =	sshrl.u32 s12, $0x6  }
0x499: {  	s2 =	smul.u32 $0xC8, s13  }
0x49a: {  	s23 =	simm.s32 $0xA400;
	_ =	swait.ge [sflag:s4], $0x1000  }
0x49b: {  	[sflag:s4] =	ssyncset.done $0x0;
	s2 =	ssub.s32 s11, s2;
	s11 =	sadd.s32 $0xD, s0  }
0x49c: {  	[sflag:s4] =	ssyncadd.s32 $0xFFFFF000;
	s2 =	sshll.u32 s2, $0x7;
	s12 =	smulhi.u32 $0x51EB851F, s11  }
0x49d: {  	[tilespmem:s23], [sflag:$0x5] =	stream.indirect.gather [hbm4b:s5+s18], $0x20, s2, s18, $0xb8;
	[tilespmem:$0x16C00] =	vst v63  }
0x49e: {  	s13 =	sshrl.u32 s12, $0x6  }
0x49f: {  	s2 =	smul.u32 $0xC8, s13  }
0x4a0: {  	s23 =	simm.s32 $0xB400;
	_ =	swait.ge [sflag:s7], $0x1000  }
0x4a1: {  	[sflag:s7] =	ssyncset.done $0x0;
	s2 =	ssub.s32 s11, s2;
	s11 =	sadd.s32 $0xE, s0  }
0x4a2: {  	[sflag:s7] =	ssyncadd.s32 $0xFFFFF000;
	s2 =	sshll.u32 s2, $0x7;
	s12 =	smulhi.u32 $0x51EB851F, s11  }
0x4a3: {  	[tilespmem:s23], [sflag:$0x6] =	stream.indirect.gather [hbm4b:s5+s18], $0x20, s2, s18, $0xb8;
	[tilespmem:$0x16C00] =	vst v63  }
0x4a4: {  	s12 =	sshrl.u32 s12, $0x6  }
0x4a5: {  	s0 =	sadd.s32 $0xF, s0;
	s2 =	smul.u32 $0xC8, s12  }
0x4a6: {  	s10 =	sadd.s32 $0x1, s10;
	s13 =	smulhi.u32 $0x51EB851F, s0;
	_ =	swait.ge [sflag:s8], $0x1000  }
0x4a7: {  	s23 =	simm.s32 $0xC400;
	[sflag:s8] =	ssyncset.done $0x0;
	s2 =	ssub.s32 s11, s2  }
0x4a8: {  	s13 =	sshrl.u32 s13, $0x6;
	[sflag:s8] =	ssyncadd.s32 $0xFFFFF000;
	s2 =	sshll.u32 s2, $0x7  }
0x4a9: {  	[tilespmem:s23], [sflag:$0x7] =	stream.indirect.gather [hbm4b:s5+s18], $0x20, s2, s18, $0xb8;
	[tilespmem:$0x16C00] =	vst v63  }
0x4aa: {  	p0 =	sne.s32 s10, $0x19;
	s2 =	smul.u32 $0xC8, s13  }
.Ltmp8:
0x4ab: {  	_ = 	snop;
	(pc) =	sbr.rel @p0 .LBB2_2-.Ltmp8, $4  }
0x4ac: {  	_ =	swait.ge [sflag:s9], $0x1000  }
0x4ad: {  	s0 =	ssub.s32 s0, s2;
	[sflag:s9] =	ssyncset.done $0x0  }
0x4ae: {  	s23 =	simm.s32 $0xD400;
	[sflag:s9] =	ssyncadd.s32 $0xFFFFF000;
	s0 =	sshll.u32 s0, $0x7  }
0x4af: {  	[tilespmem:s23], [sflag:$0x8] =	stream.indirect.gather [hbm4b:s5+s18], $0x20, s0, s18, $0xb8;
	[tilespmem:$0x16C00] =	vst v63  }
0x4b0: {  	s0 =	simm.s32 $0x1  }
0x4b1: {  	_ =	swait.ge [sflag:s0], $0x1000  }
0x4b2: {  	[sflag:s0] =	ssyncset.done $0x0  }
0x4b3: {  	s12 =	simm.s32 $0x2;
	[sflag:s0] =	ssyncadd.s32 $0xFFFFF000  }
0x4b4: {  	_ =	swait.ge [sflag:s12], $0x1000  }
0x4b5: {  	[sflag:s12] =	ssyncset.done $0x0  }
0x4b6: {  	s13 =	simm.s32 $0x3;
	[sflag:s12] =	ssyncadd.s32 $0xFFFFF000  }
0x4b7: {  	_ =	swait.ge [sflag:s13], $0x1000  }
0x4b8: {  	[sflag:s13] =	ssyncset.done $0x0  }
0x4b9: {  	[sflag:s13] =	ssyncadd.s32 $0xFFFFF000  }
0x4ba: {  	_ =	swait.ge [sflag:s31], $0x1000  }
0x4bb: {  	[sflag:s31] =	ssyncset.done $0x0  }
0x4bc: {  	[sflag:s31] =	ssyncadd.s32 $0xFFFFF000  }
0x4bd: {  	_ =	swait.ge [sflag:s30], $0x1000  }
0x4be: {  	[sflag:s30] =	ssyncset.done $0x0  }
0x4bf: {  	[sflag:s30] =	ssyncadd.s32 $0xFFFFF000  }
0x4c0: {  	_ =	swait.ge [sflag:s29], $0x1000  }
0x4c1: {  	[sflag:s29] =	ssyncset.done $0x0  }
0x4c2: {  	[sflag:s29] =	ssyncadd.s32 $0xFFFFF000  }
0x4c3: {  	_ =	swait.ge [sflag:s1], $0x1000  }
0x4c4: {  	[sflag:s1] =	ssyncset.done $0x0  }
0x4c5: {  	[sflag:s1] =	ssyncadd.s32 $0xFFFFF000  }
0x4c6: {  	_ =	swait.ge [sflag:s25], $0x1000  }
0x4c7: {  	s2 =	rddreg [dreg:$0xd]  }
0x4c8: {  	s23 =	rddreg [dreg:$0xc];
	s2 =	sadd.s32 $0x1, s2  }
0x4c9: {  	p0 =	sne.s32 s2, s23  }
.Ltmp9:
0x4ca: {  	_ = 	snop;
	(pc) =	sbr.rel @p0 .LBB2_1-.Ltmp9, $3  }
0x4cb: {  	_ =	sdelay $0x1  }
0x4cc: {  	[sflag:s25] =	ssyncset.done $0x0  }
0x4cd: {  	[sflag:s25] =	ssyncadd.s32 $0xFFFFF000  }
0x4ce: {  	_ =	sfence.sel $0x180000  }
0x4cf: {  	[bflag:$0x0] =	sbarrier.arrive $0xFFFF  }
0x4d0: {  	_ =	strace $0x90000047  }
0x4d1: {  	s0 =	stileid.u32;
	[bflag:$0x2] =	sbarrier.arrive $0xFFFF  }
0x4d2: {  	p0 =	sne.s32 s0, $0x0;
	s0 =	rddreg [dreg:$0x2]  }
0x4d3: {  	s0 =	sadd.s32 @!p0 $0x100000, s0  }
0x4d4: {  	[sflag:s0] =	ssyncadd.tile.s32 @!p0 $0x1;
	_ =	shalt  }
.Lfunc_end2:
_tile_overlayer_lowered:
.L_overlay_start_2:
0x4d5: {  	(tag) =	ssettag $0x2  }
0x4d6: {  	s0 =	rddreg [dreg:$0x0];
	s2 =	stileid.u32  }
0x4d7: {  	s1 =	rddreg [dreg:$0x1];
	p0 =	sne.s32 s2, $0x0  }
0x4d8: {  	s3 =	rddreg [dreg:$0x2];
	[bflag:$0x3] =	sbarrier.arrive $0xFFFF;
	s2 =	simm.s32 @!p0 $0x1C11  }
0x4d9: {  	[timem:s3], [sflag:s2] =	dma.local @!p0 [hbm:s0], s1  }
0x4da: {  	s0 =	simm.s32 @!p0 $0x11  }
0x4db: {  	_ =	swait.ge @!p0 [sflag:s0], s1  }
0x4dc: {  	s1 =	ssub.s32 @!p0 $0x0, s1;
	[sflag:s0] =	ssyncset.done @!p0 $0x0  }
0x4dd: {  	[sflag:s0] =	ssyncadd.s32 @!p0 s1  }
0x4de: {  	[bflag:$0x3] =	sbarrier.arrive $0xFFFF  }
0x4df: {  	_ =	shalt  }

</sc_bundles>
